<compile_context>
chip_gen: v7x
topology: tpu7x:2x2x1
jax: 0.10.2.dev20260603
libtpu: 0.0.44.dev20260713+nightly
codegen_flags: <defaults>
</compile_context>

<pallas_src>
import dataclasses
import functools

import jax
import jax.numpy as jnp
from jax import lax
from jax.experimental import pallas as pl
from jax.experimental.pallas import tpu as pltpu
from jax.experimental.pallas import tpu_sc as plsc

H = 128
NC = 2
NS = 16
L = 16
NW = NC * NS
KB = 128
KBH = 64

NP = 10240
RPT = NP // NS
TR = NP // H
SHIFT = 14
MASK = (1 << SHIFT) - 1


def _round_up(a, b):
    return (a + b - 1) // b * b


def _sc_layer(h, packed3, a_src, a_dst, nh):
    mesh = plsc.VectorSubcoreMesh(core_axis_name="c", subcore_axis_name="s")
    cp = pltpu.CompilerParams()
    if "needs_layout_passes" in pltpu.CompilerParams.__dataclass_fields__:
        cp = dataclasses.replace(cp, needs_layout_passes=False)

    @functools.partial(
        pl.kernel,
        compiler_params=cp,
        out_type=[
            jax.ShapeDtypeStruct((NC, NP, H), jnp.float32),
            jax.ShapeDtypeStruct((NC, NP), jnp.float32),
        ],
        mesh=mesh,
        scratch_types=[
            pltpu.VMEM((KBH,), jnp.int32),
            pltpu.VMEM((KBH,), jnp.int32),
            pltpu.SemaphoreType.DMA,
            pltpu.SemaphoreType.DMA,
            pltpu.VMEM((2 * TR, 128), jnp.float32),
            pltpu.VMEM((KBH, 128), jnp.float32),
            pltpu.VMEM((KBH, 128), jnp.float32),
            pltpu.VMEM((KBH,), jnp.float32),
            pltpu.VMEM((KBH,), jnp.float32),
            pltpu.VMEM((KBH,), jnp.int32),
            pltpu.VMEM((KBH,), jnp.int32),
            pltpu.VMEM((KBH,), jnp.int32),
            pltpu.VMEM((KBH,), jnp.int32),
            pltpu.VMEM((KBH,), jnp.int32),
            pltpu.VMEM((KBH,), jnp.int32),
            pltpu.SemaphoreType.DMA,
            pltpu.SemaphoreType.DMA,
            pltpu.SemaphoreType.DMA,
            pltpu.SemaphoreType.DMA,
            pltpu.SemaphoreType.DMA,
            pltpu.SemaphoreType.DMA,
            pltpu.VMEM_SHARED((NP, H), jnp.float32),
            pltpu.VMEM_SHARED((NP,), jnp.float32),
        ],
    )
    def k(h_hbm, pk_hbm, asrc_hbm, adst_hbm, outp_hbm, denp_hbm,
          pkb0, pkb1, p0, p1, tab, rb0, rb1, ee0, ee1,
          sb0, sb1, db0, db1, sd0, sd1,
          g0, g1, s0, s1, d0, d1, out_sp, den_sp):
        c = lax.axis_index("c")
        s = lax.axis_index("s")
        wid = c * NS + s
        row0 = s * RPT

        @pl.loop(0, KBH)
        def _(r):
            for j in range(H // L):
                rb0[r, pl.ds(j * L, L)] = jnp.zeros((L,), jnp.float32)

        @pl.loop(0, RPT, step=KBH)
        def _(r):
            pltpu.sync_copy(rb0, out_sp.at[pl.ds(row0 + r, KBH)])

        @pl.loop(0, RPT, step=128)
        def _(r):
            pltpu.sync_copy(rb0.at[0], den_sp.at[pl.ds(row0 + r, 128)])

        pltpu.sync_copy(asrc_hbm, tab.at[pl.ds(0, TR)])
        pltpu.sync_copy(adst_hbm, tab.at[pl.ds(TR, TR)])

        plsc.subcore_barrier()

        bufs = [(pkb0, p0, rb0, ee0, sb0, db0, sd0, g0, s0, d0),
                (pkb1, p1, rb1, ee1, sb1, db1, sd1, g1, s1, d1)]

        def prep(hh, pkb, ps, rb, ee, sb, db, sd, gs, ss, ds_, drain):
            if drain:
                pltpu.make_async_copy(pk_hbm.at[wid, hh], pkb, ps).wait()
                pltpu.make_async_copy(ee, den_sp.at[db], ds_).wait()

            @pl.loop(0, KBH, step=L)
            def _(i):
                pk = pkb[pl.ds(i, L)]
                sb[pl.ds(i, L)] = pk & MASK
                db[pl.ds(i, L)] = lax.shift_right_logical(pk, SHIFT)

            nxt = jnp.minimum(hh + 2, nh - 1)
            pltpu.async_copy(pk_hbm.at[wid, nxt], pkb, ps)

            @pl.loop(0, KBH, step=L)
            def _(i):
                si = sb[pl.ds(i, L)]
                di = db[pl.ds(i, L)]
                av = plsc.load_gather(
                    tab, [lax.shift_right_logical(si, 7), si & 127])
                dv = plsc.load_gather(
                    tab, [TR + lax.shift_right_logical(di, 7), di & 127])
                lv = av + dv
                lv = jnp.maximum(lv, 0.2 * lv)
                ee[pl.ds(i, L)] = jnp.exp(lv)

            pltpu.async_copy(ee, den_sp.at[db], ds_, add=True)
            if drain:
                pltpu.make_async_copy(rb, out_sp.at[sd], ss).wait()
            pltpu.async_copy(h_hbm.at[sb], rb, gs)

        def consume(pkb, ps, rb, ee, sb, db, sd, gs, ss, ds_):
            pltpu.make_async_copy(h_hbm.at[sb], rb, gs).wait()

            @plsc.parallel_loop(0, KBH, 1, unroll=4)
            def _(e):
                base = (e // L) * L
                ev = ee[pl.ds(base, L)]
                al = lax.gather(
                    ev, jnp.full((L, 1), e - base, jnp.int32),
                    lax.GatherDimensionNumbers(
                        offset_dims=(), collapsed_slice_dims=(0,),
                        start_index_map=(0,)),
                    slice_sizes=(1,),
                    mode=lax.GatherScatterMode.PROMISE_IN_BOUNDS)
                for j in range(H // L):
                    rb[e, pl.ds(j * L, L)] = rb[e, pl.ds(j * L, L)] * al

            @pl.loop(0, KBH, step=L)
            def _(i):
                sd[pl.ds(i, L)] = db[pl.ds(i, L)]

            pltpu.async_copy(rb, out_sp.at[sd], ss, add=True)

        pltpu.sync_copy(pk_hbm.at[wid, 0], pkb0)
        pltpu.sync_copy(pk_hbm.at[wid, 1], pkb1)
        prep(0, *bufs[0], drain=False)
        prep(1, *bufs[1], drain=False)

        @pl.loop(0, nh // 2 - 1)
        def _(g):
            consume(*bufs[0])
            prep(2 * g + 2, *bufs[0], drain=True)
            consume(*bufs[1])
            prep(2 * g + 3, *bufs[1], drain=True)

        consume(*bufs[0])
        consume(*bufs[1])
        pltpu.make_async_copy(rb0, out_sp.at[sd0], s0).wait()
        pltpu.make_async_copy(rb1, out_sp.at[sd1], s1).wait()
        pltpu.make_async_copy(pk_hbm.at[wid, nh - 1], pkb0, p0).wait()
        pltpu.make_async_copy(pk_hbm.at[wid, nh - 1], pkb1, p1).wait()
        pltpu.make_async_copy(ee0, den_sp.at[db0], d0).wait()
        pltpu.make_async_copy(ee1, den_sp.at[db1], d1).wait()

        plsc.subcore_barrier()

        pltpu.sync_copy(out_sp.at[pl.ds(row0, RPT)],
                        outp_hbm.at[c, pl.ds(row0, RPT)])
        pltpu.sync_copy(den_sp.at[pl.ds(row0, RPT)],
                        denp_hbm.at[c, pl.ds(row0, RPT)])

    return k(h, packed3, a_src, a_dst)


_BLK = 1024

_EXT_OUT = [
    jax.ShapeDtypeStruct((NP, H), jnp.float32),
    jax.ShapeDtypeStruct((TR, 128), jnp.float32),
    jax.ShapeDtypeStruct((TR, 128), jnp.float32),
]
_EXT_OUT_SPECS = [
    pl.BlockSpec((_BLK, H), lambda i: (i, 0)),
    pl.BlockSpec((_BLK // H, 128), lambda i: (i, 0)),
    pl.BlockSpec((_BLK // H, 128), lambda i: (i, 0)),
]


def _split_cols(hx, h_ref, as_ref, ad_ref):
    h_ref[...] = hx[:, :H]
    as_ref[...] = hx[:, H].reshape(_BLK // H, 128)
    ad_ref[...] = hx[:, H + 1].reshape(_BLK // H, 128)


def _tc_first(xp, wext):

    def body(x_ref, w_ref, h_ref, as_ref, ad_ref):
        hx = jnp.dot(x_ref[...], w_ref[...],
                     preferred_element_type=jnp.float32,
                     precision=lax.Precision.HIGHEST)
        _split_cols(hx, h_ref, as_ref, ad_ref)

    return pl.pallas_call(
        body,
        grid=(NP // _BLK,),
        in_specs=[pl.BlockSpec((_BLK, H), lambda i: (i, 0)),
                  pl.BlockSpec((H, 2 * H), lambda i: (0, 0))],
        out_specs=_EXT_OUT_SPECS,
        out_shape=_EXT_OUT,
    )(xp, wext)


def _norm_relu(p_ref, d_ref, b_ref):
    i = pl.program_id(0)
    p = p_ref[0] + p_ref[1]
    den = d_ref[0, pl.ds(i * _BLK, _BLK)] + d_ref[1, pl.ds(i * _BLK, _BLK)]
    den = den + 1e-16
    return jnp.maximum(p / den[:, None] + b_ref[...], 0.0)


_NORM_IN_SPECS = [
    pl.BlockSpec((NC, _BLK, H), lambda i: (0, i, 0)),
    pl.BlockSpec((NC, NP), lambda i: (0, 0)),
    pl.BlockSpec((H,), lambda i: (0,)),
]


def _tc_mid(outp, denp, bias, wext):

    def body(p_ref, d_ref, b_ref, w_ref, h_ref, as_ref, ad_ref):
        g = _norm_relu(p_ref, d_ref, b_ref)
        hx = jnp.dot(g, w_ref[...],
                     preferred_element_type=jnp.float32,
                     precision=lax.Precision.HIGHEST)
        _split_cols(hx, h_ref, as_ref, ad_ref)

    return pl.pallas_call(
        body,
        grid=(NP // _BLK,),
        in_specs=_NORM_IN_SPECS + [pl.BlockSpec((H, 2 * H), lambda i: (0, 0))],
        out_specs=_EXT_OUT_SPECS,
        out_shape=_EXT_OUT,
    )(outp, denp, bias, wext)


def _tc_final(outp, denp, bias, w3, b3):

    def body(p_ref, d_ref, b_ref, w_ref, b3_ref, o_ref):
        g = _norm_relu(p_ref, d_ref, b_ref)
        o_ref[...] = jnp.dot(g, w_ref[...],
                             preferred_element_type=jnp.float32,
                             precision=lax.Precision.HIGHEST) + b3_ref[...]

    return pl.pallas_call(
        body,
        grid=(NP // _BLK,),
        in_specs=_NORM_IN_SPECS + [pl.BlockSpec((H, H), lambda i: (0, 0)),
                                   pl.BlockSpec((H,), lambda i: (0,))],
        out_specs=pl.BlockSpec((_BLK, H), lambda i: (i, 0)),
        out_shape=jax.ShapeDtypeStruct((NP, H), jnp.float32),
    )(outp, denp, bias, w3, b3)


def kernel(x, edge_index, W1, att_src1, att_dst1, b1,
           W2, att_src2, att_dst2, b2, W3, b3):
    n = x.shape[0]
    e = edge_index.shape[1]
    e_tot = e + n
    nb = _round_up(e_tot, NW * KB) // (NW * KB)
    e_pad = NW * KB * nb

    loops = jnp.arange(n, dtype=jnp.int32)
    pad = e_pad - e_tot
    src = jnp.concatenate([edge_index[0], loops,
                           jnp.zeros((pad,), jnp.int32)])
    dst = jnp.concatenate([edge_index[1], loops,
                           jnp.full((pad,), n, jnp.int32)])
    nh = 2 * nb
    packed3 = (src | (dst << SHIFT)).reshape(nh, NW, KBH).transpose(1, 0, 2)

    xp = jnp.zeros((NP, H), jnp.float32).at[:n].set(x)

    def ext_weights(W, att_s, att_d):
        cols = jnp.zeros((H, H), jnp.float32)
        cols = cols.at[:, 0].set(W @ att_s).at[:, 1].set(W @ att_d)
        return jnp.concatenate([W, cols], axis=1)

    h1, as1, ad1 = _tc_first(xp, ext_weights(W1, att_src1, att_dst1))
    outp1, denp1 = _sc_layer(h1, packed3, as1, ad1, nh)

    h2, as2, ad2 = _tc_mid(outp1, denp1, b1,
                           ext_weights(W2, att_src2, att_dst2))
    outp2, denp2 = _sc_layer(h2, packed3, as2, ad2, nh)

    out = _tc_final(outp2, denp2, b2, W3, b3)
    return out[:n]

# --- scband reference (transcript-rebuilt; emitter-appended) ---
"""Pipeline reference for scband-gatnet-90555090469364 (READ-ONLY COPY).

The authoritative reference and input builder live on the scoring server;
editing this copy changes nothing except your own understanding.
"""

import jax, jax.numpy as jnp
import numpy as np

N = 10000
E = 320000
H = 128


def _gat_conv(x, edge_index, W, att_src, att_dst, bias):
    # Faithful PyG GATConv (heads=1, concat=True, negative_slope=0.2,
    # add_self_loops=True, lin has no bias, final bias added).
    n = x.shape[0]
    loops = jnp.arange(n, dtype=edge_index.dtype)
    src = jnp.concatenate([edge_index[0], loops])
    dst = jnp.concatenate([edge_index[1], loops])
    h = x @ W
    a_src = (h * att_src).sum(axis=-1)
    a_dst = (h * att_dst).sum(axis=-1)
    e = jax.nn.leaky_relu(a_src[src] + a_dst[dst], negative_slope=0.2)
    e_max = jax.ops.segment_max(e, dst, num_segments=n)
    e_exp = jnp.exp(e - e_max[dst])
    denom = jax.ops.segment_sum(e_exp, dst, num_segments=n)
    alpha = e_exp / (denom[dst] + 1e-16)
    out = jax.ops.segment_sum(alpha[:, None] * h[src], dst, num_segments=n)
    return out + bias


def setup_inputs(seed: int = 0):
    key = jax.random.key(seed)
    ks = jax.random.split(key, 12)
    s = 1.0 / np.sqrt(H)
    return {
        "x": jax.random.normal(ks[0], (N, H), dtype=jnp.float32),
        "edge_index": jax.random.randint(ks[1], (2, E), 0, N, dtype=jnp.int32),
        "W1": jax.random.normal(ks[2], (H, H), dtype=jnp.float32) * s,
        "att_src1": jax.random.normal(ks[3], (H,), dtype=jnp.float32) * s,
        "att_dst1": jax.random.normal(ks[4], (H,), dtype=jnp.float32) * s,
        "b1": jnp.zeros((H,), dtype=jnp.float32),
        "W2": jax.random.normal(ks[5], (H, H), dtype=jnp.float32) * s,
        "att_src2": jax.random.normal(ks[6], (H,), dtype=jnp.float32) * s,
        "att_dst2": jax.random.normal(ks[7], (H,), dtype=jnp.float32) * s,
        "b2": jnp.zeros((H,), dtype=jnp.float32),
        "W3": jax.random.normal(ks[8], (H, H), dtype=jnp.float32) * s,
        "b3": jnp.zeros((H,), dtype=jnp.float32),
    }


def reference(x, edge_index, W1, att_src1, att_dst1, b1, W2, att_src2, att_dst2, b2, W3, b3):
    h = _gat_conv(x, edge_index, W1, att_src1, att_dst1, b1)
    h = jax.nn.relu(h)
    h = _gat_conv(h, edge_index, W2, att_src2, att_dst2, b2)
    h = jax.nn.relu(h)
    return h @ W3 + b3

if __name__ == "__main__":
    import jax
    _d = setup_inputs()
    print(jax.jit(kernel)(*tuple(_d.values())))

</pallas_src>

<mosaic_0001>
#map = affine_map<(d0, d1) -> (0, 0)>
#map1 = affine_map<(d0, d1) -> (0, 0, 0)>
module attributes {stable_mosaic.version = 14 : i64} {
  func.func @k(%arg0: i32, %arg1: i32, %arg2: memref<10240x128xf32, #tpu.memory_space<hbm>>, %arg3: memref<32x162x64xi32, #tpu.memory_space<hbm>>, %arg4: memref<80x128xf32, #tpu.memory_space<hbm>>, %arg5: memref<80x128xf32, #tpu.memory_space<hbm>>, %arg6: memref<2x10240x128xf32, #tpu.memory_space<hbm>>, %arg7: memref<2x10240xf32, #tpu.memory_space<hbm>>, %arg8: memref<64xi32, #tpu.memory_space<vmem>>, %arg9: memref<64xi32, #tpu.memory_space<vmem>>, %arg10: memref<!tpu.dma_semaphore, #tpu.memory_space<semaphore_mem>>, %arg11: memref<!tpu.dma_semaphore, #tpu.memory_space<semaphore_mem>>, %arg12: memref<160x128xf32, #tpu.memory_space<vmem>>, %arg13: memref<64x128xf32, #tpu.memory_space<vmem>>, %arg14: memref<64x128xf32, #tpu.memory_space<vmem>>, %arg15: memref<64xf32, #tpu.memory_space<vmem>>, %arg16: memref<64xf32, #tpu.memory_space<vmem>>, %arg17: memref<64xi32, #tpu.memory_space<vmem>>, %arg18: memref<64xi32, #tpu.memory_space<vmem>>, %arg19: memref<64xi32, #tpu.memory_space<vmem>>, %arg20: memref<64xi32, #tpu.memory_space<vmem>>, %arg21: memref<64xi32, #tpu.memory_space<vmem>>, %arg22: memref<64xi32, #tpu.memory_space<vmem>>, %arg23: memref<!tpu.dma_semaphore, #tpu.memory_space<semaphore_mem>>, %arg24: memref<!tpu.dma_semaphore, #tpu.memory_space<semaphore_mem>>, %arg25: memref<!tpu.dma_semaphore, #tpu.memory_space<semaphore_mem>>, %arg26: memref<!tpu.dma_semaphore, #tpu.memory_space<semaphore_mem>>, %arg27: memref<!tpu.dma_semaphore, #tpu.memory_space<semaphore_mem>>, %arg28: memref<!tpu.dma_semaphore, #tpu.memory_space<semaphore_mem>>, %arg29: memref<10240x128xf32, #tpu.memory_space<vmem_shared>>, %arg30: memref<10240xf32, #tpu.memory_space<vmem_shared>>) attributes {dimension_semantics = [#tpu.dimension_semantics<core_parallel>, #tpu.dimension_semantics<subcore_parallel>], iteration_bounds = array<i64: 2, 16>, scalar_prefetch = 0 : i64, scratch_operands = 23 : i64, tpu.core_type = #tpu.core_type<sc_vector_subcore>, window_params = [{transform_indices = #map}, {transform_indices = #map1}, {transform_indices = #map}, {transform_indices = #map}, {transform_indices = #map1}, {transform_indices = #map}]} {
    %mul3A = arith.constant 16 : i32
    %mul3A_0 = arith.muli %arg0, %mul3A : i32
    %add3A = arith.addi %mul3A_0, %arg1 : i32
    %mul3A_1 = arith.constant 640 : i32
    %mul3A_2 = arith.muli %arg1, %mul3A_1 : i32
    %scan3A = arith.constant 0 : i32
    %scan3A_3 = arith.constant 64 : i32
    %scan3A_4 = arith.addi %scan3A, %scan3A_3 : i32
    %scan3A_5 = arith.constant 1 : i32
    scf.for %scan3A_120 = %scan3A to %scan3A_4 step %scan3A_5  : i32 {
      %mul3A_121 = arith.constant 1 : i32
      %mul3A_122 = arith.muli %scan3A_120, %mul3A_121 : i32
      %add3A_123 = arith.constant 0 : i32
      %add3A_124 = arith.addi %add3A_123, %mul3A_122 : i32
      %broadcast_in_dim3A = arith.constant 0.000000e+00 : f32
      %broadcast_in_dim3A_125 = vector.broadcast %broadcast_in_dim3A : f32 to vector<16xf32>
      %swap3A = arith.index_cast %add3A_124 : i32 to index
      %swap3A_126 = arith.constant 0 : index
      %swap3A_127 = tpu.vector_load %arg13[%swap3A, %swap3A_126] {strides = array<i32>} : memref<64x128xf32, #tpu.memory_space<vmem>>, vector<16xf32>,
      tpu.vector_store %arg13[%swap3A, %swap3A_126], %broadcast_in_dim3A_125 {strides = array<i32>} : memref<64x128xf32, #tpu.memory_space<vmem>>, vector<16xf32>,
      %broadcast_in_dim3A_128 = arith.constant 0.000000e+00 : f32
      %broadcast_in_dim3A_129 = vector.broadcast %broadcast_in_dim3A_128 : f32 to vector<16xf32>
      %swap3A_130 = arith.index_cast %add3A_124 : i32 to index
      %swap3A_131 = arith.constant 16 : index
      %swap3A_132 = tpu.vector_load %arg13[%swap3A_130, %swap3A_131] {strides = array<i32>} : memref<64x128xf32, #tpu.memory_space<vmem>>, vector<16xf32>,
      tpu.vector_store %arg13[%swap3A_130, %swap3A_131], %broadcast_in_dim3A_129 {strides = array<i32>} : memref<64x128xf32, #tpu.memory_space<vmem>>, vector<16xf32>,
      %broadcast_in_dim3A_133 = arith.constant 0.000000e+00 : f32
      %broadcast_in_dim3A_134 = vector.broadcast %broadcast_in_dim3A_133 : f32 to vector<16xf32>
      %swap3A_135 = arith.index_cast %add3A_124 : i32 to index
      %swap3A_136 = arith.constant 32 : index
      %swap3A_137 = tpu.vector_load %arg13[%swap3A_135, %swap3A_136] {strides = array<i32>} : memref<64x128xf32, #tpu.memory_space<vmem>>, vector<16xf32>,
      tpu.vector_store %arg13[%swap3A_135, %swap3A_136], %broadcast_in_dim3A_134 {strides = array<i32>} : memref<64x128xf32, #tpu.memory_space<vmem>>, vector<16xf32>,
      %broadcast_in_dim3A_138 = arith.constant 0.000000e+00 : f32
      %broadcast_in_dim3A_139 = vector.broadcast %broadcast_in_dim3A_138 : f32 to vector<16xf32>
      %swap3A_140 = arith.index_cast %add3A_124 : i32 to index
      %swap3A_141 = arith.constant 48 : index
      %swap3A_142 = tpu.vector_load %arg13[%swap3A_140, %swap3A_141] {strides = array<i32>} : memref<64x128xf32, #tpu.memory_space<vmem>>, vector<16xf32>,
      tpu.vector_store %arg13[%swap3A_140, %swap3A_141], %broadcast_in_dim3A_139 {strides = array<i32>} : memref<64x128xf32, #tpu.memory_space<vmem>>, vector<16xf32>,
      %broadcast_in_dim3A_143 = arith.constant 0.000000e+00 : f32
      %broadcast_in_dim3A_144 = vector.broadcast %broadcast_in_dim3A_143 : f32 to vector<16xf32>
      %swap3A_145 = arith.index_cast %add3A_124 : i32 to index
      %swap3A_146 = arith.constant 64 : index
      %swap3A_147 = tpu.vector_load %arg13[%swap3A_145, %swap3A_146] {strides = array<i32>} : memref<64x128xf32, #tpu.memory_space<vmem>>, vector<16xf32>,
      tpu.vector_store %arg13[%swap3A_145, %swap3A_146], %broadcast_in_dim3A_144 {strides = array<i32>} : memref<64x128xf32, #tpu.memory_space<vmem>>, vector<16xf32>,
      %broadcast_in_dim3A_148 = arith.constant 0.000000e+00 : f32
      %broadcast_in_dim3A_149 = vector.broadcast %broadcast_in_dim3A_148 : f32 to vector<16xf32>
      %swap3A_150 = arith.index_cast %add3A_124 : i32 to index
      %swap3A_151 = arith.constant 80 : index
      %swap3A_152 = tpu.vector_load %arg13[%swap3A_150, %swap3A_151] {strides = array<i32>} : memref<64x128xf32, #tpu.memory_space<vmem>>, vector<16xf32>,
      tpu.vector_store %arg13[%swap3A_150, %swap3A_151], %broadcast_in_dim3A_149 {strides = array<i32>} : memref<64x128xf32, #tpu.memory_space<vmem>>, vector<16xf32>,
      %broadcast_in_dim3A_153 = arith.constant 0.000000e+00 : f32
      %broadcast_in_dim3A_154 = vector.broadcast %broadcast_in_dim3A_153 : f32 to vector<16xf32>
      %swap3A_155 = arith.index_cast %add3A_124 : i32 to index
      %swap3A_156 = arith.constant 96 : index
      %swap3A_157 = tpu.vector_load %arg13[%swap3A_155, %swap3A_156] {strides = array<i32>} : memref<64x128xf32, #tpu.memory_space<vmem>>, vector<16xf32>,
      tpu.vector_store %arg13[%swap3A_155, %swap3A_156], %broadcast_in_dim3A_154 {strides = array<i32>} : memref<64x128xf32, #tpu.memory_space<vmem>>, vector<16xf32>,
      %broadcast_in_dim3A_158 = arith.constant 0.000000e+00 : f32
      %broadcast_in_dim3A_159 = vector.broadcast %broadcast_in_dim3A_158 : f32 to vector<16xf32>
      %swap3A_160 = arith.index_cast %add3A_124 : i32 to index
      %swap3A_161 = arith.constant 112 : index
      %swap3A_162 = tpu.vector_load %arg13[%swap3A_160, %swap3A_161] {strides = array<i32>} : memref<64x128xf32, #tpu.memory_space<vmem>>, vector<16xf32>,
      tpu.vector_store %arg13[%swap3A_160, %swap3A_161], %broadcast_in_dim3A_159 {strides = array<i32>} : memref<64x128xf32, #tpu.memory_space<vmem>>, vector<16xf32>,
    }
    %scan3A_6 = arith.constant 64 : i32
    %scan3A_7 = arith.constant 0 : i32
    %scan3A_8 = arith.constant 10 : i32
    %scan3A_9 = arith.addi %scan3A_7, %scan3A_8 : i32
    %scan3A_10 = arith.constant 1 : i32
    scf.for %scan3A_120 = %scan3A_7 to %scan3A_9 step %scan3A_10  : i32 {
      %mul3A_121 = arith.constant 64 : i32
      %mul3A_122 = arith.muli %scan3A_120, %mul3A_121 : i32
      %add3A_123 = arith.constant 0 : i32
      %add3A_124 = arith.addi %add3A_123, %mul3A_122 : i32
      %add3A_125 = arith.addi %mul3A_2, %add3A_124 : i32
      "tpu.region"() ({
        %run_scoped3A_126 = tpu.sem_alloc : memref<!tpu.dma_semaphore, #tpu.memory_space<semaphore_mem>>
        %dma_start3A_127 = arith.constant 0 : i32
        %dma_start3A_128 = tpu.memref_slice %arg29[%add3A_125, %dma_start3A_127] : memref<10240x128xf32, #tpu.memory_space<vmem_shared>> -> memref<64x128xf32, #tpu.memory_space<vmem_shared>>
        %dma_start3A_129 = arith.constant 0 : i32
        %dma_start3A_130 = tpu.memref_slice %arg29[%add3A_125, %dma_start3A_129] : memref<10240x128xf32, #tpu.memory_space<vmem_shared>> -> memref<64x128xf32, #tpu.memory_space<vmem_shared>>
        tpu.enqueue_dma source(%arg13 : memref<64x128xf32, #tpu.memory_space<vmem>>) target(%dma_start3A_130 : memref<64x128xf32, #tpu.memory_space<vmem_shared>>) target_semaphore(%run_scoped3A_126 : memref<!tpu.dma_semaphore, #tpu.memory_space<semaphore_mem>>)
        %dma_wait3A_131 = arith.constant 0 : i32
        %dma_wait3A_132 = tpu.memref_slice %arg29[%add3A_125, %dma_wait3A_131] : memref<10240x128xf32, #tpu.memory_space<vmem_shared>> -> memref<64x128xf32, #tpu.memory_space<vmem_shared>>
        %dma_wait3A_133 = arith.constant 0 : i32
        %dma_wait3A_134 = tpu.memref_slice %arg29[%add3A_125, %dma_wait3A_133] : memref<10240x128xf32, #tpu.memory_space<vmem_shared>> -> memref<64x128xf32, #tpu.memory_space<vmem_shared>>
        tpu.wait_dma2 semaphore(%run_scoped3A_126 : memref<!tpu.dma_semaphore, #tpu.memory_space<semaphore_mem>>) src(%arg13 : memref<64x128xf32, #tpu.memory_space<vmem>>) dst(%dma_wait3A_134 : memref<64x128xf32, #tpu.memory_space<vmem_shared>>)
        tpu.yield
      }) : () -> ()
    }
    %scan3A_11 = arith.constant 10 : i32
    %scan3A_12 = arith.constant 0 : i32
    %scan3A_13 = arith.constant 5 : i32
    %scan3A_14 = arith.addi %scan3A_12, %scan3A_13 : i32
    %scan3A_15 = arith.constant 1 : i32
    scf.for %scan3A_120 = %scan3A_12 to %scan3A_14 step %scan3A_15  : i32 {
      %mul3A_121 = arith.constant 128 : i32
      %mul3A_122 = arith.muli %scan3A_120, %mul3A_121 : i32
      %add3A_123 = arith.constant 0 : i32
      %add3A_124 = arith.addi %add3A_123, %mul3A_122 : i32
      %add3A_125 = arith.addi %mul3A_2, %add3A_124 : i32
      %run_scoped3A_126 = arith.constant 0 : i32
      "tpu.region"() ({
        %run_scoped3A_127 = tpu.sem_alloc : memref<!tpu.dma_semaphore, #tpu.memory_space<semaphore_mem>>
        %dma_start3A_128 = arith.constant 0 : i32
        %dma_start3A_129 = tpu.memref_slice %arg13[%run_scoped3A_126, %dma_start3A_128] : memref<64x128xf32, #tpu.memory_space<vmem>> -> memref<1x128xf32, #tpu.memory_space<vmem>>
        %dma_start3A_130 = tpu.memref_squeeze %dma_start3A_129 : memref<1x128xf32, #tpu.memory_space<vmem>> -> memref<128xf32, #tpu.memory_space<vmem>>
        %dma_start3A_131 = tpu.memref_slice %arg30[%add3A_125] : memref<10240xf32, #tpu.memory_space<vmem_shared>> -> memref<128xf32, #tpu.memory_space<vmem_shared>>
        %dma_start3A_132 = tpu.memref_slice %arg30[%add3A_125] : memref<10240xf32, #tpu.memory_space<vmem_shared>> -> memref<128xf32, #tpu.memory_space<vmem_shared>>
        %dma_start3A_133 = arith.constant 0 : i32
        %dma_start3A_134 = tpu.memref_slice %arg13[%run_scoped3A_126, %dma_start3A_133] : memref<64x128xf32, #tpu.memory_space<vmem>> -> memref<1x128xf32, #tpu.memory_space<vmem>>
        %dma_start3A_135 = tpu.memref_squeeze %dma_start3A_134 : memref<1x128xf32, #tpu.memory_space<vmem>> -> memref<128xf32, #tpu.memory_space<vmem>>
        tpu.enqueue_dma source(%dma_start3A_135 : memref<128xf32, #tpu.memory_space<vmem>>) target(%dma_start3A_132 : memref<128xf32, #tpu.memory_space<vmem_shared>>) target_semaphore(%run_scoped3A_127 : memref<!tpu.dma_semaphore, #tpu.memory_space<semaphore_mem>>)
        %dma_wait3A_136 = arith.constant 0 : i32
        %dma_wait3A_137 = tpu.memref_slice %arg13[%run_scoped3A_126, %dma_wait3A_136] : memref<64x128xf32, #tpu.memory_space<vmem>> -> memref<1x128xf32, #tpu.memory_space<vmem>>
        %dma_wait3A_138 = tpu.memref_squeeze %dma_wait3A_137 : memref<1x128xf32, #tpu.memory_space<vmem>> -> memref<128xf32, #tpu.memory_space<vmem>>
        %dma_wait3A_139 = tpu.memref_slice %arg30[%add3A_125] : memref<10240xf32, #tpu.memory_space<vmem_shared>> -> memref<128xf32, #tpu.memory_space<vmem_shared>>
        %dma_wait3A_140 = tpu.memref_slice %arg30[%add3A_125] : memref<10240xf32, #tpu.memory_space<vmem_shared>> -> memref<128xf32, #tpu.memory_space<vmem_shared>>
        %dma_wait3A_141 = arith.constant 0 : i32
        %dma_wait3A_142 = tpu.memref_slice %arg13[%run_scoped3A_126, %dma_wait3A_141] : memref<64x128xf32, #tpu.memory_space<vmem>> -> memref<1x128xf32, #tpu.memory_space<vmem>>
        %dma_wait3A_143 = tpu.memref_squeeze %dma_wait3A_142 : memref<1x128xf32, #tpu.memory_space<vmem>> -> memref<128xf32, #tpu.memory_space<vmem>>
        tpu.wait_dma2 semaphore(%run_scoped3A_127 : memref<!tpu.dma_semaphore, #tpu.memory_space<semaphore_mem>>) src(%dma_wait3A_143 : memref<128xf32, #tpu.memory_space<vmem>>) dst(%dma_wait3A_140 : memref<128xf32, #tpu.memory_space<vmem_shared>>)
        tpu.yield
      }) : () -> ()
    }
    %scan3A_16 = arith.constant 5 : i32
    "tpu.region"() ({
      %run_scoped3A_120 = tpu.sem_alloc : memref<!tpu.dma_semaphore, #tpu.memory_space<semaphore_mem>>
      %dma_start3A_121 = arith.constant 0 : i32
      %dma_start3A_122 = arith.constant 0 : i32
      %dma_start3A_123 = tpu.memref_slice %arg12[%dma_start3A_121, %dma_start3A_122] : memref<160x128xf32, #tpu.memory_space<vmem>> -> memref<80x128xf32, #tpu.memory_space<vmem>>
      %dma_start3A_124 = arith.constant 0 : i32
      %dma_start3A_125 = arith.constant 0 : i32
      %dma_start3A_126 = tpu.memref_slice %arg12[%dma_start3A_124, %dma_start3A_125] : memref<160x128xf32, #tpu.memory_space<vmem>> -> memref<80x128xf32, #tpu.memory_space<vmem>>
      tpu.enqueue_dma source(%arg4 : memref<80x128xf32, #tpu.memory_space<hbm>>) target(%dma_start3A_126 : memref<80x128xf32, #tpu.memory_space<vmem>>) target_semaphore(%run_scoped3A_120 : memref<!tpu.dma_semaphore, #tpu.memory_space<semaphore_mem>>)
      %dma_wait3A_127 = arith.constant 0 : i32
      %dma_wait3A_128 = arith.constant 0 : i32
      %dma_wait3A_129 = tpu.memref_slice %arg12[%dma_wait3A_127, %dma_wait3A_128] : memref<160x128xf32, #tpu.memory_space<vmem>> -> memref<80x128xf32, #tpu.memory_space<vmem>>
      %dma_wait3A_130 = arith.constant 0 : i32
      %dma_wait3A_131 = arith.constant 0 : i32
      %dma_wait3A_132 = tpu.memref_slice %arg12[%dma_wait3A_130, %dma_wait3A_131] : memref<160x128xf32, #tpu.memory_space<vmem>> -> memref<80x128xf32, #tpu.memory_space<vmem>>
      tpu.wait_dma2 semaphore(%run_scoped3A_120 : memref<!tpu.dma_semaphore, #tpu.memory_space<semaphore_mem>>) src(%arg4 : memref<80x128xf32, #tpu.memory_space<hbm>>) dst(%dma_wait3A_132 : memref<80x128xf32, #tpu.memory_space<vmem>>)
      tpu.yield
    }) : () -> ()
    "tpu.region"() ({
      %run_scoped3A_120 = tpu.sem_alloc : memref<!tpu.dma_semaphore, #tpu.memory_space<semaphore_mem>>
      %dma_start3A_121 = arith.constant 80 : i32
      %dma_start3A_122 = arith.constant 0 : i32
      %dma_start3A_123 = tpu.memref_slice %arg12[%dma_start3A_121, %dma_start3A_122] : memref<160x128xf32, #tpu.memory_space<vmem>> -> memref<80x128xf32, #tpu.memory_space<vmem>>
      %dma_start3A_124 = arith.constant 80 : i32
      %dma_start3A_125 = arith.constant 0 : i32
      %dma_start3A_126 = tpu.memref_slice %arg12[%dma_start3A_124, %dma_start3A_125] : memref<160x128xf32, #tpu.memory_space<vmem>> -> memref<80x128xf32, #tpu.memory_space<vmem>>
      tpu.enqueue_dma source(%arg5 : memref<80x128xf32, #tpu.memory_space<hbm>>) target(%dma_start3A_126 : memref<80x128xf32, #tpu.memory_space<vmem>>) target_semaphore(%run_scoped3A_120 : memref<!tpu.dma_semaphore, #tpu.memory_space<semaphore_mem>>)
      %dma_wait3A_127 = arith.constant 80 : i32
      %dma_wait3A_128 = arith.constant 0 : i32
      %dma_wait3A_129 = tpu.memref_slice %arg12[%dma_wait3A_127, %dma_wait3A_128] : memref<160x128xf32, #tpu.memory_space<vmem>> -> memref<80x128xf32, #tpu.memory_space<vmem>>
      %dma_wait3A_130 = arith.constant 80 : i32
      %dma_wait3A_131 = arith.constant 0 : i32
      %dma_wait3A_132 = tpu.memref_slice %arg12[%dma_wait3A_130, %dma_wait3A_131] : memref<160x128xf32, #tpu.memory_space<vmem>> -> memref<80x128xf32, #tpu.memory_space<vmem>>
      tpu.wait_dma2 semaphore(%run_scoped3A_120 : memref<!tpu.dma_semaphore, #tpu.memory_space<semaphore_mem>>) src(%arg5 : memref<80x128xf32, #tpu.memory_space<hbm>>) dst(%dma_wait3A_132 : memref<80x128xf32, #tpu.memory_space<vmem>>)
      tpu.yield
    }) : () -> ()
    %barrier3A = arith.constant 0 : index
    tpu.barrier barrier_id(%barrier3A)
    %run_scoped3A = arith.constant 0 : i32
    "tpu.region"() ({
      %run_scoped3A_120 = tpu.sem_alloc : memref<!tpu.dma_semaphore, #tpu.memory_space<semaphore_mem>>
      %dma_start3A_121 = arith.constant 0 : i32
      %dma_start3A_122 = tpu.memref_slice %arg3[%add3A, %run_scoped3A, %dma_start3A_121] : memref<32x162x64xi32, #tpu.memory_space<hbm>> -> memref<1x1x64xi32, #tpu.memory_space<hbm>>
      %dma_start3A_123 = tpu.memref_squeeze %dma_start3A_122 : memref<1x1x64xi32, #tpu.memory_space<hbm>> -> memref<64xi32, #tpu.memory_space<hbm>>
      %dma_start3A_124 = arith.constant 0 : i32
      %dma_start3A_125 = tpu.memref_slice %arg3[%add3A, %run_scoped3A, %dma_start3A_124] : memref<32x162x64xi32, #tpu.memory_space<hbm>> -> memref<1x1x64xi32, #tpu.memory_space<hbm>>
      %dma_start3A_126 = tpu.memref_squeeze %dma_start3A_125 : memref<1x1x64xi32, #tpu.memory_space<hbm>> -> memref<64xi32, #tpu.memory_space<hbm>>
      tpu.enqueue_dma source(%dma_start3A_126 : memref<64xi32, #tpu.memory_space<hbm>>) target(%arg8 : memref<64xi32, #tpu.memory_space<vmem>>) target_semaphore(%run_scoped3A_120 : memref<!tpu.dma_semaphore, #tpu.memory_space<semaphore_mem>>)
      %dma_wait3A_127 = arith.constant 0 : i32
      %dma_wait3A_128 = tpu.memref_slice %arg3[%add3A, %run_scoped3A, %dma_wait3A_127] : memref<32x162x64xi32, #tpu.memory_space<hbm>> -> memref<1x1x64xi32, #tpu.memory_space<hbm>>
      %dma_wait3A_129 = tpu.memref_squeeze %dma_wait3A_128 : memref<1x1x64xi32, #tpu.memory_space<hbm>> -> memref<64xi32, #tpu.memory_space<hbm>>
      %dma_wait3A_130 = arith.constant 0 : i32
      %dma_wait3A_131 = tpu.memref_slice %arg3[%add3A, %run_scoped3A, %dma_wait3A_130] : memref<32x162x64xi32, #tpu.memory_space<hbm>> -> memref<1x1x64xi32, #tpu.memory_space<hbm>>
      %dma_wait3A_132 = tpu.memref_squeeze %dma_wait3A_131 : memref<1x1x64xi32, #tpu.memory_space<hbm>> -> memref<64xi32, #tpu.memory_space<hbm>>
      tpu.wait_dma2 semaphore(%run_scoped3A_120 : memref<!tpu.dma_semaphore, #tpu.memory_space<semaphore_mem>>) src(%dma_wait3A_132 : memref<64xi32, #tpu.memory_space<hbm>>) dst(%arg8 : memref<64xi32, #tpu.memory_space<vmem>>)
      tpu.yield
    }) : () -> ()
    %run_scoped3A_17 = arith.constant 1 : i32
    "tpu.region"() ({
      %run_scoped3A_120 = tpu.sem_alloc : memref<!tpu.dma_semaphore, #tpu.memory_space<semaphore_mem>>
      %dma_start3A_121 = arith.constant 0 : i32
      %dma_start3A_122 = tpu.memref_slice %arg3[%add3A, %run_scoped3A_17, %dma_start3A_121] : memref<32x162x64xi32, #tpu.memory_space<hbm>> -> memref<1x1x64xi32, #tpu.memory_space<hbm>>
      %dma_start3A_123 = tpu.memref_squeeze %dma_start3A_122 : memref<1x1x64xi32, #tpu.memory_space<hbm>> -> memref<64xi32, #tpu.memory_space<hbm>>
      %dma_start3A_124 = arith.constant 0 : i32
      %dma_start3A_125 = tpu.memref_slice %arg3[%add3A, %run_scoped3A_17, %dma_start3A_124] : memref<32x162x64xi32, #tpu.memory_space<hbm>> -> memref<1x1x64xi32, #tpu.memory_space<hbm>>
      %dma_start3A_126 = tpu.memref_squeeze %dma_start3A_125 : memref<1x1x64xi32, #tpu.memory_space<hbm>> -> memref<64xi32, #tpu.memory_space<hbm>>
      tpu.enqueue_dma source(%dma_start3A_126 : memref<64xi32, #tpu.memory_space<hbm>>) target(%arg9 : memref<64xi32, #tpu.memory_space<vmem>>) target_semaphore(%run_scoped3A_120 : memref<!tpu.dma_semaphore, #tpu.memory_space<semaphore_mem>>)
      %dma_wait3A_127 = arith.constant 0 : i32
      %dma_wait3A_128 = tpu.memref_slice %arg3[%add3A, %run_scoped3A_17, %dma_wait3A_127] : memref<32x162x64xi32, #tpu.memory_space<hbm>> -> memref<1x1x64xi32, #tpu.memory_space<hbm>>
      %dma_wait3A_129 = tpu.memref_squeeze %dma_wait3A_128 : memref<1x1x64xi32, #tpu.memory_space<hbm>> -> memref<64xi32, #tpu.memory_space<hbm>>
      %dma_wait3A_130 = arith.constant 0 : i32
      %dma_wait3A_131 = tpu.memref_slice %arg3[%add3A, %run_scoped3A_17, %dma_wait3A_130] : memref<32x162x64xi32, #tpu.memory_space<hbm>> -> memref<1x1x64xi32, #tpu.memory_space<hbm>>
      %dma_wait3A_132 = tpu.memref_squeeze %dma_wait3A_131 : memref<1x1x64xi32, #tpu.memory_space<hbm>> -> memref<64xi32, #tpu.memory_space<hbm>>
      tpu.wait_dma2 semaphore(%run_scoped3A_120 : memref<!tpu.dma_semaphore, #tpu.memory_space<semaphore_mem>>) src(%dma_wait3A_132 : memref<64xi32, #tpu.memory_space<hbm>>) dst(%arg9 : memref<64xi32, #tpu.memory_space<vmem>>)
      tpu.yield
    }) : () -> ()
    %scan3A_18 = arith.constant 0 : i32
    %scan3A_19 = arith.constant 4 : i32
    %scan3A_20 = arith.addi %scan3A_18, %scan3A_19 : i32
    %scan3A_21 = arith.constant 1 : i32
    scf.for %scan3A_120 = %scan3A_18 to %scan3A_20 step %scan3A_21  : i32 {
      %mul3A_121 = arith.constant 16 : i32
      %mul3A_122 = arith.muli %scan3A_120, %mul3A_121 : i32
      %add3A_123 = arith.constant 0 : i32
      %add3A_124 = arith.addi %add3A_123, %mul3A_122 : i32
      %get3A = arith.index_cast %add3A_124 : i32 to index
      %get3A_125 = tpu.vector_load %arg8[%get3A] {strides = array<i32>} : memref<64xi32, #tpu.memory_space<vmem>>, vector<16xi32>,
      %and3A = arith.constant 16383 : i32
      %and3A_126 = vector.broadcast %and3A : i32 to vector<16xi32>
      %and3A_127 = arith.andi %get3A_125, %and3A_126 : vector<16xi32>
      %swap3A = arith.index_cast %add3A_124 : i32 to index
      %swap3A_128 = tpu.vector_load %arg17[%swap3A] {strides = array<i32>} : memref<64xi32, #tpu.memory_space<vmem>>, vector<16xi32>,
      tpu.vector_store %arg17[%swap3A], %and3A_127 {strides = array<i32>} : memref<64xi32, #tpu.memory_space<vmem>>, vector<16xi32>,
      %shift_right_logical3A = arith.constant 14 : i32
      %shift_right_logical3A_129 = vector.broadcast %shift_right_logical3A : i32 to vector<16xi32>
      %shift_right_logical3A_130 = arith.shrui %get3A_125, %shift_right_logical3A_129 : vector<16xi32>
      %swap3A_131 = arith.index_cast %add3A_124 : i32 to index
      %swap3A_132 = tpu.vector_load %arg19[%swap3A_131] {strides = array<i32>} : memref<64xi32, #tpu.memory_space<vmem>>, vector<16xi32>,
      tpu.vector_store %arg19[%swap3A_131], %shift_right_logical3A_130 {strides = array<i32>} : memref<64xi32, #tpu.memory_space<vmem>>, vector<16xi32>,
    }
    %scan3A_22 = arith.constant 4 : i32
    %min3A = arith.constant 2 : i32
    %min3A_23 = arith.constant 161 : i32
    %min3A_24 = arith.minsi %min3A, %min3A_23 : i32
    %dma_start3A = arith.constant 0 : i32
    %dma_start3A_25 = tpu.memref_slice %arg3[%add3A, %min3A_24, %dma_start3A] : memref<32x162x64xi32, #tpu.memory_space<hbm>> -> memref<1x1x64xi32, #tpu.memory_space<hbm>>
    %dma_start3A_26 = tpu.memref_squeeze %dma_start3A_25 : memref<1x1x64xi32, #tpu.memory_space<hbm>> -> memref<64xi32, #tpu.memory_space<hbm>>
    %dma_start3A_27 = arith.constant 0 : i32
    %dma_start3A_28 = tpu.memref_slice %arg3[%add3A, %min3A_24, %dma_start3A_27] : memref<32x162x64xi32, #tpu.memory_space<hbm>> -> memref<1x1x64xi32, #tpu.memory_space<hbm>>
    %dma_start3A_29 = tpu.memref_squeeze %dma_start3A_28 : memref<1x1x64xi32, #tpu.memory_space<hbm>> -> memref<64xi32, #tpu.memory_space<hbm>>
    tpu.enqueue_dma source(%dma_start3A_29 : memref<64xi32, #tpu.memory_space<hbm>>) target(%arg8 : memref<64xi32, #tpu.memory_space<vmem>>) target_semaphore(%arg10 : memref<!tpu.dma_semaphore, #tpu.memory_space<semaphore_mem>>)
    %scan3A_30 = arith.constant 0 : i32
    %scan3A_31 = arith.constant 4 : i32
    %scan3A_32 = arith.addi %scan3A_30, %scan3A_31 : i32
    %scan3A_33 = arith.constant 1 : i32
    scf.for %scan3A_120 = %scan3A_30 to %scan3A_32 step %scan3A_33  : i32 {
      %mul3A_121 = arith.constant 16 : i32
      %mul3A_122 = arith.muli %scan3A_120, %mul3A_121 : i32
      %add3A_123 = arith.constant 0 : i32
      %add3A_124 = arith.addi %add3A_123, %mul3A_122 : i32
      %get3A = arith.index_cast %add3A_124 : i32 to index
      %get3A_125 = tpu.vector_load %arg17[%get3A] {strides = array<i32>} : memref<64xi32, #tpu.memory_space<vmem>>, vector<16xi32>,
      %get3A_126 = arith.index_cast %add3A_124 : i32 to index
      %get3A_127 = tpu.vector_load %arg19[%get3A_126] {strides = array<i32>} : memref<64xi32, #tpu.memory_space<vmem>>, vector<16xi32>,
      %shift_right_logical3A = arith.constant 7 : i32
      %shift_right_logical3A_128 = vector.broadcast %shift_right_logical3A : i32 to vector<16xi32>
      %shift_right_logical3A_129 = arith.shrui %get3A_125, %shift_right_logical3A_128 : vector<16xi32>
      %and3A = arith.constant 127 : i32
      %and3A_130 = vector.broadcast %and3A : i32 to vector<16xi32>
      %and3A_131 = arith.andi %get3A_125, %and3A_130 : vector<16xi32>
      %gather3A = tpu.vector_load_idx %arg12[%shift_right_logical3A_129, %and3A_131] : memref<160x128xf32, #tpu.memory_space<vmem>>[vector<16xi32>, vector<16xi32>], vector<16xf32>,
      %shift_right_logical3A_132 = arith.constant 7 : i32
      %shift_right_logical3A_133 = vector.broadcast %shift_right_logical3A_132 : i32 to vector<16xi32>
      %shift_right_logical3A_134 = arith.shrui %get3A_127, %shift_right_logical3A_133 : vector<16xi32>
      %add3A_135 = arith.constant 80 : i32
      %add3A_136 = vector.broadcast %add3A_135 : i32 to vector<16xi32>
      %add3A_137 = arith.addi %add3A_136, %shift_right_logical3A_134 : vector<16xi32>
      %and3A_138 = arith.constant 127 : i32
      %and3A_139 = vector.broadcast %and3A_138 : i32 to vector<16xi32>
      %and3A_140 = arith.andi %get3A_127, %and3A_139 : vector<16xi32>
      %gather3A_141 = tpu.vector_load_idx %arg12[%add3A_137, %and3A_140] : memref<160x128xf32, #tpu.memory_space<vmem>>[vector<16xi32>, vector<16xi32>], vector<16xf32>,
      %add3A_142 = arith.addf %gather3A, %gather3A_141 : vector<16xf32>
      %mul3A_143 = arith.constant 2.000000e-01 : f32
      %mul3A_144 = vector.broadcast %mul3A_143 : f32 to vector<16xf32>
      %mul3A_145 = arith.mulf %mul3A_144, %add3A_142 : vector<16xf32>
      %max3A = arith.maximumf %add3A_142, %mul3A_145 : vector<16xf32>
      %exp3A = math.exp %max3A : vector<16xf32>
      %swap3A = arith.index_cast %add3A_124 : i32 to index
      %swap3A_146 = tpu.vector_load %arg15[%swap3A] {strides = array<i32>} : memref<64xf32, #tpu.memory_space<vmem>>, vector<16xf32>,
      tpu.vector_store %arg15[%swap3A], %exp3A {strides = array<i32>} : memref<64xf32, #tpu.memory_space<vmem>>, vector<16xf32>,
    }
    %scan3A_34 = arith.constant 4 : i32
    %dma_start3A_35 = arith.constant 0 : i32
    %dma_start3A_36 = tpu.memref_slice %arg30[%dma_start3A_35] : memref<10240xf32, #tpu.memory_space<vmem_shared>> -> memref<10240xf32, #tpu.memory_space<vmem_shared>>
    tpu.enqueue_indirect_dma source(%arg15 : memref<64xf32, #tpu.memory_space<vmem>>) target(%dma_start3A_36 : memref<10240xf32, #tpu.memory_space<vmem_shared>>) offsets(%arg19 : memref<64xi32, #tpu.memory_space<vmem>>) semaphore(%arg27 : memref<!tpu.dma_semaphore, #tpu.memory_space<semaphore_mem>>) {add = true}
    %dma_start3A_37 = arith.constant 0 : i32
    %dma_start3A_38 = arith.constant 0 : i32
    %dma_start3A_39 = tpu.memref_slice %arg2[%dma_start3A_37, %dma_start3A_38] : memref<10240x128xf32, #tpu.memory_space<hbm>> -> memref<10240x128xf32, #tpu.memory_space<hbm>>
    tpu.enqueue_indirect_dma source(%dma_start3A_39 : memref<10240x128xf32, #tpu.memory_space<hbm>>) target(%arg13 : memref<64x128xf32, #tpu.memory_space<vmem>>) offsets(%arg17 : memref<64xi32, #tpu.memory_space<vmem>>) semaphore(%arg23 : memref<!tpu.dma_semaphore, #tpu.memory_space<semaphore_mem>>)
    %scan3A_40 = arith.constant 0 : i32
    %scan3A_41 = arith.constant 4 : i32
    %scan3A_42 = arith.addi %scan3A_40, %scan3A_41 : i32
    %scan3A_43 = arith.constant 1 : i32
    scf.for %scan3A_120 = %scan3A_40 to %scan3A_42 step %scan3A_43  : i32 {
      %mul3A_121 = arith.constant 16 : i32
      %mul3A_122 = arith.muli %scan3A_120, %mul3A_121 : i32
      %add3A_123 = arith.constant 0 : i32
      %add3A_124 = arith.addi %add3A_123, %mul3A_122 : i32
      %get3A = arith.index_cast %add3A_124 : i32 to index
      %get3A_125 = tpu.vector_load %arg9[%get3A] {strides = array<i32>} : memref<64xi32, #tpu.memory_space<vmem>>, vector<16xi32>,
      %and3A = arith.constant 16383 : i32
      %and3A_126 = vector.broadcast %and3A : i32 to vector<16xi32>
      %and3A_127 = arith.andi %get3A_125, %and3A_126 : vector<16xi32>
      %swap3A = arith.index_cast %add3A_124 : i32 to index
      %swap3A_128 = tpu.vector_load %arg18[%swap3A] {strides = array<i32>} : memref<64xi32, #tpu.memory_space<vmem>>, vector<16xi32>,
      tpu.vector_store %arg18[%swap3A], %and3A_127 {strides = array<i32>} : memref<64xi32, #tpu.memory_space<vmem>>, vector<16xi32>,
      %shift_right_logical3A = arith.constant 14 : i32
      %shift_right_logical3A_129 = vector.broadcast %shift_right_logical3A : i32 to vector<16xi32>
      %shift_right_logical3A_130 = arith.shrui %get3A_125, %shift_right_logical3A_129 : vector<16xi32>
      %swap3A_131 = arith.index_cast %add3A_124 : i32 to index
      %swap3A_132 = tpu.vector_load %arg20[%swap3A_131] {strides = array<i32>} : memref<64xi32, #tpu.memory_space<vmem>>, vector<16xi32>,
      tpu.vector_store %arg20[%swap3A_131], %shift_right_logical3A_130 {strides = array<i32>} : memref<64xi32, #tpu.memory_space<vmem>>, vector<16xi32>,
    }
    %scan3A_44 = arith.constant 4 : i32
    %min3A_45 = arith.constant 3 : i32
    %min3A_46 = arith.constant 161 : i32
    %min3A_47 = arith.minsi %min3A_45, %min3A_46 : i32
    %dma_start3A_48 = arith.constant 0 : i32
    %dma_start3A_49 = tpu.memref_slice %arg3[%add3A, %min3A_47, %dma_start3A_48] : memref<32x162x64xi32, #tpu.memory_space<hbm>> -> memref<1x1x64xi32, #tpu.memory_space<hbm>>
    %dma_start3A_50 = tpu.memref_squeeze %dma_start3A_49 : memref<1x1x64xi32, #tpu.memory_space<hbm>> -> memref<64xi32, #tpu.memory_space<hbm>>
    %dma_start3A_51 = arith.constant 0 : i32
    %dma_start3A_52 = tpu.memref_slice %arg3[%add3A, %min3A_47, %dma_start3A_51] : memref<32x162x64xi32, #tpu.memory_space<hbm>> -> memref<1x1x64xi32, #tpu.memory_space<hbm>>
    %dma_start3A_53 = tpu.memref_squeeze %dma_start3A_52 : memref<1x1x64xi32, #tpu.memory_space<hbm>> -> memref<64xi32, #tpu.memory_space<hbm>>
    tpu.enqueue_dma source(%dma_start3A_53 : memref<64xi32, #tpu.memory_space<hbm>>) target(%arg9 : memref<64xi32, #tpu.memory_space<vmem>>) target_semaphore(%arg11 : memref<!tpu.dma_semaphore, #tpu.memory_space<semaphore_mem>>)
    %scan3A_54 = arith.constant 0 : i32
    %scan3A_55 = arith.constant 4 : i32
    %scan3A_56 = arith.addi %scan3A_54, %scan3A_55 : i32
    %scan3A_57 = arith.constant 1 : i32
    scf.for %scan3A_120 = %scan3A_54 to %scan3A_56 step %scan3A_57  : i32 {
      %mul3A_121 = arith.constant 16 : i32
      %mul3A_122 = arith.muli %scan3A_120, %mul3A_121 : i32
      %add3A_123 = arith.constant 0 : i32
      %add3A_124 = arith.addi %add3A_123, %mul3A_122 : i32
      %get3A = arith.index_cast %add3A_124 : i32 to index
      %get3A_125 = tpu.vector_load %arg18[%get3A] {strides = array<i32>} : memref<64xi32, #tpu.memory_space<vmem>>, vector<16xi32>,
      %get3A_126 = arith.index_cast %add3A_124 : i32 to index
      %get3A_127 = tpu.vector_load %arg20[%get3A_126] {strides = array<i32>} : memref<64xi32, #tpu.memory_space<vmem>>, vector<16xi32>,
      %shift_right_logical3A = arith.constant 7 : i32
      %shift_right_logical3A_128 = vector.broadcast %shift_right_logical3A : i32 to vector<16xi32>
      %shift_right_logical3A_129 = arith.shrui %get3A_125, %shift_right_logical3A_128 : vector<16xi32>
      %and3A = arith.constant 127 : i32
      %and3A_130 = vector.broadcast %and3A : i32 to vector<16xi32>
      %and3A_131 = arith.andi %get3A_125, %and3A_130 : vector<16xi32>
      %gather3A = tpu.vector_load_idx %arg12[%shift_right_logical3A_129, %and3A_131] : memref<160x128xf32, #tpu.memory_space<vmem>>[vector<16xi32>, vector<16xi32>], vector<16xf32>,
      %shift_right_logical3A_132 = arith.constant 7 : i32
      %shift_right_logical3A_133 = vector.broadcast %shift_right_logical3A_132 : i32 to vector<16xi32>
      %shift_right_logical3A_134 = arith.shrui %get3A_127, %shift_right_logical3A_133 : vector<16xi32>
      %add3A_135 = arith.constant 80 : i32
      %add3A_136 = vector.broadcast %add3A_135 : i32 to vector<16xi32>
      %add3A_137 = arith.addi %add3A_136, %shift_right_logical3A_134 : vector<16xi32>
      %and3A_138 = arith.constant 127 : i32
      %and3A_139 = vector.broadcast %and3A_138 : i32 to vector<16xi32>
      %and3A_140 = arith.andi %get3A_127, %and3A_139 : vector<16xi32>
      %gather3A_141 = tpu.vector_load_idx %arg12[%add3A_137, %and3A_140] : memref<160x128xf32, #tpu.memory_space<vmem>>[vector<16xi32>, vector<16xi32>], vector<16xf32>,
      %add3A_142 = arith.addf %gather3A, %gather3A_141 : vector<16xf32>
      %mul3A_143 = arith.constant 2.000000e-01 : f32
      %mul3A_144 = vector.broadcast %mul3A_143 : f32 to vector<16xf32>
      %mul3A_145 = arith.mulf %mul3A_144, %add3A_142 : vector<16xf32>
      %max3A = arith.maximumf %add3A_142, %mul3A_145 : vector<16xf32>
      %exp3A = math.exp %max3A : vector<16xf32>
      %swap3A = arith.index_cast %add3A_124 : i32 to index
      %swap3A_146 = tpu.vector_load %arg16[%swap3A] {strides = array<i32>} : memref<64xf32, #tpu.memory_space<vmem>>, vector<16xf32>,
      tpu.vector_store %arg16[%swap3A], %exp3A {strides = array<i32>} : memref<64xf32, #tpu.memory_space<vmem>>, vector<16xf32>,
    }
    %scan3A_58 = arith.constant 4 : i32
    %dma_start3A_59 = arith.constant 0 : i32
    %dma_start3A_60 = tpu.memref_slice %arg30[%dma_start3A_59] : memref<10240xf32, #tpu.memory_space<vmem_shared>> -> memref<10240xf32, #tpu.memory_space<vmem_shared>>
    tpu.enqueue_indirect_dma source(%arg16 : memref<64xf32, #tpu.memory_space<vmem>>) target(%dma_start3A_60 : memref<10240xf32, #tpu.memory_space<vmem_shared>>) offsets(%arg20 : memref<64xi32, #tpu.memory_space<vmem>>) semaphore(%arg28 : memref<!tpu.dma_semaphore, #tpu.memory_space<semaphore_mem>>) {add = true}
    %dma_start3A_61 = arith.constant 0 : i32
    %dma_start3A_62 = arith.constant 0 : i32
    %dma_start3A_63 = tpu.memref_slice %arg2[%dma_start3A_61, %dma_start3A_62] : memref<10240x128xf32, #tpu.memory_space<hbm>> -> memref<10240x128xf32, #tpu.memory_space<hbm>>
    tpu.enqueue_indirect_dma source(%dma_start3A_63 : memref<10240x128xf32, #tpu.memory_space<hbm>>) target(%arg14 : memref<64x128xf32, #tpu.memory_space<vmem>>) offsets(%arg18 : memref<64xi32, #tpu.memory_space<vmem>>) semaphore(%arg24 : memref<!tpu.dma_semaphore, #tpu.memory_space<semaphore_mem>>)
    %scan3A_64 = arith.constant 0 : i32
    %scan3A_65 = arith.constant 80 : i32
    %scan3A_66 = arith.addi %scan3A_64, %scan3A_65 : i32
    %scan3A_67 = arith.constant 1 : i32
    scf.for %scan3A_120 = %scan3A_64 to %scan3A_66 step %scan3A_67  : i32 {
      %mul3A_121 = arith.constant 1 : i32
      %mul3A_122 = arith.muli %scan3A_120, %mul3A_121 : i32
      %add3A_123 = arith.constant 0 : i32
      %add3A_124 = arith.addi %add3A_123, %mul3A_122 : i32
      %dma_wait3A_125 = arith.constant 0 : i32
      %dma_wait3A_126 = arith.constant 0 : i32
      %dma_wait3A_127 = tpu.memref_slice %arg2[%dma_wait3A_125, %dma_wait3A_126] : memref<10240x128xf32, #tpu.memory_space<hbm>> -> memref<10240x128xf32, #tpu.memory_space<hbm>>
      tpu.wait_indirect_dma semaphore(%arg23 : memref<!tpu.dma_semaphore, #tpu.memory_space<semaphore_mem>>) src(%dma_wait3A_127 : memref<10240x128xf32, #tpu.memory_space<hbm>>) dst(%arg13 : memref<64x128xf32, #tpu.memory_space<vmem>>)
      %parallel_loop3A_128 = arith.constant 0 : i32
      %parallel_loop3A_129 = arith.constant 64 : i32
      %parallel_loop3A_130 = arith.constant 1 : i32
      scf.for %parallel_loop3A_233 = %parallel_loop3A_128 to %parallel_loop3A_129 step %parallel_loop3A_130  : i32 {
        %parallel_loop3A_234 = arith.constant 16 : i32
        %parallel_loop3A_235 = arith.divsi %parallel_loop3A_233, %parallel_loop3A_234 : i32
        %parallel_loop3A_236 = arith.constant 0 : i32
        %parallel_loop3A_237 = arith.cmpi sgt, %parallel_loop3A_233, %parallel_loop3A_236 : i32
        %parallel_loop3A_238 = arith.extui %parallel_loop3A_237 : i1 to i32
        %parallel_loop3A_239 = arith.constant 0 : i32
        %parallel_loop3A_240 = arith.cmpi slt, %parallel_loop3A_233, %parallel_loop3A_239 : i32
        %parallel_loop3A_241 = arith.extui %parallel_loop3A_240 : i1 to i32
        %parallel_loop3A_242 = arith.subi %parallel_loop3A_238, %parallel_loop3A_241 : i32
        %parallel_loop3A_243 = arith.constant 0 : i32
        %parallel_loop3A_244 = arith.cmpi sgt, %parallel_loop3A_234, %parallel_loop3A_243 : i32
        %parallel_loop3A_245 = arith.extui %parallel_loop3A_244 : i1 to i32
        %parallel_loop3A_246 = arith.constant 0 : i32
        %parallel_loop3A_247 = arith.cmpi slt, %parallel_loop3A_234, %parallel_loop3A_246 : i32
        %parallel_loop3A_248 = arith.extui %parallel_loop3A_247 : i1 to i32
        %parallel_loop3A_249 = arith.subi %parallel_loop3A_245, %parallel_loop3A_248 : i32
        %parallel_loop3A_250 = arith.cmpi ne, %parallel_loop3A_242, %parallel_loop3A_249 : i32
        %parallel_loop3A_251 = arith.remsi %parallel_loop3A_233, %parallel_loop3A_234 : i32
        %parallel_loop3A_252 = arith.constant 0 : i32
        %parallel_loop3A_253 = arith.cmpi ne, %parallel_loop3A_251, %parallel_loop3A_252 : i32
        %parallel_loop3A_254 = arith.andi %parallel_loop3A_250, %parallel_loop3A_253 : i1
        %parallel_loop3A_255 = arith.constant 1 : i32
        %parallel_loop3A_256 = arith.subi %parallel_loop3A_235, %parallel_loop3A_255 : i32
        %parallel_loop3A_257 = arith.select %parallel_loop3A_254, %parallel_loop3A_256, %parallel_loop3A_235 : i32
        %parallel_loop3A_258 = arith.constant 16 : i32
        %parallel_loop3A_259 = arith.muli %parallel_loop3A_257, %parallel_loop3A_258 : i32
        %parallel_loop3A_260 = arith.index_cast %parallel_loop3A_259 : i32 to index
        %parallel_loop3A_261 = tpu.vector_load %arg15[%parallel_loop3A_260] {strides = array<i32>} : memref<64xf32, #tpu.memory_space<vmem>>, vector<16xf32>,
        %parallel_loop3A_262 = arith.subi %parallel_loop3A_233, %parallel_loop3A_259 : i32
        %parallel_loop3A_263 = vector.broadcast %parallel_loop3A_262 : i32 to vector<16x1xi32>
        %parallel_loop3A_264 = vector.shape_cast %parallel_loop3A_263 : vector<16x1xi32> to vector<16xi32>
        %parallel_loop3A_265 = tpu.dynamic_gather %parallel_loop3A_261[%parallel_loop3A_264] in [0] : vector<16xf32>, vector<16xi32> -> vector<16xf32>
        %parallel_loop3A_266 = arith.index_cast %parallel_loop3A_233 : i32 to index
        %parallel_loop3A_267 = arith.constant 0 : index
        %parallel_loop3A_268 = tpu.vector_load %arg13[%parallel_loop3A_266, %parallel_loop3A_267] {strides = array<i32>} : memref<64x128xf32, #tpu.memory_space<vmem>>, vector<16xf32>,
        %parallel_loop3A_269 = arith.mulf %parallel_loop3A_268, %parallel_loop3A_265 : vector<16xf32>
        %parallel_loop3A_270 = arith.index_cast %parallel_loop3A_233 : i32 to index
        %parallel_loop3A_271 = arith.constant 0 : index
        %parallel_loop3A_272 = tpu.vector_load %arg13[%parallel_loop3A_270, %parallel_loop3A_271] {strides = array<i32>} : memref<64x128xf32, #tpu.memory_space<vmem>>, vector<16xf32>,
        tpu.vector_store %arg13[%parallel_loop3A_270, %parallel_loop3A_271], %parallel_loop3A_269 {strides = array<i32>} : memref<64x128xf32, #tpu.memory_space<vmem>>, vector<16xf32>,
        %parallel_loop3A_273 = arith.index_cast %parallel_loop3A_233 : i32 to index
        %parallel_loop3A_274 = arith.constant 16 : index
        %parallel_loop3A_275 = tpu.vector_load %arg13[%parallel_loop3A_273, %parallel_loop3A_274] {strides = array<i32>} : memref<64x128xf32, #tpu.memory_space<vmem>>, vector<16xf32>,
        %parallel_loop3A_276 = arith.mulf %parallel_loop3A_275, %parallel_loop3A_265 : vector<16xf32>
        %parallel_loop3A_277 = arith.index_cast %parallel_loop3A_233 : i32 to index
        %parallel_loop3A_278 = arith.constant 16 : index
        %parallel_loop3A_279 = tpu.vector_load %arg13[%parallel_loop3A_277, %parallel_loop3A_278] {strides = array<i32>} : memref<64x128xf32, #tpu.memory_space<vmem>>, vector<16xf32>,
        tpu.vector_store %arg13[%parallel_loop3A_277, %parallel_loop3A_278], %parallel_loop3A_276 {strides = array<i32>} : memref<64x128xf32, #tpu.memory_space<vmem>>, vector<16xf32>,
        %parallel_loop3A_280 = arith.index_cast %parallel_loop3A_233 : i32 to index
        %parallel_loop3A_281 = arith.constant 32 : index
        %parallel_loop3A_282 = tpu.vector_load %arg13[%parallel_loop3A_280, %parallel_loop3A_281] {strides = array<i32>} : memref<64x128xf32, #tpu.memory_space<vmem>>, vector<16xf32>,
        %parallel_loop3A_283 = arith.mulf %parallel_loop3A_282, %parallel_loop3A_265 : vector<16xf32>
        %parallel_loop3A_284 = arith.index_cast %parallel_loop3A_233 : i32 to index
        %parallel_loop3A_285 = arith.constant 32 : index
        %parallel_loop3A_286 = tpu.vector_load %arg13[%parallel_loop3A_284, %parallel_loop3A_285] {strides = array<i32>} : memref<64x128xf32, #tpu.memory_space<vmem>>, vector<16xf32>,
        tpu.vector_store %arg13[%parallel_loop3A_284, %parallel_loop3A_285], %parallel_loop3A_283 {strides = array<i32>} : memref<64x128xf32, #tpu.memory_space<vmem>>, vector<16xf32>,
        %parallel_loop3A_287 = arith.index_cast %parallel_loop3A_233 : i32 to index
        %parallel_loop3A_288 = arith.constant 48 : index
        %parallel_loop3A_289 = tpu.vector_load %arg13[%parallel_loop3A_287, %parallel_loop3A_288] {strides = array<i32>} : memref<64x128xf32, #tpu.memory_space<vmem>>, vector<16xf32>,
        %parallel_loop3A_290 = arith.mulf %parallel_loop3A_289, %parallel_loop3A_265 : vector<16xf32>
        %parallel_loop3A_291 = arith.index_cast %parallel_loop3A_233 : i32 to index
        %parallel_loop3A_292 = arith.constant 48 : index
        %parallel_loop3A_293 = tpu.vector_load %arg13[%parallel_loop3A_291, %parallel_loop3A_292] {strides = array<i32>} : memref<64x128xf32, #tpu.memory_space<vmem>>, vector<16xf32>,
        tpu.vector_store %arg13[%parallel_loop3A_291, %parallel_loop3A_292], %parallel_loop3A_290 {strides = array<i32>} : memref<64x128xf32, #tpu.memory_space<vmem>>, vector<16xf32>,
        %parallel_loop3A_294 = arith.index_cast %parallel_loop3A_233 : i32 to index
        %parallel_loop3A_295 = arith.constant 64 : index
        %parallel_loop3A_296 = tpu.vector_load %arg13[%parallel_loop3A_294, %parallel_loop3A_295] {strides = array<i32>} : memref<64x128xf32, #tpu.memory_space<vmem>>, vector<16xf32>,
        %parallel_loop3A_297 = arith.mulf %parallel_loop3A_296, %parallel_loop3A_265 : vector<16xf32>
        %parallel_loop3A_298 = arith.index_cast %parallel_loop3A_233 : i32 to index
        %parallel_loop3A_299 = arith.constant 64 : index
        %parallel_loop3A_300 = tpu.vector_load %arg13[%parallel_loop3A_298, %parallel_loop3A_299] {strides = array<i32>} : memref<64x128xf32, #tpu.memory_space<vmem>>, vector<16xf32>,
        tpu.vector_store %arg13[%parallel_loop3A_298, %parallel_loop3A_299], %parallel_loop3A_297 {strides = array<i32>} : memref<64x128xf32, #tpu.memory_space<vmem>>, vector<16xf32>,
        %parallel_loop3A_301 = arith.index_cast %parallel_loop3A_233 : i32 to index
        %parallel_loop3A_302 = arith.constant 80 : index
        %parallel_loop3A_303 = tpu.vector_load %arg13[%parallel_loop3A_301, %parallel_loop3A_302] {strides = array<i32>} : memref<64x128xf32, #tpu.memory_space<vmem>>, vector<16xf32>,
        %parallel_loop3A_304 = arith.mulf %parallel_loop3A_303, %parallel_loop3A_265 : vector<16xf32>
        %parallel_loop3A_305 = arith.index_cast %parallel_loop3A_233 : i32 to index
        %parallel_loop3A_306 = arith.constant 80 : index
        %parallel_loop3A_307 = tpu.vector_load %arg13[%parallel_loop3A_305, %parallel_loop3A_306] {strides = array<i32>} : memref<64x128xf32, #tpu.memory_space<vmem>>, vector<16xf32>,
        tpu.vector_store %arg13[%parallel_loop3A_305, %parallel_loop3A_306], %parallel_loop3A_304 {strides = array<i32>} : memref<64x128xf32, #tpu.memory_space<vmem>>, vector<16xf32>,
        %parallel_loop3A_308 = arith.index_cast %parallel_loop3A_233 : i32 to index
        %parallel_loop3A_309 = arith.constant 96 : index
        %parallel_loop3A_310 = tpu.vector_load %arg13[%parallel_loop3A_308, %parallel_loop3A_309] {strides = array<i32>} : memref<64x128xf32, #tpu.memory_space<vmem>>, vector<16xf32>,
        %parallel_loop3A_311 = arith.mulf %parallel_loop3A_310, %parallel_loop3A_265 : vector<16xf32>
        %parallel_loop3A_312 = arith.index_cast %parallel_loop3A_233 : i32 to index
        %parallel_loop3A_313 = arith.constant 96 : index
        %parallel_loop3A_314 = tpu.vector_load %arg13[%parallel_loop3A_312, %parallel_loop3A_313] {strides = array<i32>} : memref<64x128xf32, #tpu.memory_space<vmem>>, vector<16xf32>,
        tpu.vector_store %arg13[%parallel_loop3A_312, %parallel_loop3A_313], %parallel_loop3A_311 {strides = array<i32>} : memref<64x128xf32, #tpu.memory_space<vmem>>, vector<16xf32>,
        %parallel_loop3A_315 = arith.index_cast %parallel_loop3A_233 : i32 to index
        %parallel_loop3A_316 = arith.constant 112 : index
        %parallel_loop3A_317 = tpu.vector_load %arg13[%parallel_loop3A_315, %parallel_loop3A_316] {strides = array<i32>} : memref<64x128xf32, #tpu.memory_space<vmem>>, vector<16xf32>,
        %parallel_loop3A_318 = arith.mulf %parallel_loop3A_317, %parallel_loop3A_265 : vector<16xf32>
        %parallel_loop3A_319 = arith.index_cast %parallel_loop3A_233 : i32 to index
        %parallel_loop3A_320 = arith.constant 112 : index
        %parallel_loop3A_321 = tpu.vector_load %arg13[%parallel_loop3A_319, %parallel_loop3A_320] {strides = array<i32>} : memref<64x128xf32, #tpu.memory_space<vmem>>, vector<16xf32>,
        tpu.vector_store %arg13[%parallel_loop3A_319, %parallel_loop3A_320], %parallel_loop3A_318 {strides = array<i32>} : memref<64x128xf32, #tpu.memory_space<vmem>>, vector<16xf32>,
      } {sc.loop_unroll_factor = 4 : i64, sc.parallel_access}
      %scan3A_131 = arith.constant 0 : i32
      %scan3A_132 = arith.constant 4 : i32
      %scan3A_133 = arith.addi %scan3A_131, %scan3A_132 : i32
      %scan3A_134 = arith.constant 1 : i32
      scf.for %scan3A_233 = %scan3A_131 to %scan3A_133 step %scan3A_134  : i32 {
        %mul3A_234 = arith.constant 16 : i32
        %mul3A_235 = arith.muli %scan3A_233, %mul3A_234 : i32
        %add3A_236 = arith.constant 0 : i32
        %add3A_237 = arith.addi %add3A_236, %mul3A_235 : i32
        %get3A = arith.index_cast %add3A_237 : i32 to index
        %get3A_238 = tpu.vector_load %arg19[%get3A] {strides = array<i32>} : memref<64xi32, #tpu.memory_space<vmem>>, vector<16xi32>,
        %swap3A = arith.index_cast %add3A_237 : i32 to index
        %swap3A_239 = tpu.vector_load %arg21[%swap3A] {strides = array<i32>} : memref<64xi32, #tpu.memory_space<vmem>>, vector<16xi32>,
        tpu.vector_store %arg21[%swap3A], %get3A_238 {strides = array<i32>} : memref<64xi32, #tpu.memory_space<vmem>>, vector<16xi32>,
      }
      %scan3A_135 = arith.constant 4 : i32
      %dma_start3A_136 = arith.constant 0 : i32
      %dma_start3A_137 = arith.constant 0 : i32
      %dma_start3A_138 = tpu.memref_slice %arg29[%dma_start3A_136, %dma_start3A_137] : memref<10240x128xf32, #tpu.memory_space<vmem_shared>> -> memref<10240x128xf32, #tpu.memory_space<vmem_shared>>
      tpu.enqueue_indirect_dma source(%arg13 : memref<64x128xf32, #tpu.memory_space<vmem>>) target(%dma_start3A_138 : memref<10240x128xf32, #tpu.memory_space<vmem_shared>>) offsets(%arg21 : memref<64xi32, #tpu.memory_space<vmem>>) semaphore(%arg25 : memref<!tpu.dma_semaphore, #tpu.memory_space<semaphore_mem>>) {add = true}
      %mul3A_139 = arith.constant 2 : i32
      %mul3A_140 = arith.muli %mul3A_139, %add3A_124 : i32
      %add3A_141 = arith.constant 2 : i32
      %add3A_142 = arith.addi %mul3A_140, %add3A_141 : i32
      %dma_wait3A_143 = arith.constant 0 : i32
      %dma_wait3A_144 = tpu.memref_slice %arg3[%add3A, %add3A_142, %dma_wait3A_143] : memref<32x162x64xi32, #tpu.memory_space<hbm>> -> memref<1x1x64xi32, #tpu.memory_space<hbm>>
      %dma_wait3A_145 = tpu.memref_squeeze %dma_wait3A_144 : memref<1x1x64xi32, #tpu.memory_space<hbm>> -> memref<64xi32, #tpu.memory_space<hbm>>
      %dma_wait3A_146 = arith.constant 0 : i32
      %dma_wait3A_147 = tpu.memref_slice %arg3[%add3A, %add3A_142, %dma_wait3A_146] : memref<32x162x64xi32, #tpu.memory_space<hbm>> -> memref<1x1x64xi32, #tpu.memory_space<hbm>>
      %dma_wait3A_148 = tpu.memref_squeeze %dma_wait3A_147 : memref<1x1x64xi32, #tpu.memory_space<hbm>> -> memref<64xi32, #tpu.memory_space<hbm>>
      tpu.wait_dma2 semaphore(%arg10 : memref<!tpu.dma_semaphore, #tpu.memory_space<semaphore_mem>>) src(%dma_wait3A_148 : memref<64xi32, #tpu.memory_space<hbm>>) dst(%arg8 : memref<64xi32, #tpu.memory_space<vmem>>)
      %dma_wait3A_149 = arith.constant 0 : i32
      %dma_wait3A_150 = tpu.memref_slice %arg30[%dma_wait3A_149] : memref<10240xf32, #tpu.memory_space<vmem_shared>> -> memref<10240xf32, #tpu.memory_space<vmem_shared>>
      tpu.wait_indirect_dma semaphore(%arg27 : memref<!tpu.dma_semaphore, #tpu.memory_space<semaphore_mem>>) src(%arg15 : memref<64xf32, #tpu.memory_space<vmem>>) dst(%dma_wait3A_150 : memref<10240xf32, #tpu.memory_space<vmem_shared>>)
      %scan3A_151 = arith.constant 0 : i32
      %scan3A_152 = arith.constant 4 : i32
      %scan3A_153 = arith.addi %scan3A_151, %scan3A_152 : i32
      %scan3A_154 = arith.constant 1 : i32
      scf.for %scan3A_233 = %scan3A_151 to %scan3A_153 step %scan3A_154  : i32 {
        %mul3A_234 = arith.constant 16 : i32
        %mul3A_235 = arith.muli %scan3A_233, %mul3A_234 : i32
        %add3A_236 = arith.constant 0 : i32
        %add3A_237 = arith.addi %add3A_236, %mul3A_235 : i32
        %get3A = arith.index_cast %add3A_237 : i32 to index
        %get3A_238 = tpu.vector_load %arg8[%get3A] {strides = array<i32>} : memref<64xi32, #tpu.memory_space<vmem>>, vector<16xi32>,
        %and3A = arith.constant 16383 : i32
        %and3A_239 = vector.broadcast %and3A : i32 to vector<16xi32>
        %and3A_240 = arith.andi %get3A_238, %and3A_239 : vector<16xi32>
        %swap3A = arith.index_cast %add3A_237 : i32 to index
        %swap3A_241 = tpu.vector_load %arg17[%swap3A] {strides = array<i32>} : memref<64xi32, #tpu.memory_space<vmem>>, vector<16xi32>,
        tpu.vector_store %arg17[%swap3A], %and3A_240 {strides = array<i32>} : memref<64xi32, #tpu.memory_space<vmem>>, vector<16xi32>,
        %shift_right_logical3A = arith.constant 14 : i32
        %shift_right_logical3A_242 = vector.broadcast %shift_right_logical3A : i32 to vector<16xi32>
        %shift_right_logical3A_243 = arith.shrui %get3A_238, %shift_right_logical3A_242 : vector<16xi32>
        %swap3A_244 = arith.index_cast %add3A_237 : i32 to index
        %swap3A_245 = tpu.vector_load %arg19[%swap3A_244] {strides = array<i32>} : memref<64xi32, #tpu.memory_space<vmem>>, vector<16xi32>,
        tpu.vector_store %arg19[%swap3A_244], %shift_right_logical3A_243 {strides = array<i32>} : memref<64xi32, #tpu.memory_space<vmem>>, vector<16xi32>,
      }
      %scan3A_155 = arith.constant 4 : i32
      %add3A_156 = arith.constant 2 : i32
      %add3A_157 = arith.addi %add3A_142, %add3A_156 : i32
      %min3A_158 = arith.constant 161 : i32
      %min3A_159 = arith.minsi %add3A_157, %min3A_158 : i32
      %dma_start3A_160 = arith.constant 0 : i32
      %dma_start3A_161 = tpu.memref_slice %arg3[%add3A, %min3A_159, %dma_start3A_160] : memref<32x162x64xi32, #tpu.memory_space<hbm>> -> memref<1x1x64xi32, #tpu.memory_space<hbm>>
      %dma_start3A_162 = tpu.memref_squeeze %dma_start3A_161 : memref<1x1x64xi32, #tpu.memory_space<hbm>> -> memref<64xi32, #tpu.memory_space<hbm>>
      %dma_start3A_163 = arith.constant 0 : i32
      %dma_start3A_164 = tpu.memref_slice %arg3[%add3A, %min3A_159, %dma_start3A_163] : memref<32x162x64xi32, #tpu.memory_space<hbm>> -> memref<1x1x64xi32, #tpu.memory_space<hbm>>
      %dma_start3A_165 = tpu.memref_squeeze %dma_start3A_164 : memref<1x1x64xi32, #tpu.memory_space<hbm>> -> memref<64xi32, #tpu.memory_space<hbm>>
      tpu.enqueue_dma source(%dma_start3A_165 : memref<64xi32, #tpu.memory_space<hbm>>) target(%arg8 : memref<64xi32, #tpu.memory_space<vmem>>) target_semaphore(%arg10 : memref<!tpu.dma_semaphore, #tpu.memory_space<semaphore_mem>>)
      %scan3A_166 = arith.constant 0 : i32
      %scan3A_167 = arith.constant 4 : i32
      %scan3A_168 = arith.addi %scan3A_166, %scan3A_167 : i32
      %scan3A_169 = arith.constant 1 : i32
      scf.for %scan3A_233 = %scan3A_166 to %scan3A_168 step %scan3A_169  : i32 {
        %mul3A_234 = arith.constant 16 : i32
        %mul3A_235 = arith.muli %scan3A_233, %mul3A_234 : i32
        %add3A_236 = arith.constant 0 : i32
        %add3A_237 = arith.addi %add3A_236, %mul3A_235 : i32
        %get3A = arith.index_cast %add3A_237 : i32 to index
        %get3A_238 = tpu.vector_load %arg17[%get3A] {strides = array<i32>} : memref<64xi32, #tpu.memory_space<vmem>>, vector<16xi32>,
        %get3A_239 = arith.index_cast %add3A_237 : i32 to index
        %get3A_240 = tpu.vector_load %arg19[%get3A_239] {strides = array<i32>} : memref<64xi32, #tpu.memory_space<vmem>>, vector<16xi32>,
        %shift_right_logical3A = arith.constant 7 : i32
        %shift_right_logical3A_241 = vector.broadcast %shift_right_logical3A : i32 to vector<16xi32>
        %shift_right_logical3A_242 = arith.shrui %get3A_238, %shift_right_logical3A_241 : vector<16xi32>
        %and3A = arith.constant 127 : i32
        %and3A_243 = vector.broadcast %and3A : i32 to vector<16xi32>
        %and3A_244 = arith.andi %get3A_238, %and3A_243 : vector<16xi32>
        %gather3A = tpu.vector_load_idx %arg12[%shift_right_logical3A_242, %and3A_244] : memref<160x128xf32, #tpu.memory_space<vmem>>[vector<16xi32>, vector<16xi32>], vector<16xf32>,
        %shift_right_logical3A_245 = arith.constant 7 : i32
        %shift_right_logical3A_246 = vector.broadcast %shift_right_logical3A_245 : i32 to vector<16xi32>
        %shift_right_logical3A_247 = arith.shrui %get3A_240, %shift_right_logical3A_246 : vector<16xi32>
        %add3A_248 = arith.constant 80 : i32
        %add3A_249 = vector.broadcast %add3A_248 : i32 to vector<16xi32>
        %add3A_250 = arith.addi %add3A_249, %shift_right_logical3A_247 : vector<16xi32>
        %and3A_251 = arith.constant 127 : i32
        %and3A_252 = vector.broadcast %and3A_251 : i32 to vector<16xi32>
        %and3A_253 = arith.andi %get3A_240, %and3A_252 : vector<16xi32>
        %gather3A_254 = tpu.vector_load_idx %arg12[%add3A_250, %and3A_253] : memref<160x128xf32, #tpu.memory_space<vmem>>[vector<16xi32>, vector<16xi32>], vector<16xf32>,
        %add3A_255 = arith.addf %gather3A, %gather3A_254 : vector<16xf32>
        %mul3A_256 = arith.constant 2.000000e-01 : f32
        %mul3A_257 = vector.broadcast %mul3A_256 : f32 to vector<16xf32>
        %mul3A_258 = arith.mulf %mul3A_257, %add3A_255 : vector<16xf32>
        %max3A = arith.maximumf %add3A_255, %mul3A_258 : vector<16xf32>
        %exp3A = math.exp %max3A : vector<16xf32>
        %swap3A = arith.index_cast %add3A_237 : i32 to index
        %swap3A_259 = tpu.vector_load %arg15[%swap3A] {strides = array<i32>} : memref<64xf32, #tpu.memory_space<vmem>>, vector<16xf32>,
        tpu.vector_store %arg15[%swap3A], %exp3A {strides = array<i32>} : memref<64xf32, #tpu.memory_space<vmem>>, vector<16xf32>,
      }
      %scan3A_170 = arith.constant 4 : i32
      %dma_start3A_171 = arith.constant 0 : i32
      %dma_start3A_172 = tpu.memref_slice %arg30[%dma_start3A_171] : memref<10240xf32, #tpu.memory_space<vmem_shared>> -> memref<10240xf32, #tpu.memory_space<vmem_shared>>
      tpu.enqueue_indirect_dma source(%arg15 : memref<64xf32, #tpu.memory_space<vmem>>) target(%dma_start3A_172 : memref<10240xf32, #tpu.memory_space<vmem_shared>>) offsets(%arg19 : memref<64xi32, #tpu.memory_space<vmem>>) semaphore(%arg27 : memref<!tpu.dma_semaphore, #tpu.memory_space<semaphore_mem>>) {add = true}
      %dma_wait3A_173 = arith.constant 0 : i32
      %dma_wait3A_174 = arith.constant 0 : i32
      %dma_wait3A_175 = tpu.memref_slice %arg29[%dma_wait3A_173, %dma_wait3A_174] : memref<10240x128xf32, #tpu.memory_space<vmem_shared>> -> memref<10240x128xf32, #tpu.memory_space<vmem_shared>>
      tpu.wait_indirect_dma semaphore(%arg25 : memref<!tpu.dma_semaphore, #tpu.memory_space<semaphore_mem>>) src(%arg13 : memref<64x128xf32, #tpu.memory_space<vmem>>) dst(%dma_wait3A_175 : memref<10240x128xf32, #tpu.memory_space<vmem_shared>>)
      %dma_start3A_176 = arith.constant 0 : i32
      %dma_start3A_177 = arith.constant 0 : i32
      %dma_start3A_178 = tpu.memref_slice %arg2[%dma_start3A_176, %dma_start3A_177] : memref<10240x128xf32, #tpu.memory_space<hbm>> -> memref<10240x128xf32, #tpu.memory_space<hbm>>
      tpu.enqueue_indirect_dma source(%dma_start3A_178 : memref<10240x128xf32, #tpu.memory_space<hbm>>) target(%arg13 : memref<64x128xf32, #tpu.memory_space<vmem>>) offsets(%arg17 : memref<64xi32, #tpu.memory_space<vmem>>) semaphore(%arg23 : memref<!tpu.dma_semaphore, #tpu.memory_space<semaphore_mem>>)
      %dma_wait3A_179 = arith.constant 0 : i32
      %dma_wait3A_180 = arith.constant 0 : i32
      %dma_wait3A_181 = tpu.memref_slice %arg2[%dma_wait3A_179, %dma_wait3A_180] : memref<10240x128xf32, #tpu.memory_space<hbm>> -> memref<10240x128xf32, #tpu.memory_space<hbm>>
      tpu.wait_indirect_dma semaphore(%arg24 : memref<!tpu.dma_semaphore, #tpu.memory_space<semaphore_mem>>) src(%dma_wait3A_181 : memref<10240x128xf32, #tpu.memory_space<hbm>>) dst(%arg14 : memref<64x128xf32, #tpu.memory_space<vmem>>)
      %parallel_loop3A_182 = arith.constant 0 : i32
      %parallel_loop3A_183 = arith.constant 64 : i32
      %parallel_loop3A_184 = arith.constant 1 : i32
      scf.for %parallel_loop3A_233 = %parallel_loop3A_182 to %parallel_loop3A_183 step %parallel_loop3A_184  : i32 {
        %parallel_loop3A_234 = arith.constant 16 : i32
        %parallel_loop3A_235 = arith.divsi %parallel_loop3A_233, %parallel_loop3A_234 : i32
        %parallel_loop3A_236 = arith.constant 0 : i32
        %parallel_loop3A_237 = arith.cmpi sgt, %parallel_loop3A_233, %parallel_loop3A_236 : i32
        %parallel_loop3A_238 = arith.extui %parallel_loop3A_237 : i1 to i32
        %parallel_loop3A_239 = arith.constant 0 : i32
        %parallel_loop3A_240 = arith.cmpi slt, %parallel_loop3A_233, %parallel_loop3A_239 : i32
        %parallel_loop3A_241 = arith.extui %parallel_loop3A_240 : i1 to i32
        %parallel_loop3A_242 = arith.subi %parallel_loop3A_238, %parallel_loop3A_241 : i32
        %parallel_loop3A_243 = arith.constant 0 : i32
        %parallel_loop3A_244 = arith.cmpi sgt, %parallel_loop3A_234, %parallel_loop3A_243 : i32
        %parallel_loop3A_245 = arith.extui %parallel_loop3A_244 : i1 to i32
        %parallel_loop3A_246 = arith.constant 0 : i32
        %parallel_loop3A_247 = arith.cmpi slt, %parallel_loop3A_234, %parallel_loop3A_246 : i32
        %parallel_loop3A_248 = arith.extui %parallel_loop3A_247 : i1 to i32
        %parallel_loop3A_249 = arith.subi %parallel_loop3A_245, %parallel_loop3A_248 : i32
        %parallel_loop3A_250 = arith.cmpi ne, %parallel_loop3A_242, %parallel_loop3A_249 : i32
        %parallel_loop3A_251 = arith.remsi %parallel_loop3A_233, %parallel_loop3A_234 : i32
        %parallel_loop3A_252 = arith.constant 0 : i32
        %parallel_loop3A_253 = arith.cmpi ne, %parallel_loop3A_251, %parallel_loop3A_252 : i32
        %parallel_loop3A_254 = arith.andi %parallel_loop3A_250, %parallel_loop3A_253 : i1
        %parallel_loop3A_255 = arith.constant 1 : i32
        %parallel_loop3A_256 = arith.subi %parallel_loop3A_235, %parallel_loop3A_255 : i32
        %parallel_loop3A_257 = arith.select %parallel_loop3A_254, %parallel_loop3A_256, %parallel_loop3A_235 : i32
        %parallel_loop3A_258 = arith.constant 16 : i32
        %parallel_loop3A_259 = arith.muli %parallel_loop3A_257, %parallel_loop3A_258 : i32
        %parallel_loop3A_260 = arith.index_cast %parallel_loop3A_259 : i32 to index
        %parallel_loop3A_261 = tpu.vector_load %arg16[%parallel_loop3A_260] {strides = array<i32>} : memref<64xf32, #tpu.memory_space<vmem>>, vector<16xf32>,
        %parallel_loop3A_262 = arith.subi %parallel_loop3A_233, %parallel_loop3A_259 : i32
        %parallel_loop3A_263 = vector.broadcast %parallel_loop3A_262 : i32 to vector<16x1xi32>
        %parallel_loop3A_264 = vector.shape_cast %parallel_loop3A_263 : vector<16x1xi32> to vector<16xi32>
        %parallel_loop3A_265 = tpu.dynamic_gather %parallel_loop3A_261[%parallel_loop3A_264] in [0] : vector<16xf32>, vector<16xi32> -> vector<16xf32>
        %parallel_loop3A_266 = arith.index_cast %parallel_loop3A_233 : i32 to index
        %parallel_loop3A_267 = arith.constant 0 : index
        %parallel_loop3A_268 = tpu.vector_load %arg14[%parallel_loop3A_266, %parallel_loop3A_267] {strides = array<i32>} : memref<64x128xf32, #tpu.memory_space<vmem>>, vector<16xf32>,
        %parallel_loop3A_269 = arith.mulf %parallel_loop3A_268, %parallel_loop3A_265 : vector<16xf32>
        %parallel_loop3A_270 = arith.index_cast %parallel_loop3A_233 : i32 to index
        %parallel_loop3A_271 = arith.constant 0 : index
        %parallel_loop3A_272 = tpu.vector_load %arg14[%parallel_loop3A_270, %parallel_loop3A_271] {strides = array<i32>} : memref<64x128xf32, #tpu.memory_space<vmem>>, vector<16xf32>,
        tpu.vector_store %arg14[%parallel_loop3A_270, %parallel_loop3A_271], %parallel_loop3A_269 {strides = array<i32>} : memref<64x128xf32, #tpu.memory_space<vmem>>, vector<16xf32>,
        %parallel_loop3A_273 = arith.index_cast %parallel_loop3A_233 : i32 to index
        %parallel_loop3A_274 = arith.constant 16 : index
        %parallel_loop3A_275 = tpu.vector_load %arg14[%parallel_loop3A_273, %parallel_loop3A_274] {strides = array<i32>} : memref<64x128xf32, #tpu.memory_space<vmem>>, vector<16xf32>,
        %parallel_loop3A_276 = arith.mulf %parallel_loop3A_275, %parallel_loop3A_265 : vector<16xf32>
        %parallel_loop3A_277 = arith.index_cast %parallel_loop3A_233 : i32 to index
        %parallel_loop3A_278 = arith.constant 16 : index
        %parallel_loop3A_279 = tpu.vector_load %arg14[%parallel_loop3A_277, %parallel_loop3A_278] {strides = array<i32>} : memref<64x128xf32, #tpu.memory_space<vmem>>, vector<16xf32>,
        tpu.vector_store %arg14[%parallel_loop3A_277, %parallel_loop3A_278], %parallel_loop3A_276 {strides = array<i32>} : memref<64x128xf32, #tpu.memory_space<vmem>>, vector<16xf32>,
        %parallel_loop3A_280 = arith.index_cast %parallel_loop3A_233 : i32 to index
        %parallel_loop3A_281 = arith.constant 32 : index
        %parallel_loop3A_282 = tpu.vector_load %arg14[%parallel_loop3A_280, %parallel_loop3A_281] {strides = array<i32>} : memref<64x128xf32, #tpu.memory_space<vmem>>, vector<16xf32>,
        %parallel_loop3A_283 = arith.mulf %parallel_loop3A_282, %parallel_loop3A_265 : vector<16xf32>
        %parallel_loop3A_284 = arith.index_cast %parallel_loop3A_233 : i32 to index
        %parallel_loop3A_285 = arith.constant 32 : index
        %parallel_loop3A_286 = tpu.vector_load %arg14[%parallel_loop3A_284, %parallel_loop3A_285] {strides = array<i32>} : memref<64x128xf32, #tpu.memory_space<vmem>>, vector<16xf32>,
        tpu.vector_store %arg14[%parallel_loop3A_284, %parallel_loop3A_285], %parallel_loop3A_283 {strides = array<i32>} : memref<64x128xf32, #tpu.memory_space<vmem>>, vector<16xf32>,
        %parallel_loop3A_287 = arith.index_cast %parallel_loop3A_233 : i32 to index
        %parallel_loop3A_288 = arith.constant 48 : index
        %parallel_loop3A_289 = tpu.vector_load %arg14[%parallel_loop3A_287, %parallel_loop3A_288] {strides = array<i32>} : memref<64x128xf32, #tpu.memory_space<vmem>>, vector<16xf32>,
        %parallel_loop3A_290 = arith.mulf %parallel_loop3A_289, %parallel_loop3A_265 : vector<16xf32>
        %parallel_loop3A_291 = arith.index_cast %parallel_loop3A_233 : i32 to index
        %parallel_loop3A_292 = arith.constant 48 : index
        %parallel_loop3A_293 = tpu.vector_load %arg14[%parallel_loop3A_291, %parallel_loop3A_292] {strides = array<i32>} : memref<64x128xf32, #tpu.memory_space<vmem>>, vector<16xf32>,
        tpu.vector_store %arg14[%parallel_loop3A_291, %parallel_loop3A_292], %parallel_loop3A_290 {strides = array<i32>} : memref<64x128xf32, #tpu.memory_space<vmem>>, vector<16xf32>,
        %parallel_loop3A_294 = arith.index_cast %parallel_loop3A_233 : i32 to index
        %parallel_loop3A_295 = arith.constant 64 : index
        %parallel_loop3A_296 = tpu.vector_load %arg14[%parallel_loop3A_294, %parallel_loop3A_295] {strides = array<i32>} : memref<64x128xf32, #tpu.memory_space<vmem>>, vector<16xf32>,
        %parallel_loop3A_297 = arith.mulf %parallel_loop3A_296, %parallel_loop3A_265 : vector<16xf32>
        %parallel_loop3A_298 = arith.index_cast %parallel_loop3A_233 : i32 to index
        %parallel_loop3A_299 = arith.constant 64 : index
        %parallel_loop3A_300 = tpu.vector_load %arg14[%parallel_loop3A_298, %parallel_loop3A_299] {strides = array<i32>} : memref<64x128xf32, #tpu.memory_space<vmem>>, vector<16xf32>,
        tpu.vector_store %arg14[%parallel_loop3A_298, %parallel_loop3A_299], %parallel_loop3A_297 {strides = array<i32>} : memref<64x128xf32, #tpu.memory_space<vmem>>, vector<16xf32>,
        %parallel_loop3A_301 = arith.index_cast %parallel_loop3A_233 : i32 to index
        %parallel_loop3A_302 = arith.constant 80 : index
        %parallel_loop3A_303 = tpu.vector_load %arg14[%parallel_loop3A_301, %parallel_loop3A_302] {strides = array<i32>} : memref<64x128xf32, #tpu.memory_space<vmem>>, vector<16xf32>,
        %parallel_loop3A_304 = arith.mulf %parallel_loop3A_303, %parallel_loop3A_265 : vector<16xf32>
        %parallel_loop3A_305 = arith.index_cast %parallel_loop3A_233 : i32 to index
        %parallel_loop3A_306 = arith.constant 80 : index
        %parallel_loop3A_307 = tpu.vector_load %arg14[%parallel_loop3A_305, %parallel_loop3A_306] {strides = array<i32>} : memref<64x128xf32, #tpu.memory_space<vmem>>, vector<16xf32>,
        tpu.vector_store %arg14[%parallel_loop3A_305, %parallel_loop3A_306], %parallel_loop3A_304 {strides = array<i32>} : memref<64x128xf32, #tpu.memory_space<vmem>>, vector<16xf32>,
        %parallel_loop3A_308 = arith.index_cast %parallel_loop3A_233 : i32 to index
        %parallel_loop3A_309 = arith.constant 96 : index
        %parallel_loop3A_310 = tpu.vector_load %arg14[%parallel_loop3A_308, %parallel_loop3A_309] {strides = array<i32>} : memref<64x128xf32, #tpu.memory_space<vmem>>, vector<16xf32>,
        %parallel_loop3A_311 = arith.mulf %parallel_loop3A_310, %parallel_loop3A_265 : vector<16xf32>
        %parallel_loop3A_312 = arith.index_cast %parallel_loop3A_233 : i32 to index
        %parallel_loop3A_313 = arith.constant 96 : index
        %parallel_loop3A_314 = tpu.vector_load %arg14[%parallel_loop3A_312, %parallel_loop3A_313] {strides = array<i32>} : memref<64x128xf32, #tpu.memory_space<vmem>>, vector<16xf32>,
        tpu.vector_store %arg14[%parallel_loop3A_312, %parallel_loop3A_313], %parallel_loop3A_311 {strides = array<i32>} : memref<64x128xf32, #tpu.memory_space<vmem>>, vector<16xf32>,
        %parallel_loop3A_315 = arith.index_cast %parallel_loop3A_233 : i32 to index
        %parallel_loop3A_316 = arith.constant 112 : index
        %parallel_loop3A_317 = tpu.vector_load %arg14[%parallel_loop3A_315, %parallel_loop3A_316] {strides = array<i32>} : memref<64x128xf32, #tpu.memory_space<vmem>>, vector<16xf32>,
        %parallel_loop3A_318 = arith.mulf %parallel_loop3A_317, %parallel_loop3A_265 : vector<16xf32>
        %parallel_loop3A_319 = arith.index_cast %parallel_loop3A_233 : i32 to index
        %parallel_loop3A_320 = arith.constant 112 : index
        %parallel_loop3A_321 = tpu.vector_load %arg14[%parallel_loop3A_319, %parallel_loop3A_320] {strides = array<i32>} : memref<64x128xf32, #tpu.memory_space<vmem>>, vector<16xf32>,
        tpu.vector_store %arg14[%parallel_loop3A_319, %parallel_loop3A_320], %parallel_loop3A_318 {strides = array<i32>} : memref<64x128xf32, #tpu.memory_space<vmem>>, vector<16xf32>,
      } {sc.loop_unroll_factor = 4 : i64, sc.parallel_access}
      %scan3A_185 = arith.constant 0 : i32
      %scan3A_186 = arith.constant 4 : i32
      %scan3A_187 = arith.addi %scan3A_185, %scan3A_186 : i32
      %scan3A_188 = arith.constant 1 : i32
      scf.for %scan3A_233 = %scan3A_185 to %scan3A_187 step %scan3A_188  : i32 {
        %mul3A_234 = arith.constant 16 : i32
        %mul3A_235 = arith.muli %scan3A_233, %mul3A_234 : i32
        %add3A_236 = arith.constant 0 : i32
        %add3A_237 = arith.addi %add3A_236, %mul3A_235 : i32
        %get3A = arith.index_cast %add3A_237 : i32 to index
        %get3A_238 = tpu.vector_load %arg20[%get3A] {strides = array<i32>} : memref<64xi32, #tpu.memory_space<vmem>>, vector<16xi32>,
        %swap3A = arith.index_cast %add3A_237 : i32 to index
        %swap3A_239 = tpu.vector_load %arg22[%swap3A] {strides = array<i32>} : memref<64xi32, #tpu.memory_space<vmem>>, vector<16xi32>,
        tpu.vector_store %arg22[%swap3A], %get3A_238 {strides = array<i32>} : memref<64xi32, #tpu.memory_space<vmem>>, vector<16xi32>,
      }
      %scan3A_189 = arith.constant 4 : i32
      %dma_start3A_190 = arith.constant 0 : i32
      %dma_start3A_191 = arith.constant 0 : i32
      %dma_start3A_192 = tpu.memref_slice %arg29[%dma_start3A_190, %dma_start3A_191] : memref<10240x128xf32, #tpu.memory_space<vmem_shared>> -> memref<10240x128xf32, #tpu.memory_space<vmem_shared>>
      tpu.enqueue_indirect_dma source(%arg14 : memref<64x128xf32, #tpu.memory_space<vmem>>) target(%dma_start3A_192 : memref<10240x128xf32, #tpu.memory_space<vmem_shared>>) offsets(%arg22 : memref<64xi32, #tpu.memory_space<vmem>>) semaphore(%arg26 : memref<!tpu.dma_semaphore, #tpu.memory_space<semaphore_mem>>) {add = true}
      %mul3A_193 = arith.constant 2 : i32
      %mul3A_194 = arith.muli %mul3A_193, %add3A_124 : i32
      %add3A_195 = arith.constant 3 : i32
      %add3A_196 = arith.addi %mul3A_194, %add3A_195 : i32
      %dma_wait3A_197 = arith.constant 0 : i32
      %dma_wait3A_198 = tpu.memref_slice %arg3[%add3A, %add3A_196, %dma_wait3A_197] : memref<32x162x64xi32, #tpu.memory_space<hbm>> -> memref<1x1x64xi32, #tpu.memory_space<hbm>>
      %dma_wait3A_199 = tpu.memref_squeeze %dma_wait3A_198 : memref<1x1x64xi32, #tpu.memory_space<hbm>> -> memref<64xi32, #tpu.memory_space<hbm>>
      %dma_wait3A_200 = arith.constant 0 : i32
      %dma_wait3A_201 = tpu.memref_slice %arg3[%add3A, %add3A_196, %dma_wait3A_200] : memref<32x162x64xi32, #tpu.memory_space<hbm>> -> memref<1x1x64xi32, #tpu.memory_space<hbm>>
      %dma_wait3A_202 = tpu.memref_squeeze %dma_wait3A_201 : memref<1x1x64xi32, #tpu.memory_space<hbm>> -> memref<64xi32, #tpu.memory_space<hbm>>
      tpu.wait_dma2 semaphore(%arg11 : memref<!tpu.dma_semaphore, #tpu.memory_space<semaphore_mem>>) src(%dma_wait3A_202 : memref<64xi32, #tpu.memory_space<hbm>>) dst(%arg9 : memref<64xi32, #tpu.memory_space<vmem>>)
      %dma_wait3A_203 = arith.constant 0 : i32
      %dma_wait3A_204 = tpu.memref_slice %arg30[%dma_wait3A_203] : memref<10240xf32, #tpu.memory_space<vmem_shared>> -> memref<10240xf32, #tpu.memory_space<vmem_shared>>
      tpu.wait_indirect_dma semaphore(%arg28 : memref<!tpu.dma_semaphore, #tpu.memory_space<semaphore_mem>>) src(%arg16 : memref<64xf32, #tpu.memory_space<vmem>>) dst(%dma_wait3A_204 : memref<10240xf32, #tpu.memory_space<vmem_shared>>)
      %scan3A_205 = arith.constant 0 : i32
      %scan3A_206 = arith.constant 4 : i32
      %scan3A_207 = arith.addi %scan3A_205, %scan3A_206 : i32
      %scan3A_208 = arith.constant 1 : i32
      scf.for %scan3A_233 = %scan3A_205 to %scan3A_207 step %scan3A_208  : i32 {
        %mul3A_234 = arith.constant 16 : i32
        %mul3A_235 = arith.muli %scan3A_233, %mul3A_234 : i32
        %add3A_236 = arith.constant 0 : i32
        %add3A_237 = arith.addi %add3A_236, %mul3A_235 : i32
        %get3A = arith.index_cast %add3A_237 : i32 to index
        %get3A_238 = tpu.vector_load %arg9[%get3A] {strides = array<i32>} : memref<64xi32, #tpu.memory_space<vmem>>, vector<16xi32>,
        %and3A = arith.constant 16383 : i32
        %and3A_239 = vector.broadcast %and3A : i32 to vector<16xi32>
        %and3A_240 = arith.andi %get3A_238, %and3A_239 : vector<16xi32>
        %swap3A = arith.index_cast %add3A_237 : i32 to index
        %swap3A_241 = tpu.vector_load %arg18[%swap3A] {strides = array<i32>} : memref<64xi32, #tpu.memory_space<vmem>>, vector<16xi32>,
        tpu.vector_store %arg18[%swap3A], %and3A_240 {strides = array<i32>} : memref<64xi32, #tpu.memory_space<vmem>>, vector<16xi32>,
        %shift_right_logical3A = arith.constant 14 : i32
        %shift_right_logical3A_242 = vector.broadcast %shift_right_logical3A : i32 to vector<16xi32>
        %shift_right_logical3A_243 = arith.shrui %get3A_238, %shift_right_logical3A_242 : vector<16xi32>
        %swap3A_244 = arith.index_cast %add3A_237 : i32 to index
        %swap3A_245 = tpu.vector_load %arg20[%swap3A_244] {strides = array<i32>} : memref<64xi32, #tpu.memory_space<vmem>>, vector<16xi32>,
        tpu.vector_store %arg20[%swap3A_244], %shift_right_logical3A_243 {strides = array<i32>} : memref<64xi32, #tpu.memory_space<vmem>>, vector<16xi32>,
      }
      %scan3A_209 = arith.constant 4 : i32
      %add3A_210 = arith.constant 2 : i32
      %add3A_211 = arith.addi %add3A_196, %add3A_210 : i32
      %min3A_212 = arith.constant 161 : i32
      %min3A_213 = arith.minsi %add3A_211, %min3A_212 : i32
      %dma_start3A_214 = arith.constant 0 : i32
      %dma_start3A_215 = tpu.memref_slice %arg3[%add3A, %min3A_213, %dma_start3A_214] : memref<32x162x64xi32, #tpu.memory_space<hbm>> -> memref<1x1x64xi32, #tpu.memory_space<hbm>>
      %dma_start3A_216 = tpu.memref_squeeze %dma_start3A_215 : memref<1x1x64xi32, #tpu.memory_space<hbm>> -> memref<64xi32, #tpu.memory_space<hbm>>
      %dma_start3A_217 = arith.constant 0 : i32
      %dma_start3A_218 = tpu.memref_slice %arg3[%add3A, %min3A_213, %dma_start3A_217] : memref<32x162x64xi32, #tpu.memory_space<hbm>> -> memref<1x1x64xi32, #tpu.memory_space<hbm>>
      %dma_start3A_219 = tpu.memref_squeeze %dma_start3A_218 : memref<1x1x64xi32, #tpu.memory_space<hbm>> -> memref<64xi32, #tpu.memory_space<hbm>>
      tpu.enqueue_dma source(%dma_start3A_219 : memref<64xi32, #tpu.memory_space<hbm>>) target(%arg9 : memref<64xi32, #tpu.memory_space<vmem>>) target_semaphore(%arg11 : memref<!tpu.dma_semaphore, #tpu.memory_space<semaphore_mem>>)
      %scan3A_220 = arith.constant 0 : i32
      %scan3A_221 = arith.constant 4 : i32
      %scan3A_222 = arith.addi %scan3A_220, %scan3A_221 : i32
      %scan3A_223 = arith.constant 1 : i32
      scf.for %scan3A_233 = %scan3A_220 to %scan3A_222 step %scan3A_223  : i32 {
        %mul3A_234 = arith.constant 16 : i32
        %mul3A_235 = arith.muli %scan3A_233, %mul3A_234 : i32
        %add3A_236 = arith.constant 0 : i32
        %add3A_237 = arith.addi %add3A_236, %mul3A_235 : i32
        %get3A = arith.index_cast %add3A_237 : i32 to index
        %get3A_238 = tpu.vector_load %arg18[%get3A] {strides = array<i32>} : memref<64xi32, #tpu.memory_space<vmem>>, vector<16xi32>,
        %get3A_239 = arith.index_cast %add3A_237 : i32 to index
        %get3A_240 = tpu.vector_load %arg20[%get3A_239] {strides = array<i32>} : memref<64xi32, #tpu.memory_space<vmem>>, vector<16xi32>,
        %shift_right_logical3A = arith.constant 7 : i32
        %shift_right_logical3A_241 = vector.broadcast %shift_right_logical3A : i32 to vector<16xi32>
        %shift_right_logical3A_242 = arith.shrui %get3A_238, %shift_right_logical3A_241 : vector<16xi32>
        %and3A = arith.constant 127 : i32
        %and3A_243 = vector.broadcast %and3A : i32 to vector<16xi32>
        %and3A_244 = arith.andi %get3A_238, %and3A_243 : vector<16xi32>
        %gather3A = tpu.vector_load_idx %arg12[%shift_right_logical3A_242, %and3A_244] : memref<160x128xf32, #tpu.memory_space<vmem>>[vector<16xi32>, vector<16xi32>], vector<16xf32>,
        %shift_right_logical3A_245 = arith.constant 7 : i32
        %shift_right_logical3A_246 = vector.broadcast %shift_right_logical3A_245 : i32 to vector<16xi32>
        %shift_right_logical3A_247 = arith.shrui %get3A_240, %shift_right_logical3A_246 : vector<16xi32>
        %add3A_248 = arith.constant 80 : i32
        %add3A_249 = vector.broadcast %add3A_248 : i32 to vector<16xi32>
        %add3A_250 = arith.addi %add3A_249, %shift_right_logical3A_247 : vector<16xi32>
        %and3A_251 = arith.constant 127 : i32
        %and3A_252 = vector.broadcast %and3A_251 : i32 to vector<16xi32>
        %and3A_253 = arith.andi %get3A_240, %and3A_252 : vector<16xi32>
        %gather3A_254 = tpu.vector_load_idx %arg12[%add3A_250, %and3A_253] : memref<160x128xf32, #tpu.memory_space<vmem>>[vector<16xi32>, vector<16xi32>], vector<16xf32>,
        %add3A_255 = arith.addf %gather3A, %gather3A_254 : vector<16xf32>
        %mul3A_256 = arith.constant 2.000000e-01 : f32
        %mul3A_257 = vector.broadcast %mul3A_256 : f32 to vector<16xf32>
        %mul3A_258 = arith.mulf %mul3A_257, %add3A_255 : vector<16xf32>
        %max3A = arith.maximumf %add3A_255, %mul3A_258 : vector<16xf32>
        %exp3A = math.exp %max3A : vector<16xf32>
        %swap3A = arith.index_cast %add3A_237 : i32 to index
        %swap3A_259 = tpu.vector_load %arg16[%swap3A] {strides = array<i32>} : memref<64xf32, #tpu.memory_space<vmem>>, vector<16xf32>,
        tpu.vector_store %arg16[%swap3A], %exp3A {strides = array<i32>} : memref<64xf32, #tpu.memory_space<vmem>>, vector<16xf32>,
      }
      %scan3A_224 = arith.constant 4 : i32
      %dma_start3A_225 = arith.constant 0 : i32
      %dma_start3A_226 = tpu.memref_slice %arg30[%dma_start3A_225] : memref<10240xf32, #tpu.memory_space<vmem_shared>> -> memref<10240xf32, #tpu.memory_space<vmem_shared>>
      tpu.enqueue_indirect_dma source(%arg16 : memref<64xf32, #tpu.memory_space<vmem>>) target(%dma_start3A_226 : memref<10240xf32, #tpu.memory_space<vmem_shared>>) offsets(%arg20 : memref<64xi32, #tpu.memory_space<vmem>>) semaphore(%arg28 : memref<!tpu.dma_semaphore, #tpu.memory_space<semaphore_mem>>) {add = true}
      %dma_wait3A_227 = arith.constant 0 : i32
      %dma_wait3A_228 = arith.constant 0 : i32
      %dma_wait3A_229 = tpu.memref_slice %arg29[%dma_wait3A_227, %dma_wait3A_228] : memref<10240x128xf32, #tpu.memory_space<vmem_shared>> -> memref<10240x128xf32, #tpu.memory_space<vmem_shared>>
      tpu.wait_indirect_dma semaphore(%arg26 : memref<!tpu.dma_semaphore, #tpu.memory_space<semaphore_mem>>) src(%arg14 : memref<64x128xf32, #tpu.memory_space<vmem>>) dst(%dma_wait3A_229 : memref<10240x128xf32, #tpu.memory_space<vmem_shared>>)
      %dma_start3A_230 = arith.constant 0 : i32
      %dma_start3A_231 = arith.constant 0 : i32
      %dma_start3A_232 = tpu.memref_slice %arg2[%dma_start3A_230, %dma_start3A_231] : memref<10240x128xf32, #tpu.memory_space<hbm>> -> memref<10240x128xf32, #tpu.memory_space<hbm>>
      tpu.enqueue_indirect_dma source(%dma_start3A_232 : memref<10240x128xf32, #tpu.memory_space<hbm>>) target(%arg14 : memref<64x128xf32, #tpu.memory_space<vmem>>) offsets(%arg18 : memref<64xi32, #tpu.memory_space<vmem>>) semaphore(%arg24 : memref<!tpu.dma_semaphore, #tpu.memory_space<semaphore_mem>>)
    }
    %scan3A_68 = arith.constant 80 : i32
    %dma_wait3A = arith.constant 0 : i32
    %dma_wait3A_69 = arith.constant 0 : i32
    %dma_wait3A_70 = tpu.memref_slice %arg2[%dma_wait3A, %dma_wait3A_69] : memref<10240x128xf32, #tpu.memory_space<hbm>> -> memref<10240x128xf32, #tpu.memory_space<hbm>>
    tpu.wait_indirect_dma semaphore(%arg23 : memref<!tpu.dma_semaphore, #tpu.memory_space<semaphore_mem>>) src(%dma_wait3A_70 : memref<10240x128xf32, #tpu.memory_space<hbm>>) dst(%arg13 : memref<64x128xf32, #tpu.memory_space<vmem>>)
    %parallel_loop3A = arith.constant 0 : i32
    %parallel_loop3A_71 = arith.constant 64 : i32
    %parallel_loop3A_72 = arith.constant 1 : i32
    scf.for %parallel_loop3A_120 = %parallel_loop3A to %parallel_loop3A_71 step %parallel_loop3A_72  : i32 {
      %parallel_loop3A_121 = arith.constant 16 : i32
      %parallel_loop3A_122 = arith.divsi %parallel_loop3A_120, %parallel_loop3A_121 : i32
      %parallel_loop3A_123 = arith.constant 0 : i32
      %parallel_loop3A_124 = arith.cmpi sgt, %parallel_loop3A_120, %parallel_loop3A_123 : i32
      %parallel_loop3A_125 = arith.extui %parallel_loop3A_124 : i1 to i32
      %parallel_loop3A_126 = arith.constant 0 : i32
      %parallel_loop3A_127 = arith.cmpi slt, %parallel_loop3A_120, %parallel_loop3A_126 : i32
      %parallel_loop3A_128 = arith.extui %parallel_loop3A_127 : i1 to i32
      %parallel_loop3A_129 = arith.subi %parallel_loop3A_125, %parallel_loop3A_128 : i32
      %parallel_loop3A_130 = arith.constant 0 : i32
      %parallel_loop3A_131 = arith.cmpi sgt, %parallel_loop3A_121, %parallel_loop3A_130 : i32
      %parallel_loop3A_132 = arith.extui %parallel_loop3A_131 : i1 to i32
      %parallel_loop3A_133 = arith.constant 0 : i32
      %parallel_loop3A_134 = arith.cmpi slt, %parallel_loop3A_121, %parallel_loop3A_133 : i32
      %parallel_loop3A_135 = arith.extui %parallel_loop3A_134 : i1 to i32
      %parallel_loop3A_136 = arith.subi %parallel_loop3A_132, %parallel_loop3A_135 : i32
      %parallel_loop3A_137 = arith.cmpi ne, %parallel_loop3A_129, %parallel_loop3A_136 : i32
      %parallel_loop3A_138 = arith.remsi %parallel_loop3A_120, %parallel_loop3A_121 : i32
      %parallel_loop3A_139 = arith.constant 0 : i32
      %parallel_loop3A_140 = arith.cmpi ne, %parallel_loop3A_138, %parallel_loop3A_139 : i32
      %parallel_loop3A_141 = arith.andi %parallel_loop3A_137, %parallel_loop3A_140 : i1
      %parallel_loop3A_142 = arith.constant 1 : i32
      %parallel_loop3A_143 = arith.subi %parallel_loop3A_122, %parallel_loop3A_142 : i32
      %parallel_loop3A_144 = arith.select %parallel_loop3A_141, %parallel_loop3A_143, %parallel_loop3A_122 : i32
      %parallel_loop3A_145 = arith.constant 16 : i32
      %parallel_loop3A_146 = arith.muli %parallel_loop3A_144, %parallel_loop3A_145 : i32
      %parallel_loop3A_147 = arith.index_cast %parallel_loop3A_146 : i32 to index
      %parallel_loop3A_148 = tpu.vector_load %arg15[%parallel_loop3A_147] {strides = array<i32>} : memref<64xf32, #tpu.memory_space<vmem>>, vector<16xf32>,
      %parallel_loop3A_149 = arith.subi %parallel_loop3A_120, %parallel_loop3A_146 : i32
      %parallel_loop3A_150 = vector.broadcast %parallel_loop3A_149 : i32 to vector<16x1xi32>
      %parallel_loop3A_151 = vector.shape_cast %parallel_loop3A_150 : vector<16x1xi32> to vector<16xi32>
      %parallel_loop3A_152 = tpu.dynamic_gather %parallel_loop3A_148[%parallel_loop3A_151] in [0] : vector<16xf32>, vector<16xi32> -> vector<16xf32>
      %parallel_loop3A_153 = arith.index_cast %parallel_loop3A_120 : i32 to index
      %parallel_loop3A_154 = arith.constant 0 : index
      %parallel_loop3A_155 = tpu.vector_load %arg13[%parallel_loop3A_153, %parallel_loop3A_154] {strides = array<i32>} : memref<64x128xf32, #tpu.memory_space<vmem>>, vector<16xf32>,
      %parallel_loop3A_156 = arith.mulf %parallel_loop3A_155, %parallel_loop3A_152 : vector<16xf32>
      %parallel_loop3A_157 = arith.index_cast %parallel_loop3A_120 : i32 to index
      %parallel_loop3A_158 = arith.constant 0 : index
      %parallel_loop3A_159 = tpu.vector_load %arg13[%parallel_loop3A_157, %parallel_loop3A_158] {strides = array<i32>} : memref<64x128xf32, #tpu.memory_space<vmem>>, vector<16xf32>,
      tpu.vector_store %arg13[%parallel_loop3A_157, %parallel_loop3A_158], %parallel_loop3A_156 {strides = array<i32>} : memref<64x128xf32, #tpu.memory_space<vmem>>, vector<16xf32>,
      %parallel_loop3A_160 = arith.index_cast %parallel_loop3A_120 : i32 to index
      %parallel_loop3A_161 = arith.constant 16 : index
      %parallel_loop3A_162 = tpu.vector_load %arg13[%parallel_loop3A_160, %parallel_loop3A_161] {strides = array<i32>} : memref<64x128xf32, #tpu.memory_space<vmem>>, vector<16xf32>,
      %parallel_loop3A_163 = arith.mulf %parallel_loop3A_162, %parallel_loop3A_152 : vector<16xf32>
      %parallel_loop3A_164 = arith.index_cast %parallel_loop3A_120 : i32 to index
      %parallel_loop3A_165 = arith.constant 16 : index
      %parallel_loop3A_166 = tpu.vector_load %arg13[%parallel_loop3A_164, %parallel_loop3A_165] {strides = array<i32>} : memref<64x128xf32, #tpu.memory_space<vmem>>, vector<16xf32>,
      tpu.vector_store %arg13[%parallel_loop3A_164, %parallel_loop3A_165], %parallel_loop3A_163 {strides = array<i32>} : memref<64x128xf32, #tpu.memory_space<vmem>>, vector<16xf32>,
      %parallel_loop3A_167 = arith.index_cast %parallel_loop3A_120 : i32 to index
      %parallel_loop3A_168 = arith.constant 32 : index
      %parallel_loop3A_169 = tpu.vector_load %arg13[%parallel_loop3A_167, %parallel_loop3A_168] {strides = array<i32>} : memref<64x128xf32, #tpu.memory_space<vmem>>, vector<16xf32>,
      %parallel_loop3A_170 = arith.mulf %parallel_loop3A_169, %parallel_loop3A_152 : vector<16xf32>
      %parallel_loop3A_171 = arith.index_cast %parallel_loop3A_120 : i32 to index
      %parallel_loop3A_172 = arith.constant 32 : index
      %parallel_loop3A_173 = tpu.vector_load %arg13[%parallel_loop3A_171, %parallel_loop3A_172] {strides = array<i32>} : memref<64x128xf32, #tpu.memory_space<vmem>>, vector<16xf32>,
      tpu.vector_store %arg13[%parallel_loop3A_171, %parallel_loop3A_172], %parallel_loop3A_170 {strides = array<i32>} : memref<64x128xf32, #tpu.memory_space<vmem>>, vector<16xf32>,
      %parallel_loop3A_174 = arith.index_cast %parallel_loop3A_120 : i32 to index
      %parallel_loop3A_175 = arith.constant 48 : index
      %parallel_loop3A_176 = tpu.vector_load %arg13[%parallel_loop3A_174, %parallel_loop3A_175] {strides = array<i32>} : memref<64x128xf32, #tpu.memory_space<vmem>>, vector<16xf32>,
      %parallel_loop3A_177 = arith.mulf %parallel_loop3A_176, %parallel_loop3A_152 : vector<16xf32>
      %parallel_loop3A_178 = arith.index_cast %parallel_loop3A_120 : i32 to index
      %parallel_loop3A_179 = arith.constant 48 : index
      %parallel_loop3A_180 = tpu.vector_load %arg13[%parallel_loop3A_178, %parallel_loop3A_179] {strides = array<i32>} : memref<64x128xf32, #tpu.memory_space<vmem>>, vector<16xf32>,
      tpu.vector_store %arg13[%parallel_loop3A_178, %parallel_loop3A_179], %parallel_loop3A_177 {strides = array<i32>} : memref<64x128xf32, #tpu.memory_space<vmem>>, vector<16xf32>,
      %parallel_loop3A_181 = arith.index_cast %parallel_loop3A_120 : i32 to index
      %parallel_loop3A_182 = arith.constant 64 : index
      %parallel_loop3A_183 = tpu.vector_load %arg13[%parallel_loop3A_181, %parallel_loop3A_182] {strides = array<i32>} : memref<64x128xf32, #tpu.memory_space<vmem>>, vector<16xf32>,
      %parallel_loop3A_184 = arith.mulf %parallel_loop3A_183, %parallel_loop3A_152 : vector<16xf32>
      %parallel_loop3A_185 = arith.index_cast %parallel_loop3A_120 : i32 to index
      %parallel_loop3A_186 = arith.constant 64 : index
      %parallel_loop3A_187 = tpu.vector_load %arg13[%parallel_loop3A_185, %parallel_loop3A_186] {strides = array<i32>} : memref<64x128xf32, #tpu.memory_space<vmem>>, vector<16xf32>,
      tpu.vector_store %arg13[%parallel_loop3A_185, %parallel_loop3A_186], %parallel_loop3A_184 {strides = array<i32>} : memref<64x128xf32, #tpu.memory_space<vmem>>, vector<16xf32>,
      %parallel_loop3A_188 = arith.index_cast %parallel_loop3A_120 : i32 to index
      %parallel_loop3A_189 = arith.constant 80 : index
      %parallel_loop3A_190 = tpu.vector_load %arg13[%parallel_loop3A_188, %parallel_loop3A_189] {strides = array<i32>} : memref<64x128xf32, #tpu.memory_space<vmem>>, vector<16xf32>,
      %parallel_loop3A_191 = arith.mulf %parallel_loop3A_190, %parallel_loop3A_152 : vector<16xf32>
      %parallel_loop3A_192 = arith.index_cast %parallel_loop3A_120 : i32 to index
      %parallel_loop3A_193 = arith.constant 80 : index
      %parallel_loop3A_194 = tpu.vector_load %arg13[%parallel_loop3A_192, %parallel_loop3A_193] {strides = array<i32>} : memref<64x128xf32, #tpu.memory_space<vmem>>, vector<16xf32>,
      tpu.vector_store %arg13[%parallel_loop3A_192, %parallel_loop3A_193], %parallel_loop3A_191 {strides = array<i32>} : memref<64x128xf32, #tpu.memory_space<vmem>>, vector<16xf32>,
      %parallel_loop3A_195 = arith.index_cast %parallel_loop3A_120 : i32 to index
      %parallel_loop3A_196 = arith.constant 96 : index
      %parallel_loop3A_197 = tpu.vector_load %arg13[%parallel_loop3A_195, %parallel_loop3A_196] {strides = array<i32>} : memref<64x128xf32, #tpu.memory_space<vmem>>, vector<16xf32>,
      %parallel_loop3A_198 = arith.mulf %parallel_loop3A_197, %parallel_loop3A_152 : vector<16xf32>
      %parallel_loop3A_199 = arith.index_cast %parallel_loop3A_120 : i32 to index
      %parallel_loop3A_200 = arith.constant 96 : index
      %parallel_loop3A_201 = tpu.vector_load %arg13[%parallel_loop3A_199, %parallel_loop3A_200] {strides = array<i32>} : memref<64x128xf32, #tpu.memory_space<vmem>>, vector<16xf32>,
      tpu.vector_store %arg13[%parallel_loop3A_199, %parallel_loop3A_200], %parallel_loop3A_198 {strides = array<i32>} : memref<64x128xf32, #tpu.memory_space<vmem>>, vector<16xf32>,
      %parallel_loop3A_202 = arith.index_cast %parallel_loop3A_120 : i32 to index
      %parallel_loop3A_203 = arith.constant 112 : index
      %parallel_loop3A_204 = tpu.vector_load %arg13[%parallel_loop3A_202, %parallel_loop3A_203] {strides = array<i32>} : memref<64x128xf32, #tpu.memory_space<vmem>>, vector<16xf32>,
      %parallel_loop3A_205 = arith.mulf %parallel_loop3A_204, %parallel_loop3A_152 : vector<16xf32>
      %parallel_loop3A_206 = arith.index_cast %parallel_loop3A_120 : i32 to index
      %parallel_loop3A_207 = arith.constant 112 : index
      %parallel_loop3A_208 = tpu.vector_load %arg13[%parallel_loop3A_206, %parallel_loop3A_207] {strides = array<i32>} : memref<64x128xf32, #tpu.memory_space<vmem>>, vector<16xf32>,
      tpu.vector_store %arg13[%parallel_loop3A_206, %parallel_loop3A_207], %parallel_loop3A_205 {strides = array<i32>} : memref<64x128xf32, #tpu.memory_space<vmem>>, vector<16xf32>,
    } {sc.loop_unroll_factor = 4 : i64, sc.parallel_access}
    %scan3A_73 = arith.constant 0 : i32
    %scan3A_74 = arith.constant 4 : i32
    %scan3A_75 = arith.addi %scan3A_73, %scan3A_74 : i32
    %scan3A_76 = arith.constant 1 : i32
    scf.for %scan3A_120 = %scan3A_73 to %scan3A_75 step %scan3A_76  : i32 {
      %mul3A_121 = arith.constant 16 : i32
      %mul3A_122 = arith.muli %scan3A_120, %mul3A_121 : i32
      %add3A_123 = arith.constant 0 : i32
      %add3A_124 = arith.addi %add3A_123, %mul3A_122 : i32
      %get3A = arith.index_cast %add3A_124 : i32 to index
      %get3A_125 = tpu.vector_load %arg19[%get3A] {strides = array<i32>} : memref<64xi32, #tpu.memory_space<vmem>>, vector<16xi32>,
      %swap3A = arith.index_cast %add3A_124 : i32 to index
      %swap3A_126 = tpu.vector_load %arg21[%swap3A] {strides = array<i32>} : memref<64xi32, #tpu.memory_space<vmem>>, vector<16xi32>,
      tpu.vector_store %arg21[%swap3A], %get3A_125 {strides = array<i32>} : memref<64xi32, #tpu.memory_space<vmem>>, vector<16xi32>,
    }
    %scan3A_77 = arith.constant 4 : i32
    %dma_start3A_78 = arith.constant 0 : i32
    %dma_start3A_79 = arith.constant 0 : i32
    %dma_start3A_80 = tpu.memref_slice %arg29[%dma_start3A_78, %dma_start3A_79] : memref<10240x128xf32, #tpu.memory_space<vmem_shared>> -> memref<10240x128xf32, #tpu.memory_space<vmem_shared>>
    tpu.enqueue_indirect_dma source(%arg13 : memref<64x128xf32, #tpu.memory_space<vmem>>) target(%dma_start3A_80 : memref<10240x128xf32, #tpu.memory_space<vmem_shared>>) offsets(%arg21 : memref<64xi32, #tpu.memory_space<vmem>>) semaphore(%arg25 : memref<!tpu.dma_semaphore, #tpu.memory_space<semaphore_mem>>) {add = true}
    %dma_wait3A_81 = arith.constant 0 : i32
    %dma_wait3A_82 = arith.constant 0 : i32
    %dma_wait3A_83 = tpu.memref_slice %arg2[%dma_wait3A_81, %dma_wait3A_82] : memref<10240x128xf32, #tpu.memory_space<hbm>> -> memref<10240x128xf32, #tpu.memory_space<hbm>>
    tpu.wait_indirect_dma semaphore(%arg24 : memref<!tpu.dma_semaphore, #tpu.memory_space<semaphore_mem>>) src(%dma_wait3A_83 : memref<10240x128xf32, #tpu.memory_space<hbm>>) dst(%arg14 : memref<64x128xf32, #tpu.memory_space<vmem>>)
    %parallel_loop3A_84 = arith.constant 0 : i32
    %parallel_loop3A_85 = arith.constant 64 : i32
    %parallel_loop3A_86 = arith.constant 1 : i32
    scf.for %parallel_loop3A_120 = %parallel_loop3A_84 to %parallel_loop3A_85 step %parallel_loop3A_86  : i32 {
      %parallel_loop3A_121 = arith.constant 16 : i32
      %parallel_loop3A_122 = arith.divsi %parallel_loop3A_120, %parallel_loop3A_121 : i32
      %parallel_loop3A_123 = arith.constant 0 : i32
      %parallel_loop3A_124 = arith.cmpi sgt, %parallel_loop3A_120, %parallel_loop3A_123 : i32
      %parallel_loop3A_125 = arith.extui %parallel_loop3A_124 : i1 to i32
      %parallel_loop3A_126 = arith.constant 0 : i32
      %parallel_loop3A_127 = arith.cmpi slt, %parallel_loop3A_120, %parallel_loop3A_126 : i32
      %parallel_loop3A_128 = arith.extui %parallel_loop3A_127 : i1 to i32
      %parallel_loop3A_129 = arith.subi %parallel_loop3A_125, %parallel_loop3A_128 : i32
      %parallel_loop3A_130 = arith.constant 0 : i32
      %parallel_loop3A_131 = arith.cmpi sgt, %parallel_loop3A_121, %parallel_loop3A_130 : i32
      %parallel_loop3A_132 = arith.extui %parallel_loop3A_131 : i1 to i32
      %parallel_loop3A_133 = arith.constant 0 : i32
      %parallel_loop3A_134 = arith.cmpi slt, %parallel_loop3A_121, %parallel_loop3A_133 : i32
      %parallel_loop3A_135 = arith.extui %parallel_loop3A_134 : i1 to i32
      %parallel_loop3A_136 = arith.subi %parallel_loop3A_132, %parallel_loop3A_135 : i32
      %parallel_loop3A_137 = arith.cmpi ne, %parallel_loop3A_129, %parallel_loop3A_136 : i32
      %parallel_loop3A_138 = arith.remsi %parallel_loop3A_120, %parallel_loop3A_121 : i32
      %parallel_loop3A_139 = arith.constant 0 : i32
      %parallel_loop3A_140 = arith.cmpi ne, %parallel_loop3A_138, %parallel_loop3A_139 : i32
      %parallel_loop3A_141 = arith.andi %parallel_loop3A_137, %parallel_loop3A_140 : i1
      %parallel_loop3A_142 = arith.constant 1 : i32
      %parallel_loop3A_143 = arith.subi %parallel_loop3A_122, %parallel_loop3A_142 : i32
      %parallel_loop3A_144 = arith.select %parallel_loop3A_141, %parallel_loop3A_143, %parallel_loop3A_122 : i32
      %parallel_loop3A_145 = arith.constant 16 : i32
      %parallel_loop3A_146 = arith.muli %parallel_loop3A_144, %parallel_loop3A_145 : i32
      %parallel_loop3A_147 = arith.index_cast %parallel_loop3A_146 : i32 to index
      %parallel_loop3A_148 = tpu.vector_load %arg16[%parallel_loop3A_147] {strides = array<i32>} : memref<64xf32, #tpu.memory_space<vmem>>, vector<16xf32>,
      %parallel_loop3A_149 = arith.subi %parallel_loop3A_120, %parallel_loop3A_146 : i32
      %parallel_loop3A_150 = vector.broadcast %parallel_loop3A_149 : i32 to vector<16x1xi32>
      %parallel_loop3A_151 = vector.shape_cast %parallel_loop3A_150 : vector<16x1xi32> to vector<16xi32>
      %parallel_loop3A_152 = tpu.dynamic_gather %parallel_loop3A_148[%parallel_loop3A_151] in [0] : vector<16xf32>, vector<16xi32> -> vector<16xf32>
      %parallel_loop3A_153 = arith.index_cast %parallel_loop3A_120 : i32 to index
      %parallel_loop3A_154 = arith.constant 0 : index
      %parallel_loop3A_155 = tpu.vector_load %arg14[%parallel_loop3A_153, %parallel_loop3A_154] {strides = array<i32>} : memref<64x128xf32, #tpu.memory_space<vmem>>, vector<16xf32>,
      %parallel_loop3A_156 = arith.mulf %parallel_loop3A_155, %parallel_loop3A_152 : vector<16xf32>
      %parallel_loop3A_157 = arith.index_cast %parallel_loop3A_120 : i32 to index
      %parallel_loop3A_158 = arith.constant 0 : index
      %parallel_loop3A_159 = tpu.vector_load %arg14[%parallel_loop3A_157, %parallel_loop3A_158] {strides = array<i32>} : memref<64x128xf32, #tpu.memory_space<vmem>>, vector<16xf32>,
      tpu.vector_store %arg14[%parallel_loop3A_157, %parallel_loop3A_158], %parallel_loop3A_156 {strides = array<i32>} : memref<64x128xf32, #tpu.memory_space<vmem>>, vector<16xf32>,
      %parallel_loop3A_160 = arith.index_cast %parallel_loop3A_120 : i32 to index
      %parallel_loop3A_161 = arith.constant 16 : index
      %parallel_loop3A_162 = tpu.vector_load %arg14[%parallel_loop3A_160, %parallel_loop3A_161] {strides = array<i32>} : memref<64x128xf32, #tpu.memory_space<vmem>>, vector<16xf32>,
      %parallel_loop3A_163 = arith.mulf %parallel_loop3A_162, %parallel_loop3A_152 : vector<16xf32>
      %parallel_loop3A_164 = arith.index_cast %parallel_loop3A_120 : i32 to index
      %parallel_loop3A_165 = arith.constant 16 : index
      %parallel_loop3A_166 = tpu.vector_load %arg14[%parallel_loop3A_164, %parallel_loop3A_165] {strides = array<i32>} : memref<64x128xf32, #tpu.memory_space<vmem>>, vector<16xf32>,
      tpu.vector_store %arg14[%parallel_loop3A_164, %parallel_loop3A_165], %parallel_loop3A_163 {strides = array<i32>} : memref<64x128xf32, #tpu.memory_space<vmem>>, vector<16xf32>,
      %parallel_loop3A_167 = arith.index_cast %parallel_loop3A_120 : i32 to index
      %parallel_loop3A_168 = arith.constant 32 : index
      %parallel_loop3A_169 = tpu.vector_load %arg14[%parallel_loop3A_167, %parallel_loop3A_168] {strides = array<i32>} : memref<64x128xf32, #tpu.memory_space<vmem>>, vector<16xf32>,
      %parallel_loop3A_170 = arith.mulf %parallel_loop3A_169, %parallel_loop3A_152 : vector<16xf32>
      %parallel_loop3A_171 = arith.index_cast %parallel_loop3A_120 : i32 to index
      %parallel_loop3A_172 = arith.constant 32 : index
      %parallel_loop3A_173 = tpu.vector_load %arg14[%parallel_loop3A_171, %parallel_loop3A_172] {strides = array<i32>} : memref<64x128xf32, #tpu.memory_space<vmem>>, vector<16xf32>,
      tpu.vector_store %arg14[%parallel_loop3A_171, %parallel_loop3A_172], %parallel_loop3A_170 {strides = array<i32>} : memref<64x128xf32, #tpu.memory_space<vmem>>, vector<16xf32>,
      %parallel_loop3A_174 = arith.index_cast %parallel_loop3A_120 : i32 to index
      %parallel_loop3A_175 = arith.constant 48 : index
      %parallel_loop3A_176 = tpu.vector_load %arg14[%parallel_loop3A_174, %parallel_loop3A_175] {strides = array<i32>} : memref<64x128xf32, #tpu.memory_space<vmem>>, vector<16xf32>,
      %parallel_loop3A_177 = arith.mulf %parallel_loop3A_176, %parallel_loop3A_152 : vector<16xf32>
      %parallel_loop3A_178 = arith.index_cast %parallel_loop3A_120 : i32 to index
      %parallel_loop3A_179 = arith.constant 48 : index
      %parallel_loop3A_180 = tpu.vector_load %arg14[%parallel_loop3A_178, %parallel_loop3A_179] {strides = array<i32>} : memref<64x128xf32, #tpu.memory_space<vmem>>, vector<16xf32>,
      tpu.vector_store %arg14[%parallel_loop3A_178, %parallel_loop3A_179], %parallel_loop3A_177 {strides = array<i32>} : memref<64x128xf32, #tpu.memory_space<vmem>>, vector<16xf32>,
      %parallel_loop3A_181 = arith.index_cast %parallel_loop3A_120 : i32 to index
      %parallel_loop3A_182 = arith.constant 64 : index
      %parallel_loop3A_183 = tpu.vector_load %arg14[%parallel_loop3A_181, %parallel_loop3A_182] {strides = array<i32>} : memref<64x128xf32, #tpu.memory_space<vmem>>, vector<16xf32>,
      %parallel_loop3A_184 = arith.mulf %parallel_loop3A_183, %parallel_loop3A_152 : vector<16xf32>
      %parallel_loop3A_185 = arith.index_cast %parallel_loop3A_120 : i32 to index
      %parallel_loop3A_186 = arith.constant 64 : index
      %parallel_loop3A_187 = tpu.vector_load %arg14[%parallel_loop3A_185, %parallel_loop3A_186] {strides = array<i32>} : memref<64x128xf32, #tpu.memory_space<vmem>>, vector<16xf32>,
      tpu.vector_store %arg14[%parallel_loop3A_185, %parallel_loop3A_186], %parallel_loop3A_184 {strides = array<i32>} : memref<64x128xf32, #tpu.memory_space<vmem>>, vector<16xf32>,
      %parallel_loop3A_188 = arith.index_cast %parallel_loop3A_120 : i32 to index
      %parallel_loop3A_189 = arith.constant 80 : index
      %parallel_loop3A_190 = tpu.vector_load %arg14[%parallel_loop3A_188, %parallel_loop3A_189] {strides = array<i32>} : memref<64x128xf32, #tpu.memory_space<vmem>>, vector<16xf32>,
      %parallel_loop3A_191 = arith.mulf %parallel_loop3A_190, %parallel_loop3A_152 : vector<16xf32>
      %parallel_loop3A_192 = arith.index_cast %parallel_loop3A_120 : i32 to index
      %parallel_loop3A_193 = arith.constant 80 : index
      %parallel_loop3A_194 = tpu.vector_load %arg14[%parallel_loop3A_192, %parallel_loop3A_193] {strides = array<i32>} : memref<64x128xf32, #tpu.memory_space<vmem>>, vector<16xf32>,
      tpu.vector_store %arg14[%parallel_loop3A_192, %parallel_loop3A_193], %parallel_loop3A_191 {strides = array<i32>} : memref<64x128xf32, #tpu.memory_space<vmem>>, vector<16xf32>,
      %parallel_loop3A_195 = arith.index_cast %parallel_loop3A_120 : i32 to index
      %parallel_loop3A_196 = arith.constant 96 : index
      %parallel_loop3A_197 = tpu.vector_load %arg14[%parallel_loop3A_195, %parallel_loop3A_196] {strides = array<i32>} : memref<64x128xf32, #tpu.memory_space<vmem>>, vector<16xf32>,
      %parallel_loop3A_198 = arith.mulf %parallel_loop3A_197, %parallel_loop3A_152 : vector<16xf32>
      %parallel_loop3A_199 = arith.index_cast %parallel_loop3A_120 : i32 to index
      %parallel_loop3A_200 = arith.constant 96 : index
      %parallel_loop3A_201 = tpu.vector_load %arg14[%parallel_loop3A_199, %parallel_loop3A_200] {strides = array<i32>} : memref<64x128xf32, #tpu.memory_space<vmem>>, vector<16xf32>,
      tpu.vector_store %arg14[%parallel_loop3A_199, %parallel_loop3A_200], %parallel_loop3A_198 {strides = array<i32>} : memref<64x128xf32, #tpu.memory_space<vmem>>, vector<16xf32>,
      %parallel_loop3A_202 = arith.index_cast %parallel_loop3A_120 : i32 to index
      %parallel_loop3A_203 = arith.constant 112 : index
      %parallel_loop3A_204 = tpu.vector_load %arg14[%parallel_loop3A_202, %parallel_loop3A_203] {strides = array<i32>} : memref<64x128xf32, #tpu.memory_space<vmem>>, vector<16xf32>,
      %parallel_loop3A_205 = arith.mulf %parallel_loop3A_204, %parallel_loop3A_152 : vector<16xf32>
      %parallel_loop3A_206 = arith.index_cast %parallel_loop3A_120 : i32 to index
      %parallel_loop3A_207 = arith.constant 112 : index
      %parallel_loop3A_208 = tpu.vector_load %arg14[%parallel_loop3A_206, %parallel_loop3A_207] {strides = array<i32>} : memref<64x128xf32, #tpu.memory_space<vmem>>, vector<16xf32>,
      tpu.vector_store %arg14[%parallel_loop3A_206, %parallel_loop3A_207], %parallel_loop3A_205 {strides = array<i32>} : memref<64x128xf32, #tpu.memory_space<vmem>>, vector<16xf32>,
    } {sc.loop_unroll_factor = 4 : i64, sc.parallel_access}
    %scan3A_87 = arith.constant 0 : i32
    %scan3A_88 = arith.constant 4 : i32
    %scan3A_89 = arith.addi %scan3A_87, %scan3A_88 : i32
    %scan3A_90 = arith.constant 1 : i32
    scf.for %scan3A_120 = %scan3A_87 to %scan3A_89 step %scan3A_90  : i32 {
      %mul3A_121 = arith.constant 16 : i32
      %mul3A_122 = arith.muli %scan3A_120, %mul3A_121 : i32
      %add3A_123 = arith.constant 0 : i32
      %add3A_124 = arith.addi %add3A_123, %mul3A_122 : i32
      %get3A = arith.index_cast %add3A_124 : i32 to index
      %get3A_125 = tpu.vector_load %arg20[%get3A] {strides = array<i32>} : memref<64xi32, #tpu.memory_space<vmem>>, vector<16xi32>,
      %swap3A = arith.index_cast %add3A_124 : i32 to index
      %swap3A_126 = tpu.vector_load %arg22[%swap3A] {strides = array<i32>} : memref<64xi32, #tpu.memory_space<vmem>>, vector<16xi32>,
      tpu.vector_store %arg22[%swap3A], %get3A_125 {strides = array<i32>} : memref<64xi32, #tpu.memory_space<vmem>>, vector<16xi32>,
    }
    %scan3A_91 = arith.constant 4 : i32
    %dma_start3A_92 = arith.constant 0 : i32
    %dma_start3A_93 = arith.constant 0 : i32
    %dma_start3A_94 = tpu.memref_slice %arg29[%dma_start3A_92, %dma_start3A_93] : memref<10240x128xf32, #tpu.memory_space<vmem_shared>> -> memref<10240x128xf32, #tpu.memory_space<vmem_shared>>
    tpu.enqueue_indirect_dma source(%arg14 : memref<64x128xf32, #tpu.memory_space<vmem>>) target(%dma_start3A_94 : memref<10240x128xf32, #tpu.memory_space<vmem_shared>>) offsets(%arg22 : memref<64xi32, #tpu.memory_space<vmem>>) semaphore(%arg26 : memref<!tpu.dma_semaphore, #tpu.memory_space<semaphore_mem>>) {add = true}
    %dma_wait3A_95 = arith.constant 0 : i32
    %dma_wait3A_96 = arith.constant 0 : i32
    %dma_wait3A_97 = tpu.memref_slice %arg29[%dma_wait3A_95, %dma_wait3A_96] : memref<10240x128xf32, #tpu.memory_space<vmem_shared>> -> memref<10240x128xf32, #tpu.memory_space<vmem_shared>>
    tpu.wait_indirect_dma semaphore(%arg25 : memref<!tpu.dma_semaphore, #tpu.memory_space<semaphore_mem>>) src(%arg13 : memref<64x128xf32, #tpu.memory_space<vmem>>) dst(%dma_wait3A_97 : memref<10240x128xf32, #tpu.memory_space<vmem_shared>>)
    %dma_wait3A_98 = arith.constant 0 : i32
    %dma_wait3A_99 = arith.constant 0 : i32
    %dma_wait3A_100 = tpu.memref_slice %arg29[%dma_wait3A_98, %dma_wait3A_99] : memref<10240x128xf32, #tpu.memory_space<vmem_shared>> -> memref<10240x128xf32, #tpu.memory_space<vmem_shared>>
    tpu.wait_indirect_dma semaphore(%arg26 : memref<!tpu.dma_semaphore, #tpu.memory_space<semaphore_mem>>) src(%arg14 : memref<64x128xf32, #tpu.memory_space<vmem>>) dst(%dma_wait3A_100 : memref<10240x128xf32, #tpu.memory_space<vmem_shared>>)
    %dma_wait3A_101 = arith.constant 161 : i32
    %dma_wait3A_102 = arith.constant 0 : i32
    %dma_wait3A_103 = tpu.memref_slice %arg3[%add3A, %dma_wait3A_101, %dma_wait3A_102] : memref<32x162x64xi32, #tpu.memory_space<hbm>> -> memref<1x1x64xi32, #tpu.memory_space<hbm>>
    %dma_wait3A_104 = tpu.memref_squeeze %dma_wait3A_103 : memref<1x1x64xi32, #tpu.memory_space<hbm>> -> memref<64xi32, #tpu.memory_space<hbm>>
    %dma_wait3A_105 = arith.constant 0 : i32
    %dma_wait3A_106 = tpu.memref_slice %arg3[%add3A, %dma_wait3A_101, %dma_wait3A_105] : memref<32x162x64xi32, #tpu.memory_space<hbm>> -> memref<1x1x64xi32, #tpu.memory_space<hbm>>
    %dma_wait3A_107 = tpu.memref_squeeze %dma_wait3A_106 : memref<1x1x64xi32, #tpu.memory_space<hbm>> -> memref<64xi32, #tpu.memory_space<hbm>>
    tpu.wait_dma2 semaphore(%arg10 : memref<!tpu.dma_semaphore, #tpu.memory_space<semaphore_mem>>) src(%dma_wait3A_107 : memref<64xi32, #tpu.memory_space<hbm>>) dst(%arg8 : memref<64xi32, #tpu.memory_space<vmem>>)
    %dma_wait3A_108 = arith.constant 161 : i32
    %dma_wait3A_109 = arith.constant 0 : i32
    %dma_wait3A_110 = tpu.memref_slice %arg3[%add3A, %dma_wait3A_108, %dma_wait3A_109] : memref<32x162x64xi32, #tpu.memory_space<hbm>> -> memref<1x1x64xi32, #tpu.memory_space<hbm>>
    %dma_wait3A_111 = tpu.memref_squeeze %dma_wait3A_110 : memref<1x1x64xi32, #tpu.memory_space<hbm>> -> memref<64xi32, #tpu.memory_space<hbm>>
    %dma_wait3A_112 = arith.constant 0 : i32
    %dma_wait3A_113 = tpu.memref_slice %arg3[%add3A, %dma_wait3A_108, %dma_wait3A_112] : memref<32x162x64xi32, #tpu.memory_space<hbm>> -> memref<1x1x64xi32, #tpu.memory_space<hbm>>
    %dma_wait3A_114 = tpu.memref_squeeze %dma_wait3A_113 : memref<1x1x64xi32, #tpu.memory_space<hbm>> -> memref<64xi32, #tpu.memory_space<hbm>>
    tpu.wait_dma2 semaphore(%arg11 : memref<!tpu.dma_semaphore, #tpu.memory_space<semaphore_mem>>) src(%dma_wait3A_114 : memref<64xi32, #tpu.memory_space<hbm>>) dst(%arg9 : memref<64xi32, #tpu.memory_space<vmem>>)
    %dma_wait3A_115 = arith.constant 0 : i32
    %dma_wait3A_116 = tpu.memref_slice %arg30[%dma_wait3A_115] : memref<10240xf32, #tpu.memory_space<vmem_shared>> -> memref<10240xf32, #tpu.memory_space<vmem_shared>>
    tpu.wait_indirect_dma semaphore(%arg27 : memref<!tpu.dma_semaphore, #tpu.memory_space<semaphore_mem>>) src(%arg15 : memref<64xf32, #tpu.memory_space<vmem>>) dst(%dma_wait3A_116 : memref<10240xf32, #tpu.memory_space<vmem_shared>>)
    %dma_wait3A_117 = arith.constant 0 : i32
    %dma_wait3A_118 = tpu.memref_slice %arg30[%dma_wait3A_117] : memref<10240xf32, #tpu.memory_space<vmem_shared>> -> memref<10240xf32, #tpu.memory_space<vmem_shared>>
    tpu.wait_indirect_dma semaphore(%arg28 : memref<!tpu.dma_semaphore, #tpu.memory_space<semaphore_mem>>) src(%arg16 : memref<64xf32, #tpu.memory_space<vmem>>) dst(%dma_wait3A_118 : memref<10240xf32, #tpu.memory_space<vmem_shared>>)
    %barrier3A_119 = arith.constant 0 : index
    tpu.barrier barrier_id(%barrier3A_119)
    "tpu.region"() ({
      %run_scoped3A_120 = tpu.sem_alloc : memref<!tpu.dma_semaphore, #tpu.memory_space<semaphore_mem>>
      %dma_start3A_121 = arith.constant 0 : i32
      %dma_start3A_122 = tpu.memref_slice %arg6[%arg0, %mul3A_2, %dma_start3A_121] : memref<2x10240x128xf32, #tpu.memory_space<hbm>> -> memref<1x640x128xf32, #tpu.memory_space<hbm>>
      %dma_start3A_123 = tpu.memref_squeeze %dma_start3A_122 : memref<1x640x128xf32, #tpu.memory_space<hbm>> -> memref<640x128xf32, #tpu.memory_space<hbm>>
      %dma_start3A_124 = arith.constant 0 : i32
      %dma_start3A_125 = tpu.memref_slice %arg29[%mul3A_2, %dma_start3A_124] : memref<10240x128xf32, #tpu.memory_space<vmem_shared>> -> memref<640x128xf32, #tpu.memory_space<vmem_shared>>
      tpu.enqueue_dma source(%dma_start3A_125 : memref<640x128xf32, #tpu.memory_space<vmem_shared>>) target(%dma_start3A_123 : memref<640x128xf32, #tpu.memory_space<hbm>>) target_semaphore(%run_scoped3A_120 : memref<!tpu.dma_semaphore, #tpu.memory_space<semaphore_mem>>)
      %dma_wait3A_126 = arith.constant 0 : i32
      %dma_wait3A_127 = tpu.memref_slice %arg6[%arg0, %mul3A_2, %dma_wait3A_126] : memref<2x10240x128xf32, #tpu.memory_space<hbm>> -> memref<1x640x128xf32, #tpu.memory_space<hbm>>
      %dma_wait3A_128 = tpu.memref_squeeze %dma_wait3A_127 : memref<1x640x128xf32, #tpu.memory_space<hbm>> -> memref<640x128xf32, #tpu.memory_space<hbm>>
      %dma_wait3A_129 = arith.constant 0 : i32
      %dma_wait3A_130 = tpu.memref_slice %arg29[%mul3A_2, %dma_wait3A_129] : memref<10240x128xf32, #tpu.memory_space<vmem_shared>> -> memref<640x128xf32, #tpu.memory_space<vmem_shared>>
      tpu.wait_dma2 semaphore(%run_scoped3A_120 : memref<!tpu.dma_semaphore, #tpu.memory_space<semaphore_mem>>) src(%dma_wait3A_130 : memref<640x128xf32, #tpu.memory_space<vmem_shared>>) dst(%dma_wait3A_128 : memref<640x128xf32, #tpu.memory_space<hbm>>)
      tpu.yield
    }) : () -> ()
    "tpu.region"() ({
      %run_scoped3A_120 = tpu.sem_alloc : memref<!tpu.dma_semaphore, #tpu.memory_space<semaphore_mem>>
      %dma_start3A_121 = tpu.memref_slice %arg7[%arg0, %mul3A_2] : memref<2x10240xf32, #tpu.memory_space<hbm>> -> memref<1x640xf32, #tpu.memory_space<hbm>>
      %dma_start3A_122 = tpu.memref_squeeze %dma_start3A_121 : memref<1x640xf32, #tpu.memory_space<hbm>> -> memref<640xf32, #tpu.memory_space<hbm>>
      %dma_start3A_123 = tpu.memref_slice %arg30[%mul3A_2] : memref<10240xf32, #tpu.memory_space<vmem_shared>> -> memref<640xf32, #tpu.memory_space<vmem_shared>>
      tpu.enqueue_dma source(%dma_start3A_123 : memref<640xf32, #tpu.memory_space<vmem_shared>>) target(%dma_start3A_122 : memref<640xf32, #tpu.memory_space<hbm>>) target_semaphore(%run_scoped3A_120 : memref<!tpu.dma_semaphore, #tpu.memory_space<semaphore_mem>>)
      %dma_wait3A_124 = tpu.memref_slice %arg7[%arg0, %mul3A_2] : memref<2x10240xf32, #tpu.memory_space<hbm>> -> memref<1x640xf32, #tpu.memory_space<hbm>>
      %dma_wait3A_125 = tpu.memref_squeeze %dma_wait3A_124 : memref<1x640xf32, #tpu.memory_space<hbm>> -> memref<640xf32, #tpu.memory_space<hbm>>
      %dma_wait3A_126 = tpu.memref_slice %arg30[%mul3A_2] : memref<10240xf32, #tpu.memory_space<vmem_shared>> -> memref<640xf32, #tpu.memory_space<vmem_shared>>
      tpu.wait_dma2 semaphore(%run_scoped3A_120 : memref<!tpu.dma_semaphore, #tpu.memory_space<semaphore_mem>>) src(%dma_wait3A_126 : memref<640xf32, #tpu.memory_space<vmem_shared>>) dst(%dma_wait3A_125 : memref<640xf32, #tpu.memory_space<hbm>>)
      tpu.yield
    }) : () -> ()
    return
  }
}

#map = affine_map<(d0, d1) -> (0, 0)>
#map1 = affine_map<(d0, d1) -> (0, 0, 0)>
module attributes {stable_mosaic.version = 14 : i64} {
  func.func @k(%arg0: i32, %arg1: i32, %arg2: memref<10240x128xf32, #tpu.memory_space<hbm>>, %arg3: memref<32x162x64xi32, #tpu.memory_space<hbm>>, %arg4: memref<80x128xf32, #tpu.memory_space<hbm>>, %arg5: memref<80x128xf32, #tpu.memory_space<hbm>>, %arg6: memref<2x10240x128xf32, #tpu.memory_space<hbm>>, %arg7: memref<2x10240xf32, #tpu.memory_space<hbm>>, %arg8: memref<64xi32, #tpu.memory_space<vmem>>, %arg9: memref<64xi32, #tpu.memory_space<vmem>>, %arg10: memref<!tpu.dma_semaphore, #tpu.memory_space<semaphore_mem>>, %arg11: memref<!tpu.dma_semaphore, #tpu.memory_space<semaphore_mem>>, %arg12: memref<160x128xf32, #tpu.memory_space<vmem>>, %arg13: memref<64x128xf32, #tpu.memory_space<vmem>>, %arg14: memref<64x128xf32, #tpu.memory_space<vmem>>, %arg15: memref<64xf32, #tpu.memory_space<vmem>>, %arg16: memref<64xf32, #tpu.memory_space<vmem>>, %arg17: memref<64xi32, #tpu.memory_space<vmem>>, %arg18: memref<64xi32, #tpu.memory_space<vmem>>, %arg19: memref<64xi32, #tpu.memory_space<vmem>>, %arg20: memref<64xi32, #tpu.memory_space<vmem>>, %arg21: memref<64xi32, #tpu.memory_space<vmem>>, %arg22: memref<64xi32, #tpu.memory_space<vmem>>, %arg23: memref<!tpu.dma_semaphore, #tpu.memory_space<semaphore_mem>>, %arg24: memref<!tpu.dma_semaphore, #tpu.memory_space<semaphore_mem>>, %arg25: memref<!tpu.dma_semaphore, #tpu.memory_space<semaphore_mem>>, %arg26: memref<!tpu.dma_semaphore, #tpu.memory_space<semaphore_mem>>, %arg27: memref<!tpu.dma_semaphore, #tpu.memory_space<semaphore_mem>>, %arg28: memref<!tpu.dma_semaphore, #tpu.memory_space<semaphore_mem>>, %arg29: memref<10240x128xf32, #tpu.memory_space<vmem_shared>>, %arg30: memref<10240xf32, #tpu.memory_space<vmem_shared>>) attributes {dimension_semantics = [#tpu.dimension_semantics<core_parallel>, #tpu.dimension_semantics<subcore_parallel>], iteration_bounds = array<i64: 2, 16>, scalar_prefetch = 0 : i64, scratch_operands = 23 : i64, tpu.core_type = #tpu.core_type<sc_vector_subcore>, window_params = [{transform_indices = #map}, {transform_indices = #map1}, {transform_indices = #map}, {transform_indices = #map}, {transform_indices = #map1}, {transform_indices = #map}]} {
    %mul3A = arith.constant 16 : i32
    %mul3A_0 = arith.muli %arg0, %mul3A : i32
    %add3A = arith.addi %mul3A_0, %arg1 : i32
    %mul3A_1 = arith.constant 640 : i32
    %mul3A_2 = arith.muli %arg1, %mul3A_1 : i32
    %scan3A = arith.constant 0 : i32
    %scan3A_3 = arith.constant 64 : i32
    %scan3A_4 = arith.addi %scan3A, %scan3A_3 : i32
    %scan3A_5 = arith.constant 1 : i32
    scf.for %scan3A_120 = %scan3A to %scan3A_4 step %scan3A_5  : i32 {
      %mul3A_121 = arith.constant 1 : i32
      %mul3A_122 = arith.muli %scan3A_120, %mul3A_121 : i32
      %add3A_123 = arith.constant 0 : i32
      %add3A_124 = arith.addi %add3A_123, %mul3A_122 : i32
      %broadcast_in_dim3A = arith.constant 0.000000e+00 : f32
      %broadcast_in_dim3A_125 = vector.broadcast %broadcast_in_dim3A : f32 to vector<16xf32>
      %swap3A = arith.index_cast %add3A_124 : i32 to index
      %swap3A_126 = arith.constant 0 : index
      %swap3A_127 = tpu.vector_load %arg13[%swap3A, %swap3A_126] {strides = array<i32>} : memref<64x128xf32, #tpu.memory_space<vmem>>, vector<16xf32>,
      tpu.vector_store %arg13[%swap3A, %swap3A_126], %broadcast_in_dim3A_125 {strides = array<i32>} : memref<64x128xf32, #tpu.memory_space<vmem>>, vector<16xf32>,
      %broadcast_in_dim3A_128 = arith.constant 0.000000e+00 : f32
      %broadcast_in_dim3A_129 = vector.broadcast %broadcast_in_dim3A_128 : f32 to vector<16xf32>
      %swap3A_130 = arith.index_cast %add3A_124 : i32 to index
      %swap3A_131 = arith.constant 16 : index
      %swap3A_132 = tpu.vector_load %arg13[%swap3A_130, %swap3A_131] {strides = array<i32>} : memref<64x128xf32, #tpu.memory_space<vmem>>, vector<16xf32>,
      tpu.vector_store %arg13[%swap3A_130, %swap3A_131], %broadcast_in_dim3A_129 {strides = array<i32>} : memref<64x128xf32, #tpu.memory_space<vmem>>, vector<16xf32>,
      %broadcast_in_dim3A_133 = arith.constant 0.000000e+00 : f32
      %broadcast_in_dim3A_134 = vector.broadcast %broadcast_in_dim3A_133 : f32 to vector<16xf32>
      %swap3A_135 = arith.index_cast %add3A_124 : i32 to index
      %swap3A_136 = arith.constant 32 : index
      %swap3A_137 = tpu.vector_load %arg13[%swap3A_135, %swap3A_136] {strides = array<i32>} : memref<64x128xf32, #tpu.memory_space<vmem>>, vector<16xf32>,
      tpu.vector_store %arg13[%swap3A_135, %swap3A_136], %broadcast_in_dim3A_134 {strides = array<i32>} : memref<64x128xf32, #tpu.memory_space<vmem>>, vector<16xf32>,
      %broadcast_in_dim3A_138 = arith.constant 0.000000e+00 : f32
      %broadcast_in_dim3A_139 = vector.broadcast %broadcast_in_dim3A_138 : f32 to vector<16xf32>
      %swap3A_140 = arith.index_cast %add3A_124 : i32 to index
      %swap3A_141 = arith.constant 48 : index
      %swap3A_142 = tpu.vector_load %arg13[%swap3A_140, %swap3A_141] {strides = array<i32>} : memref<64x128xf32, #tpu.memory_space<vmem>>, vector<16xf32>,
      tpu.vector_store %arg13[%swap3A_140, %swap3A_141], %broadcast_in_dim3A_139 {strides = array<i32>} : memref<64x128xf32, #tpu.memory_space<vmem>>, vector<16xf32>,
      %broadcast_in_dim3A_143 = arith.constant 0.000000e+00 : f32
      %broadcast_in_dim3A_144 = vector.broadcast %broadcast_in_dim3A_143 : f32 to vector<16xf32>
      %swap3A_145 = arith.index_cast %add3A_124 : i32 to index
      %swap3A_146 = arith.constant 64 : index
      %swap3A_147 = tpu.vector_load %arg13[%swap3A_145, %swap3A_146] {strides = array<i32>} : memref<64x128xf32, #tpu.memory_space<vmem>>, vector<16xf32>,
      tpu.vector_store %arg13[%swap3A_145, %swap3A_146], %broadcast_in_dim3A_144 {strides = array<i32>} : memref<64x128xf32, #tpu.memory_space<vmem>>, vector<16xf32>,
      %broadcast_in_dim3A_148 = arith.constant 0.000000e+00 : f32
      %broadcast_in_dim3A_149 = vector.broadcast %broadcast_in_dim3A_148 : f32 to vector<16xf32>
      %swap3A_150 = arith.index_cast %add3A_124 : i32 to index
      %swap3A_151 = arith.constant 80 : index
      %swap3A_152 = tpu.vector_load %arg13[%swap3A_150, %swap3A_151] {strides = array<i32>} : memref<64x128xf32, #tpu.memory_space<vmem>>, vector<16xf32>,
      tpu.vector_store %arg13[%swap3A_150, %swap3A_151], %broadcast_in_dim3A_149 {strides = array<i32>} : memref<64x128xf32, #tpu.memory_space<vmem>>, vector<16xf32>,
      %broadcast_in_dim3A_153 = arith.constant 0.000000e+00 : f32
      %broadcast_in_dim3A_154 = vector.broadcast %broadcast_in_dim3A_153 : f32 to vector<16xf32>
      %swap3A_155 = arith.index_cast %add3A_124 : i32 to index
      %swap3A_156 = arith.constant 96 : index
      %swap3A_157 = tpu.vector_load %arg13[%swap3A_155, %swap3A_156] {strides = array<i32>} : memref<64x128xf32, #tpu.memory_space<vmem>>, vector<16xf32>,
      tpu.vector_store %arg13[%swap3A_155, %swap3A_156], %broadcast_in_dim3A_154 {strides = array<i32>} : memref<64x128xf32, #tpu.memory_space<vmem>>, vector<16xf32>,
      %broadcast_in_dim3A_158 = arith.constant 0.000000e+00 : f32
      %broadcast_in_dim3A_159 = vector.broadcast %broadcast_in_dim3A_158 : f32 to vector<16xf32>
      %swap3A_160 = arith.index_cast %add3A_124 : i32 to index
      %swap3A_161 = arith.constant 112 : index
      %swap3A_162 = tpu.vector_load %arg13[%swap3A_160, %swap3A_161] {strides = array<i32>} : memref<64x128xf32, #tpu.memory_space<vmem>>, vector<16xf32>,
      tpu.vector_store %arg13[%swap3A_160, %swap3A_161], %broadcast_in_dim3A_159 {strides = array<i32>} : memref<64x128xf32, #tpu.memory_space<vmem>>, vector<16xf32>,
    }
    %scan3A_6 = arith.constant 64 : i32
    %scan3A_7 = arith.constant 0 : i32
    %scan3A_8 = arith.constant 10 : i32
    %scan3A_9 = arith.addi %scan3A_7, %scan3A_8 : i32
    %scan3A_10 = arith.constant 1 : i32
    scf.for %scan3A_120 = %scan3A_7 to %scan3A_9 step %scan3A_10  : i32 {
      %mul3A_121 = arith.constant 64 : i32
      %mul3A_122 = arith.muli %scan3A_120, %mul3A_121 : i32
      %add3A_123 = arith.constant 0 : i32
      %add3A_124 = arith.addi %add3A_123, %mul3A_122 : i32
      %add3A_125 = arith.addi %mul3A_2, %add3A_124 : i32
      "tpu.region"() ({
        %run_scoped3A_126 = tpu.sem_alloc : memref<!tpu.dma_semaphore, #tpu.memory_space<semaphore_mem>>
        %dma_start3A_127 = arith.constant 0 : i32
        %dma_start3A_128 = tpu.memref_slice %arg29[%add3A_125, %dma_start3A_127] : memref<10240x128xf32, #tpu.memory_space<vmem_shared>> -> memref<64x128xf32, #tpu.memory_space<vmem_shared>>
        %dma_start3A_129 = arith.constant 0 : i32
        %dma_start3A_130 = tpu.memref_slice %arg29[%add3A_125, %dma_start3A_129] : memref<10240x128xf32, #tpu.memory_space<vmem_shared>> -> memref<64x128xf32, #tpu.memory_space<vmem_shared>>
        tpu.enqueue_dma source(%arg13 : memref<64x128xf32, #tpu.memory_space<vmem>>) target(%dma_start3A_130 : memref<64x128xf32, #tpu.memory_space<vmem_shared>>) target_semaphore(%run_scoped3A_126 : memref<!tpu.dma_semaphore, #tpu.memory_space<semaphore_mem>>)
        %dma_wait3A_131 = arith.constant 0 : i32
        %dma_wait3A_132 = tpu.memref_slice %arg29[%add3A_125, %dma_wait3A_131] : memref<10240x128xf32, #tpu.memory_space<vmem_shared>> -> memref<64x128xf32, #tpu.memory_space<vmem_shared>>
        %dma_wait3A_133 = arith.constant 0 : i32
        %dma_wait3A_134 = tpu.memref_slice %arg29[%add3A_125, %dma_wait3A_133] : memref<10240x128xf32, #tpu.memory_space<vmem_shared>> -> memref<64x128xf32, #tpu.memory_space<vmem_shared>>
        tpu.wait_dma2 semaphore(%run_scoped3A_126 : memref<!tpu.dma_semaphore, #tpu.memory_space<semaphore_mem>>) src(%arg13 : memref<64x128xf32, #tpu.memory_space<vmem>>) dst(%dma_wait3A_134 : memref<64x128xf32, #tpu.memory_space<vmem_shared>>)
        tpu.yield
      }) : () -> ()
    }
    %scan3A_11 = arith.constant 10 : i32
    %scan3A_12 = arith.constant 0 : i32
    %scan3A_13 = arith.constant 5 : i32
    %scan3A_14 = arith.addi %scan3A_12, %scan3A_13 : i32
    %scan3A_15 = arith.constant 1 : i32
    scf.for %scan3A_120 = %scan3A_12 to %scan3A_14 step %scan3A_15  : i32 {
      %mul3A_121 = arith.constant 128 : i32
      %mul3A_122 = arith.muli %scan3A_120, %mul3A_121 : i32
      %add3A_123 = arith.constant 0 : i32
      %add3A_124 = arith.addi %add3A_123, %mul3A_122 : i32
      %add3A_125 = arith.addi %mul3A_2, %add3A_124 : i32
      %run_scoped3A_126 = arith.constant 0 : i32
      "tpu.region"() ({
        %run_scoped3A_127 = tpu.sem_alloc : memref<!tpu.dma_semaphore, #tpu.memory_space<semaphore_mem>>
        %dma_start3A_128 = arith.constant 0 : i32
        %dma_start3A_129 = tpu.memref_slice %arg13[%run_scoped3A_126, %dma_start3A_128] : memref<64x128xf32, #tpu.memory_space<vmem>> -> memref<1x128xf32, #tpu.memory_space<vmem>>
        %dma_start3A_130 = tpu.memref_squeeze %dma_start3A_129 : memref<1x128xf32, #tpu.memory_space<vmem>> -> memref<128xf32, #tpu.memory_space<vmem>>
        %dma_start3A_131 = tpu.memref_slice %arg30[%add3A_125] : memref<10240xf32, #tpu.memory_space<vmem_shared>> -> memref<128xf32, #tpu.memory_space<vmem_shared>>
        %dma_start3A_132 = tpu.memref_slice %arg30[%add3A_125] : memref<10240xf32, #tpu.memory_space<vmem_shared>> -> memref<128xf32, #tpu.memory_space<vmem_shared>>
        %dma_start3A_133 = arith.constant 0 : i32
        %dma_start3A_134 = tpu.memref_slice %arg13[%run_scoped3A_126, %dma_start3A_133] : memref<64x128xf32, #tpu.memory_space<vmem>> -> memref<1x128xf32, #tpu.memory_space<vmem>>
        %dma_start3A_135 = tpu.memref_squeeze %dma_start3A_134 : memref<1x128xf32, #tpu.memory_space<vmem>> -> memref<128xf32, #tpu.memory_space<vmem>>
        tpu.enqueue_dma source(%dma_start3A_135 : memref<128xf32, #tpu.memory_space<vmem>>) target(%dma_start3A_132 : memref<128xf32, #tpu.memory_space<vmem_shared>>) target_semaphore(%run_scoped3A_127 : memref<!tpu.dma_semaphore, #tpu.memory_space<semaphore_mem>>)
        %dma_wait3A_136 = arith.constant 0 : i32
        %dma_wait3A_137 = tpu.memref_slice %arg13[%run_scoped3A_126, %dma_wait3A_136] : memref<64x128xf32, #tpu.memory_space<vmem>> -> memref<1x128xf32, #tpu.memory_space<vmem>>
        %dma_wait3A_138 = tpu.memref_squeeze %dma_wait3A_137 : memref<1x128xf32, #tpu.memory_space<vmem>> -> memref<128xf32, #tpu.memory_space<vmem>>
        %dma_wait3A_139 = tpu.memref_slice %arg30[%add3A_125] : memref<10240xf32, #tpu.memory_space<vmem_shared>> -> memref<128xf32, #tpu.memory_space<vmem_shared>>
        %dma_wait3A_140 = tpu.memref_slice %arg30[%add3A_125] : memref<10240xf32, #tpu.memory_space<vmem_shared>> -> memref<128xf32, #tpu.memory_space<vmem_shared>>
        %dma_wait3A_141 = arith.constant 0 : i32
        %dma_wait3A_142 = tpu.memref_slice %arg13[%run_scoped3A_126, %dma_wait3A_141] : memref<64x128xf32, #tpu.memory_space<vmem>> -> memref<1x128xf32, #tpu.memory_space<vmem>>
        %dma_wait3A_143 = tpu.memref_squeeze %dma_wait3A_142 : memref<1x128xf32, #tpu.memory_space<vmem>> -> memref<128xf32, #tpu.memory_space<vmem>>
        tpu.wait_dma2 semaphore(%run_scoped3A_127 : memref<!tpu.dma_semaphore, #tpu.memory_space<semaphore_mem>>) src(%dma_wait3A_143 : memref<128xf32, #tpu.memory_space<vmem>>) dst(%dma_wait3A_140 : memref<128xf32, #tpu.memory_space<vmem_shared>>)
        tpu.yield
      }) : () -> ()
    }
    %scan3A_16 = arith.constant 5 : i32
    "tpu.region"() ({
      %run_scoped3A_120 = tpu.sem_alloc : memref<!tpu.dma_semaphore, #tpu.memory_space<semaphore_mem>>
      %dma_start3A_121 = arith.constant 0 : i32
      %dma_start3A_122 = arith.constant 0 : i32
      %dma_start3A_123 = tpu.memref_slice %arg12[%dma_start3A_121, %dma_start3A_122] : memref<160x128xf32, #tpu.memory_space<vmem>> -> memref<80x128xf32, #tpu.memory_space<vmem>>
      %dma_start3A_124 = arith.constant 0 : i32
      %dma_start3A_125 = arith.constant 0 : i32
      %dma_start3A_126 = tpu.memref_slice %arg12[%dma_start3A_124, %dma_start3A_125] : memref<160x128xf32, #tpu.memory_space<vmem>> -> memref<80x128xf32, #tpu.memory_space<vmem>>
      tpu.enqueue_dma source(%arg4 : memref<80x128xf32, #tpu.memory_space<hbm>>) target(%dma_start3A_126 : memref<80x128xf32, #tpu.memory_space<vmem>>) target_semaphore(%run_scoped3A_120 : memref<!tpu.dma_semaphore, #tpu.memory_space<semaphore_mem>>)
      %dma_wait3A_127 = arith.constant 0 : i32
      %dma_wait3A_128 = arith.constant 0 : i32
      %dma_wait3A_129 = tpu.memref_slice %arg12[%dma_wait3A_127, %dma_wait3A_128] : memref<160x128xf32, #tpu.memory_space<vmem>> -> memref<80x128xf32, #tpu.memory_space<vmem>>
      %dma_wait3A_130 = arith.constant 0 : i32
      %dma_wait3A_131 = arith.constant 0 : i32
      %dma_wait3A_132 = tpu.memref_slice %arg12[%dma_wait3A_130, %dma_wait3A_131] : memref<160x128xf32, #tpu.memory_space<vmem>> -> memref<80x128xf32, #tpu.memory_space<vmem>>
      tpu.wait_dma2 semaphore(%run_scoped3A_120 : memref<!tpu.dma_semaphore, #tpu.memory_space<semaphore_mem>>) src(%arg4 : memref<80x128xf32, #tpu.memory_space<hbm>>) dst(%dma_wait3A_132 : memref<80x128xf32, #tpu.memory_space<vmem>>)
      tpu.yield
    }) : () -> ()
    "tpu.region"() ({
      %run_scoped3A_120 = tpu.sem_alloc : memref<!tpu.dma_semaphore, #tpu.memory_space<semaphore_mem>>
      %dma_start3A_121 = arith.constant 80 : i32
      %dma_start3A_122 = arith.constant 0 : i32
      %dma_start3A_123 = tpu.memref_slice %arg12[%dma_start3A_121, %dma_start3A_122] : memref<160x128xf32, #tpu.memory_space<vmem>> -> memref<80x128xf32, #tpu.memory_space<vmem>>
      %dma_start3A_124 = arith.constant 80 : i32
      %dma_start3A_125 = arith.constant 0 : i32
      %dma_start3A_126 = tpu.memref_slice %arg12[%dma_start3A_124, %dma_start3A_125] : memref<160x128xf32, #tpu.memory_space<vmem>> -> memref<80x128xf32, #tpu.memory_space<vmem>>
      tpu.enqueue_dma source(%arg5 : memref<80x128xf32, #tpu.memory_space<hbm>>) target(%dma_start3A_126 : memref<80x128xf32, #tpu.memory_space<vmem>>) target_semaphore(%run_scoped3A_120 : memref<!tpu.dma_semaphore, #tpu.memory_space<semaphore_mem>>)
      %dma_wait3A_127 = arith.constant 80 : i32
      %dma_wait3A_128 = arith.constant 0 : i32
      %dma_wait3A_129 = tpu.memref_slice %arg12[%dma_wait3A_127, %dma_wait3A_128] : memref<160x128xf32, #tpu.memory_space<vmem>> -> memref<80x128xf32, #tpu.memory_space<vmem>>
      %dma_wait3A_130 = arith.constant 80 : i32
      %dma_wait3A_131 = arith.constant 0 : i32
      %dma_wait3A_132 = tpu.memref_slice %arg12[%dma_wait3A_130, %dma_wait3A_131] : memref<160x128xf32, #tpu.memory_space<vmem>> -> memref<80x128xf32, #tpu.memory_space<vmem>>
      tpu.wait_dma2 semaphore(%run_scoped3A_120 : memref<!tpu.dma_semaphore, #tpu.memory_space<semaphore_mem>>) src(%arg5 : memref<80x128xf32, #tpu.memory_space<hbm>>) dst(%dma_wait3A_132 : memref<80x128xf32, #tpu.memory_space<vmem>>)
      tpu.yield
    }) : () -> ()
    %barrier3A = arith.constant 0 : index
    tpu.barrier barrier_id(%barrier3A)
    %run_scoped3A = arith.constant 0 : i32
    "tpu.region"() ({
      %run_scoped3A_120 = tpu.sem_alloc : memref<!tpu.dma_semaphore, #tpu.memory_space<semaphore_mem>>
      %dma_start3A_121 = arith.constant 0 : i32
      %dma_start3A_122 = tpu.memref_slice %arg3[%add3A, %run_scoped3A, %dma_start3A_121] : memref<32x162x64xi32, #tpu.memory_space<hbm>> -> memref<1x1x64xi32, #tpu.memory_space<hbm>>
      %dma_start3A_123 = tpu.memref_squeeze %dma_start3A_122 : memref<1x1x64xi32, #tpu.memory_space<hbm>> -> memref<64xi32, #tpu.memory_space<hbm>>
      %dma_start3A_124 = arith.constant 0 : i32
      %dma_start3A_125 = tpu.memref_slice %arg3[%add3A, %run_scoped3A, %dma_start3A_124] : memref<32x162x64xi32, #tpu.memory_space<hbm>> -> memref<1x1x64xi32, #tpu.memory_space<hbm>>
      %dma_start3A_126 = tpu.memref_squeeze %dma_start3A_125 : memref<1x1x64xi32, #tpu.memory_space<hbm>> -> memref<64xi32, #tpu.memory_space<hbm>>
      tpu.enqueue_dma source(%dma_start3A_126 : memref<64xi32, #tpu.memory_space<hbm>>) target(%arg8 : memref<64xi32, #tpu.memory_space<vmem>>) target_semaphore(%run_scoped3A_120 : memref<!tpu.dma_semaphore, #tpu.memory_space<semaphore_mem>>)
      %dma_wait3A_127 = arith.constant 0 : i32
      %dma_wait3A_128 = tpu.memref_slice %arg3[%add3A, %run_scoped3A, %dma_wait3A_127] : memref<32x162x64xi32, #tpu.memory_space<hbm>> -> memref<1x1x64xi32, #tpu.memory_space<hbm>>
      %dma_wait3A_129 = tpu.memref_squeeze %dma_wait3A_128 : memref<1x1x64xi32, #tpu.memory_space<hbm>> -> memref<64xi32, #tpu.memory_space<hbm>>
      %dma_wait3A_130 = arith.constant 0 : i32
      %dma_wait3A_131 = tpu.memref_slice %arg3[%add3A, %run_scoped3A, %dma_wait3A_130] : memref<32x162x64xi32, #tpu.memory_space<hbm>> -> memref<1x1x64xi32, #tpu.memory_space<hbm>>
      %dma_wait3A_132 = tpu.memref_squeeze %dma_wait3A_131 : memref<1x1x64xi32, #tpu.memory_space<hbm>> -> memref<64xi32, #tpu.memory_space<hbm>>
      tpu.wait_dma2 semaphore(%run_scoped3A_120 : memref<!tpu.dma_semaphore, #tpu.memory_space<semaphore_mem>>) src(%dma_wait3A_132 : memref<64xi32, #tpu.memory_space<hbm>>) dst(%arg8 : memref<64xi32, #tpu.memory_space<vmem>>)
      tpu.yield
    }) : () -> ()
    %run_scoped3A_17 = arith.constant 1 : i32
    "tpu.region"() ({
      %run_scoped3A_120 = tpu.sem_alloc : memref<!tpu.dma_semaphore, #tpu.memory_space<semaphore_mem>>
      %dma_start3A_121 = arith.constant 0 : i32
      %dma_start3A_122 = tpu.memref_slice %arg3[%add3A, %run_scoped3A_17, %dma_start3A_121] : memref<32x162x64xi32, #tpu.memory_space<hbm>> -> memref<1x1x64xi32, #tpu.memory_space<hbm>>
      %dma_start3A_123 = tpu.memref_squeeze %dma_start3A_122 : memref<1x1x64xi32, #tpu.memory_space<hbm>> -> memref<64xi32, #tpu.memory_space<hbm>>
      %dma_start3A_124 = arith.constant 0 : i32
      %dma_start3A_125 = tpu.memref_slice %arg3[%add3A, %run_scoped3A_17, %dma_start3A_124] : memref<32x162x64xi32, #tpu.memory_space<hbm>> -> memref<1x1x64xi32, #tpu.memory_space<hbm>>
      %dma_start3A_126 = tpu.memref_squeeze %dma_start3A_125 : memref<1x1x64xi32, #tpu.memory_space<hbm>> -> memref<64xi32, #tpu.memory_space<hbm>>
      tpu.enqueue_dma source(%dma_start3A_126 : memref<64xi32, #tpu.memory_space<hbm>>) target(%arg9 : memref<64xi32, #tpu.memory_space<vmem>>) target_semaphore(%run_scoped3A_120 : memref<!tpu.dma_semaphore, #tpu.memory_space<semaphore_mem>>)
      %dma_wait3A_127 = arith.constant 0 : i32
      %dma_wait3A_128 = tpu.memref_slice %arg3[%add3A, %run_scoped3A_17, %dma_wait3A_127] : memref<32x162x64xi32, #tpu.memory_space<hbm>> -> memref<1x1x64xi32, #tpu.memory_space<hbm>>
      %dma_wait3A_129 = tpu.memref_squeeze %dma_wait3A_128 : memref<1x1x64xi32, #tpu.memory_space<hbm>> -> memref<64xi32, #tpu.memory_space<hbm>>
      %dma_wait3A_130 = arith.constant 0 : i32
      %dma_wait3A_131 = tpu.memref_slice %arg3[%add3A, %run_scoped3A_17, %dma_wait3A_130] : memref<32x162x64xi32, #tpu.memory_space<hbm>> -> memref<1x1x64xi32, #tpu.memory_space<hbm>>
      %dma_wait3A_132 = tpu.memref_squeeze %dma_wait3A_131 : memref<1x1x64xi32, #tpu.memory_space<hbm>> -> memref<64xi32, #tpu.memory_space<hbm>>
      tpu.wait_dma2 semaphore(%run_scoped3A_120 : memref<!tpu.dma_semaphore, #tpu.memory_space<semaphore_mem>>) src(%dma_wait3A_132 : memref<64xi32, #tpu.memory_space<hbm>>) dst(%arg9 : memref<64xi32, #tpu.memory_space<vmem>>)
      tpu.yield
    }) : () -> ()
    %scan3A_18 = arith.constant 0 : i32
    %scan3A_19 = arith.constant 4 : i32
    %scan3A_20 = arith.addi %scan3A_18, %scan3A_19 : i32
    %scan3A_21 = arith.constant 1 : i32
    scf.for %scan3A_120 = %scan3A_18 to %scan3A_20 step %scan3A_21  : i32 {
      %mul3A_121 = arith.constant 16 : i32
      %mul3A_122 = arith.muli %scan3A_120, %mul3A_121 : i32
      %add3A_123 = arith.constant 0 : i32
      %add3A_124 = arith.addi %add3A_123, %mul3A_122 : i32
      %get3A = arith.index_cast %add3A_124 : i32 to index
      %get3A_125 = tpu.vector_load %arg8[%get3A] {strides = array<i32>} : memref<64xi32, #tpu.memory_space<vmem>>, vector<16xi32>,
      %and3A = arith.constant 16383 : i32
      %and3A_126 = vector.broadcast %and3A : i32 to vector<16xi32>
      %and3A_127 = arith.andi %get3A_125, %and3A_126 : vector<16xi32>
      %swap3A = arith.index_cast %add3A_124 : i32 to index
      %swap3A_128 = tpu.vector_load %arg17[%swap3A] {strides = array<i32>} : memref<64xi32, #tpu.memory_space<vmem>>, vector<16xi32>,
      tpu.vector_store %arg17[%swap3A], %and3A_127 {strides = array<i32>} : memref<64xi32, #tpu.memory_space<vmem>>, vector<16xi32>,
      %shift_right_logical3A = arith.constant 14 : i32
      %shift_right_logical3A_129 = vector.broadcast %shift_right_logical3A : i32 to vector<16xi32>
      %shift_right_logical3A_130 = arith.shrui %get3A_125, %shift_right_logical3A_129 : vector<16xi32>
      %swap3A_131 = arith.index_cast %add3A_124 : i32 to index
      %swap3A_132 = tpu.vector_load %arg19[%swap3A_131] {strides = array<i32>} : memref<64xi32, #tpu.memory_space<vmem>>, vector<16xi32>,
      tpu.vector_store %arg19[%swap3A_131], %shift_right_logical3A_130 {strides = array<i32>} : memref<64xi32, #tpu.memory_space<vmem>>, vector<16xi32>,
    }
    %scan3A_22 = arith.constant 4 : i32
    %min3A = arith.constant 2 : i32
    %min3A_23 = arith.constant 161 : i32
    %min3A_24 = arith.minsi %min3A, %min3A_23 : i32
    %dma_start3A = arith.constant 0 : i32
    %dma_start3A_25 = tpu.memref_slice %arg3[%add3A, %min3A_24, %dma_start3A] : memref<32x162x64xi32, #tpu.memory_space<hbm>> -> memref<1x1x64xi32, #tpu.memory_space<hbm>>
    %dma_start3A_26 = tpu.memref_squeeze %dma_start3A_25 : memref<1x1x64xi32, #tpu.memory_space<hbm>> -> memref<64xi32, #tpu.memory_space<hbm>>
    %dma_start3A_27 = arith.constant 0 : i32
    %dma_start3A_28 = tpu.memref_slice %arg3[%add3A, %min3A_24, %dma_start3A_27] : memref<32x162x64xi32, #tpu.memory_space<hbm>> -> memref<1x1x64xi32, #tpu.memory_space<hbm>>
    %dma_start3A_29 = tpu.memref_squeeze %dma_start3A_28 : memref<1x1x64xi32, #tpu.memory_space<hbm>> -> memref<64xi32, #tpu.memory_space<hbm>>
    tpu.enqueue_dma source(%dma_start3A_29 : memref<64xi32, #tpu.memory_space<hbm>>) target(%arg8 : memref<64xi32, #tpu.memory_space<vmem>>) target_semaphore(%arg10 : memref<!tpu.dma_semaphore, #tpu.memory_space<semaphore_mem>>)
    %scan3A_30 = arith.constant 0 : i32
    %scan3A_31 = arith.constant 4 : i32
    %scan3A_32 = arith.addi %scan3A_30, %scan3A_31 : i32
    %scan3A_33 = arith.constant 1 : i32
    scf.for %scan3A_120 = %scan3A_30 to %scan3A_32 step %scan3A_33  : i32 {
      %mul3A_121 = arith.constant 16 : i32
      %mul3A_122 = arith.muli %scan3A_120, %mul3A_121 : i32
      %add3A_123 = arith.constant 0 : i32
      %add3A_124 = arith.addi %add3A_123, %mul3A_122 : i32
      %get3A = arith.index_cast %add3A_124 : i32 to index
      %get3A_125 = tpu.vector_load %arg17[%get3A] {strides = array<i32>} : memref<64xi32, #tpu.memory_space<vmem>>, vector<16xi32>,
      %get3A_126 = arith.index_cast %add3A_124 : i32 to index
      %get3A_127 = tpu.vector_load %arg19[%get3A_126] {strides = array<i32>} : memref<64xi32, #tpu.memory_space<vmem>>, vector<16xi32>,
      %shift_right_logical3A = arith.constant 7 : i32
      %shift_right_logical3A_128 = vector.broadcast %shift_right_logical3A : i32 to vector<16xi32>
      %shift_right_logical3A_129 = arith.shrui %get3A_125, %shift_right_logical3A_128 : vector<16xi32>
      %and3A = arith.constant 127 : i32
      %and3A_130 = vector.broadcast %and3A : i32 to vector<16xi32>
      %and3A_131 = arith.andi %get3A_125, %and3A_130 : vector<16xi32>
      %gather3A = tpu.vector_load_idx %arg12[%shift_right_logical3A_129, %and3A_131] : memref<160x128xf32, #tpu.memory_space<vmem>>[vector<16xi32>, vector<16xi32>], vector<16xf32>,
      %shift_right_logical3A_132 = arith.constant 7 : i32
      %shift_right_logical3A_133 = vector.broadcast %shift_right_logical3A_132 : i32 to vector<16xi32>
      %shift_right_logical3A_134 = arith.shrui %get3A_127, %shift_right_logical3A_133 : vector<16xi32>
      %add3A_135 = arith.constant 80 : i32
      %add3A_136 = vector.broadcast %add3A_135 : i32 to vector<16xi32>
      %add3A_137 = arith.addi %add3A_136, %shift_right_logical3A_134 : vector<16xi32>
      %and3A_138 = arith.constant 127 : i32
      %and3A_139 = vector.broadcast %and3A_138 : i32 to vector<16xi32>
      %and3A_140 = arith.andi %get3A_127, %and3A_139 : vector<16xi32>
      %gather3A_141 = tpu.vector_load_idx %arg12[%add3A_137, %and3A_140] : memref<160x128xf32, #tpu.memory_space<vmem>>[vector<16xi32>, vector<16xi32>], vector<16xf32>,
      %add3A_142 = arith.addf %gather3A, %gather3A_141 : vector<16xf32>
      %mul3A_143 = arith.constant 2.000000e-01 : f32
      %mul3A_144 = vector.broadcast %mul3A_143 : f32 to vector<16xf32>
      %mul3A_145 = arith.mulf %mul3A_144, %add3A_142 : vector<16xf32>
      %max3A = arith.maximumf %add3A_142, %mul3A_145 : vector<16xf32>
      %exp3A = math.exp %max3A : vector<16xf32>
      %swap3A = arith.index_cast %add3A_124 : i32 to index
      %swap3A_146 = tpu.vector_load %arg15[%swap3A] {strides = array<i32>} : memref<64xf32, #tpu.memory_space<vmem>>, vector<16xf32>,
      tpu.vector_store %arg15[%swap3A], %exp3A {strides = array<i32>} : memref<64xf32, #tpu.memory_space<vmem>>, vector<16xf32>,
    }
    %scan3A_34 = arith.constant 4 : i32
    %dma_start3A_35 = arith.constant 0 : i32
    %dma_start3A_36 = tpu.memref_slice %arg30[%dma_start3A_35] : memref<10240xf32, #tpu.memory_space<vmem_shared>> -> memref<10240xf32, #tpu.memory_space<vmem_shared>>
    tpu.enqueue_indirect_dma source(%arg15 : memref<64xf32, #tpu.memory_space<vmem>>) target(%dma_start3A_36 : memref<10240xf32, #tpu.memory_space<vmem_shared>>) offsets(%arg19 : memref<64xi32, #tpu.memory_space<vmem>>) semaphore(%arg27 : memref<!tpu.dma_semaphore, #tpu.memory_space<semaphore_mem>>) {add = true}
    %dma_start3A_37 = arith.constant 0 : i32
    %dma_start3A_38 = arith.constant 0 : i32
    %dma_start3A_39 = tpu.memref_slice %arg2[%dma_start3A_37, %dma_start3A_38] : memref<10240x128xf32, #tpu.memory_space<hbm>> -> memref<10240x128xf32, #tpu.memory_space<hbm>>
    tpu.enqueue_indirect_dma source(%dma_start3A_39 : memref<10240x128xf32, #tpu.memory_space<hbm>>) target(%arg13 : memref<64x128xf32, #tpu.memory_space<vmem>>) offsets(%arg17 : memref<64xi32, #tpu.memory_space<vmem>>) semaphore(%arg23 : memref<!tpu.dma_semaphore, #tpu.memory_space<semaphore_mem>>)
    %scan3A_40 = arith.constant 0 : i32
    %scan3A_41 = arith.constant 4 : i32
    %scan3A_42 = arith.addi %scan3A_40, %scan3A_41 : i32
    %scan3A_43 = arith.constant 1 : i32
    scf.for %scan3A_120 = %scan3A_40 to %scan3A_42 step %scan3A_43  : i32 {
      %mul3A_121 = arith.constant 16 : i32
      %mul3A_122 = arith.muli %scan3A_120, %mul3A_121 : i32
      %add3A_123 = arith.constant 0 : i32
      %add3A_124 = arith.addi %add3A_123, %mul3A_122 : i32
      %get3A = arith.index_cast %add3A_124 : i32 to index
      %get3A_125 = tpu.vector_load %arg9[%get3A] {strides = array<i32>} : memref<64xi32, #tpu.memory_space<vmem>>, vector<16xi32>,
      %and3A = arith.constant 16383 : i32
      %and3A_126 = vector.broadcast %and3A : i32 to vector<16xi32>
      %and3A_127 = arith.andi %get3A_125, %and3A_126 : vector<16xi32>
      %swap3A = arith.index_cast %add3A_124 : i32 to index
      %swap3A_128 = tpu.vector_load %arg18[%swap3A] {strides = array<i32>} : memref<64xi32, #tpu.memory_space<vmem>>, vector<16xi32>,
      tpu.vector_store %arg18[%swap3A], %and3A_127 {strides = array<i32>} : memref<64xi32, #tpu.memory_space<vmem>>, vector<16xi32>,
      %shift_right_logical3A = arith.constant 14 : i32
      %shift_right_logical3A_129 = vector.broadcast %shift_right_logical3A : i32 to vector<16xi32>
      %shift_right_logical3A_130 = arith.shrui %get3A_125, %shift_right_logical3A_129 : vector<16xi32>
      %swap3A_131 = arith.index_cast %add3A_124 : i32 to index
      %swap3A_132 = tpu.vector_load %arg20[%swap3A_131] {strides = array<i32>} : memref<64xi32, #tpu.memory_space<vmem>>, vector<16xi32>,
      tpu.vector_store %arg20[%swap3A_131], %shift_right_logical3A_130 {strides = array<i32>} : memref<64xi32, #tpu.memory_space<vmem>>, vector<16xi32>,
    }
    %scan3A_44 = arith.constant 4 : i32
    %min3A_45 = arith.constant 3 : i32
    %min3A_46 = arith.constant 161 : i32
    %min3A_47 = arith.minsi %min3A_45, %min3A_46 : i32
    %dma_start3A_48 = arith.constant 0 : i32
    %dma_start3A_49 = tpu.memref_slice %arg3[%add3A, %min3A_47, %dma_start3A_48] : memref<32x162x64xi32, #tpu.memory_space<hbm>> -> memref<1x1x64xi32, #tpu.memory_space<hbm>>
    %dma_start3A_50 = tpu.memref_squeeze %dma_start3A_49 : memref<1x1x64xi32, #tpu.memory_space<hbm>> -> memref<64xi32, #tpu.memory_space<hbm>>
    %dma_start3A_51 = arith.constant 0 : i32
    %dma_start3A_52 = tpu.memref_slice %arg3[%add3A, %min3A_47, %dma_start3A_51] : memref<32x162x64xi32, #tpu.memory_space<hbm>> -> memref<1x1x64xi32, #tpu.memory_space<hbm>>
    %dma_start3A_53 = tpu.memref_squeeze %dma_start3A_52 : memref<1x1x64xi32, #tpu.memory_space<hbm>> -> memref<64xi32, #tpu.memory_space<hbm>>
    tpu.enqueue_dma source(%dma_start3A_53 : memref<64xi32, #tpu.memory_space<hbm>>) target(%arg9 : memref<64xi32, #tpu.memory_space<vmem>>) target_semaphore(%arg11 : memref<!tpu.dma_semaphore, #tpu.memory_space<semaphore_mem>>)
    %scan3A_54 = arith.constant 0 : i32
    %scan3A_55 = arith.constant 4 : i32
    %scan3A_56 = arith.addi %scan3A_54, %scan3A_55 : i32
    %scan3A_57 = arith.constant 1 : i32
    scf.for %scan3A_120 = %scan3A_54 to %scan3A_56 step %scan3A_57  : i32 {
      %mul3A_121 = arith.constant 16 : i32
      %mul3A_122 = arith.muli %scan3A_120, %mul3A_121 : i32
      %add3A_123 = arith.constant 0 : i32
      %add3A_124 = arith.addi %add3A_123, %mul3A_122 : i32
      %get3A = arith.index_cast %add3A_124 : i32 to index
      %get3A_125 = tpu.vector_load %arg18[%get3A] {strides = array<i32>} : memref<64xi32, #tpu.memory_space<vmem>>, vector<16xi32>,
      %get3A_126 = arith.index_cast %add3A_124 : i32 to index
      %get3A_127 = tpu.vector_load %arg20[%get3A_126] {strides = array<i32>} : memref<64xi32, #tpu.memory_space<vmem>>, vector<16xi32>,
      %shift_right_logical3A = arith.constant 7 : i32
      %shift_right_logical3A_128 = vector.broadcast %shift_right_logical3A : i32 to vector<16xi32>
      %shift_right_logical3A_129 = arith.shrui %get3A_125, %shift_right_logical3A_128 : vector<16xi32>
      %and3A = arith.constant 127 : i32
      %and3A_130 = vector.broadcast %and3A : i32 to vector<16xi32>
      %and3A_131 = arith.andi %get3A_125, %and3A_130 : vector<16xi32>
      %gather3A = tpu.vector_load_idx %arg12[%shift_right_logical3A_129, %and3A_131] : memref<160x128xf32, #tpu.memory_space<vmem>>[vector<16xi32>, vector<16xi32>], vector<16xf32>,
      %shift_right_logical3A_132 = arith.constant 7 : i32
      %shift_right_logical3A_133 = vector.broadcast %shift_right_logical3A_132 : i32 to vector<16xi32>
      %shift_right_logical3A_134 = arith.shrui %get3A_127, %shift_right_logical3A_133 : vector<16xi32>
      %add3A_135 = arith.constant 80 : i32
      %add3A_136 = vector.broadcast %add3A_135 : i32 to vector<16xi32>
      %add3A_137 = arith.addi %add3A_136, %shift_right_logical3A_134 : vector<16xi32>
      %and3A_138 = arith.constant 127 : i32
      %and3A_139 = vector.broadcast %and3A_138 : i32 to vector<16xi32>
      %and3A_140 = arith.andi %get3A_127, %and3A_139 : vector<16xi32>
      %gather3A_141 = tpu.vector_load_idx %arg12[%add3A_137, %and3A_140] : memref<160x128xf32, #tpu.memory_space<vmem>>[vector<16xi32>, vector<16xi32>], vector<16xf32>,
      %add3A_142 = arith.addf %gather3A, %gather3A_141 : vector<16xf32>
      %mul3A_143 = arith.constant 2.000000e-01 : f32
      %mul3A_144 = vector.broadcast %mul3A_143 : f32 to vector<16xf32>
      %mul3A_145 = arith.mulf %mul3A_144, %add3A_142 : vector<16xf32>
      %max3A = arith.maximumf %add3A_142, %mul3A_145 : vector<16xf32>
      %exp3A = math.exp %max3A : vector<16xf32>
      %swap3A = arith.index_cast %add3A_124 : i32 to index
      %swap3A_146 = tpu.vector_load %arg16[%swap3A] {strides = array<i32>} : memref<64xf32, #tpu.memory_space<vmem>>, vector<16xf32>,
      tpu.vector_store %arg16[%swap3A], %exp3A {strides = array<i32>} : memref<64xf32, #tpu.memory_space<vmem>>, vector<16xf32>,
    }
    %scan3A_58 = arith.constant 4 : i32
    %dma_start3A_59 = arith.constant 0 : i32
    %dma_start3A_60 = tpu.memref_slice %arg30[%dma_start3A_59] : memref<10240xf32, #tpu.memory_space<vmem_shared>> -> memref<10240xf32, #tpu.memory_space<vmem_shared>>
    tpu.enqueue_indirect_dma source(%arg16 : memref<64xf32, #tpu.memory_space<vmem>>) target(%dma_start3A_60 : memref<10240xf32, #tpu.memory_space<vmem_shared>>) offsets(%arg20 : memref<64xi32, #tpu.memory_space<vmem>>) semaphore(%arg28 : memref<!tpu.dma_semaphore, #tpu.memory_space<semaphore_mem>>) {add = true}
    %dma_start3A_61 = arith.constant 0 : i32
    %dma_start3A_62 = arith.constant 0 : i32
    %dma_start3A_63 = tpu.memref_slice %arg2[%dma_start3A_61, %dma_start3A_62] : memref<10240x128xf32, #tpu.memory_space<hbm>> -> memref<10240x128xf32, #tpu.memory_space<hbm>>
    tpu.enqueue_indirect_dma source(%dma_start3A_63 : memref<10240x128xf32, #tpu.memory_space<hbm>>) target(%arg14 : memref<64x128xf32, #tpu.memory_space<vmem>>) offsets(%arg18 : memref<64xi32, #tpu.memory_space<vmem>>) semaphore(%arg24 : memref<!tpu.dma_semaphore, #tpu.memory_space<semaphore_mem>>)
    %scan3A_64 = arith.constant 0 : i32
    %scan3A_65 = arith.constant 80 : i32
    %scan3A_66 = arith.addi %scan3A_64, %scan3A_65 : i32
    %scan3A_67 = arith.constant 1 : i32
    scf.for %scan3A_120 = %scan3A_64 to %scan3A_66 step %scan3A_67  : i32 {
      %mul3A_121 = arith.constant 1 : i32
      %mul3A_122 = arith.muli %scan3A_120, %mul3A_121 : i32
      %add3A_123 = arith.constant 0 : i32
      %add3A_124 = arith.addi %add3A_123, %mul3A_122 : i32
      %dma_wait3A_125 = arith.constant 0 : i32
      %dma_wait3A_126 = arith.constant 0 : i32
      %dma_wait3A_127 = tpu.memref_slice %arg2[%dma_wait3A_125, %dma_wait3A_126] : memref<10240x128xf32, #tpu.memory_space<hbm>> -> memref<10240x128xf32, #tpu.memory_space<hbm>>
      tpu.wait_indirect_dma semaphore(%arg23 : memref<!tpu.dma_semaphore, #tpu.memory_space<semaphore_mem>>) src(%dma_wait3A_127 : memref<10240x128xf32, #tpu.memory_space<hbm>>) dst(%arg13 : memref<64x128xf32, #tpu.memory_space<vmem>>)
      %parallel_loop3A_128 = arith.constant 0 : i32
      %parallel_loop3A_129 = arith.constant 64 : i32
      %parallel_loop3A_130 = arith.constant 1 : i32
      scf.for %parallel_loop3A_233 = %parallel_loop3A_128 to %parallel_loop3A_129 step %parallel_loop3A_130  : i32 {
        %parallel_loop3A_234 = arith.constant 16 : i32
        %parallel_loop3A_235 = arith.divsi %parallel_loop3A_233, %parallel_loop3A_234 : i32
        %parallel_loop3A_236 = arith.constant 0 : i32
        %parallel_loop3A_237 = arith.cmpi sgt, %parallel_loop3A_233, %parallel_loop3A_236 : i32
        %parallel_loop3A_238 = arith.extui %parallel_loop3A_237 : i1 to i32
        %parallel_loop3A_239 = arith.constant 0 : i32
        %parallel_loop3A_240 = arith.cmpi slt, %parallel_loop3A_233, %parallel_loop3A_239 : i32
        %parallel_loop3A_241 = arith.extui %parallel_loop3A_240 : i1 to i32
        %parallel_loop3A_242 = arith.subi %parallel_loop3A_238, %parallel_loop3A_241 : i32
        %parallel_loop3A_243 = arith.constant 0 : i32
        %parallel_loop3A_244 = arith.cmpi sgt, %parallel_loop3A_234, %parallel_loop3A_243 : i32
        %parallel_loop3A_245 = arith.extui %parallel_loop3A_244 : i1 to i32
        %parallel_loop3A_246 = arith.constant 0 : i32
        %parallel_loop3A_247 = arith.cmpi slt, %parallel_loop3A_234, %parallel_loop3A_246 : i32
        %parallel_loop3A_248 = arith.extui %parallel_loop3A_247 : i1 to i32
        %parallel_loop3A_249 = arith.subi %parallel_loop3A_245, %parallel_loop3A_248 : i32
        %parallel_loop3A_250 = arith.cmpi ne, %parallel_loop3A_242, %parallel_loop3A_249 : i32
        %parallel_loop3A_251 = arith.remsi %parallel_loop3A_233, %parallel_loop3A_234 : i32
        %parallel_loop3A_252 = arith.constant 0 : i32
        %parallel_loop3A_253 = arith.cmpi ne, %parallel_loop3A_251, %parallel_loop3A_252 : i32
        %parallel_loop3A_254 = arith.andi %parallel_loop3A_250, %parallel_loop3A_253 : i1
        %parallel_loop3A_255 = arith.constant 1 : i32
        %parallel_loop3A_256 = arith.subi %parallel_loop3A_235, %parallel_loop3A_255 : i32
        %parallel_loop3A_257 = arith.select %parallel_loop3A_254, %parallel_loop3A_256, %parallel_loop3A_235 : i32
        %parallel_loop3A_258 = arith.constant 16 : i32
        %parallel_loop3A_259 = arith.muli %parallel_loop3A_257, %parallel_loop3A_258 : i32
        %parallel_loop3A_260 = arith.index_cast %parallel_loop3A_259 : i32 to index
        %parallel_loop3A_261 = tpu.vector_load %arg15[%parallel_loop3A_260] {strides = array<i32>} : memref<64xf32, #tpu.memory_space<vmem>>, vector<16xf32>,
        %parallel_loop3A_262 = arith.subi %parallel_loop3A_233, %parallel_loop3A_259 : i32
        %parallel_loop3A_263 = vector.broadcast %parallel_loop3A_262 : i32 to vector<16x1xi32>
        %parallel_loop3A_264 = vector.shape_cast %parallel_loop3A_263 : vector<16x1xi32> to vector<16xi32>
        %parallel_loop3A_265 = tpu.dynamic_gather %parallel_loop3A_261[%parallel_loop3A_264] in [0] : vector<16xf32>, vector<16xi32> -> vector<16xf32>
        %parallel_loop3A_266 = arith.index_cast %parallel_loop3A_233 : i32 to index
        %parallel_loop3A_267 = arith.constant 0 : index
        %parallel_loop3A_268 = tpu.vector_load %arg13[%parallel_loop3A_266, %parallel_loop3A_267] {strides = array<i32>} : memref<64x128xf32, #tpu.memory_space<vmem>>, vector<16xf32>,
        %parallel_loop3A_269 = arith.mulf %parallel_loop3A_268, %parallel_loop3A_265 : vector<16xf32>
        %parallel_loop3A_270 = arith.index_cast %parallel_loop3A_233 : i32 to index
        %parallel_loop3A_271 = arith.constant 0 : index
        %parallel_loop3A_272 = tpu.vector_load %arg13[%parallel_loop3A_270, %parallel_loop3A_271] {strides = array<i32>} : memref<64x128xf32, #tpu.memory_space<vmem>>, vector<16xf32>,
        tpu.vector_store %arg13[%parallel_loop3A_270, %parallel_loop3A_271], %parallel_loop3A_269 {strides = array<i32>} : memref<64x128xf32, #tpu.memory_space<vmem>>, vector<16xf32>,
        %parallel_loop3A_273 = arith.index_cast %parallel_loop3A_233 : i32 to index
        %parallel_loop3A_274 = arith.constant 16 : index
        %parallel_loop3A_275 = tpu.vector_load %arg13[%parallel_loop3A_273, %parallel_loop3A_274] {strides = array<i32>} : memref<64x128xf32, #tpu.memory_space<vmem>>, vector<16xf32>,
        %parallel_loop3A_276 = arith.mulf %parallel_loop3A_275, %parallel_loop3A_265 : vector<16xf32>
        %parallel_loop3A_277 = arith.index_cast %parallel_loop3A_233 : i32 to index
        %parallel_loop3A_278 = arith.constant 16 : index
        %parallel_loop3A_279 = tpu.vector_load %arg13[%parallel_loop3A_277, %parallel_loop3A_278] {strides = array<i32>} : memref<64x128xf32, #tpu.memory_space<vmem>>, vector<16xf32>,
        tpu.vector_store %arg13[%parallel_loop3A_277, %parallel_loop3A_278], %parallel_loop3A_276 {strides = array<i32>} : memref<64x128xf32, #tpu.memory_space<vmem>>, vector<16xf32>,
        %parallel_loop3A_280 = arith.index_cast %parallel_loop3A_233 : i32 to index
        %parallel_loop3A_281 = arith.constant 32 : index
        %parallel_loop3A_282 = tpu.vector_load %arg13[%parallel_loop3A_280, %parallel_loop3A_281] {strides = array<i32>} : memref<64x128xf32, #tpu.memory_space<vmem>>, vector<16xf32>,
        %parallel_loop3A_283 = arith.mulf %parallel_loop3A_282, %parallel_loop3A_265 : vector<16xf32>
        %parallel_loop3A_284 = arith.index_cast %parallel_loop3A_233 : i32 to index
        %parallel_loop3A_285 = arith.constant 32 : index
        %parallel_loop3A_286 = tpu.vector_load %arg13[%parallel_loop3A_284, %parallel_loop3A_285] {strides = array<i32>} : memref<64x128xf32, #tpu.memory_space<vmem>>, vector<16xf32>,
        tpu.vector_store %arg13[%parallel_loop3A_284, %parallel_loop3A_285], %parallel_loop3A_283 {strides = array<i32>} : memref<64x128xf32, #tpu.memory_space<vmem>>, vector<16xf32>,
        %parallel_loop3A_287 = arith.index_cast %parallel_loop3A_233 : i32 to index
        %parallel_loop3A_288 = arith.constant 48 : index
        %parallel_loop3A_289 = tpu.vector_load %arg13[%parallel_loop3A_287, %parallel_loop3A_288] {strides = array<i32>} : memref<64x128xf32, #tpu.memory_space<vmem>>, vector<16xf32>,
        %parallel_loop3A_290 = arith.mulf %parallel_loop3A_289, %parallel_loop3A_265 : vector<16xf32>
        %parallel_loop3A_291 = arith.index_cast %parallel_loop3A_233 : i32 to index
        %parallel_loop3A_292 = arith.constant 48 : index
        %parallel_loop3A_293 = tpu.vector_load %arg13[%parallel_loop3A_291, %parallel_loop3A_292] {strides = array<i32>} : memref<64x128xf32, #tpu.memory_space<vmem>>, vector<16xf32>,
        tpu.vector_store %arg13[%parallel_loop3A_291, %parallel_loop3A_292], %parallel_loop3A_290 {strides = array<i32>} : memref<64x128xf32, #tpu.memory_space<vmem>>, vector<16xf32>,
        %parallel_loop3A_294 = arith.index_cast %parallel_loop3A_233 : i32 to index
        %parallel_loop3A_295 = arith.constant 64 : index
        %parallel_loop3A_296 = tpu.vector_load %arg13[%parallel_loop3A_294, %parallel_loop3A_295] {strides = array<i32>} : memref<64x128xf32, #tpu.memory_space<vmem>>, vector<16xf32>,
        %parallel_loop3A_297 = arith.mulf %parallel_loop3A_296, %parallel_loop3A_265 : vector<16xf32>
        %parallel_loop3A_298 = arith.index_cast %parallel_loop3A_233 : i32 to index
        %parallel_loop3A_299 = arith.constant 64 : index
        %parallel_loop3A_300 = tpu.vector_load %arg13[%parallel_loop3A_298, %parallel_loop3A_299] {strides = array<i32>} : memref<64x128xf32, #tpu.memory_space<vmem>>, vector<16xf32>,
        tpu.vector_store %arg13[%parallel_loop3A_298, %parallel_loop3A_299], %parallel_loop3A_297 {strides = array<i32>} : memref<64x128xf32, #tpu.memory_space<vmem>>, vector<16xf32>,
        %parallel_loop3A_301 = arith.index_cast %parallel_loop3A_233 : i32 to index
        %parallel_loop3A_302 = arith.constant 80 : index
        %parallel_loop3A_303 = tpu.vector_load %arg13[%parallel_loop3A_301, %parallel_loop3A_302] {strides = array<i32>} : memref<64x128xf32, #tpu.memory_space<vmem>>, vector<16xf32>,
        %parallel_loop3A_304 = arith.mulf %parallel_loop3A_303, %parallel_loop3A_265 : vector<16xf32>
        %parallel_loop3A_305 = arith.index_cast %parallel_loop3A_233 : i32 to index
        %parallel_loop3A_306 = arith.constant 80 : index
        %parallel_loop3A_307 = tpu.vector_load %arg13[%parallel_loop3A_305, %parallel_loop3A_306] {strides = array<i32>} : memref<64x128xf32, #tpu.memory_space<vmem>>, vector<16xf32>,
        tpu.vector_store %arg13[%parallel_loop3A_305, %parallel_loop3A_306], %parallel_loop3A_304 {strides = array<i32>} : memref<64x128xf32, #tpu.memory_space<vmem>>, vector<16xf32>,
        %parallel_loop3A_308 = arith.index_cast %parallel_loop3A_233 : i32 to index
        %parallel_loop3A_309 = arith.constant 96 : index
        %parallel_loop3A_310 = tpu.vector_load %arg13[%parallel_loop3A_308, %parallel_loop3A_309] {strides = array<i32>} : memref<64x128xf32, #tpu.memory_space<vmem>>, vector<16xf32>,
        %parallel_loop3A_311 = arith.mulf %parallel_loop3A_310, %parallel_loop3A_265 : vector<16xf32>
        %parallel_loop3A_312 = arith.index_cast %parallel_loop3A_233 : i32 to index
        %parallel_loop3A_313 = arith.constant 96 : index
        %parallel_loop3A_314 = tpu.vector_load %arg13[%parallel_loop3A_312, %parallel_loop3A_313] {strides = array<i32>} : memref<64x128xf32, #tpu.memory_space<vmem>>, vector<16xf32>,
        tpu.vector_store %arg13[%parallel_loop3A_312, %parallel_loop3A_313], %parallel_loop3A_311 {strides = array<i32>} : memref<64x128xf32, #tpu.memory_space<vmem>>, vector<16xf32>,
        %parallel_loop3A_315 = arith.index_cast %parallel_loop3A_233 : i32 to index
        %parallel_loop3A_316 = arith.constant 112 : index
        %parallel_loop3A_317 = tpu.vector_load %arg13[%parallel_loop3A_315, %parallel_loop3A_316] {strides = array<i32>} : memref<64x128xf32, #tpu.memory_space<vmem>>, vector<16xf32>,
        %parallel_loop3A_318 = arith.mulf %parallel_loop3A_317, %parallel_loop3A_265 : vector<16xf32>
        %parallel_loop3A_319 = arith.index_cast %parallel_loop3A_233 : i32 to index
        %parallel_loop3A_320 = arith.constant 112 : index
        %parallel_loop3A_321 = tpu.vector_load %arg13[%parallel_loop3A_319, %parallel_loop3A_320] {strides = array<i32>} : memref<64x128xf32, #tpu.memory_space<vmem>>, vector<16xf32>,
        tpu.vector_store %arg13[%parallel_loop3A_319, %parallel_loop3A_320], %parallel_loop3A_318 {strides = array<i32>} : memref<64x128xf32, #tpu.memory_space<vmem>>, vector<16xf32>,
      } {sc.loop_unroll_factor = 4 : i64, sc.parallel_access}
      %scan3A_131 = arith.constant 0 : i32
      %scan3A_132 = arith.constant 4 : i32
      %scan3A_133 = arith.addi %scan3A_131, %scan3A_132 : i32
      %scan3A_134 = arith.constant 1 : i32
      scf.for %scan3A_233 = %scan3A_131 to %scan3A_133 step %scan3A_134  : i32 {
        %mul3A_234 = arith.constant 16 : i32
        %mul3A_235 = arith.muli %scan3A_233, %mul3A_234 : i32
        %add3A_236 = arith.constant 0 : i32
        %add3A_237 = arith.addi %add3A_236, %mul3A_235 : i32
        %get3A = arith.index_cast %add3A_237 : i32 to index
        %get3A_238 = tpu.vector_load %arg19[%get3A] {strides = array<i32>} : memref<64xi32, #tpu.memory_space<vmem>>, vector<16xi32>,
        %swap3A = arith.index_cast %add3A_237 : i32 to index
        %swap3A_239 = tpu.vector_load %arg21[%swap3A] {strides = array<i32>} : memref<64xi32, #tpu.memory_space<vmem>>, vector<16xi32>,
        tpu.vector_store %arg21[%swap3A], %get3A_238 {strides = array<i32>} : memref<64xi32, #tpu.memory_space<vmem>>, vector<16xi32>,
      }
      %scan3A_135 = arith.constant 4 : i32
      %dma_start3A_136 = arith.constant 0 : i32
      %dma_start3A_137 = arith.constant 0 : i32
      %dma_start3A_138 = tpu.memref_slice %arg29[%dma_start3A_136, %dma_start3A_137] : memref<10240x128xf32, #tpu.memory_space<vmem_shared>> -> memref<10240x128xf32, #tpu.memory_space<vmem_shared>>
      tpu.enqueue_indirect_dma source(%arg13 : memref<64x128xf32, #tpu.memory_space<vmem>>) target(%dma_start3A_138 : memref<10240x128xf32, #tpu.memory_space<vmem_shared>>) offsets(%arg21 : memref<64xi32, #tpu.memory_space<vmem>>) semaphore(%arg25 : memref<!tpu.dma_semaphore, #tpu.memory_space<semaphore_mem>>) {add = true}
      %mul3A_139 = arith.constant 2 : i32
      %mul3A_140 = arith.muli %mul3A_139, %add3A_124 : i32
      %add3A_141 = arith.constant 2 : i32
      %add3A_142 = arith.addi %mul3A_140, %add3A_141 : i32
      %dma_wait3A_143 = arith.constant 0 : i32
      %dma_wait3A_144 = tpu.memref_slice %arg3[%add3A, %add3A_142, %dma_wait3A_143] : memref<32x162x64xi32, #tpu.memory_space<hbm>> -> memref<1x1x64xi32, #tpu.memory_space<hbm>>
      %dma_wait3A_145 = tpu.memref_squeeze %dma_wait3A_144 : memref<1x1x64xi32, #tpu.memory_space<hbm>> -> memref<64xi32, #tpu.memory_space<hbm>>
      %dma_wait3A_146 = arith.constant 0 : i32
      %dma_wait3A_147 = tpu.memref_slice %arg3[%add3A, %add3A_142, %dma_wait3A_146] : memref<32x162x64xi32, #tpu.memory_space<hbm>> -> memref<1x1x64xi32, #tpu.memory_space<hbm>>
      %dma_wait3A_148 = tpu.memref_squeeze %dma_wait3A_147 : memref<1x1x64xi32, #tpu.memory_space<hbm>> -> memref<64xi32, #tpu.memory_space<hbm>>
      tpu.wait_dma2 semaphore(%arg10 : memref<!tpu.dma_semaphore, #tpu.memory_space<semaphore_mem>>) src(%dma_wait3A_148 : memref<64xi32, #tpu.memory_space<hbm>>) dst(%arg8 : memref<64xi32, #tpu.memory_space<vmem>>)
      %dma_wait3A_149 = arith.constant 0 : i32
      %dma_wait3A_150 = tpu.memref_slice %arg30[%dma_wait3A_149] : memref<10240xf32, #tpu.memory_space<vmem_shared>> -> memref<10240xf32, #tpu.memory_space<vmem_shared>>
      tpu.wait_indirect_dma semaphore(%arg27 : memref<!tpu.dma_semaphore, #tpu.memory_space<semaphore_mem>>) src(%arg15 : memref<64xf32, #tpu.memory_space<vmem>>) dst(%dma_wait3A_150 : memref<10240xf32, #tpu.memory_space<vmem_shared>>)
      %scan3A_151 = arith.constant 0 : i32
      %scan3A_152 = arith.constant 4 : i32
      %scan3A_153 = arith.addi %scan3A_151, %scan3A_152 : i32
      %scan3A_154 = arith.constant 1 : i32
      scf.for %scan3A_233 = %scan3A_151 to %scan3A_153 step %scan3A_154  : i32 {
        %mul3A_234 = arith.constant 16 : i32
        %mul3A_235 = arith.muli %scan3A_233, %mul3A_234 : i32
        %add3A_236 = arith.constant 0 : i32
        %add3A_237 = arith.addi %add3A_236, %mul3A_235 : i32
        %get3A = arith.index_cast %add3A_237 : i32 to index
        %get3A_238 = tpu.vector_load %arg8[%get3A] {strides = array<i32>} : memref<64xi32, #tpu.memory_space<vmem>>, vector<16xi32>,
        %and3A = arith.constant 16383 : i32
        %and3A_239 = vector.broadcast %and3A : i32 to vector<16xi32>
        %and3A_240 = arith.andi %get3A_238, %and3A_239 : vector<16xi32>
        %swap3A = arith.index_cast %add3A_237 : i32 to index
        %swap3A_241 = tpu.vector_load %arg17[%swap3A] {strides = array<i32>} : memref<64xi32, #tpu.memory_space<vmem>>, vector<16xi32>,
        tpu.vector_store %arg17[%swap3A], %and3A_240 {strides = array<i32>} : memref<64xi32, #tpu.memory_space<vmem>>, vector<16xi32>,
        %shift_right_logical3A = arith.constant 14 : i32
        %shift_right_logical3A_242 = vector.broadcast %shift_right_logical3A : i32 to vector<16xi32>
        %shift_right_logical3A_243 = arith.shrui %get3A_238, %shift_right_logical3A_242 : vector<16xi32>
        %swap3A_244 = arith.index_cast %add3A_237 : i32 to index
        %swap3A_245 = tpu.vector_load %arg19[%swap3A_244] {strides = array<i32>} : memref<64xi32, #tpu.memory_space<vmem>>, vector<16xi32>,
        tpu.vector_store %arg19[%swap3A_244], %shift_right_logical3A_243 {strides = array<i32>} : memref<64xi32, #tpu.memory_space<vmem>>, vector<16xi32>,
      }
      %scan3A_155 = arith.constant 4 : i32
      %add3A_156 = arith.constant 2 : i32
      %add3A_157 = arith.addi %add3A_142, %add3A_156 : i32
      %min3A_158 = arith.constant 161 : i32
      %min3A_159 = arith.minsi %add3A_157, %min3A_158 : i32
      %dma_start3A_160 = arith.constant 0 : i32
      %dma_start3A_161 = tpu.memref_slice %arg3[%add3A, %min3A_159, %dma_start3A_160] : memref<32x162x64xi32, #tpu.memory_space<hbm>> -> memref<1x1x64xi32, #tpu.memory_space<hbm>>
      %dma_start3A_162 = tpu.memref_squeeze %dma_start3A_161 : memref<1x1x64xi32, #tpu.memory_space<hbm>> -> memref<64xi32, #tpu.memory_space<hbm>>
      %dma_start3A_163 = arith.constant 0 : i32
      %dma_start3A_164 = tpu.memref_slice %arg3[%add3A, %min3A_159, %dma_start3A_163] : memref<32x162x64xi32, #tpu.memory_space<hbm>> -> memref<1x1x64xi32, #tpu.memory_space<hbm>>
      %dma_start3A_165 = tpu.memref_squeeze %dma_start3A_164 : memref<1x1x64xi32, #tpu.memory_space<hbm>> -> memref<64xi32, #tpu.memory_space<hbm>>
      tpu.enqueue_dma source(%dma_start3A_165 : memref<64xi32, #tpu.memory_space<hbm>>) target(%arg8 : memref<64xi32, #tpu.memory_space<vmem>>) target_semaphore(%arg10 : memref<!tpu.dma_semaphore, #tpu.memory_space<semaphore_mem>>)
      %scan3A_166 = arith.constant 0 : i32
      %scan3A_167 = arith.constant 4 : i32
      %scan3A_168 = arith.addi %scan3A_166, %scan3A_167 : i32
      %scan3A_169 = arith.constant 1 : i32
      scf.for %scan3A_233 = %scan3A_166 to %scan3A_168 step %scan3A_169  : i32 {
        %mul3A_234 = arith.constant 16 : i32
        %mul3A_235 = arith.muli %scan3A_233, %mul3A_234 : i32
        %add3A_236 = arith.constant 0 : i32
        %add3A_237 = arith.addi %add3A_236, %mul3A_235 : i32
        %get3A = arith.index_cast %add3A_237 : i32 to index
        %get3A_238 = tpu.vector_load %arg17[%get3A] {strides = array<i32>} : memref<64xi32, #tpu.memory_space<vmem>>, vector<16xi32>,
        %get3A_239 = arith.index_cast %add3A_237 : i32 to index
        %get3A_240 = tpu.vector_load %arg19[%get3A_239] {strides = array<i32>} : memref<64xi32, #tpu.memory_space<vmem>>, vector<16xi32>,
        %shift_right_logical3A = arith.constant 7 : i32
        %shift_right_logical3A_241 = vector.broadcast %shift_right_logical3A : i32 to vector<16xi32>
        %shift_right_logical3A_242 = arith.shrui %get3A_238, %shift_right_logical3A_241 : vector<16xi32>
        %and3A = arith.constant 127 : i32
        %and3A_243 = vector.broadcast %and3A : i32 to vector<16xi32>
        %and3A_244 = arith.andi %get3A_238, %and3A_243 : vector<16xi32>
        %gather3A = tpu.vector_load_idx %arg12[%shift_right_logical3A_242, %and3A_244] : memref<160x128xf32, #tpu.memory_space<vmem>>[vector<16xi32>, vector<16xi32>], vector<16xf32>,
        %shift_right_logical3A_245 = arith.constant 7 : i32
        %shift_right_logical3A_246 = vector.broadcast %shift_right_logical3A_245 : i32 to vector<16xi32>
        %shift_right_logical3A_247 = arith.shrui %get3A_240, %shift_right_logical3A_246 : vector<16xi32>
        %add3A_248 = arith.constant 80 : i32
        %add3A_249 = vector.broadcast %add3A_248 : i32 to vector<16xi32>
        %add3A_250 = arith.addi %add3A_249, %shift_right_logical3A_247 : vector<16xi32>
        %and3A_251 = arith.constant 127 : i32
        %and3A_252 = vector.broadcast %and3A_251 : i32 to vector<16xi32>
        %and3A_253 = arith.andi %get3A_240, %and3A_252 : vector<16xi32>
        %gather3A_254 = tpu.vector_load_idx %arg12[%add3A_250, %and3A_253] : memref<160x128xf32, #tpu.memory_space<vmem>>[vector<16xi32>, vector<16xi32>], vector<16xf32>,
        %add3A_255 = arith.addf %gather3A, %gather3A_254 : vector<16xf32>
        %mul3A_256 = arith.constant 2.000000e-01 : f32
        %mul3A_257 = vector.broadcast %mul3A_256 : f32 to vector<16xf32>
        %mul3A_258 = arith.mulf %mul3A_257, %add3A_255 : vector<16xf32>
        %max3A = arith.maximumf %add3A_255, %mul3A_258 : vector<16xf32>
        %exp3A = math.exp %max3A : vector<16xf32>
        %swap3A = arith.index_cast %add3A_237 : i32 to index
        %swap3A_259 = tpu.vector_load %arg15[%swap3A] {strides = array<i32>} : memref<64xf32, #tpu.memory_space<vmem>>, vector<16xf32>,
        tpu.vector_store %arg15[%swap3A], %exp3A {strides = array<i32>} : memref<64xf32, #tpu.memory_space<vmem>>, vector<16xf32>,
      }
      %scan3A_170 = arith.constant 4 : i32
      %dma_start3A_171 = arith.constant 0 : i32
      %dma_start3A_172 = tpu.memref_slice %arg30[%dma_start3A_171] : memref<10240xf32, #tpu.memory_space<vmem_shared>> -> memref<10240xf32, #tpu.memory_space<vmem_shared>>
      tpu.enqueue_indirect_dma source(%arg15 : memref<64xf32, #tpu.memory_space<vmem>>) target(%dma_start3A_172 : memref<10240xf32, #tpu.memory_space<vmem_shared>>) offsets(%arg19 : memref<64xi32, #tpu.memory_space<vmem>>) semaphore(%arg27 : memref<!tpu.dma_semaphore, #tpu.memory_space<semaphore_mem>>) {add = true}
      %dma_wait3A_173 = arith.constant 0 : i32
      %dma_wait3A_174 = arith.constant 0 : i32
      %dma_wait3A_175 = tpu.memref_slice %arg29[%dma_wait3A_173, %dma_wait3A_174] : memref<10240x128xf32, #tpu.memory_space<vmem_shared>> -> memref<10240x128xf32, #tpu.memory_space<vmem_shared>>
      tpu.wait_indirect_dma semaphore(%arg25 : memref<!tpu.dma_semaphore, #tpu.memory_space<semaphore_mem>>) src(%arg13 : memref<64x128xf32, #tpu.memory_space<vmem>>) dst(%dma_wait3A_175 : memref<10240x128xf32, #tpu.memory_space<vmem_shared>>)
      %dma_start3A_176 = arith.constant 0 : i32
      %dma_start3A_177 = arith.constant 0 : i32
      %dma_start3A_178 = tpu.memref_slice %arg2[%dma_start3A_176, %dma_start3A_177] : memref<10240x128xf32, #tpu.memory_space<hbm>> -> memref<10240x128xf32, #tpu.memory_space<hbm>>
      tpu.enqueue_indirect_dma source(%dma_start3A_178 : memref<10240x128xf32, #tpu.memory_space<hbm>>) target(%arg13 : memref<64x128xf32, #tpu.memory_space<vmem>>) offsets(%arg17 : memref<64xi32, #tpu.memory_space<vmem>>) semaphore(%arg23 : memref<!tpu.dma_semaphore, #tpu.memory_space<semaphore_mem>>)
      %dma_wait3A_179 = arith.constant 0 : i32
      %dma_wait3A_180 = arith.constant 0 : i32
      %dma_wait3A_181 = tpu.memref_slice %arg2[%dma_wait3A_179, %dma_wait3A_180] : memref<10240x128xf32, #tpu.memory_space<hbm>> -> memref<10240x128xf32, #tpu.memory_space<hbm>>
      tpu.wait_indirect_dma semaphore(%arg24 : memref<!tpu.dma_semaphore, #tpu.memory_space<semaphore_mem>>) src(%dma_wait3A_181 : memref<10240x128xf32, #tpu.memory_space<hbm>>) dst(%arg14 : memref<64x128xf32, #tpu.memory_space<vmem>>)
      %parallel_loop3A_182 = arith.constant 0 : i32
      %parallel_loop3A_183 = arith.constant 64 : i32
      %parallel_loop3A_184 = arith.constant 1 : i32
      scf.for %parallel_loop3A_233 = %parallel_loop3A_182 to %parallel_loop3A_183 step %parallel_loop3A_184  : i32 {
        %parallel_loop3A_234 = arith.constant 16 : i32
        %parallel_loop3A_235 = arith.divsi %parallel_loop3A_233, %parallel_loop3A_234 : i32
        %parallel_loop3A_236 = arith.constant 0 : i32
        %parallel_loop3A_237 = arith.cmpi sgt, %parallel_loop3A_233, %parallel_loop3A_236 : i32
        %parallel_loop3A_238 = arith.extui %parallel_loop3A_237 : i1 to i32
        %parallel_loop3A_239 = arith.constant 0 : i32
        %parallel_loop3A_240 = arith.cmpi slt, %parallel_loop3A_233, %parallel_loop3A_239 : i32
        %parallel_loop3A_241 = arith.extui %parallel_loop3A_240 : i1 to i32
        %parallel_loop3A_242 = arith.subi %parallel_loop3A_238, %parallel_loop3A_241 : i32
        %parallel_loop3A_243 = arith.constant 0 : i32
        %parallel_loop3A_244 = arith.cmpi sgt, %parallel_loop3A_234, %parallel_loop3A_243 : i32
        %parallel_loop3A_245 = arith.extui %parallel_loop3A_244 : i1 to i32
        %parallel_loop3A_246 = arith.constant 0 : i32
        %parallel_loop3A_247 = arith.cmpi slt, %parallel_loop3A_234, %parallel_loop3A_246 : i32
        %parallel_loop3A_248 = arith.extui %parallel_loop3A_247 : i1 to i32
        %parallel_loop3A_249 = arith.subi %parallel_loop3A_245, %parallel_loop3A_248 : i32
        %parallel_loop3A_250 = arith.cmpi ne, %parallel_loop3A_242, %parallel_loop3A_249 : i32
        %parallel_loop3A_251 = arith.remsi %parallel_loop3A_233, %parallel_loop3A_234 : i32
        %parallel_loop3A_252 = arith.constant 0 : i32
        %parallel_loop3A_253 = arith.cmpi ne, %parallel_loop3A_251, %parallel_loop3A_252 : i32
        %parallel_loop3A_254 = arith.andi %parallel_loop3A_250, %parallel_loop3A_253 : i1
        %parallel_loop3A_255 = arith.constant 1 : i32
        %parallel_loop3A_256 = arith.subi %parallel_loop3A_235, %parallel_loop3A_255 : i32
        %parallel_loop3A_257 = arith.select %parallel_loop3A_254, %parallel_loop3A_256, %parallel_loop3A_235 : i32
        %parallel_loop3A_258 = arith.constant 16 : i32
        %parallel_loop3A_259 = arith.muli %parallel_loop3A_257, %parallel_loop3A_258 : i32
        %parallel_loop3A_260 = arith.index_cast %parallel_loop3A_259 : i32 to index
        %parallel_loop3A_261 = tpu.vector_load %arg16[%parallel_loop3A_260] {strides = array<i32>} : memref<64xf32, #tpu.memory_space<vmem>>, vector<16xf32>,
        %parallel_loop3A_262 = arith.subi %parallel_loop3A_233, %parallel_loop3A_259 : i32
        %parallel_loop3A_263 = vector.broadcast %parallel_loop3A_262 : i32 to vector<16x1xi32>
        %parallel_loop3A_264 = vector.shape_cast %parallel_loop3A_263 : vector<16x1xi32> to vector<16xi32>
        %parallel_loop3A_265 = tpu.dynamic_gather %parallel_loop3A_261[%parallel_loop3A_264] in [0] : vector<16xf32>, vector<16xi32> -> vector<16xf32>
        %parallel_loop3A_266 = arith.index_cast %parallel_loop3A_233 : i32 to index
        %parallel_loop3A_267 = arith.constant 0 : index
        %parallel_loop3A_268 = tpu.vector_load %arg14[%parallel_loop3A_266, %parallel_loop3A_267] {strides = array<i32>} : memref<64x128xf32, #tpu.memory_space<vmem>>, vector<16xf32>,
        %parallel_loop3A_269 = arith.mulf %parallel_loop3A_268, %parallel_loop3A_265 : vector<16xf32>
        %parallel_loop3A_270 = arith.index_cast %parallel_loop3A_233 : i32 to index
        %parallel_loop3A_271 = arith.constant 0 : index
        %parallel_loop3A_272 = tpu.vector_load %arg14[%parallel_loop3A_270, %parallel_loop3A_271] {strides = array<i32>} : memref<64x128xf32, #tpu.memory_space<vmem>>, vector<16xf32>,
        tpu.vector_store %arg14[%parallel_loop3A_270, %parallel_loop3A_271], %parallel_loop3A_269 {strides = array<i32>} : memref<64x128xf32, #tpu.memory_space<vmem>>, vector<16xf32>,
        %parallel_loop3A_273 = arith.index_cast %parallel_loop3A_233 : i32 to index
        %parallel_loop3A_274 = arith.constant 16 : index
        %parallel_loop3A_275 = tpu.vector_load %arg14[%parallel_loop3A_273, %parallel_loop3A_274] {strides = array<i32>} : memref<64x128xf32, #tpu.memory_space<vmem>>, vector<16xf32>,
        %parallel_loop3A_276 = arith.mulf %parallel_loop3A_275, %parallel_loop3A_265 : vector<16xf32>
        %parallel_loop3A_277 = arith.index_cast %parallel_loop3A_233 : i32 to index
        %parallel_loop3A_278 = arith.constant 16 : index
        %parallel_loop3A_279 = tpu.vector_load %arg14[%parallel_loop3A_277, %parallel_loop3A_278] {strides = array<i32>} : memref<64x128xf32, #tpu.memory_space<vmem>>, vector<16xf32>,
        tpu.vector_store %arg14[%parallel_loop3A_277, %parallel_loop3A_278], %parallel_loop3A_276 {strides = array<i32>} : memref<64x128xf32, #tpu.memory_space<vmem>>, vector<16xf32>,
        %parallel_loop3A_280 = arith.index_cast %parallel_loop3A_233 : i32 to index
        %parallel_loop3A_281 = arith.constant 32 : index
        %parallel_loop3A_282 = tpu.vector_load %arg14[%parallel_loop3A_280, %parallel_loop3A_281] {strides = array<i32>} : memref<64x128xf32, #tpu.memory_space<vmem>>, vector<16xf32>,
        %parallel_loop3A_283 = arith.mulf %parallel_loop3A_282, %parallel_loop3A_265 : vector<16xf32>
        %parallel_loop3A_284 = arith.index_cast %parallel_loop3A_233 : i32 to index
        %parallel_loop3A_285 = arith.constant 32 : index
        %parallel_loop3A_286 = tpu.vector_load %arg14[%parallel_loop3A_284, %parallel_loop3A_285] {strides = array<i32>} : memref<64x128xf32, #tpu.memory_space<vmem>>, vector<16xf32>,
        tpu.vector_store %arg14[%parallel_loop3A_284, %parallel_loop3A_285], %parallel_loop3A_283 {strides = array<i32>} : memref<64x128xf32, #tpu.memory_space<vmem>>, vector<16xf32>,
        %parallel_loop3A_287 = arith.index_cast %parallel_loop3A_233 : i32 to index
        %parallel_loop3A_288 = arith.constant 48 : index
        %parallel_loop3A_289 = tpu.vector_load %arg14[%parallel_loop3A_287, %parallel_loop3A_288] {strides = array<i32>} : memref<64x128xf32, #tpu.memory_space<vmem>>, vector<16xf32>,
        %parallel_loop3A_290 = arith.mulf %parallel_loop3A_289, %parallel_loop3A_265 : vector<16xf32>
        %parallel_loop3A_291 = arith.index_cast %parallel_loop3A_233 : i32 to index
        %parallel_loop3A_292 = arith.constant 48 : index
        %parallel_loop3A_293 = tpu.vector_load %arg14[%parallel_loop3A_291, %parallel_loop3A_292] {strides = array<i32>} : memref<64x128xf32, #tpu.memory_space<vmem>>, vector<16xf32>,
        tpu.vector_store %arg14[%parallel_loop3A_291, %parallel_loop3A_292], %parallel_loop3A_290 {strides = array<i32>} : memref<64x128xf32, #tpu.memory_space<vmem>>, vector<16xf32>,
        %parallel_loop3A_294 = arith.index_cast %parallel_loop3A_233 : i32 to index
        %parallel_loop3A_295 = arith.constant 64 : index
        %parallel_loop3A_296 = tpu.vector_load %arg14[%parallel_loop3A_294, %parallel_loop3A_295] {strides = array<i32>} : memref<64x128xf32, #tpu.memory_space<vmem>>, vector<16xf32>,
        %parallel_loop3A_297 = arith.mulf %parallel_loop3A_296, %parallel_loop3A_265 : vector<16xf32>
        %parallel_loop3A_298 = arith.index_cast %parallel_loop3A_233 : i32 to index
        %parallel_loop3A_299 = arith.constant 64 : index
        %parallel_loop3A_300 = tpu.vector_load %arg14[%parallel_loop3A_298, %parallel_loop3A_299] {strides = array<i32>} : memref<64x128xf32, #tpu.memory_space<vmem>>, vector<16xf32>,
        tpu.vector_store %arg14[%parallel_loop3A_298, %parallel_loop3A_299], %parallel_loop3A_297 {strides = array<i32>} : memref<64x128xf32, #tpu.memory_space<vmem>>, vector<16xf32>,
        %parallel_loop3A_301 = arith.index_cast %parallel_loop3A_233 : i32 to index
        %parallel_loop3A_302 = arith.constant 80 : index
        %parallel_loop3A_303 = tpu.vector_load %arg14[%parallel_loop3A_301, %parallel_loop3A_302] {strides = array<i32>} : memref<64x128xf32, #tpu.memory_space<vmem>>, vector<16xf32>,
        %parallel_loop3A_304 = arith.mulf %parallel_loop3A_303, %parallel_loop3A_265 : vector<16xf32>
        %parallel_loop3A_305 = arith.index_cast %parallel_loop3A_233 : i32 to index
        %parallel_loop3A_306 = arith.constant 80 : index
        %parallel_loop3A_307 = tpu.vector_load %arg14[%parallel_loop3A_305, %parallel_loop3A_306] {strides = array<i32>} : memref<64x128xf32, #tpu.memory_space<vmem>>, vector<16xf32>,
        tpu.vector_store %arg14[%parallel_loop3A_305, %parallel_loop3A_306], %parallel_loop3A_304 {strides = array<i32>} : memref<64x128xf32, #tpu.memory_space<vmem>>, vector<16xf32>,
        %parallel_loop3A_308 = arith.index_cast %parallel_loop3A_233 : i32 to index
        %parallel_loop3A_309 = arith.constant 96 : index
        %parallel_loop3A_310 = tpu.vector_load %arg14[%parallel_loop3A_308, %parallel_loop3A_309] {strides = array<i32>} : memref<64x128xf32, #tpu.memory_space<vmem>>, vector<16xf32>,
        %parallel_loop3A_311 = arith.mulf %parallel_loop3A_310, %parallel_loop3A_265 : vector<16xf32>
        %parallel_loop3A_312 = arith.index_cast %parallel_loop3A_233 : i32 to index
        %parallel_loop3A_313 = arith.constant 96 : index
        %parallel_loop3A_314 = tpu.vector_load %arg14[%parallel_loop3A_312, %parallel_loop3A_313] {strides = array<i32>} : memref<64x128xf32, #tpu.memory_space<vmem>>, vector<16xf32>,
        tpu.vector_store %arg14[%parallel_loop3A_312, %parallel_loop3A_313], %parallel_loop3A_311 {strides = array<i32>} : memref<64x128xf32, #tpu.memory_space<vmem>>, vector<16xf32>,
        %parallel_loop3A_315 = arith.index_cast %parallel_loop3A_233 : i32 to index
        %parallel_loop3A_316 = arith.constant 112 : index
        %parallel_loop3A_317 = tpu.vector_load %arg14[%parallel_loop3A_315, %parallel_loop3A_316] {strides = array<i32>} : memref<64x128xf32, #tpu.memory_space<vmem>>, vector<16xf32>,
        %parallel_loop3A_318 = arith.mulf %parallel_loop3A_317, %parallel_loop3A_265 : vector<16xf32>
        %parallel_loop3A_319 = arith.index_cast %parallel_loop3A_233 : i32 to index
        %parallel_loop3A_320 = arith.constant 112 : index
        %parallel_loop3A_321 = tpu.vector_load %arg14[%parallel_loop3A_319, %parallel_loop3A_320] {strides = array<i32>} : memref<64x128xf32, #tpu.memory_space<vmem>>, vector<16xf32>,
        tpu.vector_store %arg14[%parallel_loop3A_319, %parallel_loop3A_320], %parallel_loop3A_318 {strides = array<i32>} : memref<64x128xf32, #tpu.memory_space<vmem>>, vector<16xf32>,
      } {sc.loop_unroll_factor = 4 : i64, sc.parallel_access}
      %scan3A_185 = arith.constant 0 : i32
      %scan3A_186 = arith.constant 4 : i32
      %scan3A_187 = arith.addi %scan3A_185, %scan3A_186 : i32
      %scan3A_188 = arith.constant 1 : i32
      scf.for %scan3A_233 = %scan3A_185 to %scan3A_187 step %scan3A_188  : i32 {
        %mul3A_234 = arith.constant 16 : i32
        %mul3A_235 = arith.muli %scan3A_233, %mul3A_234 : i32
        %add3A_236 = arith.constant 0 : i32
        %add3A_237 = arith.addi %add3A_236, %mul3A_235 : i32
        %get3A = arith.index_cast %add3A_237 : i32 to index
        %get3A_238 = tpu.vector_load %arg20[%get3A] {strides = array<i32>} : memref<64xi32, #tpu.memory_space<vmem>>, vector<16xi32>,
        %swap3A = arith.index_cast %add3A_237 : i32 to index
        %swap3A_239 = tpu.vector_load %arg22[%swap3A] {strides = array<i32>} : memref<64xi32, #tpu.memory_space<vmem>>, vector<16xi32>,
        tpu.vector_store %arg22[%swap3A], %get3A_238 {strides = array<i32>} : memref<64xi32, #tpu.memory_space<vmem>>, vector<16xi32>,
      }
      %scan3A_189 = arith.constant 4 : i32
      %dma_start3A_190 = arith.constant 0 : i32
      %dma_start3A_191 = arith.constant 0 : i32
      %dma_start3A_192 = tpu.memref_slice %arg29[%dma_start3A_190, %dma_start3A_191] : memref<10240x128xf32, #tpu.memory_space<vmem_shared>> -> memref<10240x128xf32, #tpu.memory_space<vmem_shared>>
      tpu.enqueue_indirect_dma source(%arg14 : memref<64x128xf32, #tpu.memory_space<vmem>>) target(%dma_start3A_192 : memref<10240x128xf32, #tpu.memory_space<vmem_shared>>) offsets(%arg22 : memref<64xi32, #tpu.memory_space<vmem>>) semaphore(%arg26 : memref<!tpu.dma_semaphore, #tpu.memory_space<semaphore_mem>>) {add = true}
      %mul3A_193 = arith.constant 2 : i32
      %mul3A_194 = arith.muli %mul3A_193, %add3A_124 : i32
      %add3A_195 = arith.constant 3 : i32
      %add3A_196 = arith.addi %mul3A_194, %add3A_195 : i32
      %dma_wait3A_197 = arith.constant 0 : i32
      %dma_wait3A_198 = tpu.memref_slice %arg3[%add3A, %add3A_196, %dma_wait3A_197] : memref<32x162x64xi32, #tpu.memory_space<hbm>> -> memref<1x1x64xi32, #tpu.memory_space<hbm>>
      %dma_wait3A_199 = tpu.memref_squeeze %dma_wait3A_198 : memref<1x1x64xi32, #tpu.memory_space<hbm>> -> memref<64xi32, #tpu.memory_space<hbm>>
      %dma_wait3A_200 = arith.constant 0 : i32
      %dma_wait3A_201 = tpu.memref_slice %arg3[%add3A, %add3A_196, %dma_wait3A_200] : memref<32x162x64xi32, #tpu.memory_space<hbm>> -> memref<1x1x64xi32, #tpu.memory_space<hbm>>
      %dma_wait3A_202 = tpu.memref_squeeze %dma_wait3A_201 : memref<1x1x64xi32, #tpu.memory_space<hbm>> -> memref<64xi32, #tpu.memory_space<hbm>>
      tpu.wait_dma2 semaphore(%arg11 : memref<!tpu.dma_semaphore, #tpu.memory_space<semaphore_mem>>) src(%dma_wait3A_202 : memref<64xi32, #tpu.memory_space<hbm>>) dst(%arg9 : memref<64xi32, #tpu.memory_space<vmem>>)
      %dma_wait3A_203 = arith.constant 0 : i32
      %dma_wait3A_204 = tpu.memref_slice %arg30[%dma_wait3A_203] : memref<10240xf32, #tpu.memory_space<vmem_shared>> -> memref<10240xf32, #tpu.memory_space<vmem_shared>>
      tpu.wait_indirect_dma semaphore(%arg28 : memref<!tpu.dma_semaphore, #tpu.memory_space<semaphore_mem>>) src(%arg16 : memref<64xf32, #tpu.memory_space<vmem>>) dst(%dma_wait3A_204 : memref<10240xf32, #tpu.memory_space<vmem_shared>>)
      %scan3A_205 = arith.constant 0 : i32
      %scan3A_206 = arith.constant 4 : i32
      %scan3A_207 = arith.addi %scan3A_205, %scan3A_206 : i32
      %scan3A_208 = arith.constant 1 : i32
      scf.for %scan3A_233 = %scan3A_205 to %scan3A_207 step %scan3A_208  : i32 {
        %mul3A_234 = arith.constant 16 : i32
        %mul3A_235 = arith.muli %scan3A_233, %mul3A_234 : i32
        %add3A_236 = arith.constant 0 : i32
        %add3A_237 = arith.addi %add3A_236, %mul3A_235 : i32
        %get3A = arith.index_cast %add3A_237 : i32 to index
        %get3A_238 = tpu.vector_load %arg9[%get3A] {strides = array<i32>} : memref<64xi32, #tpu.memory_space<vmem>>, vector<16xi32>,
        %and3A = arith.constant 16383 : i32
        %and3A_239 = vector.broadcast %and3A : i32 to vector<16xi32>
        %and3A_240 = arith.andi %get3A_238, %and3A_239 : vector<16xi32>
        %swap3A = arith.index_cast %add3A_237 : i32 to index
        %swap3A_241 = tpu.vector_load %arg18[%swap3A] {strides = array<i32>} : memref<64xi32, #tpu.memory_space<vmem>>, vector<16xi32>,
        tpu.vector_store %arg18[%swap3A], %and3A_240 {strides = array<i32>} : memref<64xi32, #tpu.memory_space<vmem>>, vector<16xi32>,
        %shift_right_logical3A = arith.constant 14 : i32
        %shift_right_logical3A_242 = vector.broadcast %shift_right_logical3A : i32 to vector<16xi32>
        %shift_right_logical3A_243 = arith.shrui %get3A_238, %shift_right_logical3A_242 : vector<16xi32>
        %swap3A_244 = arith.index_cast %add3A_237 : i32 to index
        %swap3A_245 = tpu.vector_load %arg20[%swap3A_244] {strides = array<i32>} : memref<64xi32, #tpu.memory_space<vmem>>, vector<16xi32>,
        tpu.vector_store %arg20[%swap3A_244], %shift_right_logical3A_243 {strides = array<i32>} : memref<64xi32, #tpu.memory_space<vmem>>, vector<16xi32>,
      }
      %scan3A_209 = arith.constant 4 : i32
      %add3A_210 = arith.constant 2 : i32
      %add3A_211 = arith.addi %add3A_196, %add3A_210 : i32
      %min3A_212 = arith.constant 161 : i32
      %min3A_213 = arith.minsi %add3A_211, %min3A_212 : i32
      %dma_start3A_214 = arith.constant 0 : i32
      %dma_start3A_215 = tpu.memref_slice %arg3[%add3A, %min3A_213, %dma_start3A_214] : memref<32x162x64xi32, #tpu.memory_space<hbm>> -> memref<1x1x64xi32, #tpu.memory_space<hbm>>
      %dma_start3A_216 = tpu.memref_squeeze %dma_start3A_215 : memref<1x1x64xi32, #tpu.memory_space<hbm>> -> memref<64xi32, #tpu.memory_space<hbm>>
      %dma_start3A_217 = arith.constant 0 : i32
      %dma_start3A_218 = tpu.memref_slice %arg3[%add3A, %min3A_213, %dma_start3A_217] : memref<32x162x64xi32, #tpu.memory_space<hbm>> -> memref<1x1x64xi32, #tpu.memory_space<hbm>>
      %dma_start3A_219 = tpu.memref_squeeze %dma_start3A_218 : memref<1x1x64xi32, #tpu.memory_space<hbm>> -> memref<64xi32, #tpu.memory_space<hbm>>
      tpu.enqueue_dma source(%dma_start3A_219 : memref<64xi32, #tpu.memory_space<hbm>>) target(%arg9 : memref<64xi32, #tpu.memory_space<vmem>>) target_semaphore(%arg11 : memref<!tpu.dma_semaphore, #tpu.memory_space<semaphore_mem>>)
      %scan3A_220 = arith.constant 0 : i32
      %scan3A_221 = arith.constant 4 : i32
      %scan3A_222 = arith.addi %scan3A_220, %scan3A_221 : i32
      %scan3A_223 = arith.constant 1 : i32
      scf.for %scan3A_233 = %scan3A_220 to %scan3A_222 step %scan3A_223  : i32 {
        %mul3A_234 = arith.constant 16 : i32
        %mul3A_235 = arith.muli %scan3A_233, %mul3A_234 : i32
        %add3A_236 = arith.constant 0 : i32
        %add3A_237 = arith.addi %add3A_236, %mul3A_235 : i32
        %get3A = arith.index_cast %add3A_237 : i32 to index
        %get3A_238 = tpu.vector_load %arg18[%get3A] {strides = array<i32>} : memref<64xi32, #tpu.memory_space<vmem>>, vector<16xi32>,
        %get3A_239 = arith.index_cast %add3A_237 : i32 to index
        %get3A_240 = tpu.vector_load %arg20[%get3A_239] {strides = array<i32>} : memref<64xi32, #tpu.memory_space<vmem>>, vector<16xi32>,
        %shift_right_logical3A = arith.constant 7 : i32
        %shift_right_logical3A_241 = vector.broadcast %shift_right_logical3A : i32 to vector<16xi32>
        %shift_right_logical3A_242 = arith.shrui %get3A_238, %shift_right_logical3A_241 : vector<16xi32>
        %and3A = arith.constant 127 : i32
        %and3A_243 = vector.broadcast %and3A : i32 to vector<16xi32>
        %and3A_244 = arith.andi %get3A_238, %and3A_243 : vector<16xi32>
        %gather3A = tpu.vector_load_idx %arg12[%shift_right_logical3A_242, %and3A_244] : memref<160x128xf32, #tpu.memory_space<vmem>>[vector<16xi32>, vector<16xi32>], vector<16xf32>,
        %shift_right_logical3A_245 = arith.constant 7 : i32
        %shift_right_logical3A_246 = vector.broadcast %shift_right_logical3A_245 : i32 to vector<16xi32>
        %shift_right_logical3A_247 = arith.shrui %get3A_240, %shift_right_logical3A_246 : vector<16xi32>
        %add3A_248 = arith.constant 80 : i32
        %add3A_249 = vector.broadcast %add3A_248 : i32 to vector<16xi32>
        %add3A_250 = arith.addi %add3A_249, %shift_right_logical3A_247 : vector<16xi32>
        %and3A_251 = arith.constant 127 : i32
        %and3A_252 = vector.broadcast %and3A_251 : i32 to vector<16xi32>
        %and3A_253 = arith.andi %get3A_240, %and3A_252 : vector<16xi32>
        %gather3A_254 = tpu.vector_load_idx %arg12[%add3A_250, %and3A_253] : memref<160x128xf32, #tpu.memory_space<vmem>>[vector<16xi32>, vector<16xi32>], vector<16xf32>,
        %add3A_255 = arith.addf %gather3A, %gather3A_254 : vector<16xf32>
        %mul3A_256 = arith.constant 2.000000e-01 : f32
        %mul3A_257 = vector.broadcast %mul3A_256 : f32 to vector<16xf32>
        %mul3A_258 = arith.mulf %mul3A_257, %add3A_255 : vector<16xf32>
        %max3A = arith.maximumf %add3A_255, %mul3A_258 : vector<16xf32>
        %exp3A = math.exp %max3A : vector<16xf32>
        %swap3A = arith.index_cast %add3A_237 : i32 to index
        %swap3A_259 = tpu.vector_load %arg16[%swap3A] {strides = array<i32>} : memref<64xf32, #tpu.memory_space<vmem>>, vector<16xf32>,
        tpu.vector_store %arg16[%swap3A], %exp3A {strides = array<i32>} : memref<64xf32, #tpu.memory_space<vmem>>, vector<16xf32>,
      }
      %scan3A_224 = arith.constant 4 : i32
      %dma_start3A_225 = arith.constant 0 : i32
      %dma_start3A_226 = tpu.memref_slice %arg30[%dma_start3A_225] : memref<10240xf32, #tpu.memory_space<vmem_shared>> -> memref<10240xf32, #tpu.memory_space<vmem_shared>>
      tpu.enqueue_indirect_dma source(%arg16 : memref<64xf32, #tpu.memory_space<vmem>>) target(%dma_start3A_226 : memref<10240xf32, #tpu.memory_space<vmem_shared>>) offsets(%arg20 : memref<64xi32, #tpu.memory_space<vmem>>) semaphore(%arg28 : memref<!tpu.dma_semaphore, #tpu.memory_space<semaphore_mem>>) {add = true}
      %dma_wait3A_227 = arith.constant 0 : i32
      %dma_wait3A_228 = arith.constant 0 : i32
      %dma_wait3A_229 = tpu.memref_slice %arg29[%dma_wait3A_227, %dma_wait3A_228] : memref<10240x128xf32, #tpu.memory_space<vmem_shared>> -> memref<10240x128xf32, #tpu.memory_space<vmem_shared>>
      tpu.wait_indirect_dma semaphore(%arg26 : memref<!tpu.dma_semaphore, #tpu.memory_space<semaphore_mem>>) src(%arg14 : memref<64x128xf32, #tpu.memory_space<vmem>>) dst(%dma_wait3A_229 : memref<10240x128xf32, #tpu.memory_space<vmem_shared>>)
      %dma_start3A_230 = arith.constant 0 : i32
      %dma_start3A_231 = arith.constant 0 : i32
      %dma_start3A_232 = tpu.memref_slice %arg2[%dma_start3A_230, %dma_start3A_231] : memref<10240x128xf32, #tpu.memory_space<hbm>> -> memref<10240x128xf32, #tpu.memory_space<hbm>>
      tpu.enqueue_indirect_dma source(%dma_start3A_232 : memref<10240x128xf32, #tpu.memory_space<hbm>>) target(%arg14 : memref<64x128xf32, #tpu.memory_space<vmem>>) offsets(%arg18 : memref<64xi32, #tpu.memory_space<vmem>>) semaphore(%arg24 : memref<!tpu.dma_semaphore, #tpu.memory_space<semaphore_mem>>)
    }
    %scan3A_68 = arith.constant 80 : i32
    %dma_wait3A = arith.constant 0 : i32
    %dma_wait3A_69 = arith.constant 0 : i32
    %dma_wait3A_70 = tpu.memref_slice %arg2[%dma_wait3A, %dma_wait3A_69] : memref<10240x128xf32, #tpu.memory_space<hbm>> -> memref<10240x128xf32, #tpu.memory_space<hbm>>
    tpu.wait_indirect_dma semaphore(%arg23 : memref<!tpu.dma_semaphore, #tpu.memory_space<semaphore_mem>>) src(%dma_wait3A_70 : memref<10240x128xf32, #tpu.memory_space<hbm>>) dst(%arg13 : memref<64x128xf32, #tpu.memory_space<vmem>>)
    %parallel_loop3A = arith.constant 0 : i32
    %parallel_loop3A_71 = arith.constant 64 : i32
    %parallel_loop3A_72 = arith.constant 1 : i32
    scf.for %parallel_loop3A_120 = %parallel_loop3A to %parallel_loop3A_71 step %parallel_loop3A_72  : i32 {
      %parallel_loop3A_121 = arith.constant 16 : i32
      %parallel_loop3A_122 = arith.divsi %parallel_loop3A_120, %parallel_loop3A_121 : i32
      %parallel_loop3A_123 = arith.constant 0 : i32
      %parallel_loop3A_124 = arith.cmpi sgt, %parallel_loop3A_120, %parallel_loop3A_123 : i32
      %parallel_loop3A_125 = arith.extui %parallel_loop3A_124 : i1 to i32
      %parallel_loop3A_126 = arith.constant 0 : i32
      %parallel_loop3A_127 = arith.cmpi slt, %parallel_loop3A_120, %parallel_loop3A_126 : i32
      %parallel_loop3A_128 = arith.extui %parallel_loop3A_127 : i1 to i32
      %parallel_loop3A_129 = arith.subi %parallel_loop3A_125, %parallel_loop3A_128 : i32
      %parallel_loop3A_130 = arith.constant 0 : i32
      %parallel_loop3A_131 = arith.cmpi sgt, %parallel_loop3A_121, %parallel_loop3A_130 : i32
      %parallel_loop3A_132 = arith.extui %parallel_loop3A_131 : i1 to i32
      %parallel_loop3A_133 = arith.constant 0 : i32
      %parallel_loop3A_134 = arith.cmpi slt, %parallel_loop3A_121, %parallel_loop3A_133 : i32
      %parallel_loop3A_135 = arith.extui %parallel_loop3A_134 : i1 to i32
      %parallel_loop3A_136 = arith.subi %parallel_loop3A_132, %parallel_loop3A_135 : i32
      %parallel_loop3A_137 = arith.cmpi ne, %parallel_loop3A_129, %parallel_loop3A_136 : i32
      %parallel_loop3A_138 = arith.remsi %parallel_loop3A_120, %parallel_loop3A_121 : i32
      %parallel_loop3A_139 = arith.constant 0 : i32
      %parallel_loop3A_140 = arith.cmpi ne, %parallel_loop3A_138, %parallel_loop3A_139 : i32
      %parallel_loop3A_141 = arith.andi %parallel_loop3A_137, %parallel_loop3A_140 : i1
      %parallel_loop3A_142 = arith.constant 1 : i32
      %parallel_loop3A_143 = arith.subi %parallel_loop3A_122, %parallel_loop3A_142 : i32
      %parallel_loop3A_144 = arith.select %parallel_loop3A_141, %parallel_loop3A_143, %parallel_loop3A_122 : i32
      %parallel_loop3A_145 = arith.constant 16 : i32
      %parallel_loop3A_146 = arith.muli %parallel_loop3A_144, %parallel_loop3A_145 : i32
      %parallel_loop3A_147 = arith.index_cast %parallel_loop3A_146 : i32 to index
      %parallel_loop3A_148 = tpu.vector_load %arg15[%parallel_loop3A_147] {strides = array<i32>} : memref<64xf32, #tpu.memory_space<vmem>>, vector<16xf32>,
      %parallel_loop3A_149 = arith.subi %parallel_loop3A_120, %parallel_loop3A_146 : i32
      %parallel_loop3A_150 = vector.broadcast %parallel_loop3A_149 : i32 to vector<16x1xi32>
      %parallel_loop3A_151 = vector.shape_cast %parallel_loop3A_150 : vector<16x1xi32> to vector<16xi32>
      %parallel_loop3A_152 = tpu.dynamic_gather %parallel_loop3A_148[%parallel_loop3A_151] in [0] : vector<16xf32>, vector<16xi32> -> vector<16xf32>
      %parallel_loop3A_153 = arith.index_cast %parallel_loop3A_120 : i32 to index
      %parallel_loop3A_154 = arith.constant 0 : index
      %parallel_loop3A_155 = tpu.vector_load %arg13[%parallel_loop3A_153, %parallel_loop3A_154] {strides = array<i32>} : memref<64x128xf32, #tpu.memory_space<vmem>>, vector<16xf32>,
      %parallel_loop3A_156 = arith.mulf %parallel_loop3A_155, %parallel_loop3A_152 : vector<16xf32>
      %parallel_loop3A_157 = arith.index_cast %parallel_loop3A_120 : i32 to index
      %parallel_loop3A_158 = arith.constant 0 : index
      %parallel_loop3A_159 = tpu.vector_load %arg13[%parallel_loop3A_157, %parallel_loop3A_158] {strides = array<i32>} : memref<64x128xf32, #tpu.memory_space<vmem>>, vector<16xf32>,
      tpu.vector_store %arg13[%parallel_loop3A_157, %parallel_loop3A_158], %parallel_loop3A_156 {strides = array<i32>} : memref<64x128xf32, #tpu.memory_space<vmem>>, vector<16xf32>,
      %parallel_loop3A_160 = arith.index_cast %parallel_loop3A_120 : i32 to index
      %parallel_loop3A_161 = arith.constant 16 : index
      %parallel_loop3A_162 = tpu.vector_load %arg13[%parallel_loop3A_160, %parallel_loop3A_161] {strides = array<i32>} : memref<64x128xf32, #tpu.memory_space<vmem>>, vector<16xf32>,
      %parallel_loop3A_163 = arith.mulf %parallel_loop3A_162, %parallel_loop3A_152 : vector<16xf32>
      %parallel_loop3A_164 = arith.index_cast %parallel_loop3A_120 : i32 to index
      %parallel_loop3A_165 = arith.constant 16 : index
      %parallel_loop3A_166 = tpu.vector_load %arg13[%parallel_loop3A_164, %parallel_loop3A_165] {strides = array<i32>} : memref<64x128xf32, #tpu.memory_space<vmem>>, vector<16xf32>,
      tpu.vector_store %arg13[%parallel_loop3A_164, %parallel_loop3A_165], %parallel_loop3A_163 {strides = array<i32>} : memref<64x128xf32, #tpu.memory_space<vmem>>, vector<16xf32>,
      %parallel_loop3A_167 = arith.index_cast %parallel_loop3A_120 : i32 to index
      %parallel_loop3A_168 = arith.constant 32 : index
      %parallel_loop3A_169 = tpu.vector_load %arg13[%parallel_loop3A_167, %parallel_loop3A_168] {strides = array<i32>} : memref<64x128xf32, #tpu.memory_space<vmem>>, vector<16xf32>,
      %parallel_loop3A_170 = arith.mulf %parallel_loop3A_169, %parallel_loop3A_152 : vector<16xf32>
      %parallel_loop3A_171 = arith.index_cast %parallel_loop3A_120 : i32 to index
      %parallel_loop3A_172 = arith.constant 32 : index
      %parallel_loop3A_173 = tpu.vector_load %arg13[%parallel_loop3A_171, %parallel_loop3A_172] {strides = array<i32>} : memref<64x128xf32, #tpu.memory_space<vmem>>, vector<16xf32>,
      tpu.vector_store %arg13[%parallel_loop3A_171, %parallel_loop3A_172], %parallel_loop3A_170 {strides = array<i32>} : memref<64x128xf32, #tpu.memory_space<vmem>>, vector<16xf32>,
      %parallel_loop3A_174 = arith.index_cast %parallel_loop3A_120 : i32 to index
      %parallel_loop3A_175 = arith.constant 48 : index
      %parallel_loop3A_176 = tpu.vector_load %arg13[%parallel_loop3A_174, %parallel_loop3A_175] {strides = array<i32>} : memref<64x128xf32, #tpu.memory_space<vmem>>, vector<16xf32>,
      %parallel_loop3A_177 = arith.mulf %parallel_loop3A_176, %parallel_loop3A_152 : vector<16xf32>
      %parallel_loop3A_178 = arith.index_cast %parallel_loop3A_120 : i32 to index
      %parallel_loop3A_179 = arith.constant 48 : index
      %parallel_loop3A_180 = tpu.vector_load %arg13[%parallel_loop3A_178, %parallel_loop3A_179] {strides = array<i32>} : memref<64x128xf32, #tpu.memory_space<vmem>>, vector<16xf32>,
      tpu.vector_store %arg13[%parallel_loop3A_178, %parallel_loop3A_179], %parallel_loop3A_177 {strides = array<i32>} : memref<64x128xf32, #tpu.memory_space<vmem>>, vector<16xf32>,
      %parallel_loop3A_181 = arith.index_cast %parallel_loop3A_120 : i32 to index
      %parallel_loop3A_182 = arith.constant 64 : index
      %parallel_loop3A_183 = tpu.vector_load %arg13[%parallel_loop3A_181, %parallel_loop3A_182] {strides = array<i32>} : memref<64x128xf32, #tpu.memory_space<vmem>>, vector<16xf32>,
      %parallel_loop3A_184 = arith.mulf %parallel_loop3A_183, %parallel_loop3A_152 : vector<16xf32>
      %parallel_loop3A_185 = arith.index_cast %parallel_loop3A_120 : i32 to index
      %parallel_loop3A_186 = arith.constant 64 : index
      %parallel_loop3A_187 = tpu.vector_load %arg13[%parallel_loop3A_185, %parallel_loop3A_186] {strides = array<i32>} : memref<64x128xf32, #tpu.memory_space<vmem>>, vector<16xf32>,
      tpu.vector_store %arg13[%parallel_loop3A_185, %parallel_loop3A_186], %parallel_loop3A_184 {strides = array<i32>} : memref<64x128xf32, #tpu.memory_space<vmem>>, vector<16xf32>,
      %parallel_loop3A_188 = arith.index_cast %parallel_loop3A_120 : i32 to index
      %parallel_loop3A_189 = arith.constant 80 : index
      %parallel_loop3A_190 = tpu.vector_load %arg13[%parallel_loop3A_188, %parallel_loop3A_189] {strides = array<i32>} : memref<64x128xf32, #tpu.memory_space<vmem>>, vector<16xf32>,
      %parallel_loop3A_191 = arith.mulf %parallel_loop3A_190, %parallel_loop3A_152 : vector<16xf32>
      %parallel_loop3A_192 = arith.index_cast %parallel_loop3A_120 : i32 to index
      %parallel_loop3A_193 = arith.constant 80 : index
      %parallel_loop3A_194 = tpu.vector_load %arg13[%parallel_loop3A_192, %parallel_loop3A_193] {strides = array<i32>} : memref<64x128xf32, #tpu.memory_space<vmem>>, vector<16xf32>,
      tpu.vector_store %arg13[%parallel_loop3A_192, %parallel_loop3A_193], %parallel_loop3A_191 {strides = array<i32>} : memref<64x128xf32, #tpu.memory_space<vmem>>, vector<16xf32>,
      %parallel_loop3A_195 = arith.index_cast %parallel_loop3A_120 : i32 to index
      %parallel_loop3A_196 = arith.constant 96 : index
      %parallel_loop3A_197 = tpu.vector_load %arg13[%parallel_loop3A_195, %parallel_loop3A_196] {strides = array<i32>} : memref<64x128xf32, #tpu.memory_space<vmem>>, vector<16xf32>,
      %parallel_loop3A_198 = arith.mulf %parallel_loop3A_197, %parallel_loop3A_152 : vector<16xf32>
      %parallel_loop3A_199 = arith.index_cast %parallel_loop3A_120 : i32 to index
      %parallel_loop3A_200 = arith.constant 96 : index
      %parallel_loop3A_201 = tpu.vector_load %arg13[%parallel_loop3A_199, %parallel_loop3A_200] {strides = array<i32>} : memref<64x128xf32, #tpu.memory_space<vmem>>, vector<16xf32>,
      tpu.vector_store %arg13[%parallel_loop3A_199, %parallel_loop3A_200], %parallel_loop3A_198 {strides = array<i32>} : memref<64x128xf32, #tpu.memory_space<vmem>>, vector<16xf32>,
      %parallel_loop3A_202 = arith.index_cast %parallel_loop3A_120 : i32 to index
      %parallel_loop3A_203 = arith.constant 112 : index
      %parallel_loop3A_204 = tpu.vector_load %arg13[%parallel_loop3A_202, %parallel_loop3A_203] {strides = array<i32>} : memref<64x128xf32, #tpu.memory_space<vmem>>, vector<16xf32>,
      %parallel_loop3A_205 = arith.mulf %parallel_loop3A_204, %parallel_loop3A_152 : vector<16xf32>
      %parallel_loop3A_206 = arith.index_cast %parallel_loop3A_120 : i32 to index
      %parallel_loop3A_207 = arith.constant 112 : index
      %parallel_loop3A_208 = tpu.vector_load %arg13[%parallel_loop3A_206, %parallel_loop3A_207] {strides = array<i32>} : memref<64x128xf32, #tpu.memory_space<vmem>>, vector<16xf32>,
      tpu.vector_store %arg13[%parallel_loop3A_206, %parallel_loop3A_207], %parallel_loop3A_205 {strides = array<i32>} : memref<64x128xf32, #tpu.memory_space<vmem>>, vector<16xf32>,
    } {sc.loop_unroll_factor = 4 : i64, sc.parallel_access}
    %scan3A_73 = arith.constant 0 : i32
    %scan3A_74 = arith.constant 4 : i32
    %scan3A_75 = arith.addi %scan3A_73, %scan3A_74 : i32
    %scan3A_76 = arith.constant 1 : i32
    scf.for %scan3A_120 = %scan3A_73 to %scan3A_75 step %scan3A_76  : i32 {
      %mul3A_121 = arith.constant 16 : i32
      %mul3A_122 = arith.muli %scan3A_120, %mul3A_121 : i32
      %add3A_123 = arith.constant 0 : i32
      %add3A_124 = arith.addi %add3A_123, %mul3A_122 : i32
      %get3A = arith.index_cast %add3A_124 : i32 to index
      %get3A_125 = tpu.vector_load %arg19[%get3A] {strides = array<i32>} : memref<64xi32, #tpu.memory_space<vmem>>, vector<16xi32>,
      %swap3A = arith.index_cast %add3A_124 : i32 to index
      %swap3A_126 = tpu.vector_load %arg21[%swap3A] {strides = array<i32>} : memref<64xi32, #tpu.memory_space<vmem>>, vector<16xi32>,
      tpu.vector_store %arg21[%swap3A], %get3A_125 {strides = array<i32>} : memref<64xi32, #tpu.memory_space<vmem>>, vector<16xi32>,
    }
    %scan3A_77 = arith.constant 4 : i32
    %dma_start3A_78 = arith.constant 0 : i32
    %dma_start3A_79 = arith.constant 0 : i32
    %dma_start3A_80 = tpu.memref_slice %arg29[%dma_start3A_78, %dma_start3A_79] : memref<10240x128xf32, #tpu.memory_space<vmem_shared>> -> memref<10240x128xf32, #tpu.memory_space<vmem_shared>>
    tpu.enqueue_indirect_dma source(%arg13 : memref<64x128xf32, #tpu.memory_space<vmem>>) target(%dma_start3A_80 : memref<10240x128xf32, #tpu.memory_space<vmem_shared>>) offsets(%arg21 : memref<64xi32, #tpu.memory_space<vmem>>) semaphore(%arg25 : memref<!tpu.dma_semaphore, #tpu.memory_space<semaphore_mem>>) {add = true}
    %dma_wait3A_81 = arith.constant 0 : i32
    %dma_wait3A_82 = arith.constant 0 : i32
    %dma_wait3A_83 = tpu.memref_slice %arg2[%dma_wait3A_81, %dma_wait3A_82] : memref<10240x128xf32, #tpu.memory_space<hbm>> -> memref<10240x128xf32, #tpu.memory_space<hbm>>
    tpu.wait_indirect_dma semaphore(%arg24 : memref<!tpu.dma_semaphore, #tpu.memory_space<semaphore_mem>>) src(%dma_wait3A_83 : memref<10240x128xf32, #tpu.memory_space<hbm>>) dst(%arg14 : memref<64x128xf32, #tpu.memory_space<vmem>>)
    %parallel_loop3A_84 = arith.constant 0 : i32
    %parallel_loop3A_85 = arith.constant 64 : i32
    %parallel_loop3A_86 = arith.constant 1 : i32
    scf.for %parallel_loop3A_120 = %parallel_loop3A_84 to %parallel_loop3A_85 step %parallel_loop3A_86  : i32 {
      %parallel_loop3A_121 = arith.constant 16 : i32
      %parallel_loop3A_122 = arith.divsi %parallel_loop3A_120, %parallel_loop3A_121 : i32
      %parallel_loop3A_123 = arith.constant 0 : i32
      %parallel_loop3A_124 = arith.cmpi sgt, %parallel_loop3A_120, %parallel_loop3A_123 : i32
      %parallel_loop3A_125 = arith.extui %parallel_loop3A_124 : i1 to i32
      %parallel_loop3A_126 = arith.constant 0 : i32
      %parallel_loop3A_127 = arith.cmpi slt, %parallel_loop3A_120, %parallel_loop3A_126 : i32
      %parallel_loop3A_128 = arith.extui %parallel_loop3A_127 : i1 to i32
      %parallel_loop3A_129 = arith.subi %parallel_loop3A_125, %parallel_loop3A_128 : i32
      %parallel_loop3A_130 = arith.constant 0 : i32
      %parallel_loop3A_131 = arith.cmpi sgt, %parallel_loop3A_121, %parallel_loop3A_130 : i32
      %parallel_loop3A_132 = arith.extui %parallel_loop3A_131 : i1 to i32
      %parallel_loop3A_133 = arith.constant 0 : i32
      %parallel_loop3A_134 = arith.cmpi slt, %parallel_loop3A_121, %parallel_loop3A_133 : i32
      %parallel_loop3A_135 = arith.extui %parallel_loop3A_134 : i1 to i32
      %parallel_loop3A_136 = arith.subi %parallel_loop3A_132, %parallel_loop3A_135 : i32
      %parallel_loop3A_137 = arith.cmpi ne, %parallel_loop3A_129, %parallel_loop3A_136 : i32
      %parallel_loop3A_138 = arith.remsi %parallel_loop3A_120, %parallel_loop3A_121 : i32
      %parallel_loop3A_139 = arith.constant 0 : i32
      %parallel_loop3A_140 = arith.cmpi ne, %parallel_loop3A_138, %parallel_loop3A_139 : i32
      %parallel_loop3A_141 = arith.andi %parallel_loop3A_137, %parallel_loop3A_140 : i1
      %parallel_loop3A_142 = arith.constant 1 : i32
      %parallel_loop3A_143 = arith.subi %parallel_loop3A_122, %parallel_loop3A_142 : i32
      %parallel_loop3A_144 = arith.select %parallel_loop3A_141, %parallel_loop3A_143, %parallel_loop3A_122 : i32
      %parallel_loop3A_145 = arith.constant 16 : i32
      %parallel_loop3A_146 = arith.muli %parallel_loop3A_144, %parallel_loop3A_145 : i32
      %parallel_loop3A_147 = arith.index_cast %parallel_loop3A_146 : i32 to index
      %parallel_loop3A_148 = tpu.vector_load %arg16[%parallel_loop3A_147] {strides = array<i32>} : memref<64xf32, #tpu.memory_space<vmem>>, vector<16xf32>,
      %parallel_loop3A_149 = arith.subi %parallel_loop3A_120, %parallel_loop3A_146 : i32
      %parallel_loop3A_150 = vector.broadcast %parallel_loop3A_149 : i32 to vector<16x1xi32>
      %parallel_loop3A_151 = vector.shape_cast %parallel_loop3A_150 : vector<16x1xi32> to vector<16xi32>
      %parallel_loop3A_152 = tpu.dynamic_gather %parallel_loop3A_148[%parallel_loop3A_151] in [0] : vector<16xf32>, vector<16xi32> -> vector<16xf32>
      %parallel_loop3A_153 = arith.index_cast %parallel_loop3A_120 : i32 to index
      %parallel_loop3A_154 = arith.constant 0 : index
      %parallel_loop3A_155 = tpu.vector_load %arg14[%parallel_loop3A_153, %parallel_loop3A_154] {strides = array<i32>} : memref<64x128xf32, #tpu.memory_space<vmem>>, vector<16xf32>,
      %parallel_loop3A_156 = arith.mulf %parallel_loop3A_155, %parallel_loop3A_152 : vector<16xf32>
      %parallel_loop3A_157 = arith.index_cast %parallel_loop3A_120 : i32 to index
      %parallel_loop3A_158 = arith.constant 0 : index
      %parallel_loop3A_159 = tpu.vector_load %arg14[%parallel_loop3A_157, %parallel_loop3A_158] {strides = array<i32>} : memref<64x128xf32, #tpu.memory_space<vmem>>, vector<16xf32>,
      tpu.vector_store %arg14[%parallel_loop3A_157, %parallel_loop3A_158], %parallel_loop3A_156 {strides = array<i32>} : memref<64x128xf32, #tpu.memory_space<vmem>>, vector<16xf32>,
      %parallel_loop3A_160 = arith.index_cast %parallel_loop3A_120 : i32 to index
      %parallel_loop3A_161 = arith.constant 16 : index
      %parallel_loop3A_162 = tpu.vector_load %arg14[%parallel_loop3A_160, %parallel_loop3A_161] {strides = array<i32>} : memref<64x128xf32, #tpu.memory_space<vmem>>, vector<16xf32>,
      %parallel_loop3A_163 = arith.mulf %parallel_loop3A_162, %parallel_loop3A_152 : vector<16xf32>
      %parallel_loop3A_164 = arith.index_cast %parallel_loop3A_120 : i32 to index
      %parallel_loop3A_165 = arith.constant 16 : index
      %parallel_loop3A_166 = tpu.vector_load %arg14[%parallel_loop3A_164, %parallel_loop3A_165] {strides = array<i32>} : memref<64x128xf32, #tpu.memory_space<vmem>>, vector<16xf32>,
      tpu.vector_store %arg14[%parallel_loop3A_164, %parallel_loop3A_165], %parallel_loop3A_163 {strides = array<i32>} : memref<64x128xf32, #tpu.memory_space<vmem>>, vector<16xf32>,
      %parallel_loop3A_167 = arith.index_cast %parallel_loop3A_120 : i32 to index
      %parallel_loop3A_168 = arith.constant 32 : index
      %parallel_loop3A_169 = tpu.vector_load %arg14[%parallel_loop3A_167, %parallel_loop3A_168] {strides = array<i32>} : memref<64x128xf32, #tpu.memory_space<vmem>>, vector<16xf32>,
      %parallel_loop3A_170 = arith.mulf %parallel_loop3A_169, %parallel_loop3A_152 : vector<16xf32>
      %parallel_loop3A_171 = arith.index_cast %parallel_loop3A_120 : i32 to index
      %parallel_loop3A_172 = arith.constant 32 : index
      %parallel_loop3A_173 = tpu.vector_load %arg14[%parallel_loop3A_171, %parallel_loop3A_172] {strides = array<i32>} : memref<64x128xf32, #tpu.memory_space<vmem>>, vector<16xf32>,
      tpu.vector_store %arg14[%parallel_loop3A_171, %parallel_loop3A_172], %parallel_loop3A_170 {strides = array<i32>} : memref<64x128xf32, #tpu.memory_space<vmem>>, vector<16xf32>,
      %parallel_loop3A_174 = arith.index_cast %parallel_loop3A_120 : i32 to index
      %parallel_loop3A_175 = arith.constant 48 : index
      %parallel_loop3A_176 = tpu.vector_load %arg14[%parallel_loop3A_174, %parallel_loop3A_175] {strides = array<i32>} : memref<64x128xf32, #tpu.memory_space<vmem>>, vector<16xf32>,
      %parallel_loop3A_177 = arith.mulf %parallel_loop3A_176, %parallel_loop3A_152 : vector<16xf32>
      %parallel_loop3A_178 = arith.index_cast %parallel_loop3A_120 : i32 to index
      %parallel_loop3A_179 = arith.constant 48 : index
      %parallel_loop3A_180 = tpu.vector_load %arg14[%parallel_loop3A_178, %parallel_loop3A_179] {strides = array<i32>} : memref<64x128xf32, #tpu.memory_space<vmem>>, vector<16xf32>,
      tpu.vector_store %arg14[%parallel_loop3A_178, %parallel_loop3A_179], %parallel_loop3A_177 {strides = array<i32>} : memref<64x128xf32, #tpu.memory_space<vmem>>, vector<16xf32>,
      %parallel_loop3A_181 = arith.index_cast %parallel_loop3A_120 : i32 to index
      %parallel_loop3A_182 = arith.constant 64 : index
      %parallel_loop3A_183 = tpu.vector_load %arg14[%parallel_loop3A_181, %parallel_loop3A_182] {strides = array<i32>} : memref<64x128xf32, #tpu.memory_space<vmem>>, vector<16xf32>,
      %parallel_loop3A_184 = arith.mulf %parallel_loop3A_183, %parallel_loop3A_152 : vector<16xf32>
      %parallel_loop3A_185 = arith.index_cast %parallel_loop3A_120 : i32 to index
      %parallel_loop3A_186 = arith.constant 64 : index
      %parallel_loop3A_187 = tpu.vector_load %arg14[%parallel_loop3A_185, %parallel_loop3A_186] {strides = array<i32>} : memref<64x128xf32, #tpu.memory_space<vmem>>, vector<16xf32>,
      tpu.vector_store %arg14[%parallel_loop3A_185, %parallel_loop3A_186], %parallel_loop3A_184 {strides = array<i32>} : memref<64x128xf32, #tpu.memory_space<vmem>>, vector<16xf32>,
      %parallel_loop3A_188 = arith.index_cast %parallel_loop3A_120 : i32 to index
      %parallel_loop3A_189 = arith.constant 80 : index
      %parallel_loop3A_190 = tpu.vector_load %arg14[%parallel_loop3A_188, %parallel_loop3A_189] {strides = array<i32>} : memref<64x128xf32, #tpu.memory_space<vmem>>, vector<16xf32>,
      %parallel_loop3A_191 = arith.mulf %parallel_loop3A_190, %parallel_loop3A_152 : vector<16xf32>
      %parallel_loop3A_192 = arith.index_cast %parallel_loop3A_120 : i32 to index
      %parallel_loop3A_193 = arith.constant 80 : index
      %parallel_loop3A_194 = tpu.vector_load %arg14[%parallel_loop3A_192, %parallel_loop3A_193] {strides = array<i32>} : memref<64x128xf32, #tpu.memory_space<vmem>>, vector<16xf32>,
      tpu.vector_store %arg14[%parallel_loop3A_192, %parallel_loop3A_193], %parallel_loop3A_191 {strides = array<i32>} : memref<64x128xf32, #tpu.memory_space<vmem>>, vector<16xf32>,
      %parallel_loop3A_195 = arith.index_cast %parallel_loop3A_120 : i32 to index
      %parallel_loop3A_196 = arith.constant 96 : index
      %parallel_loop3A_197 = tpu.vector_load %arg14[%parallel_loop3A_195, %parallel_loop3A_196] {strides = array<i32>} : memref<64x128xf32, #tpu.memory_space<vmem>>, vector<16xf32>,
      %parallel_loop3A_198 = arith.mulf %parallel_loop3A_197, %parallel_loop3A_152 : vector<16xf32>
      %parallel_loop3A_199 = arith.index_cast %parallel_loop3A_120 : i32 to index
      %parallel_loop3A_200 = arith.constant 96 : index
      %parallel_loop3A_201 = tpu.vector_load %arg14[%parallel_loop3A_199, %parallel_loop3A_200] {strides = array<i32>} : memref<64x128xf32, #tpu.memory_space<vmem>>, vector<16xf32>,
      tpu.vector_store %arg14[%parallel_loop3A_199, %parallel_loop3A_200], %parallel_loop3A_198 {strides = array<i32>} : memref<64x128xf32, #tpu.memory_space<vmem>>, vector<16xf32>,
      %parallel_loop3A_202 = arith.index_cast %parallel_loop3A_120 : i32 to index
      %parallel_loop3A_203 = arith.constant 112 : index
      %parallel_loop3A_204 = tpu.vector_load %arg14[%parallel_loop3A_202, %parallel_loop3A_203] {strides = array<i32>} : memref<64x128xf32, #tpu.memory_space<vmem>>, vector<16xf32>,
      %parallel_loop3A_205 = arith.mulf %parallel_loop3A_204, %parallel_loop3A_152 : vector<16xf32>
      %parallel_loop3A_206 = arith.index_cast %parallel_loop3A_120 : i32 to index
      %parallel_loop3A_207 = arith.constant 112 : index
      %parallel_loop3A_208 = tpu.vector_load %arg14[%parallel_loop3A_206, %parallel_loop3A_207] {strides = array<i32>} : memref<64x128xf32, #tpu.memory_space<vmem>>, vector<16xf32>,
      tpu.vector_store %arg14[%parallel_loop3A_206, %parallel_loop3A_207], %parallel_loop3A_205 {strides = array<i32>} : memref<64x128xf32, #tpu.memory_space<vmem>>, vector<16xf32>,
    } {sc.loop_unroll_factor = 4 : i64, sc.parallel_access}
    %scan3A_87 = arith.constant 0 : i32
    %scan3A_88 = arith.constant 4 : i32
    %scan3A_89 = arith.addi %scan3A_87, %scan3A_88 : i32
    %scan3A_90 = arith.constant 1 : i32
    scf.for %scan3A_120 = %scan3A_87 to %scan3A_89 step %scan3A_90  : i32 {
      %mul3A_121 = arith.constant 16 : i32
      %mul3A_122 = arith.muli %scan3A_120, %mul3A_121 : i32
      %add3A_123 = arith.constant 0 : i32
      %add3A_124 = arith.addi %add3A_123, %mul3A_122 : i32
      %get3A = arith.index_cast %add3A_124 : i32 to index
      %get3A_125 = tpu.vector_load %arg20[%get3A] {strides = array<i32>} : memref<64xi32, #tpu.memory_space<vmem>>, vector<16xi32>,
      %swap3A = arith.index_cast %add3A_124 : i32 to index
      %swap3A_126 = tpu.vector_load %arg22[%swap3A] {strides = array<i32>} : memref<64xi32, #tpu.memory_space<vmem>>, vector<16xi32>,
      tpu.vector_store %arg22[%swap3A], %get3A_125 {strides = array<i32>} : memref<64xi32, #tpu.memory_space<vmem>>, vector<16xi32>,
    }
    %scan3A_91 = arith.constant 4 : i32
    %dma_start3A_92 = arith.constant 0 : i32
    %dma_start3A_93 = arith.constant 0 : i32
    %dma_start3A_94 = tpu.memref_slice %arg29[%dma_start3A_92, %dma_start3A_93] : memref<10240x128xf32, #tpu.memory_space<vmem_shared>> -> memref<10240x128xf32, #tpu.memory_space<vmem_shared>>
    tpu.enqueue_indirect_dma source(%arg14 : memref<64x128xf32, #tpu.memory_space<vmem>>) target(%dma_start3A_94 : memref<10240x128xf32, #tpu.memory_space<vmem_shared>>) offsets(%arg22 : memref<64xi32, #tpu.memory_space<vmem>>) semaphore(%arg26 : memref<!tpu.dma_semaphore, #tpu.memory_space<semaphore_mem>>) {add = true}
    %dma_wait3A_95 = arith.constant 0 : i32
    %dma_wait3A_96 = arith.constant 0 : i32
    %dma_wait3A_97 = tpu.memref_slice %arg29[%dma_wait3A_95, %dma_wait3A_96] : memref<10240x128xf32, #tpu.memory_space<vmem_shared>> -> memref<10240x128xf32, #tpu.memory_space<vmem_shared>>
    tpu.wait_indirect_dma semaphore(%arg25 : memref<!tpu.dma_semaphore, #tpu.memory_space<semaphore_mem>>) src(%arg13 : memref<64x128xf32, #tpu.memory_space<vmem>>) dst(%dma_wait3A_97 : memref<10240x128xf32, #tpu.memory_space<vmem_shared>>)
    %dma_wait3A_98 = arith.constant 0 : i32
    %dma_wait3A_99 = arith.constant 0 : i32
    %dma_wait3A_100 = tpu.memref_slice %arg29[%dma_wait3A_98, %dma_wait3A_99] : memref<10240x128xf32, #tpu.memory_space<vmem_shared>> -> memref<10240x128xf32, #tpu.memory_space<vmem_shared>>
    tpu.wait_indirect_dma semaphore(%arg26 : memref<!tpu.dma_semaphore, #tpu.memory_space<semaphore_mem>>) src(%arg14 : memref<64x128xf32, #tpu.memory_space<vmem>>) dst(%dma_wait3A_100 : memref<10240x128xf32, #tpu.memory_space<vmem_shared>>)
    %dma_wait3A_101 = arith.constant 161 : i32
    %dma_wait3A_102 = arith.constant 0 : i32
    %dma_wait3A_103 = tpu.memref_slice %arg3[%add3A, %dma_wait3A_101, %dma_wait3A_102] : memref<32x162x64xi32, #tpu.memory_space<hbm>> -> memref<1x1x64xi32, #tpu.memory_space<hbm>>
    %dma_wait3A_104 = tpu.memref_squeeze %dma_wait3A_103 : memref<1x1x64xi32, #tpu.memory_space<hbm>> -> memref<64xi32, #tpu.memory_space<hbm>>
    %dma_wait3A_105 = arith.constant 0 : i32
    %dma_wait3A_106 = tpu.memref_slice %arg3[%add3A, %dma_wait3A_101, %dma_wait3A_105] : memref<32x162x64xi32, #tpu.memory_space<hbm>> -> memref<1x1x64xi32, #tpu.memory_space<hbm>>
    %dma_wait3A_107 = tpu.memref_squeeze %dma_wait3A_106 : memref<1x1x64xi32, #tpu.memory_space<hbm>> -> memref<64xi32, #tpu.memory_space<hbm>>
    tpu.wait_dma2 semaphore(%arg10 : memref<!tpu.dma_semaphore, #tpu.memory_space<semaphore_mem>>) src(%dma_wait3A_107 : memref<64xi32, #tpu.memory_space<hbm>>) dst(%arg8 : memref<64xi32, #tpu.memory_space<vmem>>)
    %dma_wait3A_108 = arith.constant 161 : i32
    %dma_wait3A_109 = arith.constant 0 : i32
    %dma_wait3A_110 = tpu.memref_slice %arg3[%add3A, %dma_wait3A_108, %dma_wait3A_109] : memref<32x162x64xi32, #tpu.memory_space<hbm>> -> memref<1x1x64xi32, #tpu.memory_space<hbm>>
    %dma_wait3A_111 = tpu.memref_squeeze %dma_wait3A_110 : memref<1x1x64xi32, #tpu.memory_space<hbm>> -> memref<64xi32, #tpu.memory_space<hbm>>
    %dma_wait3A_112 = arith.constant 0 : i32
    %dma_wait3A_113 = tpu.memref_slice %arg3[%add3A, %dma_wait3A_108, %dma_wait3A_112] : memref<32x162x64xi32, #tpu.memory_space<hbm>> -> memref<1x1x64xi32, #tpu.memory_space<hbm>>
    %dma_wait3A_114 = tpu.memref_squeeze %dma_wait3A_113 : memref<1x1x64xi32, #tpu.memory_space<hbm>> -> memref<64xi32, #tpu.memory_space<hbm>>
    tpu.wait_dma2 semaphore(%arg11 : memref<!tpu.dma_semaphore, #tpu.memory_space<semaphore_mem>>) src(%dma_wait3A_114 : memref<64xi32, #tpu.memory_space<hbm>>) dst(%arg9 : memref<64xi32, #tpu.memory_space<vmem>>)
    %dma_wait3A_115 = arith.constant 0 : i32
    %dma_wait3A_116 = tpu.memref_slice %arg30[%dma_wait3A_115] : memref<10240xf32, #tpu.memory_space<vmem_shared>> -> memref<10240xf32, #tpu.memory_space<vmem_shared>>
    tpu.wait_indirect_dma semaphore(%arg27 : memref<!tpu.dma_semaphore, #tpu.memory_space<semaphore_mem>>) src(%arg15 : memref<64xf32, #tpu.memory_space<vmem>>) dst(%dma_wait3A_116 : memref<10240xf32, #tpu.memory_space<vmem_shared>>)
    %dma_wait3A_117 = arith.constant 0 : i32
    %dma_wait3A_118 = tpu.memref_slice %arg30[%dma_wait3A_117] : memref<10240xf32, #tpu.memory_space<vmem_shared>> -> memref<10240xf32, #tpu.memory_space<vmem_shared>>
    tpu.wait_indirect_dma semaphore(%arg28 : memref<!tpu.dma_semaphore, #tpu.memory_space<semaphore_mem>>) src(%arg16 : memref<64xf32, #tpu.memory_space<vmem>>) dst(%dma_wait3A_118 : memref<10240xf32, #tpu.memory_space<vmem_shared>>)
    %barrier3A_119 = arith.constant 0 : index
    tpu.barrier barrier_id(%barrier3A_119)
    "tpu.region"() ({
      %run_scoped3A_120 = tpu.sem_alloc : memref<!tpu.dma_semaphore, #tpu.memory_space<semaphore_mem>>
      %dma_start3A_121 = arith.constant 0 : i32
      %dma_start3A_122 = tpu.memref_slice %arg6[%arg0, %mul3A_2, %dma_start3A_121] : memref<2x10240x128xf32, #tpu.memory_space<hbm>> -> memref<1x640x128xf32, #tpu.memory_space<hbm>>
      %dma_start3A_123 = tpu.memref_squeeze %dma_start3A_122 : memref<1x640x128xf32, #tpu.memory_space<hbm>> -> memref<640x128xf32, #tpu.memory_space<hbm>>
      %dma_start3A_124 = arith.constant 0 : i32
      %dma_start3A_125 = tpu.memref_slice %arg29[%mul3A_2, %dma_start3A_124] : memref<10240x128xf32, #tpu.memory_space<vmem_shared>> -> memref<640x128xf32, #tpu.memory_space<vmem_shared>>
      tpu.enqueue_dma source(%dma_start3A_125 : memref<640x128xf32, #tpu.memory_space<vmem_shared>>) target(%dma_start3A_123 : memref<640x128xf32, #tpu.memory_space<hbm>>) target_semaphore(%run_scoped3A_120 : memref<!tpu.dma_semaphore, #tpu.memory_space<semaphore_mem>>)
      %dma_wait3A_126 = arith.constant 0 : i32
      %dma_wait3A_127 = tpu.memref_slice %arg6[%arg0, %mul3A_2, %dma_wait3A_126] : memref<2x10240x128xf32, #tpu.memory_space<hbm>> -> memref<1x640x128xf32, #tpu.memory_space<hbm>>
      %dma_wait3A_128 = tpu.memref_squeeze %dma_wait3A_127 : memref<1x640x128xf32, #tpu.memory_space<hbm>> -> memref<640x128xf32, #tpu.memory_space<hbm>>
      %dma_wait3A_129 = arith.constant 0 : i32
      %dma_wait3A_130 = tpu.memref_slice %arg29[%mul3A_2, %dma_wait3A_129] : memref<10240x128xf32, #tpu.memory_space<vmem_shared>> -> memref<640x128xf32, #tpu.memory_space<vmem_shared>>
      tpu.wait_dma2 semaphore(%run_scoped3A_120 : memref<!tpu.dma_semaphore, #tpu.memory_space<semaphore_mem>>) src(%dma_wait3A_130 : memref<640x128xf32, #tpu.memory_space<vmem_shared>>) dst(%dma_wait3A_128 : memref<640x128xf32, #tpu.memory_space<hbm>>)
      tpu.yield
    }) : () -> ()
    "tpu.region"() ({
      %run_scoped3A_120 = tpu.sem_alloc : memref<!tpu.dma_semaphore, #tpu.memory_space<semaphore_mem>>
      %dma_start3A_121 = tpu.memref_slice %arg7[%arg0, %mul3A_2] : memref<2x10240xf32, #tpu.memory_space<hbm>> -> memref<1x640xf32, #tpu.memory_space<hbm>>
      %dma_start3A_122 = tpu.memref_squeeze %dma_start3A_121 : memref<1x640xf32, #tpu.memory_space<hbm>> -> memref<640xf32, #tpu.memory_space<hbm>>
      %dma_start3A_123 = tpu.memref_slice %arg30[%mul3A_2] : memref<10240xf32, #tpu.memory_space<vmem_shared>> -> memref<640xf32, #tpu.memory_space<vmem_shared>>
      tpu.enqueue_dma source(%dma_start3A_123 : memref<640xf32, #tpu.memory_space<vmem_shared>>) target(%dma_start3A_122 : memref<640xf32, #tpu.memory_space<hbm>>) target_semaphore(%run_scoped3A_120 : memref<!tpu.dma_semaphore, #tpu.memory_space<semaphore_mem>>)
      %dma_wait3A_124 = tpu.memref_slice %arg7[%arg0, %mul3A_2] : memref<2x10240xf32, #tpu.memory_space<hbm>> -> memref<1x640xf32, #tpu.memory_space<hbm>>
      %dma_wait3A_125 = tpu.memref_squeeze %dma_wait3A_124 : memref<1x640xf32, #tpu.memory_space<hbm>> -> memref<640xf32, #tpu.memory_space<hbm>>
      %dma_wait3A_126 = tpu.memref_slice %arg30[%mul3A_2] : memref<10240xf32, #tpu.memory_space<vmem_shared>> -> memref<640xf32, #tpu.memory_space<vmem_shared>>
      tpu.wait_dma2 semaphore(%run_scoped3A_120 : memref<!tpu.dma_semaphore, #tpu.memory_space<semaphore_mem>>) src(%dma_wait3A_126 : memref<640xf32, #tpu.memory_space<vmem_shared>>) dst(%dma_wait3A_125 : memref<640xf32, #tpu.memory_space<hbm>>)
      tpu.yield
    }) : () -> ()
    return
  }
}

module attributes {stable_mosaic.version = 14 : i64} {
  func.func @body(%arg0: i32, %arg1: memref<1024x128xf32, #tpu.memory_space<vmem>>, %arg2: memref<128x256xf32, #tpu.memory_space<vmem>>, %arg3: memref<1024x128xf32, #tpu.memory_space<vmem>>, %arg4: memref<8x128xf32, #tpu.memory_space<vmem>>, %arg5: memref<8x128xf32, #tpu.memory_space<vmem>>) attributes {dimension_semantics = [#tpu.dimension_semantics<arbitrary>], iteration_bounds = array<i64: 10>, scalar_prefetch = 0 : i64, scratch_operands = 0 : i64, tpu.core_type = #tpu.core_type<tc>, window_params = [{transform_indices = @transform_0, window_bounds = array<i64: 1024, 128>}, {pipeline_mode = #tpu.pipeline_mode<synchronous>, transform_indices = @transform_1, window_bounds = array<i64: 128, 256>}, {transform_indices = @transform_2, window_bounds = array<i64: 1024, 128>}, {transform_indices = @transform_3, window_bounds = array<i64: 8, 128>}, {transform_indices = @transform_4, window_bounds = array<i64: 8, 128>}]} {
    %get3A = arith.constant 0 : index
    %get3A_0 = arith.constant 0 : index
    %get3A_1 = vector.load %arg1[%get3A, %get3A_0] : memref<1024x128xf32, #tpu.memory_space<vmem>>, vector<1024x128xf32>
    %get3A_2 = arith.constant 0 : index
    %get3A_3 = arith.constant 0 : index
    %get3A_4 = vector.load %arg2[%get3A_2, %get3A_3] : memref<128x256xf32, #tpu.memory_space<vmem>>, vector<128x256xf32>
    %dot_general3A = arith.constant dense<0.000000e+00> : vector<1024x256xf32>
    %dot_general3A_5 = tpu.matmul %get3A_1, %get3A_4, %dot_general3A {dimension_numbers = #tpu.dot_dimension_numbers<[1], [0], [0], [1], [0, 0, 1, 1], [], []>, precision = #tpu.contract_precision<fp32>, transpose_lhs_hint = false} : vector<1024x128xf32>, vector<128x256xf32>, vector<1024x256xf32> -> vector<1024x256xf32>
    %slice3A = vector.extract_strided_slice %dot_general3A_5 {offsets = [0, 0], sizes = [1024, 128], strides = [1, 1]} : vector<1024x256xf32> to vector<1024x128xf32>
    %swap3A = arith.constant 0 : index
    %swap3A_6 = arith.constant 0 : index
    %swap3A_7 = vector.load %arg3[%swap3A, %swap3A_6] : memref<1024x128xf32, #tpu.memory_space<vmem>>, vector<1024x128xf32>
    tpu.vector_store %arg3[%swap3A, %swap3A_6], %slice3A {strides = array<i32>} : memref<1024x128xf32, #tpu.memory_space<vmem>>, vector<1024x128xf32>,
    %slice3A_8 = vector.extract_strided_slice %dot_general3A_5 {offsets = [0, 128], sizes = [1024, 1], strides = [1, 1]} : vector<1024x256xf32> to vector<1024x1xf32>
    %squeeze3A = vector.shape_cast %slice3A_8 : vector<1024x1xf32> to vector<1024xf32>
    %reshape3A = vector.shape_cast %squeeze3A : vector<1024xf32> to vector<8x128xf32>
    %swap3A_9 = arith.constant 0 : index
    %swap3A_10 = arith.constant 0 : index
    %swap3A_11 = vector.load %arg4[%swap3A_9, %swap3A_10] : memref<8x128xf32, #tpu.memory_space<vmem>>, vector<8x128xf32>
    tpu.vector_store %arg4[%swap3A_9, %swap3A_10], %reshape3A {strides = array<i32>} : memref<8x128xf32, #tpu.memory_space<vmem>>, vector<8x128xf32>,
    %slice3A_12 = vector.extract_strided_slice %dot_general3A_5 {offsets = [0, 129], sizes = [1024, 1], strides = [1, 1]} : vector<1024x256xf32> to vector<1024x1xf32>
    %squeeze3A_13 = vector.shape_cast %slice3A_12 : vector<1024x1xf32> to vector<1024xf32>
    %reshape3A_14 = vector.shape_cast %squeeze3A_13 : vector<1024xf32> to vector<8x128xf32>
    %swap3A_15 = arith.constant 0 : index
    %swap3A_16 = arith.constant 0 : index
    %swap3A_17 = vector.load %arg5[%swap3A_15, %swap3A_16] : memref<8x128xf32, #tpu.memory_space<vmem>>, vector<8x128xf32>
    tpu.vector_store %arg5[%swap3A_15, %swap3A_16], %reshape3A_14 {strides = array<i32>} : memref<8x128xf32, #tpu.memory_space<vmem>>, vector<8x128xf32>,
    return
  }
  func.func @transform_0(%arg0: i32) -> (i32, i32) {
    %c0_i32 = arith.constant 0 : i32
    %c0_i32_0 = arith.constant 0 : i32
    return %arg0, %c0_i32 : i32, i32
  }
  func.func @transform_1(%arg0: i32) -> (i32, i32) {
    %c0_i32 = arith.constant 0 : i32
    %c0_i32_0 = arith.constant 0 : i32
    %c0_i32_1 = arith.constant 0 : i32
    return %c0_i32, %c0_i32_0 : i32, i32
  }
  func.func @transform_2(%arg0: i32) -> (i32, i32) {
    %c0_i32 = arith.constant 0 : i32
    %c0_i32_0 = arith.constant 0 : i32
    return %arg0, %c0_i32 : i32, i32
  }
  func.func @transform_3(%arg0: i32) -> (i32, i32) {
    %c0_i32 = arith.constant 0 : i32
    %c0_i32_0 = arith.constant 0 : i32
    return %arg0, %c0_i32 : i32, i32
  }
  func.func @transform_4(%arg0: i32) -> (i32, i32) {
    %c0_i32 = arith.constant 0 : i32
    %c0_i32_0 = arith.constant 0 : i32
    return %arg0, %c0_i32 : i32, i32
  }
}

module attributes {stable_mosaic.version = 14 : i64} {
  func.func @body(%arg0: i32, %arg1: memref<2x1024x128xf32, #tpu.memory_space<vmem>>, %arg2: memref<2x10240xf32, #tpu.memory_space<vmem>>, %arg3: memref<128xf32, #tpu.memory_space<vmem>>, %arg4: memref<128x256xf32, #tpu.memory_space<vmem>>, %arg5: memref<1024x128xf32, #tpu.memory_space<vmem>>, %arg6: memref<8x128xf32, #tpu.memory_space<vmem>>, %arg7: memref<8x128xf32, #tpu.memory_space<vmem>>) attributes {dimension_semantics = [#tpu.dimension_semantics<arbitrary>], iteration_bounds = array<i64: 10>, scalar_prefetch = 0 : i64, scratch_operands = 0 : i64, tpu.core_type = #tpu.core_type<tc>, window_params = [{transform_indices = @transform_0, window_bounds = array<i64: 2, 1024, 128>}, {pipeline_mode = #tpu.pipeline_mode<synchronous>, transform_indices = @transform_1, window_bounds = array<i64: 2, 10240>}, {pipeline_mode = #tpu.pipeline_mode<synchronous>, transform_indices = @transform_2, window_bounds = array<i64: 128>}, {pipeline_mode = #tpu.pipeline_mode<synchronous>, transform_indices = @transform_3, window_bounds = array<i64: 128, 256>}, {transform_indices = @transform_4, window_bounds = array<i64: 1024, 128>}, {transform_indices = @transform_5, window_bounds = array<i64: 8, 128>}, {transform_indices = @transform_6, window_bounds = array<i64: 8, 128>}]} {
    %get3A = arith.constant 0 : index
    %get3A_0 = arith.constant 0 : index
    %get3A_1 = arith.constant 0 : index
    %get3A_2 = vector.load %arg1[%get3A, %get3A_0, %get3A_1] : memref<2x1024x128xf32, #tpu.memory_space<vmem>>, vector<1x1024x128xf32>
    %get3A_3 = vector.shape_cast %get3A_2 : vector<1x1024x128xf32> to vector<1024x128xf32>
    %get3A_4 = arith.constant 1 : index
    %get3A_5 = arith.constant 0 : index
    %get3A_6 = arith.constant 0 : index
    %get3A_7 = vector.load %arg1[%get3A_4, %get3A_5, %get3A_6] : memref<2x1024x128xf32, #tpu.memory_space<vmem>>, vector<1x1024x128xf32>
    %get3A_8 = vector.shape_cast %get3A_7 : vector<1x1024x128xf32> to vector<1024x128xf32>
    %add3A = arith.addf %get3A_3, %get3A_8 : vector<1024x128xf32>
    %mul3A = arith.constant 1024 : i32
    %mul3A_9 = arith.muli %arg0, %mul3A : i32
    %get3A_10 = arith.constant 0 : index
    %get3A_11 = arith.index_cast %mul3A_9 : i32 to index
    %get3A_12 = vector.load %arg2[%get3A_10, %get3A_11] : memref<2x10240xf32, #tpu.memory_space<vmem>>, vector<1x1024xf32>
    %get3A_13 = vector.shape_cast %get3A_12 : vector<1x1024xf32> to vector<1024xf32>
    %mul3A_14 = arith.constant 1024 : i32
    %mul3A_15 = arith.muli %arg0, %mul3A_14 : i32
    %get3A_16 = arith.constant 1 : index
    %get3A_17 = arith.index_cast %mul3A_15 : i32 to index
    %get3A_18 = vector.load %arg2[%get3A_16, %get3A_17] : memref<2x10240xf32, #tpu.memory_space<vmem>>, vector<1x1024xf32>
    %get3A_19 = vector.shape_cast %get3A_18 : vector<1x1024xf32> to vector<1024xf32>
    %add3A_20 = arith.addf %get3A_13, %get3A_19 : vector<1024xf32>
    %add3A_21 = arith.constant 1.000000e-16 : f32
    %add3A_22 = vector.broadcast %add3A_21 : f32 to vector<1024xf32>
    %add3A_23 = arith.addf %add3A_20, %add3A_22 : vector<1024xf32>
    %broadcast_in_dim3A = vector.shape_cast %add3A_23 : vector<1024xf32> to vector<1024x1xf32>
    %div3A = vector.broadcast %broadcast_in_dim3A : vector<1024x1xf32> to vector<1024x128xf32>
    %div3A_24 = arith.divf %add3A, %div3A : vector<1024x128xf32>
    %get3A_25 = arith.constant 0 : index
    %get3A_26 = vector.load %arg3[%get3A_25] : memref<128xf32, #tpu.memory_space<vmem>>, vector<128xf32>
    %broadcast_in_dim3A_27 = vector.shape_cast %get3A_26 : vector<128xf32> to vector<1x128xf32>
    %add3A_28 = vector.broadcast %broadcast_in_dim3A_27 : vector<1x128xf32> to vector<1024x128xf32>
    %add3A_29 = arith.addf %div3A_24, %add3A_28 : vector<1024x128xf32>
    %max3A = arith.constant 0.000000e+00 : f32
    %max3A_30 = vector.broadcast %max3A : f32 to vector<1024x128xf32>
    %max3A_31 = arith.maximumf %add3A_29, %max3A_30 : vector<1024x128xf32>
    %get3A_32 = arith.constant 0 : index
    %get3A_33 = arith.constant 0 : index
    %get3A_34 = vector.load %arg4[%get3A_32, %get3A_33] : memref<128x256xf32, #tpu.memory_space<vmem>>, vector<128x256xf32>
    %dot_general3A = arith.constant dense<0.000000e+00> : vector<1024x256xf32>
    %dot_general3A_35 = tpu.matmul %max3A_31, %get3A_34, %dot_general3A {dimension_numbers = #tpu.dot_dimension_numbers<[1], [0], [0], [1], [0, 0, 1, 1], [], []>, precision = #tpu.contract_precision<fp32>, transpose_lhs_hint = false} : vector<1024x128xf32>, vector<128x256xf32>, vector<1024x256xf32> -> vector<1024x256xf32>
    %slice3A = vector.extract_strided_slice %dot_general3A_35 {offsets = [0, 0], sizes = [1024, 128], strides = [1, 1]} : vector<1024x256xf32> to vector<1024x128xf32>
    %swap3A = arith.constant 0 : index
    %swap3A_36 = arith.constant 0 : index
    %swap3A_37 = vector.load %arg5[%swap3A, %swap3A_36] : memref<1024x128xf32, #tpu.memory_space<vmem>>, vector<1024x128xf32>
    tpu.vector_store %arg5[%swap3A, %swap3A_36], %slice3A {strides = array<i32>} : memref<1024x128xf32, #tpu.memory_space<vmem>>, vector<1024x128xf32>,
    %slice3A_38 = vector.extract_strided_slice %dot_general3A_35 {offsets = [0, 128], sizes = [1024, 1], strides = [1, 1]} : vector<1024x256xf32> to vector<1024x1xf32>
    %squeeze3A = vector.shape_cast %slice3A_38 : vector<1024x1xf32> to vector<1024xf32>
    %reshape3A = vector.shape_cast %squeeze3A : vector<1024xf32> to vector<8x128xf32>
    %swap3A_39 = arith.constant 0 : index
    %swap3A_40 = arith.constant 0 : index
    %swap3A_41 = vector.load %arg6[%swap3A_39, %swap3A_40] : memref<8x128xf32, #tpu.memory_space<vmem>>, vector<8x128xf32>
    tpu.vector_store %arg6[%swap3A_39, %swap3A_40], %reshape3A {strides = array<i32>} : memref<8x128xf32, #tpu.memory_space<vmem>>, vector<8x128xf32>,
    %slice3A_42 = vector.extract_strided_slice %dot_general3A_35 {offsets = [0, 129], sizes = [1024, 1], strides = [1, 1]} : vector<1024x256xf32> to vector<1024x1xf32>
    %squeeze3A_43 = vector.shape_cast %slice3A_42 : vector<1024x1xf32> to vector<1024xf32>
    %reshape3A_44 = vector.shape_cast %squeeze3A_43 : vector<1024xf32> to vector<8x128xf32>
    %swap3A_45 = arith.constant 0 : index
    %swap3A_46 = arith.constant 0 : index
    %swap3A_47 = vector.load %arg7[%swap3A_45, %swap3A_46] : memref<8x128xf32, #tpu.memory_space<vmem>>, vector<8x128xf32>
    tpu.vector_store %arg7[%swap3A_45, %swap3A_46], %reshape3A_44 {strides = array<i32>} : memref<8x128xf32, #tpu.memory_space<vmem>>, vector<8x128xf32>,
    return
  }
  func.func @transform_0(%arg0: i32) -> (i32, i32, i32) {
    %c0_i32 = arith.constant 0 : i32
    %c0_i32_0 = arith.constant 0 : i32
    %c0_i32_1 = arith.constant 0 : i32
    return %c0_i32, %arg0, %c0_i32_0 : i32, i32, i32
  }
  func.func @transform_1(%arg0: i32) -> (i32, i32) {
    %c0_i32 = arith.constant 0 : i32
    %c0_i32_0 = arith.constant 0 : i32
    %c0_i32_1 = arith.constant 0 : i32
    return %c0_i32, %c0_i32_0 : i32, i32
  }
  func.func @transform_2(%arg0: i32) -> i32 {
    %c0_i32 = arith.constant 0 : i32
    %c0_i32_0 = arith.constant 0 : i32
    return %c0_i32 : i32
  }
  func.func @transform_3(%arg0: i32) -> (i32, i32) {
    %c0_i32 = arith.constant 0 : i32
    %c0_i32_0 = arith.constant 0 : i32
    %c0_i32_1 = arith.constant 0 : i32
    return %c0_i32, %c0_i32_0 : i32, i32
  }
  func.func @transform_4(%arg0: i32) -> (i32, i32) {
    %c0_i32 = arith.constant 0 : i32
    %c0_i32_0 = arith.constant 0 : i32
    return %arg0, %c0_i32 : i32, i32
  }
  func.func @transform_5(%arg0: i32) -> (i32, i32) {
    %c0_i32 = arith.constant 0 : i32
    %c0_i32_0 = arith.constant 0 : i32
    return %arg0, %c0_i32 : i32, i32
  }
  func.func @transform_6(%arg0: i32) -> (i32, i32) {
    %c0_i32 = arith.constant 0 : i32
    %c0_i32_0 = arith.constant 0 : i32
    return %arg0, %c0_i32 : i32, i32
  }
}

module attributes {stable_mosaic.version = 14 : i64} {
  func.func @body(%arg0: i32, %arg1: memref<2x1024x128xf32, #tpu.memory_space<vmem>>, %arg2: memref<2x10240xf32, #tpu.memory_space<vmem>>, %arg3: memref<128xf32, #tpu.memory_space<vmem>>, %arg4: memref<128x128xf32, #tpu.memory_space<vmem>>, %arg5: memref<128xf32, #tpu.memory_space<vmem>>, %arg6: memref<1024x128xf32, #tpu.memory_space<vmem>>) attributes {dimension_semantics = [#tpu.dimension_semantics<arbitrary>], iteration_bounds = array<i64: 10>, scalar_prefetch = 0 : i64, scratch_operands = 0 : i64, tpu.core_type = #tpu.core_type<tc>, window_params = [{transform_indices = @transform_0, window_bounds = array<i64: 2, 1024, 128>}, {pipeline_mode = #tpu.pipeline_mode<synchronous>, transform_indices = @transform_1, window_bounds = array<i64: 2, 10240>}, {pipeline_mode = #tpu.pipeline_mode<synchronous>, transform_indices = @transform_2, window_bounds = array<i64: 128>}, {pipeline_mode = #tpu.pipeline_mode<synchronous>, transform_indices = @transform_3, window_bounds = array<i64: 128, 128>}, {pipeline_mode = #tpu.pipeline_mode<synchronous>, transform_indices = @transform_4, window_bounds = array<i64: 128>}, {transform_indices = @transform_5, window_bounds = array<i64: 1024, 128>}]} {
    %get3A = arith.constant 0 : index
    %get3A_0 = arith.constant 0 : index
    %get3A_1 = arith.constant 0 : index
    %get3A_2 = vector.load %arg1[%get3A, %get3A_0, %get3A_1] : memref<2x1024x128xf32, #tpu.memory_space<vmem>>, vector<1x1024x128xf32>
    %get3A_3 = vector.shape_cast %get3A_2 : vector<1x1024x128xf32> to vector<1024x128xf32>
    %get3A_4 = arith.constant 1 : index
    %get3A_5 = arith.constant 0 : index
    %get3A_6 = arith.constant 0 : index
    %get3A_7 = vector.load %arg1[%get3A_4, %get3A_5, %get3A_6] : memref<2x1024x128xf32, #tpu.memory_space<vmem>>, vector<1x1024x128xf32>
    %get3A_8 = vector.shape_cast %get3A_7 : vector<1x1024x128xf32> to vector<1024x128xf32>
    %add3A = arith.addf %get3A_3, %get3A_8 : vector<1024x128xf32>
    %mul3A = arith.constant 1024 : i32
    %mul3A_9 = arith.muli %arg0, %mul3A : i32
    %get3A_10 = arith.constant 0 : index
    %get3A_11 = arith.index_cast %mul3A_9 : i32 to index
    %get3A_12 = vector.load %arg2[%get3A_10, %get3A_11] : memref<2x10240xf32, #tpu.memory_space<vmem>>, vector<1x1024xf32>
    %get3A_13 = vector.shape_cast %get3A_12 : vector<1x1024xf32> to vector<1024xf32>
    %mul3A_14 = arith.constant 1024 : i32
    %mul3A_15 = arith.muli %arg0, %mul3A_14 : i32
    %get3A_16 = arith.constant 1 : index
    %get3A_17 = arith.index_cast %mul3A_15 : i32 to index
    %get3A_18 = vector.load %arg2[%get3A_16, %get3A_17] : memref<2x10240xf32, #tpu.memory_space<vmem>>, vector<1x1024xf32>
    %get3A_19 = vector.shape_cast %get3A_18 : vector<1x1024xf32> to vector<1024xf32>
    %add3A_20 = arith.addf %get3A_13, %get3A_19 : vector<1024xf32>
    %add3A_21 = arith.constant 1.000000e-16 : f32
    %add3A_22 = vector.broadcast %add3A_21 : f32 to vector<1024xf32>
    %add3A_23 = arith.addf %add3A_20, %add3A_22 : vector<1024xf32>
    %broadcast_in_dim3A = vector.shape_cast %add3A_23 : vector<1024xf32> to vector<1024x1xf32>
    %div3A = vector.broadcast %broadcast_in_dim3A : vector<1024x1xf32> to vector<1024x128xf32>
    %div3A_24 = arith.divf %add3A, %div3A : vector<1024x128xf32>
    %get3A_25 = arith.constant 0 : index
    %get3A_26 = vector.load %arg3[%get3A_25] : memref<128xf32, #tpu.memory_space<vmem>>, vector<128xf32>
    %broadcast_in_dim3A_27 = vector.shape_cast %get3A_26 : vector<128xf32> to vector<1x128xf32>
    %add3A_28 = vector.broadcast %broadcast_in_dim3A_27 : vector<1x128xf32> to vector<1024x128xf32>
    %add3A_29 = arith.addf %div3A_24, %add3A_28 : vector<1024x128xf32>
    %max3A = arith.constant 0.000000e+00 : f32
    %max3A_30 = vector.broadcast %max3A : f32 to vector<1024x128xf32>
    %max3A_31 = arith.maximumf %add3A_29, %max3A_30 : vector<1024x128xf32>
    %get3A_32 = arith.constant 0 : index
    %get3A_33 = arith.constant 0 : index
    %get3A_34 = vector.load %arg4[%get3A_32, %get3A_33] : memref<128x128xf32, #tpu.memory_space<vmem>>, vector<128x128xf32>
    %dot_general3A = arith.constant dense<0.000000e+00> : vector<1024x128xf32>
    %dot_general3A_35 = tpu.matmul %max3A_31, %get3A_34, %dot_general3A {dimension_numbers = #tpu.dot_dimension_numbers<[1], [0], [0], [1], [0, 0, 1, 1], [], []>, precision = #tpu.contract_precision<fp32>, transpose_lhs_hint = false} : vector<1024x128xf32>, vector<128x128xf32>, vector<1024x128xf32> -> vector<1024x128xf32>
    %get3A_36 = arith.constant 0 : index
    %get3A_37 = vector.load %arg5[%get3A_36] : memref<128xf32, #tpu.memory_space<vmem>>, vector<128xf32>
    %broadcast_in_dim3A_38 = vector.shape_cast %get3A_37 : vector<128xf32> to vector<1x128xf32>
    %add3A_39 = vector.broadcast %broadcast_in_dim3A_38 : vector<1x128xf32> to vector<1024x128xf32>
    %add3A_40 = arith.addf %dot_general3A_35, %add3A_39 : vector<1024x128xf32>
    %swap3A = arith.constant 0 : index
    %swap3A_41 = arith.constant 0 : index
    %swap3A_42 = vector.load %arg6[%swap3A, %swap3A_41] : memref<1024x128xf32, #tpu.memory_space<vmem>>, vector<1024x128xf32>
    tpu.vector_store %arg6[%swap3A, %swap3A_41], %add3A_40 {strides = array<i32>} : memref<1024x128xf32, #tpu.memory_space<vmem>>, vector<1024x128xf32>,
    return
  }
  func.func @transform_0(%arg0: i32) -> (i32, i32, i32) {
    %c0_i32 = arith.constant 0 : i32
    %c0_i32_0 = arith.constant 0 : i32
    %c0_i32_1 = arith.constant 0 : i32
    return %c0_i32, %arg0, %c0_i32_0 : i32, i32, i32
  }
  func.func @transform_1(%arg0: i32) -> (i32, i32) {
    %c0_i32 = arith.constant 0 : i32
    %c0_i32_0 = arith.constant 0 : i32
    %c0_i32_1 = arith.constant 0 : i32
    return %c0_i32, %c0_i32_0 : i32, i32
  }
  func.func @transform_2(%arg0: i32) -> i32 {
    %c0_i32 = arith.constant 0 : i32
    %c0_i32_0 = arith.constant 0 : i32
    return %c0_i32 : i32
  }
  func.func @transform_3(%arg0: i32) -> (i32, i32) {
    %c0_i32 = arith.constant 0 : i32
    %c0_i32_0 = arith.constant 0 : i32
    %c0_i32_1 = arith.constant 0 : i32
    return %c0_i32, %c0_i32_0 : i32, i32
  }
  func.func @transform_4(%arg0: i32) -> i32 {
    %c0_i32 = arith.constant 0 : i32
    %c0_i32_0 = arith.constant 0 : i32
    return %c0_i32 : i32
  }
  func.func @transform_5(%arg0: i32) -> (i32, i32) {
    %c0_i32 = arith.constant 0 : i32
    %c0_i32_0 = arith.constant 0 : i32
    return %arg0, %c0_i32 : i32, i32
  }
}

</mosaic_0001>

<sc_bundles>
// kernel: kernel.10.cloned.1.call-start
scs
__scs_entry_jumppad:
0x0: {  	(pc) =	sbr.rel $0x88, $3  }
0x1: {  	(tag) =	ssettag $0x0;
	lr =	simm.s32 $0x1  }
0x2: {  	[smem:$0x3F95] =	sst lr;
	_ =	strace $0xD0000000  }
0x3: {  	_ = 	snop  }
0x4: {  	_ = 	snop  }
0x5: {  	_ = 	snop  }
0x6: {  	_ = 	snop  }
0x7: {  	_ = 	snop  }
__scs_overlays_trampoline_lowered:
0x8: {  	[smem:$0x3FA4] =	sst s0  }
0x9: {  	[smem:$0x3FA5] =	sst s1  }
0xa: {  	[smem:$0x3FA6] =	sst s2  }
0xb: {  	[smem:$0x3FA7] =	sst s3  }
0xc: {  	[smem:$0x3FA8] =	sst s4  }
0xd: {  	[smem:$0x3FA9] =	sst s5  }
0xe: {  	[smem:$0x3FAA] =	sst s6  }
0xf: {  	[smem:$0x3FAB] =	sst s7  }
0x10: {  	[smem:$0x3FAC] =	sst s8  }
0x11: {  	[smem:$0x3FAD] =	sst s9;
	s0 =	simm.s32 @!p0 $0x0  }
0x12: {  	s1 =	sld [smem:$0x3F93];
	s0 =	simm.s32 @p0 $0x1  }
0x13: {  	[smem:$0x3FAE] =	sst s0;
	s0 =	simm.s32 @!p1 $0x0  }
0x14: {  	s2 =	sld [smem:$0x3F92];
	s0 =	simm.s32 @p1 $0x1  }
0x15: {  	[smem:$0x3FAF] =	sst s0;
	s0 =	simm.s32 @!p2 $0x0  }
0x16: {  	s3 =	sld [smem:$0x3FDB];
	s0 =	simm.s32 @p2 $0x1  }
0x17: {  	s4 =	simm.s32 $0x1BF5;
	[smem:$0x3FB1] =	sst s0  }
0x18: {  	s0 =	sld [smem:$0x3F94];
	_ =	swait.ge [sflag:s4], $0x0  }
0x19: {  	s7 =	sld [smem:$0x3F95]  }
0x1a: {  	s8 =	sadd.s32 $0xFFFFE003, lr  }
0x1b: {  	s9 =	sadd.s32 $0xFFFFFEF7, lr;
	s5 =	simm.s32 $0xFFFFFFFF;
	p2 =	slt.u32 s8, $0xFFFFF086  }
0x1c: {  	p1 =	slt.u32 s9, $0xF7A;
	s5 =	simm.s32 @!p2 $0x0  }
0x1d: {  	s5 =	simm.s32 @p1 $0x1;
	p0 =	seq.s32 s7, s2  }
0x1e: {  	s7 =	smul.u32 @!p0 $0xF7A, s2;
	p2 =	seq.s32 @!p0 s5, $0x0  }
0x1f: {  	s9 =	smul.u32 $0xF7A, s1;
	s8 =	simm.s32 @!p0 $0x1BF5;
	p2 =	por !p2, p0  }
0x20: {  	[sflag:s8] =	ssyncset.s32 @!p0 $0xFFFFF086;
	s6 =	sadd.s32 @!p0 s3, s7;
	s7 =	simm.s32 @!p0 $0x108  }
0x21: {  	s3 =	sadd.s32 s3, s9;
	s6 =	sadd.s32 @!p0 $0x88, s6;
	s7 =	simm.s32 @p2 $0x1082  }
0x22: {  	[simem:s7], [sflag:s8] =	dma.local @!p0 [hbm:s6], $0xF7A  }
0x23: {  	s9 =	sor.u32 $0xD0000000, s2;
	s6 =	simm.s32 $0x108;
	_ =	swait.ge @!p0 [sflag:s8], $0x0  }
0x24: {  	s3 =	sadd.s32 $0x88, s3;
	s6 =	simm.s32 @!p1 $0x1082;
	[sflag:s4] =	ssyncset.s32 $0xFFFFF086  }
0x25: {  	[simem:s6], [sflag:s4] =	dma.local [hbm:s3], $0xF7A  }
0x26: {  	[smem:$0x3F95] =	sst s1;
	(tag) =	ssettag s2;
	_ =	strace s9  }
0x27: {  	s1 =	sld [smem:$0x3FA5]  }
0x28: {  	s2 =	sld [smem:$0x3FA6]  }
0x29: {  	s4 =	sld [smem:$0x3FA8]  }
0x2a: {  	p0 =	seq.s32 s5, $0x0;
	s5 =	sld [smem:$0x3FA9]  }
0x2b: {  	s6 =	sld [smem:$0x3FAA]  }
0x2c: {  	s7 =	sld [smem:$0x3FAB]  }
0x2d: {  	s3 =	simm.s32 $0x108;
	s8 =	sld [smem:$0x3FAC]  }
0x2e: {  	s3 =	simm.s32 @!p0 $0x1082;
	s9 =	sld [smem:$0x3FAD]  }
0x2f: {  	lr =	sadd.s32 s0, s3;
	s0 =	sld [smem:$0x3FA4]  }
0x30: {  	s3 =	sld [smem:$0x3FA7]  }
0x31: {  	[smem:$0x3FB0] =	sst s10  }
0x32: {  	s10 =	sld [smem:$0x3FAE];
	_ =	sdelay $0x3  }
0x33: {  	p0 =	seq.s32 s10, $0x1;
	s10 =	sld [smem:$0x3FB0];
	_ =	sdelay $0x3  }
0x34: {  	[smem:$0x3FB0] =	sst s10  }
0x35: {  	s10 =	sld [smem:$0x3FAF];
	_ =	sdelay $0x3  }
0x36: {  	p1 =	seq.s32 s10, $0x1;
	s10 =	sld [smem:$0x3FB0];
	_ =	sdelay $0x3  }
0x37: {  	[smem:$0x3FB0] =	sst s10  }
0x38: {  	s10 =	sld [smem:$0x3FB1]  }
0x39: {  	_ = 	snop;
	(pc) =	sbr.ind lr, $3  }
0x3a: {  	_ = 	snop  }
0x3b: {  	_ = 	snop  }
0x3c: {  	p2 =	seq.s32 s10, $0x1;
	s10 =	sld [smem:$0x3FB0]  }
0x3d: {  	_ =	shalt  }
0x3e: {  	_ =	shalt  }
0x3f: {  	_ =	shalt  }
0x40: {  	_ =	shalt  }
0x41: {  	_ =	shalt  }
0x42: {  	_ =	shalt  }
0x43: {  	_ =	shalt  }
0x44: {  	_ =	shalt  }
0x45: {  	_ =	shalt  }
0x46: {  	_ =	shalt  }
0x47: {  	_ =	shalt  }
0x48: {  	_ =	shalt  }
0x49: {  	_ =	shalt  }
0x4a: {  	_ =	shalt  }
0x4b: {  	_ =	shalt  }
0x4c: {  	_ =	shalt  }
0x4d: {  	_ =	shalt  }
0x4e: {  	_ =	shalt  }
0x4f: {  	_ =	shalt  }
0x50: {  	_ =	shalt  }
0x51: {  	_ =	shalt  }
0x52: {  	_ =	shalt  }
0x53: {  	_ =	shalt  }
0x54: {  	_ =	shalt  }
0x55: {  	_ =	shalt  }
0x56: {  	_ =	shalt  }
0x57: {  	_ =	shalt  }
0x58: {  	_ =	shalt  }
0x59: {  	_ =	shalt  }
0x5a: {  	_ =	shalt  }
0x5b: {  	_ =	shalt  }
0x5c: {  	_ =	shalt  }
0x5d: {  	_ =	shalt  }
0x5e: {  	_ =	shalt  }
0x5f: {  	_ =	shalt  }
0x60: {  	_ =	shalt  }
0x61: {  	_ =	shalt  }
0x62: {  	_ =	shalt  }
0x63: {  	_ =	shalt  }
0x64: {  	_ =	shalt  }
0x65: {  	_ =	shalt  }
0x66: {  	_ =	shalt  }
0x67: {  	_ =	shalt  }
0x68: {  	_ =	shalt  }
0x69: {  	_ =	shalt  }
0x6a: {  	_ =	shalt  }
0x6b: {  	_ =	shalt  }
0x6c: {  	_ =	shalt  }
0x6d: {  	_ =	shalt  }
0x6e: {  	_ =	shalt  }
0x6f: {  	_ =	shalt  }
0x70: {  	_ =	shalt  }
0x71: {  	_ =	shalt  }
0x72: {  	_ =	shalt  }
0x73: {  	_ =	shalt  }
0x74: {  	_ =	shalt  }
0x75: {  	_ =	shalt  }
0x76: {  	_ =	shalt  }
0x77: {  	_ =	shalt  }
0x78: {  	_ =	shalt  }
0x79: {  	_ =	shalt  }
0x7a: {  	_ =	shalt  }
0x7b: {  	_ =	shalt  }
0x7c: {  	_ =	shalt  }
0x7d: {  	_ =	shalt  }
0x7e: {  	_ =	shalt  }
0x7f: {  	_ =	shalt  }
0x80: {  	_ =	shalt  }
0x81: {  	_ =	shalt  }
0x82: {  	_ =	shalt  }
0x83: {  	_ =	shalt  }
0x84: {  	_ =	shalt  }
0x85: {  	_ =	shalt  }
0x86: {  	_ =	shalt  }
0x87: {  	_ =	shalt  }
.Lfunc_end0:
.L_simem_size_0:
called_computation.1_lowered:
.L_overlay_start_0:
0x88: {  	s2 =	sld [smem:$0x3FD9]  }
0x89: {  	s3 =	sld [smem:$0x3FFE];
	_ =	sdelay $0x1  }
0x8a: {  	s1 =	srdreg.scid  }
0x8b: {  	s0 =	sand.u32 $0x1, s1  }
0x8c: {  	s17 =	sshll.u32 s0, $0xA;
	s2 =	sadd.s32 s3, s2  }
0x8d: {  	s2 =	sadd.s32 s2, s17  }
0x8e: {  	[smem:$0x3FBC] =	sst s2  }
0x8f: {  	_ = 	snop  }
0x90: {  	s2 =	sld [smem:$0x3FD0];
	(tm) =	ssettm $0x1  }
0x91: {  	s18 =	sld [smem:$0x3FFB];
	_ =	sdelay $0x3  }
0x92: {  	_ =	strace s18  }
0x93: {  	s3 =	sld [smem:$0x3FFC];
	_ =	sdelay $0x3  }
0x94: {  	_ =	strace s3  }
0x95: {  	s3 =	sld [smem:$0x3FFD];
	_ =	sdelay $0x3  }
0x96: {  	_ =	strace s3  }
0x97: {  	_ =	strace $0x8FFFFFFF  }
0x98: {  	s19 =	sld [smem:$0x3FDB];
	_ =	sdelay $0x1  }
0x99: {  	s4 =	simm.s32 $_scs_section_size  }
0x9a: {  	s5 =	simm.s32 $_size__tile_overlayer_lowered;
	s6 =	simm.s32 $_tile_overlayer_lowered  }
0x9b: {  	s22 =	simm.s32 $0x1BFF;
	s21 =	sshll.u32 s6, $0x1;
	s3 =	sadd.s32 s4, s19  }
0x9c: {  	s7 =	simm.s32 $0x0;
	s20 =	sshll.u32 s5, $0x1;
	s5 =	sadd.s32 s21, s3  }
0x9d: {  	[timem:s7], [sflag:s22] =	dma.local [hbm:s5], s20  }
0x9e: {  	_ =	swait.ge [sflag:s22], s20  }
0x9f: {  	s4 =	ssub.s32 $0x0, s20;
	[sflag:s22] =	ssyncset.done $0x0  }
0xa0: {  	[sflag:s22] =	ssyncadd.s32 s4;
	_ =	sdelay $0x1  }
0xa1: {  	s23 =	simm.s32 $0x1B8B  }
0xa2: {  	_ =	swait.ge [sflag:s23], $0x1  }
0xa3: {  	[sflag:s23] =	ssyncset.done $0x0  }
0xa4: {  	s25 =	simm.s32 $0x1B8E;
	s24 =	sld [smem:$0x3FFE];
	[sflag:s23] =	ssyncadd.s32 $0xFFFFFFFF  }
0xa5: {  	s26 =	simm.s32 $execute0_lowered;
	[smem:$0x3FD2] =	sst s25  }
0xa6: {  	s5 =	sshll.u32 s26, $0x1;
	_ =	strace $0x80000049;
	[dreg:$0x1] =	wrdreg $0xFFFFFFFF  }
0xa7: {  	s28 =	simm.s32 $_size_execute0_lowered;
	s3 =	sadd.s32 s3, s5;
	[dreg:$0x0] =	wrdreg $0x0  }
0xa8: {  	s5 =	sshll.u32 s28, $0x1;
	[dreg:$0x2] =	wrdreg s3  }
0xa9: {  	[dreg:$0x3] =	wrdreg s5  }
0xaa: {  	[dreg:$0x4] =	wrdreg $0xC0  }
0xab: {  	_ =	task [dreg:s7], $0x5FFFF  }
0xac: {  	[dreg:$0x1] =	wrdreg $0xFFFFFFFF  }
0xad: {  	[dreg:$0x0] =	wrdreg $0x60  }
0xae: {  	[dreg:$0x2] =	wrdreg s24  }
0xaf: {  	[dreg:$0x3] =	wrdreg s2  }
0xb0: {  	[dreg:$0x4] =	wrdreg $0x95000  }
0xb1: {  	[dreg:$0x5] =	wrdreg $0x1D5000  }
0xb2: {  	[dreg:$0x6] =	wrdreg $0x9  }
0xb3: {  	_ =	task.clear_ibuf [dreg:s7], $0x7FFFF;
	_ =	strace $0x90000049  }
0xb4: {  	s29 =	simm.s32 $0x9;
	_ =	strace $0x8000004B  }
0xb5: {  	_ =	swait.ge [sflag:s29], $0x1  }
0xb6: {  	[sflag:s29] =	ssyncadd.s32 $0xFFFFFFFF  }
0xb7: {  	_ =	strace $0x9000004B  }
0xb8: {  	_ =	sfence  }
0xb9: {  	s30 =	sld [smem:$0x0];
	_ =	sdelay $0x2  }
0xba: {  	s31 =	sshll.u32 s1, $0xD;
	s1 =	sshrl.u32 s1, $0x2  }
0xbb: {  	s3 =	sand.u32 $0x4000, s31;
	s1 =	sadd.s32 s1, s30  }
0xbc: {  	s0 =	sor.u32 s3, s0;
	s1 =	sshll.u32 s1, $0x11  }
0xbd: {  	s0 =	sor.u32 s1, s0  }
0xbe: {  	s0 =	sadd.s32 $0x8F2B, s0  }
0xbf: {  	[sflag:s0] =	ssyncadd.remote.s32 $0x1  }
0xc0: {  	_ =	sfence.sel $0xFFFF  }
0xc1: {  	[dreg:$0x0] =	wrdreg $0xFFFFFFFF;
	(pc) =	sbr.abs _section_cstart, $3  }
0xc2: {  	[dreg:$0x1] =	wrdreg $0xFFFFFFFF  }
0xc3: {  	_ =	task.clear_ibuf [dreg:s7], $0x2FFFF;
	_ =	strace $0x9FFFFFFF  }
0xc4: {  	(tm) =	ssettm $0x7FFFFFFF  }
0xc5: {  	_ =	shalt  }
tec
execute0_lowered:
.L_overlay_start_1:
0x0: {  	(tag) =	ssettag $0x1  }
0x1: {  	s0 =	rddreg [dreg:$0x0]  }
0x2: {  	s1 =	rddreg [dreg:$0x1]  }
0x3: {  	s2 =	rddreg [dreg:$0x2]  }
0x4: {  	s3 =	rddreg [dreg:$0x3]  }
0x5: {  	s4 =	srdreg.scid;
	s6 =	simm.s32 $0x0;
	s9 =	stileid.u32  }
0x6: {  	s28 =	simm.s32 $0x4;
	s29 =	simm.s32 $0x9480;
	s30 =	simm.s32 $0x2  }
0x7: {  	s31 =	simm.s32 $0x8;
	s4 =	sand.u32 $0x1, s4;
	[smem:$0x7FF] =	sst s6  }
0x8: {  	s8 =	sadd.s32 $0x2B200, s0;
	s19 =	sadd.s32 $0x2B800, s0;
	s10 =	smul.u32 $0x50000, s9  }
0x9: {  	s11 =	smul.u32 $0xA00, s9;
	_ =	strace $0x8000004A;
	[dreg:$0x5] =	wrdreg s8  }
0xa: {  	s5 =	smul.u32 $0x140000, s4;
	[dreg:$0x6] =	wrdreg s19;
	s20 =	sshll.u32 s4, $0x7  }
0xb: {  	s21 =	sshll.u32 s4, $0x4;
	s4 =	ssub.s32 $0x2, s4;
	s22 =	sshrl.u32 s10, $0x2  }
0xc: {  	s12 =	sshrl.u32 s4, $0x1;
	s23 =	sshrl.u32 s11, $0x2;
	s11 =	sadd.s32 s22, s2  }
0xd: {  	s4 =	ssub.s32 s4, s12;
	s12 =	sadd.s32 s23, s3;
	[dreg:$0x7] =	wrdreg s11  }
0xe: {  	s7 =	smul.u32 $0x14000, s9;
	s13 =	smax.u32 s4, $0x1;
	[dreg:$0x8] =	wrdreg s12  }
0xf: {  	s6 =	sadd.s32 $0x3200, s0;
	s14 =	sadd.s32 $0x2000, s11;
	[dreg:$0xf] =	wrdreg s13  }
0x10: {  	s18 =	smul.u32 $0x500, s9;
	s15 =	sadd.s32 $0x4000, s11;
	[dreg:$0x10] =	wrdreg s14  }
0x11: {  	s8 =	sor.u32 s9, s21;
	s16 =	sadd.s32 $0x6000, s11;
	[dreg:$0x11] =	wrdreg s15  }
0x12: {  	s5 =	sadd.s32 s7, s5;
	s17 =	sadd.s32 $0x8000, s11;
	[dreg:$0x12] =	wrdreg s16  }
0x13: {  	s7 =	sor.u32 s20, s18;
	s18 =	sadd.s32 $0xA000, s11;
	[dreg:$0x13] =	wrdreg s17  }
0x14: {  	s9 =	smul.u32 $0x5400, s8;
	s19 =	sadd.s32 $0xC000, s11;
	[dreg:$0x14] =	wrdreg s18  }
0x15: {  	s8 =	simm.s32 $0x100;
	s20 =	sadd.s32 $0xE000, s11;
	[dreg:$0x15] =	wrdreg s19  }
0x16: {  	s5 =	sshrl.u32 s5, $0x3;
	s21 =	sadd.s32 $0x10000, s11;
	[dreg:$0x16] =	wrdreg s20  }
0x17: {  	s7 =	sshrl.u32 s7, $0x3;
	s22 =	sadd.s32 $0x12000, s11;
	[dreg:$0x17] =	wrdreg s21  }
0x18: {  	s23 =	sadd.s32 $0x80, s12;
	s24 =	sshrl.u32 s9, $0x3;
	[dreg:$0x18] =	wrdreg s22  }
0x19: {  	s5 =	sadd.s32 s5, s0;
	[dreg:$0x19] =	wrdreg s23;
	s25 =	sadd.s32 s1, s24  }
0x1a: {  	s0 =	sadd.s32 s7, s0;
	s5 =	sadd.s32 $0x2BE00, s5;
	[dreg:$0x9] =	wrdreg s25  }
0x1b: {  	s4 =	simm.s32 $0x5100;
	s0 =	sadd.s32 $0x7BE00, s0;
	[dreg:$0xd] =	wrdreg s5  }
0x1c: {  	s13 =	simm.s32 $0x80;
	s24 =	sadd.s32 $0x100, s12;
	[dreg:$0xe] =	wrdreg s0  }
0x1d: {  	s14 =	simm.s32 $0x40;
	s26 =	sadd.s32 $0x10, s25;
	[dreg:$0x1a] =	wrdreg s24  }
0x1e: {  	s21 =	simm.s32 $0x7100;
	s10 =	sadd.s32 $0x20, s25;
	[dreg:$0xa] =	wrdreg s26  }
0x1f: {  	s22 =	simm.s32 $0x3;
	s7 =	sadd.s32 $0x30, s25;
	[dreg:$0xb] =	wrdreg s10  }
0x20: {  	s23 =	simm.s32 $0x9400;
	s25 =	sadd.s32 $0x180, s12;
	[dreg:$0xc] =	wrdreg s7  }
0x21: {  	s24 =	simm.s32 $0x1;
	s0 =	simm.s32 $0x6;
	[dreg:$0x1b] =	wrdreg s25  }
0x22: {  	s26 =	sadd.s32 $0x200, s12;
	s7 =	simm.s32 $0x9;
	s25 =	simm.s32 $0x7  }
0x23: {  	v0 =	vimm.f32 $0.0e+00;
	s10 =	simm.s32 $0x0;
	[dreg:$0x1c] =	wrdreg s26;
	s26 =	simm.s32 $0x5  }
.LBB2_1:
0x24: {  	[dreg:$0x1d] =	wrdreg s10;
	s5 =	simm.s32 $0x0;
	s10 =	simm.s32 $0x200  }
.LBB2_2:
0x25: {  	p0 =	sne.s32 s10, $0x7E00;
	[tilespmem:s5+$0x5170] =	vst v0  }
0x26: {  	[tilespmem:s5+$0x5100] =	vst v0  }
0x27: {  	[tilespmem:s5+$0x5110] =	vst v0  }
.Ltmp0:
0x28: {  	[tilespmem:s5+$0x5120] =	vst v0;
	(pc) =	sbr.rel @p0 .LBB2_2-.Ltmp0, $4  }
0x29: {  	[tilespmem:s5+$0x5130] =	vst v0  }
0x2a: {  	[tilespmem:s5+$0x5140] =	vst v0  }
0x2b: {  	[tilespmem:s5+$0x5150] =	vst v0  }
0x2c: {  	[tilespmem:s5+$0x5160] =	vst v0;
	s5 =	sshra.s32 s10, $0x2;
	s10 =	sadd.s32 $0x200, s10  }
0x2d: {  	[tilespmem:s5+$0x5170] =	vst v0  }
0x2e: {  	[tilespmem:s5+$0x5100] =	vst v0  }
0x2f: {  	[tilespmem:s5+$0x5110] =	vst v0  }
0x30: {  	[tilespmem:s5+$0x5120] =	vst v0  }
0x31: {  	[tilespmem:s5+$0x5130] =	vst v0  }
0x32: {  	[tilespmem:s5+$0x5140] =	vst v0  }
0x33: {  	[tilespmem:s5+$0x5150] =	vst v0  }
0x34: {  	[tilespmem:s5+$0x5160] =	vst v0  }
0x35: {  	[spmem:s11] =	stream.linear.scatter [tilespmem:s4], [sflag:$0x9], $0x2000, $0x38;
	[tilespmem:$0x1D780] =	vst v63  }
0x36: {  	_ =	swait.ge [sflag:s7], $0x2000  }
0x37: {  	[sflag:s7] =	ssyncset.done $0x0  }
0x38: {  	s10 =	rddreg [dreg:$0x10];
	[sflag:s7] =	ssyncadd.s32 $0xFFFFE000  }
0x39: {  	[spmem:s10] =	stream.linear.scatter [tilespmem:s4], [sflag:$0x9], $0x2000, $0x38;
	[tilespmem:$0x1D780] =	vst v63  }
0x3a: {  	_ =	swait.ge [sflag:s7], $0x2000  }
0x3b: {  	[sflag:s7] =	ssyncset.done $0x0  }
0x3c: {  	s11 =	rddreg [dreg:$0x11];
	[sflag:s7] =	ssyncadd.s32 $0xFFFFE000  }
0x3d: {  	[spmem:s11] =	stream.linear.scatter [tilespmem:s4], [sflag:$0x9], $0x2000, $0x38;
	[tilespmem:$0x1D780] =	vst v63  }
0x3e: {  	_ =	swait.ge [sflag:s7], $0x2000  }
0x3f: {  	[sflag:s7] =	ssyncset.done $0x0  }
0x40: {  	s15 =	rddreg [dreg:$0x12];
	[sflag:s7] =	ssyncadd.s32 $0xFFFFE000  }
0x41: {  	[spmem:s15] =	stream.linear.scatter [tilespmem:s4], [sflag:$0x9], $0x2000, $0x38;
	[tilespmem:$0x1D780] =	vst v63  }
0x42: {  	_ =	swait.ge [sflag:s7], $0x2000  }
0x43: {  	[sflag:s7] =	ssyncset.done $0x0  }
0x44: {  	s16 =	rddreg [dreg:$0x13];
	[sflag:s7] =	ssyncadd.s32 $0xFFFFE000  }
0x45: {  	[spmem:s16] =	stream.linear.scatter [tilespmem:s4], [sflag:$0x9], $0x2000, $0x38;
	[tilespmem:$0x1D780] =	vst v63  }
0x46: {  	_ =	swait.ge [sflag:s7], $0x2000  }
0x47: {  	[sflag:s7] =	ssyncset.done $0x0  }
0x48: {  	s17 =	rddreg [dreg:$0x14];
	[sflag:s7] =	ssyncadd.s32 $0xFFFFE000  }
0x49: {  	[spmem:s17] =	stream.linear.scatter [tilespmem:s4], [sflag:$0x9], $0x2000, $0x38;
	[tilespmem:$0x1D780] =	vst v63  }
0x4a: {  	_ =	swait.ge [sflag:s7], $0x2000  }
0x4b: {  	[sflag:s7] =	ssyncset.done $0x0  }
0x4c: {  	s18 =	rddreg [dreg:$0x15];
	[sflag:s7] =	ssyncadd.s32 $0xFFFFE000  }
0x4d: {  	[spmem:s18] =	stream.linear.scatter [tilespmem:s4], [sflag:$0x9], $0x2000, $0x38;
	[tilespmem:$0x1D780] =	vst v63  }
0x4e: {  	_ =	swait.ge [sflag:s7], $0x2000  }
0x4f: {  	[sflag:s7] =	ssyncset.done $0x0  }
0x50: {  	s19 =	rddreg [dreg:$0x16];
	[sflag:s7] =	ssyncadd.s32 $0xFFFFE000  }
0x51: {  	[spmem:s19] =	stream.linear.scatter [tilespmem:s4], [sflag:$0x9], $0x2000, $0x38;
	[tilespmem:$0x1D780] =	vst v63  }
0x52: {  	_ =	swait.ge [sflag:s7], $0x2000  }
0x53: {  	[sflag:s7] =	ssyncset.done $0x0  }
0x54: {  	s20 =	rddreg [dreg:$0x17];
	[sflag:s7] =	ssyncadd.s32 $0xFFFFE000  }
0x55: {  	[spmem:s20] =	stream.linear.scatter [tilespmem:s4], [sflag:$0x9], $0x2000, $0x38;
	[tilespmem:$0x1D780] =	vst v63  }
0x56: {  	_ =	swait.ge [sflag:s7], $0x2000  }
0x57: {  	[sflag:s7] =	ssyncset.done $0x0  }
0x58: {  	s10 =	rddreg [dreg:$0x18];
	[sflag:s7] =	ssyncadd.s32 $0xFFFFE000  }
0x59: {  	[spmem:s10] =	stream.linear.scatter [tilespmem:s4], [sflag:$0x9], $0x2000, $0x38;
	[tilespmem:$0x1D780] =	vst v63  }
0x5a: {  	_ =	swait.ge [sflag:s7], $0x2000  }
0x5b: {  	[sflag:s7] =	ssyncset.done $0x0  }
0x5c: {  	[sflag:s7] =	ssyncadd.s32 $0xFFFFE000  }
0x5d: {  	[spmem:s12] =	stream.linear.scatter [tilespmem:s4], [sflag:$0x9], $0x80, $0x38;
	[tilespmem:$0x1D780] =	vst v63  }
0x5e: {  	_ =	swait.ge [sflag:s7], $0x80  }
0x5f: {  	[sflag:s7] =	ssyncset.done $0x0  }
0x60: {  	s11 =	rddreg [dreg:$0x19];
	[sflag:s7] =	ssyncadd.s32 $0xFFFFFF80  }
0x61: {  	[spmem:s11] =	stream.linear.scatter [tilespmem:s4], [sflag:$0x9], $0x80, $0x38;
	[tilespmem:$0x1D780] =	vst v63  }
0x62: {  	_ =	swait.ge [sflag:s7], $0x80  }
0x63: {  	[sflag:s7] =	ssyncset.done $0x0  }
0x64: {  	s12 =	rddreg [dreg:$0x1a];
	[sflag:s7] =	ssyncadd.s32 $0xFFFFFF80  }
0x65: {  	[spmem:s12] =	stream.linear.scatter [tilespmem:s4], [sflag:$0x9], $0x80, $0x38;
	[tilespmem:$0x1D780] =	vst v63  }
0x66: {  	_ =	swait.ge [sflag:s7], $0x80  }
0x67: {  	[sflag:s7] =	ssyncset.done $0x0  }
0x68: {  	s15 =	rddreg [dreg:$0x1b];
	[sflag:s7] =	ssyncadd.s32 $0xFFFFFF80  }
0x69: {  	[spmem:s15] =	stream.linear.scatter [tilespmem:s4], [sflag:$0x9], $0x80, $0x38;
	[tilespmem:$0x1D780] =	vst v63  }
0x6a: {  	_ =	swait.ge [sflag:s7], $0x80  }
0x6b: {  	[sflag:s7] =	ssyncset.done $0x0  }
0x6c: {  	s16 =	rddreg [dreg:$0x1c];
	[sflag:s7] =	ssyncadd.s32 $0xFFFFFF80  }
0x6d: {  	[spmem:s16] =	stream.linear.scatter [tilespmem:s4], [sflag:$0x9], $0x80, $0x38;
	[tilespmem:$0x1D780] =	vst v63  }
0x6e: {  	_ =	swait.ge [sflag:s7], $0x80  }
0x6f: {  	[sflag:s7] =	ssyncset.done $0x0  }
0x70: {  	s11 =	simm.s32 $0x0;
	s17 =	rddreg [dreg:$0x5];
	[sflag:s7] =	ssyncadd.s32 $0xFFFFFF80  }
0x71: {  	[tilespmem:s8], [sflag:$0x9] =	stream.linear.gather [hbm4b:s17+s11], $0x2800, $0x38;
	[tilespmem:$0x1D780] =	vst v63  }
0x72: {  	_ =	swait.ge [sflag:s7], $0x2800  }
0x73: {  	[sflag:s7] =	ssyncset.done $0x0  }
0x74: {  	s10 =	simm.s32 $0x2900;
	s18 =	rddreg [dreg:$0x6];
	[sflag:s7] =	ssyncadd.s32 $0xFFFFD800  }
0x75: {  	[tilespmem:s10], [sflag:$0x9] =	stream.linear.gather [hbm4b:s18+s11], $0x2800, $0x38;
	[tilespmem:$0x1D780] =	vst v63  }
0x76: {  	_ =	swait.ge [sflag:s7], $0x2800  }
0x77: {  	[sflag:s7] =	ssyncset.done $0x0  }
0x78: {  	[sflag:s7] =	ssyncadd.s32 $0xFFFFD800  }
0x79: {  	[bflag:$0x0] =	sbarrier.arrive $0xFFFF  }
0x7a: {  	s19 =	rddreg [dreg:$0x9]  }
0x7b: {  	[tilespmem:s11], [sflag:$0x9] =	stream.linear.gather [hbm4b:s19+s11], $0x80, $0x38;
	[tilespmem:$0x1D780] =	vst v63  }
0x7c: {  	_ =	swait.ge [sflag:s7], $0x80  }
0x7d: {  	[sflag:s7] =	ssyncset.done $0x0  }
0x7e: {  	s20 =	rddreg [dreg:$0xa];
	[sflag:s7] =	ssyncadd.s32 $0xFFFFFF80  }
0x7f: {  	[tilespmem:s13], [sflag:$0x9] =	stream.linear.gather [hbm4b:s20+s11], $0x80, $0x38;
	[tilespmem:$0x1D780] =	vst v63  }
0x80: {  	_ =	swait.ge [sflag:s7], $0x80  }
0x81: {  	[sflag:s7] =	ssyncset.done $0x0  }
0x82: {  	[sflag:s7] =	ssyncadd.s32 $0xFFFFFF80  }
0x83: {  	v1 =	vld [tilespmem:$0x0];
	_ =	sdelay $0x1  }
0x84: {  	v2 =	vld [tilespmem:$0x10];
	_ =	sdelay $0x1  }
0x85: {  	v3 =	vld [tilespmem:$0x20]  }
0x86: {  	v4 =	vand.u32 $0x3FFF, v1  }
0x87: {  	v61 =	vld [tilespmem:$0x30];
	v1 =	vshrl.u32 v1, $0xE;
	[tilespmem:$0x9200] =	vst v4  }
0x88: {  	[tilespmem:$0x9300] =	vst v1;
	v1 =	vand.u32 $0x3FFF, v2  }
0x89: {  	[tilespmem:$0x9210] =	vst v1;
	v1 =	vshrl.u32 v2, $0xE  }
0x8a: {  	[tilespmem:$0x9310] =	vst v1;
	v1 =	vand.u32 $0x3FFF, v3  }
0x8b: {  	[tilespmem:$0x9220] =	vst v1;
	v1 =	vshrl.u32 v3, $0xE  }
0x8c: {  	[tilespmem:$0x9320] =	vst v1;
	v1 =	vand.u32 $0x3FFF, v61  }
0x8d: {  	[tilespmem:$0x9230] =	vst v1;
	v1 =	vshrl.u32 v61, $0xE  }
0x8e: {  	s10 =	rddreg [dreg:$0xb];
	[tilespmem:$0x9330] =	vst v1  }
0x8f: {  	[tilespmem:s11], [sflag:$0x1] =	stream.linear.gather [hbm4b:s10+s11], $0x80, $0x38;
	[tilespmem:$0x1D780] =	vst v63  }
0x90: {  	v1 =	vld [tilespmem:$0x9300]  }
0x91: {  	v2 =	vld [tilespmem:$0x9200];
	_ =	sdelay $0x3  }
0x92: {  	v1 =	vadd.s32 $0x2800, v1;
	_ =	sdelay $0x3  }
0x93: {  	v2 =	vld.idx.msk [tilespmem:v2+s8+$0x0], $0xffff  }
0x94: {  	v1 =	vld.idx.msk [tilespmem:v1+s8+$0x0], $0xffff;
	_ =	sdelay $0x4  }
0x95: {  	v1 =	vadd.f32 v1, v2;
	_ =	sdelay $0x1  }
0x96: {  	v2 =	vmul.f32 $2.000000030e-01, v1;
	_ =	sdelay $0x1  }
0x97: {  	v1 =	vmax.f32 v1, v2  }
0x98: {  	v1 =	vmul.f32 $1.442695020e+00, v1;
	_ =	sdelay $0x1  }
0x99: {  	(erf) = vpow2.f32 v1;
	_ =	sdelay $0x1  }
0x9a: {  	v1 =	vld [tilespmem:$0x9310]  }
0x9b: {  	v2 =	vld [tilespmem:$0x9210];
	_ =	sdelay $0x3  }
0x9c: {  	v1 =	vadd.s32 $0x2800, v1;
	_ =	sdelay $0x1  }
0x9d: {  	v3 =	vpop (erf)  }
0x9e: {  	[tilespmem:$0x9100] =	vst v3  }
0x9f: {  	v2 =	vld.idx.msk [tilespmem:v2+s8+$0x0], $0xffff  }
0xa0: {  	v1 =	vld.idx.msk [tilespmem:v1+s8+$0x0], $0xffff;
	_ =	sdelay $0x4  }
0xa1: {  	v1 =	vadd.f32 v1, v2;
	_ =	sdelay $0x1  }
0xa2: {  	v2 =	vmul.f32 $2.000000030e-01, v1;
	_ =	sdelay $0x1  }
0xa3: {  	v1 =	vmax.f32 v1, v2  }
0xa4: {  	v1 =	vmul.f32 $1.442695020e+00, v1;
	_ =	sdelay $0x1  }
0xa5: {  	(erf) = vpow2.f32 v1;
	_ =	sdelay $0x1  }
0xa6: {  	v1 =	vld [tilespmem:$0x9320]  }
0xa7: {  	v2 =	vld [tilespmem:$0x9220];
	_ =	sdelay $0x3  }
0xa8: {  	v1 =	vadd.s32 $0x2800, v1;
	_ =	sdelay $0x1  }
0xa9: {  	v3 =	vpop (erf)  }
0xaa: {  	[tilespmem:$0x9110] =	vst v3  }
0xab: {  	v2 =	vld.idx.msk [tilespmem:v2+s8+$0x0], $0xffff  }
0xac: {  	v1 =	vld.idx.msk [tilespmem:v1+s8+$0x0], $0xffff;
	_ =	sdelay $0x4  }
0xad: {  	v1 =	vadd.f32 v1, v2;
	_ =	sdelay $0x1  }
0xae: {  	v2 =	vmul.f32 $2.000000030e-01, v1;
	_ =	sdelay $0x1  }
0xaf: {  	v1 =	vmax.f32 v1, v2  }
0xb0: {  	v1 =	vmul.f32 $1.442695020e+00, v1;
	_ =	sdelay $0x1  }
0xb1: {  	(erf) = vpow2.f32 v1;
	_ =	sdelay $0x1  }
0xb2: {  	v1 =	vld [tilespmem:$0x9330]  }
0xb3: {  	v2 =	vld [tilespmem:$0x9230];
	_ =	sdelay $0x3  }
0xb4: {  	v1 =	vadd.s32 $0x2800, v1;
	_ =	sdelay $0x1  }
0xb5: {  	v3 =	vpop (erf)  }
0xb6: {  	[tilespmem:$0x9120] =	vst v3  }
0xb7: {  	v2 =	vld.idx.msk [tilespmem:v2+s8+$0x0], $0xffff  }
0xb8: {  	v1 =	vld.idx.msk [tilespmem:v1+s8+$0x0], $0xffff;
	_ =	sdelay $0x4  }
0xb9: {  	v1 =	vadd.f32 v1, v2;
	_ =	sdelay $0x1  }
0xba: {  	v2 =	vmul.f32 $2.000000030e-01, v1;
	_ =	sdelay $0x1  }
0xbb: {  	v1 =	vmax.f32 v1, v2  }
0xbc: {  	v1 =	vmul.f32 $1.442695020e+00, v1;
	_ =	sdelay $0x1  }
0xbd: {  	(erf) = vpow2.f32 v1;
	_ =	sdelay $0x8  }
0xbe: {  	v1 =	vpop (erf)  }
0xbf: {  	s12 =	simm.s32 $0x9300;
	s15 =	simm.s32 $0x9100;
	[tilespmem:$0x9130] =	vst v1  }
0xc0: {  	[spmem:s3] =	stream.indirect.scatter.add.f32 [tilespmem:s15], [sflag:$0x7], $0x1, s12, s14, $0xb8;
	[tilespmem:$0x1D780] =	vst v63  }
0xc1: {  	s16 =	simm.s32 $0x9200  }
0xc2: {  	[tilespmem:s4], [sflag:$0x3] =	stream.indirect.gather [hbm4b:s6+s14], $0x80, s16, s14, $0xb8;
	[tilespmem:$0x1D780] =	vst v63  }
0xc3: {  	v1 =	vld [tilespmem:$0x80];
	_ =	sdelay $0x1  }
0xc4: {  	v2 =	vld [tilespmem:$0x90];
	_ =	sdelay $0x1  }
0xc5: {  	v3 =	vld [tilespmem:$0xA0]  }
0xc6: {  	v62 =	vand.u32 $0x3FFF, v1  }
0xc7: {  	v63 =	vld [tilespmem:$0xB0];
	v1 =	vshrl.u32 v1, $0xE;
	[tilespmem:$0x9280] =	vst v62  }
0xc8: {  	[tilespmem:$0x9380] =	vst v1;
	v1 =	vand.u32 $0x3FFF, v2  }
0xc9: {  	[tilespmem:$0x9290] =	vst v1;
	v1 =	vshrl.u32 v2, $0xE  }
0xca: {  	[tilespmem:$0x9390] =	vst v1;
	v1 =	vand.u32 $0x3FFF, v3  }
0xcb: {  	[tilespmem:$0x92A0] =	vst v1;
	v1 =	vshrl.u32 v3, $0xE  }
0xcc: {  	[tilespmem:$0x93A0] =	vst v1;
	v1 =	vand.u32 $0x3FFF, v63  }
0xcd: {  	[tilespmem:$0x92B0] =	vst v1;
	v1 =	vshrl.u32 v63, $0xE  }
0xce: {  	s17 =	rddreg [dreg:$0xc];
	[tilespmem:$0x93B0] =	vst v1  }
0xcf: {  	[tilespmem:s13], [sflag:$0x2] =	stream.linear.gather [hbm4b:s17+s11], $0x80, $0x38;
	[tilespmem:$0x1D780] =	vst v63  }
0xd0: {  	v1 =	vld [tilespmem:$0x9380]  }
0xd1: {  	v2 =	vld [tilespmem:$0x9280];
	_ =	sdelay $0x3  }
0xd2: {  	v1 =	vadd.s32 $0x2800, v1;
	_ =	sdelay $0x3  }
0xd3: {  	v2 =	vld.idx.msk [tilespmem:v2+s8+$0x0], $0xffff  }
0xd4: {  	v1 =	vld.idx.msk [tilespmem:v1+s8+$0x0], $0xffff;
	_ =	sdelay $0x4  }
0xd5: {  	v1 =	vadd.f32 v1, v2;
	_ =	sdelay $0x1  }
0xd6: {  	v2 =	vmul.f32 $2.000000030e-01, v1;
	_ =	sdelay $0x1  }
0xd7: {  	v1 =	vmax.f32 v1, v2  }
0xd8: {  	v1 =	vmul.f32 $1.442695020e+00, v1;
	_ =	sdelay $0x1  }
0xd9: {  	(erf) = vpow2.f32 v1;
	_ =	sdelay $0x1  }
0xda: {  	v1 =	vld [tilespmem:$0x9390]  }
0xdb: {  	v2 =	vld [tilespmem:$0x9290];
	_ =	sdelay $0x3  }
0xdc: {  	v1 =	vadd.s32 $0x2800, v1;
	_ =	sdelay $0x1  }
0xdd: {  	v3 =	vpop (erf)  }
0xde: {  	[tilespmem:$0x9180] =	vst v3  }
0xdf: {  	v2 =	vld.idx.msk [tilespmem:v2+s8+$0x0], $0xffff  }
0xe0: {  	v1 =	vld.idx.msk [tilespmem:v1+s8+$0x0], $0xffff;
	_ =	sdelay $0x4  }
0xe1: {  	v1 =	vadd.f32 v1, v2;
	_ =	sdelay $0x1  }
0xe2: {  	v2 =	vmul.f32 $2.000000030e-01, v1;
	_ =	sdelay $0x1  }
0xe3: {  	v1 =	vmax.f32 v1, v2  }
0xe4: {  	v1 =	vmul.f32 $1.442695020e+00, v1;
	_ =	sdelay $0x1  }
0xe5: {  	(erf) = vpow2.f32 v1;
	_ =	sdelay $0x1  }
0xe6: {  	v1 =	vld [tilespmem:$0x93A0]  }
0xe7: {  	v2 =	vld [tilespmem:$0x92A0];
	_ =	sdelay $0x3  }
0xe8: {  	v1 =	vadd.s32 $0x2800, v1;
	_ =	sdelay $0x1  }
0xe9: {  	v3 =	vpop (erf)  }
0xea: {  	[tilespmem:$0x9190] =	vst v3  }
0xeb: {  	v2 =	vld.idx.msk [tilespmem:v2+s8+$0x0], $0xffff  }
0xec: {  	v1 =	vld.idx.msk [tilespmem:v1+s8+$0x0], $0xffff;
	_ =	sdelay $0x4  }
0xed: {  	v1 =	vadd.f32 v1, v2;
	_ =	sdelay $0x1  }
0xee: {  	v2 =	vmul.f32 $2.000000030e-01, v1;
	_ =	sdelay $0x1  }
0xef: {  	v1 =	vmax.f32 v1, v2  }
0xf0: {  	v1 =	vmul.f32 $1.442695020e+00, v1;
	_ =	sdelay $0x1  }
0xf1: {  	(erf) = vpow2.f32 v1;
	_ =	sdelay $0x1  }
0xf2: {  	v1 =	vld [tilespmem:$0x93B0]  }
0xf3: {  	v2 =	vld [tilespmem:$0x92B0];
	_ =	sdelay $0x3  }
0xf4: {  	v1 =	vadd.s32 $0x2800, v1;
	_ =	sdelay $0x1  }
0xf5: {  	v3 =	vpop (erf)  }
0xf6: {  	[tilespmem:$0x91A0] =	vst v3  }
0xf7: {  	v2 =	vld.idx.msk [tilespmem:v2+s8+$0x0], $0xffff  }
0xf8: {  	v1 =	vld.idx.msk [tilespmem:v1+s8+$0x0], $0xffff;
	_ =	sdelay $0x4  }
0xf9: {  	v1 =	vadd.f32 v1, v2;
	_ =	sdelay $0x1  }
0xfa: {  	v2 =	vmul.f32 $2.000000030e-01, v1;
	_ =	sdelay $0x1  }
0xfb: {  	v1 =	vmax.f32 v1, v2  }
0xfc: {  	v1 =	vmul.f32 $1.442695020e+00, v1;
	_ =	sdelay $0x1  }
0xfd: {  	(erf) = vpow2.f32 v1;
	_ =	sdelay $0x8  }
0xfe: {  	v1 =	vpop (erf)  }
0xff: {  	s18 =	simm.s32 $0x9380;
	s19 =	simm.s32 $0x9180;
	[tilespmem:$0x91B0] =	vst v1  }
0x100: {  	[spmem:s3] =	stream.indirect.scatter.add.f32 [tilespmem:s19], [sflag:$0x8], $0x1, s18, s14, $0xb8;
	[tilespmem:$0x1D780] =	vst v63  }
0x101: {  	s20 =	simm.s32 $0x9280;
	s10 =	simm.s32 $0x0  }
0x102: {  	[tilespmem:s21], [sflag:$0x4] =	stream.indirect.gather [hbm4b:s6+s14], $0x80, s20, s14, $0xb8;
	[tilespmem:$0x1D780] =	vst v63  }
.LBB2_4:
0x103: {  	_ =	swait.ge [sflag:s22], $0x2000  }
0x104: {  	[sflag:s22] =	ssyncset.done $0x0  }
0x105: {  	s5 =	sand.u32 $0x30, s11;
	[sflag:s22] =	ssyncadd.s32 $0xFFFFE000  }
0x106: {  	s12 =	simm.s32 $0x5200;
	v1 =	vld [tilespmem:s5+$0x9100]  }
0x107: {  	v3 =	vld [tilespmem:s12+$0xF0]  }
0x108: {  	v4 =	vld [tilespmem:s12+$0xFFFFFF00]  }
0x109: {  	v5 =	vld [tilespmem:s12+$0xFFFFFF10]  }
0x10a: {  	s18 =	sand.u32 $0xF, s11;
	v6 =	vld [tilespmem:s12+$0xFFFFFF20]  }
0x10b: {  	s15 =	sadd.s32 $0x3, s18;
	v7 =	vld [tilespmem:s12+$0xFFFFFF30]  }
0x10c: {  	s16 =	sand.u32 $0xC, s11;
	v2 =	vmov s15;
	v8 =	vld [tilespmem:s12+$0xFFFFFF40]  }
0x10d: {  	v12 =	vmov s16;
	v9 =	vld [tilespmem:s12+$0xFFFFFF50];
	v2 =	vperm.xlane v1, v2  }
0x10e: {  	v15 =	vld [tilespmem:s12+$0xFFFFFFA0];
	v12 =	vperm.xlane v1, v12  }
0x10f: {  	s19 =	sadd.s32 $0x1, s18;
	v16 =	vld [tilespmem:s12+$0xFFFFFFB0];
	v3 =	vmul.f32 v3, v2  }
0x110: {  	v14 =	vmov s19;
	v11 =	vld [tilespmem:s12+$0xFFFFFF80];
	v4 =	vmul.f32 v4, v12  }
0x111: {  	v17 =	vld [tilespmem:s12+$0xFFFFFFC0];
	v14 =	vperm.xlane v1, v14;
	v5 =	vmul.f32 v5, v12;
	[tilespmem:s12+$0xF0] =	vst v3  }
0x112: {  	v10 =	vld [tilespmem:s12+$0xFFFFFF60];
	v6 =	vmul.f32 v6, v12;
	[tilespmem:s12+$0xFFFFFF00] =	vst v4  }
0x113: {  	v13 =	vld [tilespmem:s12+$0xFFFFFF90];
	v47 =	vmul.f32 v15, v14;
	[tilespmem:s12+$0xFFFFFF10] =	vst v5  }
0x114: {  	v18 =	vld [tilespmem:s12+$0xFFFFFF70];
	v48 =	vmul.f32 v16, v14;
	[tilespmem:s12+$0xFFFFFF20] =	vst v6  }
0x115: {  	v46 =	vld [tilespmem:s12+$0x40];
	v3 =	vmul.f32 v11, v14;
	[tilespmem:s12+$0xFFFFFFA0] =	vst v47  }
0x116: {  	v50 =	vld [tilespmem:s12+$0x70];
	v49 =	vmul.f32 v17, v14;
	[tilespmem:s12+$0xFFFFFFB0] =	vst v48  }
0x117: {  	v11 =	vld [tilespmem:s12+$0xFFFFFFD0];
	[tilespmem:s12+$0xFFFFFF80] =	vst v3;
	v3 =	vmul.f32 v7, v12  }
0x118: {  	v6 =	vmul.f32 v8, v12;
	[tilespmem:s12+$0xFFFFFFC0] =	vst v49;
	v7 =	vld [tilespmem:s12+$0x0]  }
0x119: {  	s5 =	sadd.s32 $0x2, s18;
	v4 =	vld [tilespmem:s12+$0xFFFFFFE0];
	[tilespmem:s12+$0xFFFFFF30] =	vst v3;
	v3 =	vmul.f32 v9, v12  }
0x11a: {  	v5 =	vld [tilespmem:s12+$0xFFFFFFF0];
	[tilespmem:s12+$0xFFFFFF40] =	vst v6;
	v6 =	vmul.f32 v10, v12;
	v9 =	vmov s5  }
0x11b: {  	v8 =	vld [tilespmem:s12+$0x10];
	v1 =	vperm.xlane v1, v9;
	[tilespmem:s12+$0xFFFFFF50] =	vst v3;
	v3 =	vmul.f32 v18, v12  }
0x11c: {  	v10 =	vld [tilespmem:s12+$0x20];
	[tilespmem:s12+$0xFFFFFF60] =	vst v6;
	v6 =	vmul.f32 v13, v14  }
0x11d: {  	v51 =	vld [tilespmem:s12+$0x90];
	[tilespmem:s12+$0xFFFFFF70] =	vst v3;
	v3 =	vmul.f32 v7, v1  }
0x11e: {  	v52 =	vld [tilespmem:s12+$0xA0];
	v11 =	vmul.f32 v11, v14;
	[tilespmem:s12+$0xFFFFFF90] =	vst v6  }
0x11f: {  	v5 =	vmul.f32 v5, v14;
	[tilespmem:s12+$0x0] =	vst v3;
	v3 =	vld [tilespmem:s12+$0x80]  }
0x120: {  	v4 =	vmul.f32 v4, v14;
	v6 =	vld [tilespmem:s12+$0x60];
	[tilespmem:s12+$0xFFFFFFD0] =	vst v11  }
0x121: {  	v9 =	vld [tilespmem:s12+$0x30];
	[tilespmem:s12+$0xFFFFFFF0] =	vst v5;
	v5 =	vmul.f32 v8, v1;
	v8 =	vmul.f32 v10, v1  }
0x122: {  	v11 =	vld [tilespmem:s12+$0xB0];
	[tilespmem:s12+$0xFFFFFFE0] =	vst v4  }
0x123: {  	v7 =	vld [tilespmem:s12+$0x50];
	[tilespmem:s12+$0x20] =	vst v8;
	v8 =	vmul.f32 v46, v1  }
0x124: {  	s20 =	simm.s32 $0x4;
	v53 =	vld [tilespmem:s12+$0xD0];
	s5 =	simm.s32 $0x5400;
	[tilespmem:s12+$0x10] =	vst v5;
	v3 =	vmul.f32 v3, v2  }
0x125: {  	s17 =	sand.u32 $0x30, s20;
	v54 =	vld [tilespmem:s5+$0xFFFFFF20];
	[tilespmem:s12+$0x40] =	vst v8;
	v6 =	vmul.f32 v6, v1  }
0x126: {  	v10 =	vld [tilespmem:s17+$0x9100];
	[tilespmem:s12+$0x80] =	vst v3;
	v3 =	vmul.f32 v9, v1  }
0x127: {  	v4 =	vld [tilespmem:s12+$0xC0];
	v11 =	vmul.f32 v11, v2;
	[tilespmem:s12+$0x60] =	vst v6  }
0x128: {  	[tilespmem:s12+$0x30] =	vst v3;
	v3 =	vmul.f32 v7, v1;
	v7 =	vld [tilespmem:s5+$0xFFFFFF00]  }
0x129: {  	s18 =	sand.u32 $0xC, s20;
	v8 =	vld [tilespmem:s5+$0xFFFFFF10];
	[tilespmem:s12+$0xB0] =	vst v11;
	v1 =	vmul.f32 v50, v1  }
0x12a: {  	s15 =	sand.u32 $0xF, s20;
	v6 =	vmul.f32 v51, v2;
	v9 =	vld [tilespmem:s5+$0xF0];
	[tilespmem:s12+$0x50] =	vst v3;
	v3 =	vmov s18  }
0x12b: {  	s19 =	sadd.s32 $0x3, s15;
	v55 =	vld [tilespmem:s5+$0xFFFFFF30];
	[tilespmem:s12+$0x70] =	vst v1;
	v1 =	vmul.f32 v52, v2;
	v3 =	vperm.xlane v10, v3  }
0x12c: {  	v56 =	vld [tilespmem:s5+$0xFFFFFF40];
	v4 =	vmul.f32 v4, v2;
	[tilespmem:s12+$0x90] =	vst v6;
	v6 =	vmov s19  }
0x12d: {  	v57 =	vld [tilespmem:s5+$0xFFFFFF50];
	[tilespmem:s12+$0xA0] =	vst v1;
	v1 =	vperm.xlane v10, v6;
	v7 =	vmul.f32 v7, v3  }
0x12e: {  	[tilespmem:s12+$0xC0] =	vst v4;
	v6 =	vld [tilespmem:s5+$0xFFFFFF60];
	v4 =	vmul.f32 v8, v3  }
0x12f: {  	v11 =	vld [tilespmem:s5+$0xFFFFFF90];
	[tilespmem:s5+$0xFFFFFF00] =	vst v7;
	v7 =	vmul.f32 v9, v1  }
0x130: {  	v8 =	vld [tilespmem:s5+$0xFFFFFF80];
	[tilespmem:s5+$0xFFFFFF10] =	vst v4;
	v4 =	vmul.f32 v55, v3  }
0x131: {  	s20 =	sadd.s32 $0x1, s15;
	v9 =	vld [tilespmem:s5+$0xFFFFFF70];
	[tilespmem:s5+$0xF0] =	vst v7;
	v7 =	vmul.f32 v54, v3  }
0x132: {  	v58 =	vmov s20;
	v59 =	vld [tilespmem:s5+$0xFFFFFFA0];
	[tilespmem:s5+$0xFFFFFF30] =	vst v4;
	v4 =	vmul.f32 v57, v3  }
0x133: {  	v60 =	vld [tilespmem:s5+$0xFFFFFFB0];
	v12 =	vperm.xlane v10, v58;
	v6 =	vmul.f32 v6, v3;
	[tilespmem:s5+$0xFFFFFF20] =	vst v7  }
0x134: {  	v61 =	vld [tilespmem:s5+$0xFFFFFFC0];
	v7 =	vmul.f32 v56, v3;
	[tilespmem:s5+$0xFFFFFF50] =	vst v4  }
0x135: {  	v63 =	vld [tilespmem:s5+$0x20];
	[tilespmem:s5+$0xFFFFFF60] =	vst v6;
	v6 =	vmul.f32 v11, v12  }
0x136: {  	v3 =	vmul.f32 v9, v3;
	[tilespmem:s5+$0xFFFFFF40] =	vst v7;
	v7 =	vmul.f32 v8, v12;
	v8 =	vld [tilespmem:s5+$0xFFFFFFD0]  }
0x137: {  	v4 =	vld [tilespmem:s5+$0xFFFFFFE0];
	[tilespmem:s5+$0xFFFFFF90] =	vst v6  }
0x138: {  	v9 =	vld [tilespmem:s5+$0x0];
	[tilespmem:s5+$0xFFFFFF70] =	vst v3;
	v3 =	vmul.f32 v59, v12  }
0x139: {  	s15 =	sadd.s32 $0x2, s15;
	v6 =	vmul.f32 v60, v12;
	[tilespmem:s5+$0xFFFFFF80] =	vst v7;
	v7 =	vld [tilespmem:s5+$0xFFFFFFF0]  }
0x13a: {  	v62 =	vmov s15;
	v11 =	vld [tilespmem:s5+$0x10];
	[tilespmem:s5+$0xFFFFFFA0] =	vst v3;
	v3 =	vmul.f32 v61, v12  }
0x13b: {  	v13 =	vperm.xlane v10, v62;
	v10 =	vld [tilespmem:s5+$0x60];
	[tilespmem:s5+$0xFFFFFFB0] =	vst v6;
	v6 =	vmul.f32 v8, v12  }
0x13c: {  	v8 =	vld [tilespmem:s5+$0x30];
	[tilespmem:s5+$0xFFFFFFC0] =	vst v3;
	v3 =	vmul.f32 v4, v12  }
0x13d: {  	v4 =	vld [tilespmem:s5+$0x40];
	[tilespmem:s5+$0xFFFFFFD0] =	vst v6;
	v6 =	vmul.f32 v9, v13  }
0x13e: {  	v9 =	vld [tilespmem:s5+$0x50];
	v7 =	vmul.f32 v7, v12;
	[tilespmem:s5+$0xFFFFFFE0] =	vst v3  }
0x13f: {  	v5 =	vld [tilespmem:s12+$0xE0];
	v3 =	vmul.f32 v11, v13;
	[tilespmem:s5+$0x0] =	vst v6  }
0x140: {  	v11 =	vld [tilespmem:s5+$0x70];
	[tilespmem:s5+$0xFFFFFFF0] =	vst v7;
	v6 =	vmul.f32 v63, v13  }
0x141: {  	[tilespmem:s5+$0x10] =	vst v3;
	v7 =	vld [tilespmem:s5+$0x80];
	v3 =	vmul.f32 v8, v13  }
0x142: {  	v4 =	vmul.f32 v4, v13;
	[tilespmem:s5+$0x20] =	vst v6;
	v6 =	vld [tilespmem:s5+$0x90]  }
0x143: {  	v10 =	vmul.f32 v10, v13;
	v8 =	vld [tilespmem:s5+$0xA0];
	[tilespmem:s5+$0x30] =	vst v3;
	v9 =	vmul.f32 v9, v13  }
0x144: {  	v3 =	vmul.f32 v53, v2;
	v2 =	vmul.f32 v5, v2;
	[tilespmem:s5+$0x40] =	vst v4;
	v5 =	vld [tilespmem:s5+$0xB0]  }
0x145: {  	s16 =	simm.s32 $0x8;
	s15 =	simm.s32 $0x5400;
	v4 =	vld [tilespmem:s5+$0xC0];
	[tilespmem:s5+$0x50] =	vst v9;
	v9 =	vmul.f32 v11, v13  }
.LBB2_5:
0x146: {  	s17 =	sand.u32 $0x30, s16;
	p0 =	slt.u32 s16, $0x3C;
	[tilespmem:s5+$0x60] =	vst v10;
	v7 =	vmul.f32 v7, v1;
	v10 =	vld [tilespmem:s5+$0xD0]  }
0x147: {  	v11 =	vld [tilespmem:s17+$0x9100];
	[tilespmem:s5+$0x70] =	vst v9;
	v6 =	vmul.f32 v6, v1  }
0x148: {  	s18 =	sand.u32 $0xF, s16;
	s5 =	sadd.s32 $0x200, s5;
	[tilespmem:s15+$0x80] =	vst v7;
	v7 =	vmul.f32 v8, v1;
	v8 =	vld [tilespmem:s15+$0xE0]  }
0x149: {  	s17 =	sand.u32 $0xC, s16;
	s19 =	sadd.s32 $0x2, s18;
	v9 =	vld [tilespmem:s5+$0xF0];
	[tilespmem:s15+$0x90] =	vst v6;
	v5 =	vmul.f32 v5, v1  }
0x14a: {  	v14 =	vmov s19;
	v6 =	vmov s17;
	s17 =	sadd.s32 $0x1, s18;
	s18 =	sadd.s32 $0x3, s18;
	v12 =	vld [tilespmem:s5+$0xFFFFFF00];
	[tilespmem:s15+$0xA0] =	vst v7;
	v4 =	vmul.f32 v4, v1  }
0x14b: {  	v13 =	vmov s17;
	v15 =	vmov s18;
	v7 =	vld [tilespmem:s5+$0xFFFFFF10];
	[tilespmem:s15+$0xB0] =	vst v5  }
0x14c: {  	v5 =	vperm.xlane v11, v6;
	v6 =	vld [tilespmem:s5+$0xFFFFFF20];
	v15 =	vperm.xlane v11, v15;
	[tilespmem:s15+$0xC0] =	vst v4  }
0x14d: {  	v13 =	vperm.xlane v11, v13;
	v11 =	vperm.xlane v11, v14;
	v4 =	vld [tilespmem:s5+$0xFFFFFF30];
	[tilespmem:s12+$0xD0] =	vst v3  }
0x14e: {  	v3 =	vmul.f32 v10, v1;
	v14 =	vld [tilespmem:s5+$0xFFFFFF40];
	v9 =	vmul.f32 v9, v15;
	[tilespmem:s12+$0xE0] =	vst v2;
	s12 =	smov.u32 s15;
	s15 =	smov.u32 s5  }
0x14f: {  	v2 =	vmul.f32 v8, v1;
	v1 =	vmov v15;
	v10 =	vmul.f32 v12, v5;
	v12 =	vld [tilespmem:s5+$0xFFFFFF50]  }
0x150: {  	v7 =	vmul.f32 v7, v5;
	v8 =	vld [tilespmem:s5+$0xFFFFFF60];
	[tilespmem:s5+$0xF0] =	vst v9  }
0x151: {  	[tilespmem:s5+$0xFFFFFF00] =	vst v10;
	v6 =	vmul.f32 v6, v5;
	v9 =	vld [tilespmem:s5+$0xFFFFFF70]  }
0x152: {  	[tilespmem:s5+$0xFFFFFF10] =	vst v7;
	v4 =	vmul.f32 v4, v5;
	v7 =	vld [tilespmem:s5+$0xFFFFFF80]  }
0x153: {  	[tilespmem:s5+$0xFFFFFF20] =	vst v6;
	v6 =	vmul.f32 v14, v5;
	v10 =	vld [tilespmem:s5+$0xFFFFFF90]  }
0x154: {  	[tilespmem:s5+$0xFFFFFF30] =	vst v4;
	v4 =	vmul.f32 v12, v5;
	v12 =	vld [tilespmem:s5+$0xFFFFFFA0]  }
0x155: {  	[tilespmem:s5+$0xFFFFFF40] =	vst v6;
	v6 =	vmul.f32 v8, v5;
	v8 =	vld [tilespmem:s5+$0xFFFFFFB0]  }
0x156: {  	[tilespmem:s5+$0xFFFFFF50] =	vst v4;
	v4 =	vmul.f32 v9, v5;
	v5 =	vld [tilespmem:s5+$0xFFFFFFC0]  }
0x157: {  	[tilespmem:s5+$0xFFFFFF60] =	vst v6;
	v6 =	vmul.f32 v7, v13;
	v7 =	vld [tilespmem:s5+$0xFFFFFFD0]  }
0x158: {  	[tilespmem:s5+$0xFFFFFF70] =	vst v4;
	v4 =	vmul.f32 v10, v13;
	v9 =	vld [tilespmem:s5+$0xFFFFFFE0]  }
0x159: {  	[tilespmem:s5+$0xFFFFFF80] =	vst v6;
	v6 =	vmul.f32 v12, v13;
	v10 =	vld [tilespmem:s5+$0xFFFFFFF0]  }
0x15a: {  	[tilespmem:s5+$0xFFFFFF90] =	vst v4;
	v4 =	vmul.f32 v8, v13;
	v8 =	vld [tilespmem:s5+$0x0]  }
0x15b: {  	[tilespmem:s5+$0xFFFFFFA0] =	vst v6;
	v5 =	vmul.f32 v5, v13;
	v6 =	vld [tilespmem:s5+$0x10]  }
0x15c: {  	[tilespmem:s5+$0xFFFFFFB0] =	vst v4;
	v4 =	vmul.f32 v7, v13;
	v7 =	vld [tilespmem:s5+$0x20]  }
0x15d: {  	[tilespmem:s5+$0xFFFFFFC0] =	vst v5;
	v5 =	vmul.f32 v9, v13;
	v9 =	vld [tilespmem:s5+$0x30]  }
0x15e: {  	[tilespmem:s5+$0xFFFFFFD0] =	vst v4;
	v4 =	vmul.f32 v10, v13;
	v10 =	vld [tilespmem:s5+$0x40]  }
0x15f: {  	[tilespmem:s5+$0xFFFFFFE0] =	vst v5;
	v5 =	vmul.f32 v8, v11;
	v8 =	vld [tilespmem:s5+$0x50]  }
0x160: {  	[tilespmem:s5+$0xFFFFFFF0] =	vst v4;
	v4 =	vmul.f32 v6, v11;
	v12 =	vld [tilespmem:s5+$0x60]  }
0x161: {  	[tilespmem:s5+$0x0] =	vst v5;
	v5 =	vmul.f32 v7, v11;
	v13 =	vld [tilespmem:s5+$0x70]  }
.Ltmp1:
0x162: {  	[tilespmem:s5+$0x10] =	vst v4;
	v4 =	vmul.f32 v9, v11;
	v7 =	vld [tilespmem:s5+$0x80];
	(pc) =	sbr.rel @p0 .LBB2_5-.Ltmp1, $4  }
0x163: {  	[tilespmem:s5+$0x20] =	vst v5;
	v5 =	vmul.f32 v10, v11;
	v6 =	vld [tilespmem:s5+$0x90]  }
0x164: {  	[tilespmem:s5+$0x30] =	vst v4;
	v4 =	vmul.f32 v8, v11;
	v8 =	vld [tilespmem:s5+$0xA0]  }
0x165: {  	[tilespmem:s5+$0x40] =	vst v5;
	v10 =	vmul.f32 v12, v11;
	v5 =	vld [tilespmem:s5+$0xB0]  }
0x166: {  	s16 =	sadd.s32 $0x4, s16;
	[tilespmem:s5+$0x50] =	vst v4;
	v9 =	vmul.f32 v13, v11;
	v4 =	vld [tilespmem:s5+$0xC0]  }
0x167: {  	[tilespmem:s5+$0x60] =	vst v10  }
0x168: {  	v7 =	vmul.f32 v7, v1;
	[tilespmem:s12+$0xD0] =	vst v3  }
0x169: {  	v10 =	vld [tilespmem:s5+$0xD0];
	[tilespmem:s12+$0xE0] =	vst v2  }
0x16a: {  	v6 =	vmul.f32 v6, v1;
	[tilespmem:s15+$0x80] =	vst v7;
	v7 =	vmul.f32 v8, v1;
	v8 =	vld [tilespmem:s15+$0xE0]  }
0x16b: {  	[tilespmem:s5+$0x70] =	vst v9  }
0x16c: {  	[tilespmem:s15+$0x90] =	vst v6;
	v5 =	vmul.f32 v5, v1  }
0x16d: {  	[tilespmem:s15+$0xA0] =	vst v7;
	v4 =	vmul.f32 v4, v1  }
0x16e: {  	[tilespmem:s15+$0xB0] =	vst v5;
	v3 =	vmul.f32 v10, v1  }
0x16f: {  	[tilespmem:s15+$0xC0] =	vst v4;
	v1 =	vmul.f32 v8, v1  }
0x170: {  	[tilespmem:s15+$0xD0] =	vst v3  }
0x171: {  	[tilespmem:s15+$0xE0] =	vst v1  }
0x172: {  	v1 =	vld [tilespmem:$0x9300]  }
0x173: {  	v2 =	vld [tilespmem:$0x9310]  }
0x174: {  	v3 =	vld [tilespmem:$0x9320]  }
0x175: {  	v4 =	vld [tilespmem:$0x9330];
	_ =	sdelay $0x1  }
0x176: {  	[tilespmem:$0x9400] =	vst v1  }
0x177: {  	[tilespmem:$0x9410] =	vst v2  }
0x178: {  	[tilespmem:$0x9420] =	vst v3  }
0x179: {  	[tilespmem:$0x9430] =	vst v4  }
0x17a: {  	[spmem:s2] =	stream.indirect.scatter.add.f32 [tilespmem:s4], [sflag:$0x5], $0x80, s23, s14, $0xb8;
	[tilespmem:$0x1D780] =	vst v63  }
0x17b: {  	_ =	swait.ge [sflag:s24], $0x80  }
0x17c: {  	[sflag:s24] =	ssyncset.done $0x0  }
0x17d: {  	[sflag:s24] =	ssyncadd.s32 $0xFFFFFF80  }
0x17e: {  	_ =	swait.ge [sflag:s25], $0x40  }
0x17f: {  	[sflag:s25] =	ssyncset.done $0x0  }
0x180: {  	[sflag:s25] =	ssyncadd.s32 $0xFFFFFFC0  }
0x181: {  	v1 =	vld [tilespmem:$0x0];
	_ =	sdelay $0x1  }
0x182: {  	v2 =	vld [tilespmem:$0x10];
	_ =	sdelay $0x1  }
0x183: {  	v3 =	vld [tilespmem:$0x20]  }
0x184: {  	s12 =	sshll.u32 s10, $0x1;
	v4 =	vand.u32 $0x3FFF, v1  }
0x185: {  	s15 =	smin.u32 s12, $0x9D;
	v1 =	vshrl.u32 v1, $0xE;
	[tilespmem:$0x9200] =	vst v4;
	v4 =	vld [tilespmem:$0x30]  }
0x186: {  	s5 =	sshll.u32 s15, $0x7;
	[tilespmem:$0x9300] =	vst v1;
	v1 =	vand.u32 $0x3FFF, v2  }
0x187: {  	s5 =	sadd.s32 $0x200, s5;
	[tilespmem:$0x9210] =	vst v1;
	v1 =	vshrl.u32 v2, $0xE  }
0x188: {  	s16 =	sand.u32 $0xFC00, s5;
	[tilespmem:$0x9310] =	vst v1;
	v1 =	vand.u32 $0x3FFF, v3  }
0x189: {  	s5 =	sand.u32 $0x380, s5;
	s15 =	sadd.s32 s9, s16;
	[tilespmem:$0x9220] =	vst v1;
	v1 =	vshrl.u32 v3, $0xE  }
0x18a: {  	s5 =	sor.u32 s5, s15;
	[tilespmem:$0x9320] =	vst v1;
	v1 =	vand.u32 $0x3FFF, v4  }
0x18b: {  	s5 =	sshrl.u32 s5, $0x3;
	[tilespmem:$0x9230] =	vst v1;
	v1 =	vshrl.u32 v4, $0xE  }
0x18c: {  	s15 =	simm.s32 $0x0;
	s5 =	sadd.s32 s1, s5;
	[tilespmem:$0x9330] =	vst v1  }
0x18d: {  	[tilespmem:s15], [sflag:$0x1] =	stream.linear.gather [hbm4b:s5+s15], $0x80, $0x38;
	[tilespmem:$0x1D780] =	vst v63  }
0x18e: {  	v1 =	vld [tilespmem:$0x9300]  }
0x18f: {  	v2 =	vld [tilespmem:$0x9200];
	_ =	sdelay $0x3  }
0x190: {  	v1 =	vadd.s32 $0x2800, v1;
	_ =	sdelay $0x3  }
0x191: {  	v2 =	vld.idx.msk [tilespmem:v2+s8+$0x0], $0xffff  }
0x192: {  	v1 =	vld.idx.msk [tilespmem:v1+s8+$0x0], $0xffff;
	_ =	sdelay $0x4  }
0x193: {  	v1 =	vadd.f32 v1, v2;
	_ =	sdelay $0x1  }
0x194: {  	v2 =	vmul.f32 $2.000000030e-01, v1;
	_ =	sdelay $0x1  }
0x195: {  	v1 =	vmax.f32 v1, v2  }
0x196: {  	v1 =	vmul.f32 $1.442695020e+00, v1;
	_ =	sdelay $0x1  }
0x197: {  	(erf) = vpow2.f32 v1;
	_ =	sdelay $0x1  }
0x198: {  	v1 =	vld [tilespmem:$0x9310]  }
0x199: {  	v2 =	vld [tilespmem:$0x9210];
	_ =	sdelay $0x3  }
0x19a: {  	v1 =	vadd.s32 $0x2800, v1;
	_ =	sdelay $0x1  }
0x19b: {  	v3 =	vpop (erf)  }
0x19c: {  	[tilespmem:$0x9100] =	vst v3  }
0x19d: {  	v2 =	vld.idx.msk [tilespmem:v2+s8+$0x0], $0xffff  }
0x19e: {  	v1 =	vld.idx.msk [tilespmem:v1+s8+$0x0], $0xffff;
	_ =	sdelay $0x4  }
0x19f: {  	v1 =	vadd.f32 v1, v2;
	_ =	sdelay $0x1  }
0x1a0: {  	v2 =	vmul.f32 $2.000000030e-01, v1;
	_ =	sdelay $0x1  }
0x1a1: {  	v1 =	vmax.f32 v1, v2  }
0x1a2: {  	v1 =	vmul.f32 $1.442695020e+00, v1;
	_ =	sdelay $0x1  }
0x1a3: {  	(erf) = vpow2.f32 v1;
	_ =	sdelay $0x1  }
0x1a4: {  	v1 =	vld [tilespmem:$0x9320]  }
0x1a5: {  	v2 =	vld [tilespmem:$0x9220];
	_ =	sdelay $0x3  }
0x1a6: {  	v1 =	vadd.s32 $0x2800, v1;
	_ =	sdelay $0x1  }
0x1a7: {  	v3 =	vpop (erf)  }
0x1a8: {  	[tilespmem:$0x9110] =	vst v3  }
0x1a9: {  	v2 =	vld.idx.msk [tilespmem:v2+s8+$0x0], $0xffff  }
0x1aa: {  	v1 =	vld.idx.msk [tilespmem:v1+s8+$0x0], $0xffff;
	_ =	sdelay $0x4  }
0x1ab: {  	v1 =	vadd.f32 v1, v2;
	_ =	sdelay $0x1  }
0x1ac: {  	v2 =	vmul.f32 $2.000000030e-01, v1;
	_ =	sdelay $0x1  }
0x1ad: {  	v1 =	vmax.f32 v1, v2  }
0x1ae: {  	v1 =	vmul.f32 $1.442695020e+00, v1;
	_ =	sdelay $0x1  }
0x1af: {  	(erf) = vpow2.f32 v1;
	_ =	sdelay $0x1  }
0x1b0: {  	v1 =	vld [tilespmem:$0x9330]  }
0x1b1: {  	v2 =	vld [tilespmem:$0x9230];
	_ =	sdelay $0x3  }
0x1b2: {  	v1 =	vadd.s32 $0x2800, v1;
	_ =	sdelay $0x1  }
0x1b3: {  	v3 =	vpop (erf)  }
0x1b4: {  	[tilespmem:$0x9120] =	vst v3  }
0x1b5: {  	v2 =	vld.idx.msk [tilespmem:v2+s8+$0x0], $0xffff  }
0x1b6: {  	v1 =	vld.idx.msk [tilespmem:v1+s8+$0x0], $0xffff;
	_ =	sdelay $0x4  }
0x1b7: {  	v1 =	vadd.f32 v1, v2;
	_ =	sdelay $0x1  }
0x1b8: {  	v2 =	vmul.f32 $2.000000030e-01, v1;
	_ =	sdelay $0x1  }
0x1b9: {  	v1 =	vmax.f32 v1, v2  }
0x1ba: {  	v1 =	vmul.f32 $1.442695020e+00, v1;
	_ =	sdelay $0x1  }
0x1bb: {  	(erf) = vpow2.f32 v1;
	_ =	sdelay $0x8  }
0x1bc: {  	v1 =	vpop (erf)  }
0x1bd: {  	s17 =	simm.s32 $0x9300;
	s16 =	simm.s32 $0x9100;
	[tilespmem:$0x9130] =	vst v1  }
0x1be: {  	[spmem:s3] =	stream.indirect.scatter.add.f32 [tilespmem:s16], [sflag:$0x7], $0x1, s17, s14, $0xb8;
	[tilespmem:$0x1D780] =	vst v63  }
0x1bf: {  	_ =	swait.ge [sflag:s26], $0x2000  }
0x1c0: {  	[sflag:s26] =	ssyncset.done $0x0  }
0x1c1: {  	s18 =	simm.s32 $0x9200;
	[sflag:s26] =	ssyncadd.s32 $0xFFFFE000  }
0x1c2: {  	[tilespmem:s4], [sflag:$0x3] =	stream.indirect.gather [hbm4b:s6+s14], $0x80, s18, s14, $0xb8;
	[tilespmem:$0x1D780] =	vst v63  }
0x1c3: {  	_ =	swait.ge [sflag:s28], $0x2000  }
0x1c4: {  	[sflag:s28] =	ssyncset.done $0x0  }
0x1c5: {  	s19 =	sand.u32 $0x30, s15;
	[sflag:s28] =	ssyncadd.s32 $0xFFFFE000  }
0x1c6: {  	s5 =	simm.s32 $0x7200;
	v1 =	vld [tilespmem:s19+$0x9180]  }
0x1c7: {  	v3 =	vld [tilespmem:s5+$0xF0]  }
0x1c8: {  	v4 =	vld [tilespmem:s5+$0xFFFFFF00]  }
0x1c9: {  	v5 =	vld [tilespmem:s5+$0xFFFFFF10]  }
0x1ca: {  	s20 =	sand.u32 $0xF, s15;
	v6 =	vld [tilespmem:s5+$0xFFFFFF20]  }
0x1cb: {  	s17 =	sadd.s32 $0x3, s20;
	v7 =	vld [tilespmem:s5+$0xFFFFFF30]  }
0x1cc: {  	s15 =	sand.u32 $0xC, s15;
	v2 =	vmov s17;
	v8 =	vld [tilespmem:s5+$0xFFFFFF40]  }
0x1cd: {  	v12 =	vmov s15;
	v9 =	vld [tilespmem:s5+$0xFFFFFF50];
	v2 =	vperm.xlane v1, v2  }
0x1ce: {  	v15 =	vld [tilespmem:s5+$0xFFFFFFA0];
	v12 =	vperm.xlane v1, v12  }
0x1cf: {  	s18 =	sadd.s32 $0x1, s20;
	v16 =	vld [tilespmem:s5+$0xFFFFFFB0];
	v3 =	vmul.f32 v3, v2  }
0x1d0: {  	v14 =	vmov s18;
	v11 =	vld [tilespmem:s5+$0xFFFFFF80];
	v4 =	vmul.f32 v4, v12  }
0x1d1: {  	v17 =	vld [tilespmem:s5+$0xFFFFFFC0];
	v14 =	vperm.xlane v1, v14;
	v5 =	vmul.f32 v5, v12;
	[tilespmem:s5+$0xF0] =	vst v3  }
0x1d2: {  	v10 =	vld [tilespmem:s5+$0xFFFFFF60];
	v6 =	vmul.f32 v6, v12;
	[tilespmem:s5+$0xFFFFFF00] =	vst v4  }
0x1d3: {  	v13 =	vld [tilespmem:s5+$0xFFFFFF90];
	v47 =	vmul.f32 v15, v14;
	[tilespmem:s5+$0xFFFFFF10] =	vst v5  }
0x1d4: {  	v18 =	vld [tilespmem:s5+$0xFFFFFF70];
	v48 =	vmul.f32 v16, v14;
	[tilespmem:s5+$0xFFFFFF20] =	vst v6  }
0x1d5: {  	v46 =	vld [tilespmem:s5+$0x40];
	v3 =	vmul.f32 v11, v14;
	[tilespmem:s5+$0xFFFFFFA0] =	vst v47  }
0x1d6: {  	v50 =	vld [tilespmem:s5+$0x70];
	v49 =	vmul.f32 v17, v14;
	[tilespmem:s5+$0xFFFFFFB0] =	vst v48  }
0x1d7: {  	v11 =	vld [tilespmem:s5+$0xFFFFFFD0];
	[tilespmem:s5+$0xFFFFFF80] =	vst v3;
	v3 =	vmul.f32 v7, v12  }
0x1d8: {  	v6 =	vmul.f32 v8, v12;
	[tilespmem:s5+$0xFFFFFFC0] =	vst v49;
	v7 =	vld [tilespmem:s5+$0x0]  }
0x1d9: {  	s19 =	sadd.s32 $0x2, s20;
	v4 =	vld [tilespmem:s5+$0xFFFFFFE0];
	[tilespmem:s5+$0xFFFFFF30] =	vst v3;
	v3 =	vmul.f32 v9, v12  }
0x1da: {  	v5 =	vld [tilespmem:s5+$0xFFFFFFF0];
	[tilespmem:s5+$0xFFFFFF40] =	vst v6;
	v6 =	vmul.f32 v10, v12;
	v9 =	vmov s19  }
0x1db: {  	v8 =	vld [tilespmem:s5+$0x10];
	v1 =	vperm.xlane v1, v9;
	[tilespmem:s5+$0xFFFFFF50] =	vst v3;
	v3 =	vmul.f32 v18, v12  }
0x1dc: {  	v10 =	vld [tilespmem:s5+$0x20];
	[tilespmem:s5+$0xFFFFFF60] =	vst v6;
	v6 =	vmul.f32 v13, v14  }
0x1dd: {  	v51 =	vld [tilespmem:s5+$0x90];
	[tilespmem:s5+$0xFFFFFF70] =	vst v3;
	v3 =	vmul.f32 v7, v1  }
0x1de: {  	v52 =	vld [tilespmem:s5+$0xA0];
	v11 =	vmul.f32 v11, v14;
	[tilespmem:s5+$0xFFFFFF90] =	vst v6  }
0x1df: {  	v5 =	vmul.f32 v5, v14;
	[tilespmem:s5+$0x0] =	vst v3;
	v3 =	vld [tilespmem:s5+$0x80]  }
0x1e0: {  	v4 =	vmul.f32 v4, v14;
	v6 =	vld [tilespmem:s5+$0x60];
	[tilespmem:s5+$0xFFFFFFD0] =	vst v11  }
0x1e1: {  	v9 =	vld [tilespmem:s5+$0x30];
	[tilespmem:s5+$0xFFFFFFF0] =	vst v5;
	v5 =	vmul.f32 v8, v1;
	v8 =	vmul.f32 v10, v1  }
0x1e2: {  	v11 =	vld [tilespmem:s5+$0xB0];
	[tilespmem:s5+$0xFFFFFFE0] =	vst v4  }
0x1e3: {  	v7 =	vld [tilespmem:s5+$0x50];
	[tilespmem:s5+$0x20] =	vst v8;
	v8 =	vmul.f32 v46, v1  }
0x1e4: {  	s15 =	simm.s32 $0x7400;
	s20 =	simm.s32 $0x4;
	v53 =	vld [tilespmem:s5+$0xD0];
	[tilespmem:s5+$0x10] =	vst v5;
	v3 =	vmul.f32 v3, v2  }
0x1e5: {  	v54 =	vld [tilespmem:s15+$0xFFFFFF20];
	s17 =	sand.u32 $0x30, s20;
	[tilespmem:s5+$0x40] =	vst v8;
	v6 =	vmul.f32 v6, v1  }
0x1e6: {  	v10 =	vld [tilespmem:s17+$0x9180];
	[tilespmem:s5+$0x80] =	vst v3;
	v3 =	vmul.f32 v9, v1  }
0x1e7: {  	v4 =	vld [tilespmem:s5+$0xC0];
	v11 =	vmul.f32 v11, v2;
	[tilespmem:s5+$0x60] =	vst v6  }
0x1e8: {  	[tilespmem:s5+$0x30] =	vst v3;
	v3 =	vmul.f32 v7, v1;
	v7 =	vld [tilespmem:s15+$0xFFFFFF00]  }
0x1e9: {  	s18 =	sand.u32 $0xC, s20;
	v8 =	vld [tilespmem:s15+$0xFFFFFF10];
	[tilespmem:s5+$0xB0] =	vst v11;
	v1 =	vmul.f32 v50, v1  }
0x1ea: {  	s16 =	sand.u32 $0xF, s20;
	v6 =	vmul.f32 v51, v2;
	v9 =	vld [tilespmem:s15+$0xF0];
	[tilespmem:s5+$0x50] =	vst v3;
	v3 =	vmov s18  }
0x1eb: {  	v55 =	vld [tilespmem:s15+$0xFFFFFF30];
	s19 =	sadd.s32 $0x3, s16;
	[tilespmem:s5+$0x70] =	vst v1;
	v1 =	vmul.f32 v52, v2;
	v3 =	vperm.xlane v10, v3  }
0x1ec: {  	v56 =	vld [tilespmem:s15+$0xFFFFFF40];
	v4 =	vmul.f32 v4, v2;
	[tilespmem:s5+$0x90] =	vst v6;
	v6 =	vmov s19  }
0x1ed: {  	v57 =	vld [tilespmem:s15+$0xFFFFFF50];
	[tilespmem:s5+$0xA0] =	vst v1;
	v1 =	vperm.xlane v10, v6;
	v7 =	vmul.f32 v7, v3  }
0x1ee: {  	[tilespmem:s5+$0xC0] =	vst v4;
	v6 =	vld [tilespmem:s15+$0xFFFFFF60];
	v4 =	vmul.f32 v8, v3  }
0x1ef: {  	v11 =	vld [tilespmem:s15+$0xFFFFFF90];
	[tilespmem:s15+$0xFFFFFF00] =	vst v7;
	v7 =	vmul.f32 v9, v1  }
0x1f0: {  	v8 =	vld [tilespmem:s15+$0xFFFFFF80];
	[tilespmem:s15+$0xFFFFFF10] =	vst v4;
	v4 =	vmul.f32 v55, v3  }
0x1f1: {  	s20 =	sadd.s32 $0x1, s16;
	v9 =	vld [tilespmem:s15+$0xFFFFFF70];
	[tilespmem:s15+$0xF0] =	vst v7;
	v7 =	vmul.f32 v54, v3  }
0x1f2: {  	v59 =	vld [tilespmem:s15+$0xFFFFFFA0];
	v58 =	vmov s20;
	[tilespmem:s15+$0xFFFFFF30] =	vst v4;
	v4 =	vmul.f32 v57, v3  }
0x1f3: {  	v60 =	vld [tilespmem:s15+$0xFFFFFFB0];
	v12 =	vperm.xlane v10, v58;
	v6 =	vmul.f32 v6, v3;
	[tilespmem:s15+$0xFFFFFF20] =	vst v7  }
0x1f4: {  	v61 =	vld [tilespmem:s15+$0xFFFFFFC0];
	v7 =	vmul.f32 v56, v3;
	[tilespmem:s15+$0xFFFFFF50] =	vst v4  }
0x1f5: {  	v63 =	vld [tilespmem:s15+$0x20];
	[tilespmem:s15+$0xFFFFFF60] =	vst v6;
	v6 =	vmul.f32 v11, v12  }
0x1f6: {  	v3 =	vmul.f32 v9, v3;
	[tilespmem:s15+$0xFFFFFF40] =	vst v7;
	v7 =	vmul.f32 v8, v12;
	v8 =	vld [tilespmem:s15+$0xFFFFFFD0]  }
0x1f7: {  	v4 =	vld [tilespmem:s15+$0xFFFFFFE0];
	[tilespmem:s15+$0xFFFFFF90] =	vst v6  }
0x1f8: {  	v9 =	vld [tilespmem:s15+$0x0];
	[tilespmem:s15+$0xFFFFFF70] =	vst v3;
	v3 =	vmul.f32 v59, v12  }
0x1f9: {  	s16 =	sadd.s32 $0x2, s16;
	v6 =	vmul.f32 v60, v12;
	[tilespmem:s15+$0xFFFFFF80] =	vst v7;
	v7 =	vld [tilespmem:s15+$0xFFFFFFF0]  }
0x1fa: {  	v62 =	vmov s16;
	v11 =	vld [tilespmem:s15+$0x10];
	[tilespmem:s15+$0xFFFFFFA0] =	vst v3;
	v3 =	vmul.f32 v61, v12  }
0x1fb: {  	v13 =	vperm.xlane v10, v62;
	v10 =	vld [tilespmem:s15+$0x60];
	[tilespmem:s15+$0xFFFFFFB0] =	vst v6;
	v6 =	vmul.f32 v8, v12  }
0x1fc: {  	v8 =	vld [tilespmem:s15+$0x30];
	[tilespmem:s15+$0xFFFFFFC0] =	vst v3;
	v3 =	vmul.f32 v4, v12  }
0x1fd: {  	v4 =	vld [tilespmem:s15+$0x40];
	[tilespmem:s15+$0xFFFFFFD0] =	vst v6;
	v6 =	vmul.f32 v9, v13  }
0x1fe: {  	v9 =	vld [tilespmem:s15+$0x50];
	v7 =	vmul.f32 v7, v12;
	[tilespmem:s15+$0xFFFFFFE0] =	vst v3  }
0x1ff: {  	v5 =	vld [tilespmem:s5+$0xE0];
	v3 =	vmul.f32 v11, v13;
	[tilespmem:s15+$0x0] =	vst v6  }
0x200: {  	v11 =	vld [tilespmem:s15+$0x70];
	[tilespmem:s15+$0xFFFFFFF0] =	vst v7;
	v6 =	vmul.f32 v63, v13  }
0x201: {  	[tilespmem:s15+$0x10] =	vst v3;
	v7 =	vld [tilespmem:s15+$0x80];
	v3 =	vmul.f32 v8, v13  }
0x202: {  	v4 =	vmul.f32 v4, v13;
	[tilespmem:s15+$0x20] =	vst v6;
	v6 =	vld [tilespmem:s15+$0x90]  }
0x203: {  	v10 =	vmul.f32 v10, v13;
	v8 =	vld [tilespmem:s15+$0xA0];
	[tilespmem:s15+$0x30] =	vst v3;
	v9 =	vmul.f32 v9, v13  }
0x204: {  	v3 =	vmul.f32 v53, v2;
	v2 =	vmul.f32 v5, v2;
	[tilespmem:s15+$0x40] =	vst v4;
	v5 =	vld [tilespmem:s15+$0xB0]  }
0x205: {  	s16 =	simm.s32 $0x7400;
	s17 =	simm.s32 $0x8;
	v4 =	vld [tilespmem:s15+$0xC0];
	[tilespmem:s15+$0x50] =	vst v9;
	v9 =	vmul.f32 v11, v13  }
.LBB2_7:
0x206: {  	s18 =	sand.u32 $0x30, s17;
	p0 =	slt.u32 s17, $0x3C;
	[tilespmem:s15+$0x60] =	vst v10;
	v7 =	vmul.f32 v7, v1;
	v10 =	vld [tilespmem:s15+$0xD0]  }
0x207: {  	v11 =	vld [tilespmem:s18+$0x9180];
	[tilespmem:s15+$0x70] =	vst v9;
	v6 =	vmul.f32 v6, v1  }
0x208: {  	s19 =	sand.u32 $0xF, s17;
	s15 =	sadd.s32 $0x200, s15;
	[tilespmem:s16+$0x80] =	vst v7;
	v7 =	vmul.f32 v8, v1;
	v8 =	vld [tilespmem:s16+$0xE0]  }
0x209: {  	s18 =	sand.u32 $0xC, s17;
	s20 =	sadd.s32 $0x2, s19;
	v9 =	vld [tilespmem:s15+$0xF0];
	[tilespmem:s16+$0x90] =	vst v6;
	v5 =	vmul.f32 v5, v1  }
0x20a: {  	v14 =	vmov s20;
	v6 =	vmov s18;
	s18 =	sadd.s32 $0x1, s19;
	s19 =	sadd.s32 $0x3, s19;
	v12 =	vld [tilespmem:s15+$0xFFFFFF00];
	[tilespmem:s16+$0xA0] =	vst v7;
	v4 =	vmul.f32 v4, v1  }
0x20b: {  	v13 =	vmov s18;
	v15 =	vmov s19;
	v7 =	vld [tilespmem:s15+$0xFFFFFF10];
	[tilespmem:s16+$0xB0] =	vst v5  }
0x20c: {  	v5 =	vperm.xlane v11, v6;
	v6 =	vld [tilespmem:s15+$0xFFFFFF20];
	v15 =	vperm.xlane v11, v15;
	[tilespmem:s16+$0xC0] =	vst v4  }
0x20d: {  	v13 =	vperm.xlane v11, v13;
	v11 =	vperm.xlane v11, v14;
	v4 =	vld [tilespmem:s15+$0xFFFFFF30];
	[tilespmem:s5+$0xD0] =	vst v3  }
0x20e: {  	v3 =	vmul.f32 v10, v1;
	v14 =	vld [tilespmem:s15+$0xFFFFFF40];
	v9 =	vmul.f32 v9, v15;
	[tilespmem:s5+$0xE0] =	vst v2;
	s5 =	smov.u32 s16;
	s16 =	smov.u32 s15  }
0x20f: {  	v2 =	vmul.f32 v8, v1;
	v1 =	vmov v15;
	v10 =	vmul.f32 v12, v5;
	v12 =	vld [tilespmem:s15+$0xFFFFFF50]  }
0x210: {  	v7 =	vmul.f32 v7, v5;
	v8 =	vld [tilespmem:s15+$0xFFFFFF60];
	[tilespmem:s15+$0xF0] =	vst v9  }
0x211: {  	[tilespmem:s15+$0xFFFFFF00] =	vst v10;
	v6 =	vmul.f32 v6, v5;
	v9 =	vld [tilespmem:s15+$0xFFFFFF70]  }
0x212: {  	[tilespmem:s15+$0xFFFFFF10] =	vst v7;
	v4 =	vmul.f32 v4, v5;
	v7 =	vld [tilespmem:s15+$0xFFFFFF80]  }
0x213: {  	[tilespmem:s15+$0xFFFFFF20] =	vst v6;
	v6 =	vmul.f32 v14, v5;
	v10 =	vld [tilespmem:s15+$0xFFFFFF90]  }
0x214: {  	[tilespmem:s15+$0xFFFFFF30] =	vst v4;
	v4 =	vmul.f32 v12, v5;
	v12 =	vld [tilespmem:s15+$0xFFFFFFA0]  }
0x215: {  	[tilespmem:s15+$0xFFFFFF40] =	vst v6;
	v6 =	vmul.f32 v8, v5;
	v8 =	vld [tilespmem:s15+$0xFFFFFFB0]  }
0x216: {  	[tilespmem:s15+$0xFFFFFF50] =	vst v4;
	v4 =	vmul.f32 v9, v5;
	v5 =	vld [tilespmem:s15+$0xFFFFFFC0]  }
0x217: {  	[tilespmem:s15+$0xFFFFFF60] =	vst v6;
	v6 =	vmul.f32 v7, v13;
	v7 =	vld [tilespmem:s15+$0xFFFFFFD0]  }
0x218: {  	[tilespmem:s15+$0xFFFFFF70] =	vst v4;
	v4 =	vmul.f32 v10, v13;
	v9 =	vld [tilespmem:s15+$0xFFFFFFE0]  }
0x219: {  	[tilespmem:s15+$0xFFFFFF80] =	vst v6;
	v6 =	vmul.f32 v12, v13;
	v10 =	vld [tilespmem:s15+$0xFFFFFFF0]  }
0x21a: {  	[tilespmem:s15+$0xFFFFFF90] =	vst v4;
	v4 =	vmul.f32 v8, v13;
	v8 =	vld [tilespmem:s15+$0x0]  }
0x21b: {  	[tilespmem:s15+$0xFFFFFFA0] =	vst v6;
	v5 =	vmul.f32 v5, v13;
	v6 =	vld [tilespmem:s15+$0x10]  }
0x21c: {  	[tilespmem:s15+$0xFFFFFFB0] =	vst v4;
	v4 =	vmul.f32 v7, v13;
	v7 =	vld [tilespmem:s15+$0x20]  }
0x21d: {  	[tilespmem:s15+$0xFFFFFFC0] =	vst v5;
	v5 =	vmul.f32 v9, v13;
	v9 =	vld [tilespmem:s15+$0x30]  }
0x21e: {  	[tilespmem:s15+$0xFFFFFFD0] =	vst v4;
	v4 =	vmul.f32 v10, v13;
	v10 =	vld [tilespmem:s15+$0x40]  }
0x21f: {  	[tilespmem:s15+$0xFFFFFFE0] =	vst v5;
	v5 =	vmul.f32 v8, v11;
	v8 =	vld [tilespmem:s15+$0x50]  }
0x220: {  	[tilespmem:s15+$0xFFFFFFF0] =	vst v4;
	v4 =	vmul.f32 v6, v11;
	v12 =	vld [tilespmem:s15+$0x60]  }
0x221: {  	[tilespmem:s15+$0x0] =	vst v5;
	v5 =	vmul.f32 v7, v11;
	v13 =	vld [tilespmem:s15+$0x70]  }
.Ltmp2:
0x222: {  	[tilespmem:s15+$0x10] =	vst v4;
	v4 =	vmul.f32 v9, v11;
	v7 =	vld [tilespmem:s15+$0x80];
	(pc) =	sbr.rel @p0 .LBB2_7-.Ltmp2, $4  }
0x223: {  	[tilespmem:s15+$0x20] =	vst v5;
	v5 =	vmul.f32 v10, v11;
	v6 =	vld [tilespmem:s15+$0x90]  }
0x224: {  	[tilespmem:s15+$0x30] =	vst v4;
	v4 =	vmul.f32 v8, v11;
	v8 =	vld [tilespmem:s15+$0xA0]  }
0x225: {  	[tilespmem:s15+$0x40] =	vst v5;
	v10 =	vmul.f32 v12, v11;
	v5 =	vld [tilespmem:s15+$0xB0]  }
0x226: {  	s17 =	sadd.s32 $0x4, s17;
	[tilespmem:s15+$0x50] =	vst v4;
	v9 =	vmul.f32 v13, v11;
	v4 =	vld [tilespmem:s15+$0xC0]  }
0x227: {  	[tilespmem:s15+$0x60] =	vst v10  }
0x228: {  	[tilespmem:s5+$0xD0] =	vst v3  }
0x229: {  	v7 =	vmul.f32 v7, v1;
	v59 =	vld [tilespmem:s15+$0xD0];
	[tilespmem:s5+$0xE0] =	vst v2  }
0x22a: {  	v61 =	vld [tilespmem:s16+$0xE0];
	v6 =	vmul.f32 v6, v1;
	[tilespmem:s15+$0x70] =	vst v9  }
0x22b: {  	[tilespmem:s16+$0x80] =	vst v7;
	v60 =	vmul.f32 v8, v1  }
0x22c: {  	[tilespmem:s16+$0x90] =	vst v6;
	v5 =	vmul.f32 v5, v1  }
0x22d: {  	[tilespmem:s16+$0xA0] =	vst v60;
	v4 =	vmul.f32 v4, v1  }
0x22e: {  	[tilespmem:s16+$0xB0] =	vst v5;
	v3 =	vmul.f32 v59, v1  }
0x22f: {  	v1 =	vmul.f32 v61, v1;
	[tilespmem:s16+$0xC0] =	vst v4  }
0x230: {  	[tilespmem:s16+$0xD0] =	vst v3  }
0x231: {  	[tilespmem:s16+$0xE0] =	vst v1  }
0x232: {  	v1 =	vld [tilespmem:$0x9380]  }
0x233: {  	v2 =	vld [tilespmem:$0x9390]  }
0x234: {  	v3 =	vld [tilespmem:$0x93A0]  }
0x235: {  	v4 =	vld [tilespmem:$0x93B0];
	_ =	sdelay $0x1  }
0x236: {  	[tilespmem:$0x9480] =	vst v1  }
0x237: {  	[tilespmem:$0x9490] =	vst v2  }
0x238: {  	[tilespmem:$0x94A0] =	vst v3  }
0x239: {  	[tilespmem:$0x94B0] =	vst v4  }
0x23a: {  	[spmem:s2] =	stream.indirect.scatter.add.f32 [tilespmem:s21], [sflag:$0x6], $0x80, s29, s14, $0xb8;
	[tilespmem:$0x1D780] =	vst v63  }
0x23b: {  	_ =	swait.ge [sflag:s30], $0x80  }
0x23c: {  	[sflag:s30] =	ssyncset.done $0x0  }
0x23d: {  	[sflag:s30] =	ssyncadd.s32 $0xFFFFFF80  }
0x23e: {  	_ =	swait.ge [sflag:s31], $0x40  }
0x23f: {  	[sflag:s31] =	ssyncset.done $0x0  }
0x240: {  	[sflag:s31] =	ssyncadd.s32 $0xFFFFFFC0  }
0x241: {  	v1 =	vld [tilespmem:$0x80];
	_ =	sdelay $0x1  }
0x242: {  	v2 =	vld [tilespmem:$0x90];
	_ =	sdelay $0x1  }
0x243: {  	v3 =	vld [tilespmem:$0xA0]  }
0x244: {  	v62 =	vand.u32 $0x3FFF, v1  }
0x245: {  	s15 =	smin.u32 s12, $0x9C;
	v63 =	vld [tilespmem:$0xB0];
	v1 =	vshrl.u32 v1, $0xE;
	[tilespmem:$0x9280] =	vst v62  }
0x246: {  	s5 =	sshll.u32 s15, $0x7;
	[tilespmem:$0x9380] =	vst v1;
	v1 =	vand.u32 $0x3FFF, v2  }
0x247: {  	s5 =	sadd.s32 $0x280, s5;
	[tilespmem:$0x9290] =	vst v1;
	v1 =	vshrl.u32 v2, $0xE  }
0x248: {  	s16 =	sand.u32 $0xFC00, s5;
	[tilespmem:$0x9390] =	vst v1;
	v1 =	vand.u32 $0x3FFF, v3  }
0x249: {  	s5 =	sand.u32 $0x380, s5;
	s12 =	sadd.s32 s9, s16;
	[tilespmem:$0x92A0] =	vst v1;
	v1 =	vshrl.u32 v3, $0xE  }
0x24a: {  	s5 =	sor.u32 s5, s12;
	[tilespmem:$0x93A0] =	vst v1;
	v1 =	vand.u32 $0x3FFF, v63  }
0x24b: {  	s5 =	sshrl.u32 s5, $0x3;
	[tilespmem:$0x92B0] =	vst v1;
	v1 =	vshrl.u32 v63, $0xE  }
0x24c: {  	s17 =	simm.s32 $0x0;
	s5 =	sadd.s32 s1, s5;
	[tilespmem:$0x93B0] =	vst v1  }
0x24d: {  	[tilespmem:s13], [sflag:$0x2] =	stream.linear.gather [hbm4b:s5+s17], $0x80, $0x38;
	[tilespmem:$0x1D780] =	vst v63  }
0x24e: {  	v1 =	vld [tilespmem:$0x9380]  }
0x24f: {  	v2 =	vld [tilespmem:$0x9280];
	_ =	sdelay $0x3  }
0x250: {  	v1 =	vadd.s32 $0x2800, v1;
	_ =	sdelay $0x3  }
0x251: {  	v2 =	vld.idx.msk [tilespmem:v2+s8+$0x0], $0xffff  }
0x252: {  	v1 =	vld.idx.msk [tilespmem:v1+s8+$0x0], $0xffff;
	_ =	sdelay $0x4  }
0x253: {  	v1 =	vadd.f32 v1, v2;
	_ =	sdelay $0x1  }
0x254: {  	v2 =	vmul.f32 $2.000000030e-01, v1;
	_ =	sdelay $0x1  }
0x255: {  	v1 =	vmax.f32 v1, v2  }
0x256: {  	v1 =	vmul.f32 $1.442695020e+00, v1;
	_ =	sdelay $0x1  }
0x257: {  	(erf) = vpow2.f32 v1;
	_ =	sdelay $0x1  }
0x258: {  	v1 =	vld [tilespmem:$0x9390]  }
0x259: {  	v2 =	vld [tilespmem:$0x9290];
	_ =	sdelay $0x3  }
0x25a: {  	v1 =	vadd.s32 $0x2800, v1;
	_ =	sdelay $0x1  }
0x25b: {  	v3 =	vpop (erf)  }
0x25c: {  	[tilespmem:$0x9180] =	vst v3  }
0x25d: {  	v2 =	vld.idx.msk [tilespmem:v2+s8+$0x0], $0xffff  }
0x25e: {  	v1 =	vld.idx.msk [tilespmem:v1+s8+$0x0], $0xffff;
	_ =	sdelay $0x4  }
0x25f: {  	v1 =	vadd.f32 v1, v2;
	_ =	sdelay $0x1  }
0x260: {  	v2 =	vmul.f32 $2.000000030e-01, v1;
	_ =	sdelay $0x1  }
0x261: {  	v1 =	vmax.f32 v1, v2  }
0x262: {  	v1 =	vmul.f32 $1.442695020e+00, v1;
	_ =	sdelay $0x1  }
0x263: {  	(erf) = vpow2.f32 v1;
	_ =	sdelay $0x1  }
0x264: {  	v1 =	vld [tilespmem:$0x93A0]  }
0x265: {  	v2 =	vld [tilespmem:$0x92A0];
	_ =	sdelay $0x3  }
0x266: {  	v1 =	vadd.s32 $0x2800, v1;
	_ =	sdelay $0x1  }
0x267: {  	v3 =	vpop (erf)  }
0x268: {  	[tilespmem:$0x9190] =	vst v3  }
0x269: {  	v2 =	vld.idx.msk [tilespmem:v2+s8+$0x0], $0xffff  }
0x26a: {  	v1 =	vld.idx.msk [tilespmem:v1+s8+$0x0], $0xffff;
	_ =	sdelay $0x4  }
0x26b: {  	v1 =	vadd.f32 v1, v2;
	_ =	sdelay $0x1  }
0x26c: {  	v2 =	vmul.f32 $2.000000030e-01, v1;
	_ =	sdelay $0x1  }
0x26d: {  	v1 =	vmax.f32 v1, v2  }
0x26e: {  	v1 =	vmul.f32 $1.442695020e+00, v1;
	_ =	sdelay $0x1  }
0x26f: {  	(erf) = vpow2.f32 v1;
	_ =	sdelay $0x1  }
0x270: {  	v1 =	vld [tilespmem:$0x93B0]  }
0x271: {  	v2 =	vld [tilespmem:$0x92B0];
	_ =	sdelay $0x3  }
0x272: {  	v1 =	vadd.s32 $0x2800, v1;
	_ =	sdelay $0x1  }
0x273: {  	v3 =	vpop (erf)  }
0x274: {  	[tilespmem:$0x91A0] =	vst v3  }
0x275: {  	v2 =	vld.idx.msk [tilespmem:v2+s8+$0x0], $0xffff  }
0x276: {  	v1 =	vld.idx.msk [tilespmem:v1+s8+$0x0], $0xffff;
	_ =	sdelay $0x4  }
0x277: {  	v1 =	vadd.f32 v1, v2;
	_ =	sdelay $0x1  }
0x278: {  	v2 =	vmul.f32 $2.000000030e-01, v1;
	_ =	sdelay $0x1  }
0x279: {  	v1 =	vmax.f32 v1, v2  }
0x27a: {  	v1 =	vmul.f32 $1.442695020e+00, v1;
	_ =	sdelay $0x1  }
0x27b: {  	(erf) = vpow2.f32 v1;
	_ =	sdelay $0x8  }
0x27c: {  	s10 =	sadd.s32 $0x1, s10;
	v1 =	vpop (erf)  }
0x27d: {  	s18 =	simm.s32 $0x9380;
	s19 =	simm.s32 $0x9180;
	p0 =	sne.s32 s10, $0x50;
	[tilespmem:$0x91B0] =	vst v1  }
0x27e: {  	[spmem:s3] =	stream.indirect.scatter.add.f32 [tilespmem:s19], [sflag:$0x8], $0x1, s18, s14, $0xb8;
	[tilespmem:$0x1D780] =	vst v63  }
.Ltmp3:
0x27f: {  	_ = 	snop;
	(pc) =	sbr.rel @p0 .LBB2_4-.Ltmp3, $4  }
0x280: {  	_ =	swait.ge [sflag:s0], $0x2000  }
0x281: {  	[sflag:s0] =	ssyncset.done $0x0  }
0x282: {  	s20 =	simm.s32 $0x9280;
	[sflag:s0] =	ssyncadd.s32 $0xFFFFE000  }
0x283: {  	[tilespmem:s21], [sflag:$0x4] =	stream.indirect.gather [hbm4b:s6+s14], $0x80, s20, s14, $0xb8;
	[tilespmem:$0x1D780] =	vst v63  }
0x284: {  	_ =	swait.ge [sflag:s22], $0x2000  }
0x285: {  	s10 =	simm.s32 $0x0;
	[sflag:s22] =	ssyncset.done $0x0  }
0x286: {  	s11 =	sand.u32 $0x30, s10;
	[sflag:s22] =	ssyncadd.s32 $0xFFFFE000  }
0x287: {  	s5 =	simm.s32 $0x5200;
	v1 =	vld [tilespmem:s11+$0x9100]  }
0x288: {  	v3 =	vld [tilespmem:s5+$0xF0]  }
0x289: {  	v4 =	vld [tilespmem:s5+$0xFFFFFF00]  }
0x28a: {  	v5 =	vld [tilespmem:s5+$0xFFFFFF10]  }
0x28b: {  	s20 =	sand.u32 $0xF, s10;
	v6 =	vld [tilespmem:s5+$0xFFFFFF20]  }
0x28c: {  	s12 =	sadd.s32 $0x3, s20;
	v7 =	vld [tilespmem:s5+$0xFFFFFF30]  }
0x28d: {  	s10 =	sand.u32 $0xC, s10;
	v8 =	vld [tilespmem:s5+$0xFFFFFF40];
	v2 =	vmov s12  }
0x28e: {  	v12 =	vmov s10;
	v9 =	vld [tilespmem:s5+$0xFFFFFF50];
	v2 =	vperm.xlane v1, v2  }
0x28f: {  	v15 =	vld [tilespmem:s5+$0xFFFFFFA0];
	v12 =	vperm.xlane v1, v12  }
0x290: {  	s12 =	sadd.s32 $0x1, s20;
	v16 =	vld [tilespmem:s5+$0xFFFFFFB0];
	v3 =	vmul.f32 v3, v2  }
0x291: {  	v11 =	vld [tilespmem:s5+$0xFFFFFF80];
	v14 =	vmov s12;
	v4 =	vmul.f32 v4, v12  }
0x292: {  	v17 =	vld [tilespmem:s5+$0xFFFFFFC0];
	v14 =	vperm.xlane v1, v14;
	v5 =	vmul.f32 v5, v12;
	[tilespmem:s5+$0xF0] =	vst v3  }
0x293: {  	v10 =	vld [tilespmem:s5+$0xFFFFFF60];
	v6 =	vmul.f32 v6, v12;
	[tilespmem:s5+$0xFFFFFF00] =	vst v4  }
0x294: {  	v13 =	vld [tilespmem:s5+$0xFFFFFF90];
	v47 =	vmul.f32 v15, v14;
	[tilespmem:s5+$0xFFFFFF10] =	vst v5  }
0x295: {  	v18 =	vld [tilespmem:s5+$0xFFFFFF70];
	v48 =	vmul.f32 v16, v14;
	[tilespmem:s5+$0xFFFFFF20] =	vst v6  }
0x296: {  	v46 =	vld [tilespmem:s5+$0x40];
	v3 =	vmul.f32 v11, v14;
	[tilespmem:s5+$0xFFFFFFA0] =	vst v47  }
0x297: {  	v50 =	vld [tilespmem:s5+$0x70];
	v49 =	vmul.f32 v17, v14;
	[tilespmem:s5+$0xFFFFFFB0] =	vst v48  }
0x298: {  	v11 =	vld [tilespmem:s5+$0xFFFFFFD0];
	[tilespmem:s5+$0xFFFFFF80] =	vst v3;
	v3 =	vmul.f32 v7, v12  }
0x299: {  	v6 =	vmul.f32 v8, v12;
	[tilespmem:s5+$0xFFFFFFC0] =	vst v49;
	v7 =	vld [tilespmem:s5+$0x0]  }
0x29a: {  	s15 =	sadd.s32 $0x2, s20;
	v4 =	vld [tilespmem:s5+$0xFFFFFFE0];
	[tilespmem:s5+$0xFFFFFF30] =	vst v3;
	v3 =	vmul.f32 v9, v12  }
0x29b: {  	v5 =	vld [tilespmem:s5+$0xFFFFFFF0];
	[tilespmem:s5+$0xFFFFFF40] =	vst v6;
	v6 =	vmul.f32 v10, v12;
	v9 =	vmov s15  }
0x29c: {  	v8 =	vld [tilespmem:s5+$0x10];
	v1 =	vperm.xlane v1, v9;
	[tilespmem:s5+$0xFFFFFF50] =	vst v3;
	v3 =	vmul.f32 v18, v12  }
0x29d: {  	v10 =	vld [tilespmem:s5+$0x20];
	[tilespmem:s5+$0xFFFFFF60] =	vst v6;
	v6 =	vmul.f32 v13, v14  }
0x29e: {  	v51 =	vld [tilespmem:s5+$0x90];
	[tilespmem:s5+$0xFFFFFF70] =	vst v3;
	v3 =	vmul.f32 v7, v1  }
0x29f: {  	v52 =	vld [tilespmem:s5+$0xA0];
	v11 =	vmul.f32 v11, v14;
	[tilespmem:s5+$0xFFFFFF90] =	vst v6  }
0x2a0: {  	v5 =	vmul.f32 v5, v14;
	[tilespmem:s5+$0x0] =	vst v3;
	v3 =	vld [tilespmem:s5+$0x80]  }
0x2a1: {  	v4 =	vmul.f32 v4, v14;
	v6 =	vld [tilespmem:s5+$0x60];
	[tilespmem:s5+$0xFFFFFFD0] =	vst v11  }
0x2a2: {  	v9 =	vld [tilespmem:s5+$0x30];
	[tilespmem:s5+$0xFFFFFFF0] =	vst v5;
	v5 =	vmul.f32 v8, v1;
	v8 =	vmul.f32 v10, v1  }
0x2a3: {  	v11 =	vld [tilespmem:s5+$0xB0];
	[tilespmem:s5+$0xFFFFFFE0] =	vst v4  }
0x2a4: {  	v7 =	vld [tilespmem:s5+$0x50];
	[tilespmem:s5+$0x20] =	vst v8;
	v8 =	vmul.f32 v46, v1  }
0x2a5: {  	s16 =	simm.s32 $0x4;
	s10 =	simm.s32 $0x5400;
	v53 =	vld [tilespmem:s5+$0xD0];
	[tilespmem:s5+$0x10] =	vst v5;
	v3 =	vmul.f32 v3, v2  }
0x2a6: {  	s17 =	sand.u32 $0x30, s16;
	v54 =	vld [tilespmem:s10+$0xFFFFFF20];
	[tilespmem:s5+$0x40] =	vst v8;
	v6 =	vmul.f32 v6, v1  }
0x2a7: {  	v10 =	vld [tilespmem:s17+$0x9100];
	[tilespmem:s5+$0x80] =	vst v3;
	v3 =	vmul.f32 v9, v1  }
0x2a8: {  	v4 =	vld [tilespmem:s5+$0xC0];
	v11 =	vmul.f32 v11, v2;
	[tilespmem:s5+$0x60] =	vst v6  }
0x2a9: {  	[tilespmem:s5+$0x30] =	vst v3;
	v3 =	vmul.f32 v7, v1;
	v7 =	vld [tilespmem:s10+$0xFFFFFF00]  }
0x2aa: {  	s18 =	sand.u32 $0xC, s16;
	v8 =	vld [tilespmem:s10+$0xFFFFFF10];
	[tilespmem:s5+$0xB0] =	vst v11;
	v1 =	vmul.f32 v50, v1  }
0x2ab: {  	s11 =	sand.u32 $0xF, s16;
	v6 =	vmul.f32 v51, v2;
	v9 =	vld [tilespmem:s10+$0xF0];
	[tilespmem:s5+$0x50] =	vst v3;
	v3 =	vmov s18  }
0x2ac: {  	v55 =	vld [tilespmem:s10+$0xFFFFFF30];
	s19 =	sadd.s32 $0x3, s11;
	[tilespmem:s5+$0x70] =	vst v1;
	v1 =	vmul.f32 v52, v2;
	v3 =	vperm.xlane v10, v3  }
0x2ad: {  	v56 =	vld [tilespmem:s10+$0xFFFFFF40];
	v4 =	vmul.f32 v4, v2;
	[tilespmem:s5+$0x90] =	vst v6;
	v6 =	vmov s19  }
0x2ae: {  	v57 =	vld [tilespmem:s10+$0xFFFFFF50];
	[tilespmem:s5+$0xA0] =	vst v1;
	v1 =	vperm.xlane v10, v6;
	v7 =	vmul.f32 v7, v3  }
0x2af: {  	[tilespmem:s5+$0xC0] =	vst v4;
	v6 =	vld [tilespmem:s10+$0xFFFFFF60];
	v4 =	vmul.f32 v8, v3  }
0x2b0: {  	v11 =	vld [tilespmem:s10+$0xFFFFFF90];
	[tilespmem:s10+$0xFFFFFF00] =	vst v7;
	v7 =	vmul.f32 v9, v1  }
0x2b1: {  	v8 =	vld [tilespmem:s10+$0xFFFFFF80];
	[tilespmem:s10+$0xFFFFFF10] =	vst v4;
	v4 =	vmul.f32 v55, v3  }
0x2b2: {  	s20 =	sadd.s32 $0x1, s11;
	v9 =	vld [tilespmem:s10+$0xFFFFFF70];
	[tilespmem:s10+$0xF0] =	vst v7;
	v7 =	vmul.f32 v54, v3  }
0x2b3: {  	v59 =	vld [tilespmem:s10+$0xFFFFFFA0];
	v58 =	vmov s20;
	[tilespmem:s10+$0xFFFFFF30] =	vst v4;
	v4 =	vmul.f32 v57, v3  }
0x2b4: {  	v60 =	vld [tilespmem:s10+$0xFFFFFFB0];
	v12 =	vperm.xlane v10, v58;
	v6 =	vmul.f32 v6, v3;
	[tilespmem:s10+$0xFFFFFF20] =	vst v7  }
0x2b5: {  	v61 =	vld [tilespmem:s10+$0xFFFFFFC0];
	v7 =	vmul.f32 v56, v3;
	[tilespmem:s10+$0xFFFFFF50] =	vst v4  }
0x2b6: {  	v63 =	vld [tilespmem:s10+$0x20];
	[tilespmem:s10+$0xFFFFFF60] =	vst v6;
	v6 =	vmul.f32 v11, v12  }
0x2b7: {  	v3 =	vmul.f32 v9, v3;
	[tilespmem:s10+$0xFFFFFF40] =	vst v7;
	v7 =	vmul.f32 v8, v12;
	v8 =	vld [tilespmem:s10+$0xFFFFFFD0]  }
0x2b8: {  	v4 =	vld [tilespmem:s10+$0xFFFFFFE0];
	[tilespmem:s10+$0xFFFFFF90] =	vst v6  }
0x2b9: {  	v9 =	vld [tilespmem:s10+$0x0];
	[tilespmem:s10+$0xFFFFFF70] =	vst v3;
	v3 =	vmul.f32 v59, v12  }
0x2ba: {  	s11 =	sadd.s32 $0x2, s11;
	v6 =	vmul.f32 v60, v12;
	[tilespmem:s10+$0xFFFFFF80] =	vst v7;
	v7 =	vld [tilespmem:s10+$0xFFFFFFF0]  }
0x2bb: {  	v62 =	vmov s11;
	v11 =	vld [tilespmem:s10+$0x10];
	[tilespmem:s10+$0xFFFFFFA0] =	vst v3;
	v3 =	vmul.f32 v61, v12  }
0x2bc: {  	v13 =	vperm.xlane v10, v62;
	v10 =	vld [tilespmem:s10+$0x60];
	[tilespmem:s10+$0xFFFFFFB0] =	vst v6;
	v6 =	vmul.f32 v8, v12  }
0x2bd: {  	v8 =	vld [tilespmem:s10+$0x30];
	[tilespmem:s10+$0xFFFFFFC0] =	vst v3;
	v3 =	vmul.f32 v4, v12  }
0x2be: {  	v4 =	vld [tilespmem:s10+$0x40];
	[tilespmem:s10+$0xFFFFFFD0] =	vst v6;
	v6 =	vmul.f32 v9, v13  }
0x2bf: {  	v9 =	vld [tilespmem:s10+$0x50];
	v7 =	vmul.f32 v7, v12;
	[tilespmem:s10+$0xFFFFFFE0] =	vst v3  }
0x2c0: {  	v5 =	vld [tilespmem:s5+$0xE0];
	v3 =	vmul.f32 v11, v13;
	[tilespmem:s10+$0x0] =	vst v6  }
0x2c1: {  	v11 =	vld [tilespmem:s10+$0x70];
	[tilespmem:s10+$0xFFFFFFF0] =	vst v7;
	v6 =	vmul.f32 v63, v13  }
0x2c2: {  	[tilespmem:s10+$0x10] =	vst v3;
	v7 =	vld [tilespmem:s10+$0x80];
	v3 =	vmul.f32 v8, v13  }
0x2c3: {  	v4 =	vmul.f32 v4, v13;
	[tilespmem:s10+$0x20] =	vst v6;
	v6 =	vld [tilespmem:s10+$0x90]  }
0x2c4: {  	v10 =	vmul.f32 v10, v13;
	v8 =	vld [tilespmem:s10+$0xA0];
	[tilespmem:s10+$0x30] =	vst v3;
	v9 =	vmul.f32 v9, v13  }
0x2c5: {  	v3 =	vmul.f32 v53, v2;
	v2 =	vmul.f32 v5, v2;
	[tilespmem:s10+$0x40] =	vst v4;
	v5 =	vld [tilespmem:s10+$0xB0]  }
0x2c6: {  	s12 =	simm.s32 $0x8;
	s11 =	simm.s32 $0x5400;
	v4 =	vld [tilespmem:s10+$0xC0];
	[tilespmem:s10+$0x50] =	vst v9;
	v9 =	vmul.f32 v11, v13  }
.LBB2_10:
0x2c7: {  	s15 =	sand.u32 $0x30, s12;
	p0 =	slt.u32 s12, $0x3C;
	[tilespmem:s10+$0x60] =	vst v10;
	v7 =	vmul.f32 v7, v1;
	v10 =	vld [tilespmem:s10+$0xD0]  }
0x2c8: {  	v11 =	vld [tilespmem:s15+$0x9100];
	[tilespmem:s10+$0x70] =	vst v9;
	v6 =	vmul.f32 v6, v1  }
0x2c9: {  	s16 =	sand.u32 $0xF, s12;
	s10 =	sadd.s32 $0x200, s10;
	[tilespmem:s11+$0x80] =	vst v7;
	v7 =	vmul.f32 v8, v1;
	v8 =	vld [tilespmem:s11+$0xE0]  }
0x2ca: {  	s15 =	sand.u32 $0xC, s12;
	s17 =	sadd.s32 $0x2, s16;
	v9 =	vld [tilespmem:s10+$0xF0];
	[tilespmem:s11+$0x90] =	vst v6;
	v5 =	vmul.f32 v5, v1  }
0x2cb: {  	v14 =	vmov s17;
	v6 =	vmov s15;
	s15 =	sadd.s32 $0x1, s16;
	s16 =	sadd.s32 $0x3, s16;
	v12 =	vld [tilespmem:s10+$0xFFFFFF00];
	[tilespmem:s11+$0xA0] =	vst v7;
	v4 =	vmul.f32 v4, v1  }
0x2cc: {  	v13 =	vmov s15;
	v15 =	vmov s16;
	v7 =	vld [tilespmem:s10+$0xFFFFFF10];
	[tilespmem:s11+$0xB0] =	vst v5  }
0x2cd: {  	v5 =	vperm.xlane v11, v6;
	v6 =	vld [tilespmem:s10+$0xFFFFFF20];
	v15 =	vperm.xlane v11, v15;
	[tilespmem:s11+$0xC0] =	vst v4  }
0x2ce: {  	v13 =	vperm.xlane v11, v13;
	v11 =	vperm.xlane v11, v14;
	v4 =	vld [tilespmem:s10+$0xFFFFFF30];
	[tilespmem:s5+$0xD0] =	vst v3  }
0x2cf: {  	v3 =	vmul.f32 v10, v1;
	v14 =	vld [tilespmem:s10+$0xFFFFFF40];
	v9 =	vmul.f32 v9, v15;
	[tilespmem:s5+$0xE0] =	vst v2;
	s5 =	smov.u32 s11;
	s11 =	smov.u32 s10  }
0x2d0: {  	v2 =	vmul.f32 v8, v1;
	v1 =	vmov v15;
	v10 =	vmul.f32 v12, v5;
	v12 =	vld [tilespmem:s10+$0xFFFFFF50]  }
0x2d1: {  	v7 =	vmul.f32 v7, v5;
	v8 =	vld [tilespmem:s10+$0xFFFFFF60];
	[tilespmem:s10+$0xF0] =	vst v9  }
0x2d2: {  	[tilespmem:s10+$0xFFFFFF00] =	vst v10;
	v6 =	vmul.f32 v6, v5;
	v9 =	vld [tilespmem:s10+$0xFFFFFF70]  }
0x2d3: {  	[tilespmem:s10+$0xFFFFFF10] =	vst v7;
	v4 =	vmul.f32 v4, v5;
	v7 =	vld [tilespmem:s10+$0xFFFFFF80]  }
0x2d4: {  	[tilespmem:s10+$0xFFFFFF20] =	vst v6;
	v6 =	vmul.f32 v14, v5;
	v10 =	vld [tilespmem:s10+$0xFFFFFF90]  }
0x2d5: {  	[tilespmem:s10+$0xFFFFFF30] =	vst v4;
	v4 =	vmul.f32 v12, v5;
	v12 =	vld [tilespmem:s10+$0xFFFFFFA0]  }
0x2d6: {  	[tilespmem:s10+$0xFFFFFF40] =	vst v6;
	v6 =	vmul.f32 v8, v5;
	v8 =	vld [tilespmem:s10+$0xFFFFFFB0]  }
0x2d7: {  	[tilespmem:s10+$0xFFFFFF50] =	vst v4;
	v4 =	vmul.f32 v9, v5;
	v5 =	vld [tilespmem:s10+$0xFFFFFFC0]  }
0x2d8: {  	[tilespmem:s10+$0xFFFFFF60] =	vst v6;
	v6 =	vmul.f32 v7, v13;
	v7 =	vld [tilespmem:s10+$0xFFFFFFD0]  }
0x2d9: {  	[tilespmem:s10+$0xFFFFFF70] =	vst v4;
	v4 =	vmul.f32 v10, v13;
	v9 =	vld [tilespmem:s10+$0xFFFFFFE0]  }
0x2da: {  	[tilespmem:s10+$0xFFFFFF80] =	vst v6;
	v6 =	vmul.f32 v12, v13;
	v10 =	vld [tilespmem:s10+$0xFFFFFFF0]  }
0x2db: {  	[tilespmem:s10+$0xFFFFFF90] =	vst v4;
	v4 =	vmul.f32 v8, v13;
	v8 =	vld [tilespmem:s10+$0x0]  }
0x2dc: {  	[tilespmem:s10+$0xFFFFFFA0] =	vst v6;
	v5 =	vmul.f32 v5, v13;
	v6 =	vld [tilespmem:s10+$0x10]  }
0x2dd: {  	[tilespmem:s10+$0xFFFFFFB0] =	vst v4;
	v4 =	vmul.f32 v7, v13;
	v7 =	vld [tilespmem:s10+$0x20]  }
0x2de: {  	[tilespmem:s10+$0xFFFFFFC0] =	vst v5;
	v5 =	vmul.f32 v9, v13;
	v9 =	vld [tilespmem:s10+$0x30]  }
0x2df: {  	[tilespmem:s10+$0xFFFFFFD0] =	vst v4;
	v4 =	vmul.f32 v10, v13;
	v10 =	vld [tilespmem:s10+$0x40]  }
0x2e0: {  	[tilespmem:s10+$0xFFFFFFE0] =	vst v5;
	v5 =	vmul.f32 v8, v11;
	v8 =	vld [tilespmem:s10+$0x50]  }
0x2e1: {  	[tilespmem:s10+$0xFFFFFFF0] =	vst v4;
	v4 =	vmul.f32 v6, v11;
	v12 =	vld [tilespmem:s10+$0x60]  }
0x2e2: {  	[tilespmem:s10+$0x0] =	vst v5;
	v5 =	vmul.f32 v7, v11;
	v13 =	vld [tilespmem:s10+$0x70]  }
.Ltmp4:
0x2e3: {  	[tilespmem:s10+$0x10] =	vst v4;
	v4 =	vmul.f32 v9, v11;
	v7 =	vld [tilespmem:s10+$0x80];
	(pc) =	sbr.rel @p0 .LBB2_10-.Ltmp4, $4  }
0x2e4: {  	[tilespmem:s10+$0x20] =	vst v5;
	v5 =	vmul.f32 v10, v11;
	v6 =	vld [tilespmem:s10+$0x90]  }
0x2e5: {  	[tilespmem:s10+$0x30] =	vst v4;
	v4 =	vmul.f32 v8, v11;
	v8 =	vld [tilespmem:s10+$0xA0]  }
0x2e6: {  	[tilespmem:s10+$0x40] =	vst v5;
	v10 =	vmul.f32 v12, v11;
	v5 =	vld [tilespmem:s10+$0xB0]  }
0x2e7: {  	s12 =	sadd.s32 $0x4, s12;
	[tilespmem:s10+$0x50] =	vst v4;
	v9 =	vmul.f32 v13, v11;
	v4 =	vld [tilespmem:s10+$0xC0]  }
0x2e8: {  	[tilespmem:s10+$0x60] =	vst v10  }
0x2e9: {  	v7 =	vmul.f32 v7, v1;
	[tilespmem:s5+$0xD0] =	vst v3  }
0x2ea: {  	v10 =	vld [tilespmem:s10+$0xD0];
	[tilespmem:s5+$0xE0] =	vst v2  }
0x2eb: {  	v6 =	vmul.f32 v6, v1;
	[tilespmem:s11+$0x80] =	vst v7;
	v7 =	vmul.f32 v8, v1;
	v8 =	vld [tilespmem:s11+$0xE0]  }
0x2ec: {  	[tilespmem:s10+$0x70] =	vst v9  }
0x2ed: {  	[tilespmem:s11+$0x90] =	vst v6;
	v5 =	vmul.f32 v5, v1  }
0x2ee: {  	[tilespmem:s11+$0xA0] =	vst v7;
	v4 =	vmul.f32 v4, v1  }
0x2ef: {  	[tilespmem:s11+$0xB0] =	vst v5;
	v3 =	vmul.f32 v10, v1  }
0x2f0: {  	[tilespmem:s11+$0xC0] =	vst v4;
	v1 =	vmul.f32 v8, v1  }
0x2f1: {  	[tilespmem:s11+$0xD0] =	vst v3  }
0x2f2: {  	[tilespmem:s11+$0xE0] =	vst v1  }
0x2f3: {  	v1 =	vld [tilespmem:$0x9300]  }
0x2f4: {  	v2 =	vld [tilespmem:$0x9310]  }
0x2f5: {  	v3 =	vld [tilespmem:$0x9320]  }
0x2f6: {  	v4 =	vld [tilespmem:$0x9330];
	_ =	sdelay $0x1  }
0x2f7: {  	[tilespmem:$0x9400] =	vst v1  }
0x2f8: {  	[tilespmem:$0x9410] =	vst v2  }
0x2f9: {  	[tilespmem:$0x9420] =	vst v3  }
0x2fa: {  	[tilespmem:$0x9430] =	vst v4  }
0x2fb: {  	[spmem:s2] =	stream.indirect.scatter.add.f32 [tilespmem:s4], [sflag:$0x5], $0x80, s23, s14, $0xb8;
	[tilespmem:$0x1D780] =	vst v63  }
0x2fc: {  	_ =	swait.ge [sflag:s28], $0x2000  }
0x2fd: {  	s18 =	simm.s32 $0x0;
	[sflag:s28] =	ssyncset.done $0x0  }
0x2fe: {  	s19 =	sand.u32 $0x30, s18;
	[sflag:s28] =	ssyncadd.s32 $0xFFFFE000  }
0x2ff: {  	s5 =	simm.s32 $0x7200;
	v1 =	vld [tilespmem:s19+$0x9180]  }
0x300: {  	v3 =	vld [tilespmem:s5+$0xF0]  }
0x301: {  	v4 =	vld [tilespmem:s5+$0xFFFFFF00]  }
0x302: {  	v5 =	vld [tilespmem:s5+$0xFFFFFF10]  }
0x303: {  	s20 =	sand.u32 $0xF, s18;
	v6 =	vld [tilespmem:s5+$0xFFFFFF20]  }
0x304: {  	s12 =	sadd.s32 $0x3, s20;
	v7 =	vld [tilespmem:s5+$0xFFFFFF30]  }
0x305: {  	s10 =	sand.u32 $0xC, s18;
	v2 =	vmov s12;
	v8 =	vld [tilespmem:s5+$0xFFFFFF40]  }
0x306: {  	v12 =	vmov s10;
	v9 =	vld [tilespmem:s5+$0xFFFFFF50];
	v2 =	vperm.xlane v1, v2  }
0x307: {  	v15 =	vld [tilespmem:s5+$0xFFFFFFA0];
	v12 =	vperm.xlane v1, v12  }
0x308: {  	s12 =	sadd.s32 $0x1, s20;
	v16 =	vld [tilespmem:s5+$0xFFFFFFB0];
	v3 =	vmul.f32 v3, v2  }
0x309: {  	v14 =	vmov s12;
	v11 =	vld [tilespmem:s5+$0xFFFFFF80];
	v4 =	vmul.f32 v4, v12  }
0x30a: {  	v17 =	vld [tilespmem:s5+$0xFFFFFFC0];
	v14 =	vperm.xlane v1, v14;
	v5 =	vmul.f32 v5, v12;
	[tilespmem:s5+$0xF0] =	vst v3  }
0x30b: {  	v10 =	vld [tilespmem:s5+$0xFFFFFF60];
	v6 =	vmul.f32 v6, v12;
	[tilespmem:s5+$0xFFFFFF00] =	vst v4  }
0x30c: {  	v13 =	vld [tilespmem:s5+$0xFFFFFF90];
	v47 =	vmul.f32 v15, v14;
	[tilespmem:s5+$0xFFFFFF10] =	vst v5  }
0x30d: {  	v18 =	vld [tilespmem:s5+$0xFFFFFF70];
	v48 =	vmul.f32 v16, v14;
	[tilespmem:s5+$0xFFFFFF20] =	vst v6  }
0x30e: {  	v46 =	vld [tilespmem:s5+$0x40];
	v3 =	vmul.f32 v11, v14;
	[tilespmem:s5+$0xFFFFFFA0] =	vst v47  }
0x30f: {  	v50 =	vld [tilespmem:s5+$0x70];
	v49 =	vmul.f32 v17, v14;
	[tilespmem:s5+$0xFFFFFFB0] =	vst v48  }
0x310: {  	v11 =	vld [tilespmem:s5+$0xFFFFFFD0];
	[tilespmem:s5+$0xFFFFFF80] =	vst v3;
	v3 =	vmul.f32 v7, v12  }
0x311: {  	v6 =	vmul.f32 v8, v12;
	[tilespmem:s5+$0xFFFFFFC0] =	vst v49;
	v7 =	vld [tilespmem:s5+$0x0]  }
0x312: {  	s15 =	sadd.s32 $0x2, s20;
	v4 =	vld [tilespmem:s5+$0xFFFFFFE0];
	[tilespmem:s5+$0xFFFFFF30] =	vst v3;
	v3 =	vmul.f32 v9, v12  }
0x313: {  	v5 =	vld [tilespmem:s5+$0xFFFFFFF0];
	[tilespmem:s5+$0xFFFFFF40] =	vst v6;
	v6 =	vmul.f32 v10, v12;
	v9 =	vmov s15  }
0x314: {  	v8 =	vld [tilespmem:s5+$0x10];
	v1 =	vperm.xlane v1, v9;
	[tilespmem:s5+$0xFFFFFF50] =	vst v3;
	v3 =	vmul.f32 v18, v12  }
0x315: {  	v10 =	vld [tilespmem:s5+$0x20];
	[tilespmem:s5+$0xFFFFFF60] =	vst v6;
	v6 =	vmul.f32 v13, v14  }
0x316: {  	v51 =	vld [tilespmem:s5+$0x90];
	[tilespmem:s5+$0xFFFFFF70] =	vst v3;
	v3 =	vmul.f32 v7, v1  }
0x317: {  	v52 =	vld [tilespmem:s5+$0xA0];
	v11 =	vmul.f32 v11, v14;
	[tilespmem:s5+$0xFFFFFF90] =	vst v6  }
0x318: {  	v5 =	vmul.f32 v5, v14;
	[tilespmem:s5+$0x0] =	vst v3;
	v3 =	vld [tilespmem:s5+$0x80]  }
0x319: {  	v4 =	vmul.f32 v4, v14;
	v6 =	vld [tilespmem:s5+$0x60];
	[tilespmem:s5+$0xFFFFFFD0] =	vst v11  }
0x31a: {  	v9 =	vld [tilespmem:s5+$0x30];
	[tilespmem:s5+$0xFFFFFFF0] =	vst v5;
	v5 =	vmul.f32 v8, v1;
	v8 =	vmul.f32 v10, v1  }
0x31b: {  	v11 =	vld [tilespmem:s5+$0xB0];
	[tilespmem:s5+$0xFFFFFFE0] =	vst v4  }
0x31c: {  	v7 =	vld [tilespmem:s5+$0x50];
	[tilespmem:s5+$0x20] =	vst v8;
	v8 =	vmul.f32 v46, v1  }
0x31d: {  	s16 =	simm.s32 $0x4;
	s10 =	simm.s32 $0x7400;
	v53 =	vld [tilespmem:s5+$0xD0];
	[tilespmem:s5+$0x10] =	vst v5;
	v3 =	vmul.f32 v3, v2  }
0x31e: {  	s17 =	sand.u32 $0x30, s16;
	v54 =	vld [tilespmem:s10+$0xFFFFFF20];
	[tilespmem:s5+$0x40] =	vst v8;
	v6 =	vmul.f32 v6, v1  }
0x31f: {  	v10 =	vld [tilespmem:s17+$0x9180];
	[tilespmem:s5+$0x80] =	vst v3;
	v3 =	vmul.f32 v9, v1  }
0x320: {  	v4 =	vld [tilespmem:s5+$0xC0];
	v11 =	vmul.f32 v11, v2;
	[tilespmem:s5+$0x60] =	vst v6  }
0x321: {  	[tilespmem:s5+$0x30] =	vst v3;
	v3 =	vmul.f32 v7, v1;
	v7 =	vld [tilespmem:s10+$0xFFFFFF00]  }
0x322: {  	s18 =	sand.u32 $0xC, s16;
	v8 =	vld [tilespmem:s10+$0xFFFFFF10];
	[tilespmem:s5+$0xB0] =	vst v11;
	v1 =	vmul.f32 v50, v1  }
0x323: {  	s11 =	sand.u32 $0xF, s16;
	v6 =	vmul.f32 v51, v2;
	v9 =	vld [tilespmem:s10+$0xF0];
	[tilespmem:s5+$0x50] =	vst v3;
	v3 =	vmov s18  }
0x324: {  	v55 =	vld [tilespmem:s10+$0xFFFFFF30];
	s19 =	sadd.s32 $0x3, s11;
	[tilespmem:s5+$0x70] =	vst v1;
	v1 =	vmul.f32 v52, v2;
	v3 =	vperm.xlane v10, v3  }
0x325: {  	v56 =	vld [tilespmem:s10+$0xFFFFFF40];
	v4 =	vmul.f32 v4, v2;
	[tilespmem:s5+$0x90] =	vst v6;
	v6 =	vmov s19  }
0x326: {  	v57 =	vld [tilespmem:s10+$0xFFFFFF50];
	[tilespmem:s5+$0xA0] =	vst v1;
	v1 =	vperm.xlane v10, v6;
	v7 =	vmul.f32 v7, v3  }
0x327: {  	[tilespmem:s5+$0xC0] =	vst v4;
	v6 =	vld [tilespmem:s10+$0xFFFFFF60];
	v4 =	vmul.f32 v8, v3  }
0x328: {  	v11 =	vld [tilespmem:s10+$0xFFFFFF90];
	[tilespmem:s10+$0xFFFFFF00] =	vst v7;
	v7 =	vmul.f32 v9, v1  }
0x329: {  	v8 =	vld [tilespmem:s10+$0xFFFFFF80];
	[tilespmem:s10+$0xFFFFFF10] =	vst v4;
	v4 =	vmul.f32 v55, v3  }
0x32a: {  	s20 =	sadd.s32 $0x1, s11;
	v9 =	vld [tilespmem:s10+$0xFFFFFF70];
	[tilespmem:s10+$0xF0] =	vst v7;
	v7 =	vmul.f32 v54, v3  }
0x32b: {  	v58 =	vmov s20;
	v59 =	vld [tilespmem:s10+$0xFFFFFFA0];
	[tilespmem:s10+$0xFFFFFF30] =	vst v4;
	v4 =	vmul.f32 v57, v3  }
0x32c: {  	v60 =	vld [tilespmem:s10+$0xFFFFFFB0];
	v12 =	vperm.xlane v10, v58;
	v6 =	vmul.f32 v6, v3;
	[tilespmem:s10+$0xFFFFFF20] =	vst v7  }
0x32d: {  	v61 =	vld [tilespmem:s10+$0xFFFFFFC0];
	v7 =	vmul.f32 v56, v3;
	[tilespmem:s10+$0xFFFFFF50] =	vst v4  }
0x32e: {  	v63 =	vld [tilespmem:s10+$0x20];
	[tilespmem:s10+$0xFFFFFF60] =	vst v6;
	v6 =	vmul.f32 v11, v12  }
0x32f: {  	v3 =	vmul.f32 v9, v3;
	[tilespmem:s10+$0xFFFFFF40] =	vst v7;
	v7 =	vmul.f32 v8, v12;
	v8 =	vld [tilespmem:s10+$0xFFFFFFD0]  }
0x330: {  	v4 =	vld [tilespmem:s10+$0xFFFFFFE0];
	[tilespmem:s10+$0xFFFFFF90] =	vst v6  }
0x331: {  	v9 =	vld [tilespmem:s10+$0x0];
	[tilespmem:s10+$0xFFFFFF70] =	vst v3;
	v3 =	vmul.f32 v59, v12  }
0x332: {  	s11 =	sadd.s32 $0x2, s11;
	v6 =	vmul.f32 v60, v12;
	[tilespmem:s10+$0xFFFFFF80] =	vst v7;
	v7 =	vld [tilespmem:s10+$0xFFFFFFF0]  }
0x333: {  	v62 =	vmov s11;
	v11 =	vld [tilespmem:s10+$0x10];
	[tilespmem:s10+$0xFFFFFFA0] =	vst v3;
	v3 =	vmul.f32 v61, v12  }
0x334: {  	v13 =	vperm.xlane v10, v62;
	v10 =	vld [tilespmem:s10+$0x60];
	[tilespmem:s10+$0xFFFFFFB0] =	vst v6;
	v6 =	vmul.f32 v8, v12  }
0x335: {  	v8 =	vld [tilespmem:s10+$0x30];
	[tilespmem:s10+$0xFFFFFFC0] =	vst v3;
	v3 =	vmul.f32 v4, v12  }
0x336: {  	v4 =	vld [tilespmem:s10+$0x40];
	[tilespmem:s10+$0xFFFFFFD0] =	vst v6;
	v6 =	vmul.f32 v9, v13  }
0x337: {  	v9 =	vld [tilespmem:s10+$0x50];
	v7 =	vmul.f32 v7, v12;
	[tilespmem:s10+$0xFFFFFFE0] =	vst v3  }
0x338: {  	v5 =	vld [tilespmem:s5+$0xE0];
	v3 =	vmul.f32 v11, v13;
	[tilespmem:s10+$0x0] =	vst v6  }
0x339: {  	v11 =	vld [tilespmem:s10+$0x70];
	[tilespmem:s10+$0xFFFFFFF0] =	vst v7;
	v6 =	vmul.f32 v63, v13  }
0x33a: {  	[tilespmem:s10+$0x10] =	vst v3;
	v7 =	vld [tilespmem:s10+$0x80];
	v3 =	vmul.f32 v8, v13  }
0x33b: {  	v4 =	vmul.f32 v4, v13;
	[tilespmem:s10+$0x20] =	vst v6;
	v6 =	vld [tilespmem:s10+$0x90]  }
0x33c: {  	v10 =	vmul.f32 v10, v13;
	v8 =	vld [tilespmem:s10+$0xA0];
	[tilespmem:s10+$0x30] =	vst v3;
	v9 =	vmul.f32 v9, v13  }
0x33d: {  	v3 =	vmul.f32 v53, v2;
	v2 =	vmul.f32 v5, v2;
	[tilespmem:s10+$0x40] =	vst v4;
	v5 =	vld [tilespmem:s10+$0xB0]  }
0x33e: {  	s12 =	simm.s32 $0x8;
	s11 =	simm.s32 $0x7400;
	v4 =	vld [tilespmem:s10+$0xC0];
	[tilespmem:s10+$0x50] =	vst v9;
	v9 =	vmul.f32 v11, v13  }
.LBB2_12:
0x33f: {  	s15 =	sand.u32 $0x30, s12;
	p0 =	slt.u32 s12, $0x3C;
	[tilespmem:s10+$0x60] =	vst v10;
	v7 =	vmul.f32 v7, v1;
	v10 =	vld [tilespmem:s10+$0xD0]  }
0x340: {  	v11 =	vld [tilespmem:s15+$0x9180];
	[tilespmem:s10+$0x70] =	vst v9;
	v6 =	vmul.f32 v6, v1  }
0x341: {  	s16 =	sand.u32 $0xF, s12;
	s10 =	sadd.s32 $0x200, s10;
	[tilespmem:s11+$0x80] =	vst v7;
	v7 =	vmul.f32 v8, v1;
	v8 =	vld [tilespmem:s11+$0xE0]  }
0x342: {  	s15 =	sand.u32 $0xC, s12;
	s17 =	sadd.s32 $0x2, s16;
	v9 =	vld [tilespmem:s10+$0xF0];
	[tilespmem:s11+$0x90] =	vst v6;
	v5 =	vmul.f32 v5, v1  }
0x343: {  	v14 =	vmov s17;
	v6 =	vmov s15;
	s15 =	sadd.s32 $0x1, s16;
	s16 =	sadd.s32 $0x3, s16;
	v12 =	vld [tilespmem:s10+$0xFFFFFF00];
	[tilespmem:s11+$0xA0] =	vst v7;
	v4 =	vmul.f32 v4, v1  }
0x344: {  	v13 =	vmov s15;
	v15 =	vmov s16;
	v7 =	vld [tilespmem:s10+$0xFFFFFF10];
	[tilespmem:s11+$0xB0] =	vst v5  }
0x345: {  	v5 =	vperm.xlane v11, v6;
	v6 =	vld [tilespmem:s10+$0xFFFFFF20];
	v15 =	vperm.xlane v11, v15;
	[tilespmem:s11+$0xC0] =	vst v4  }
0x346: {  	v13 =	vperm.xlane v11, v13;
	v11 =	vperm.xlane v11, v14;
	v4 =	vld [tilespmem:s10+$0xFFFFFF30];
	[tilespmem:s5+$0xD0] =	vst v3  }
0x347: {  	v3 =	vmul.f32 v10, v1;
	v14 =	vld [tilespmem:s10+$0xFFFFFF40];
	v9 =	vmul.f32 v9, v15;
	[tilespmem:s5+$0xE0] =	vst v2;
	s5 =	smov.u32 s11;
	s11 =	smov.u32 s10  }
0x348: {  	v2 =	vmul.f32 v8, v1;
	v1 =	vmov v15;
	v10 =	vmul.f32 v12, v5;
	v12 =	vld [tilespmem:s10+$0xFFFFFF50]  }
0x349: {  	v7 =	vmul.f32 v7, v5;
	v8 =	vld [tilespmem:s10+$0xFFFFFF60];
	[tilespmem:s10+$0xF0] =	vst v9  }
0x34a: {  	[tilespmem:s10+$0xFFFFFF00] =	vst v10;
	v6 =	vmul.f32 v6, v5;
	v9 =	vld [tilespmem:s10+$0xFFFFFF70]  }
0x34b: {  	[tilespmem:s10+$0xFFFFFF10] =	vst v7;
	v4 =	vmul.f32 v4, v5;
	v7 =	vld [tilespmem:s10+$0xFFFFFF80]  }
0x34c: {  	[tilespmem:s10+$0xFFFFFF20] =	vst v6;
	v6 =	vmul.f32 v14, v5;
	v10 =	vld [tilespmem:s10+$0xFFFFFF90]  }
0x34d: {  	[tilespmem:s10+$0xFFFFFF30] =	vst v4;
	v4 =	vmul.f32 v12, v5;
	v12 =	vld [tilespmem:s10+$0xFFFFFFA0]  }
0x34e: {  	[tilespmem:s10+$0xFFFFFF40] =	vst v6;
	v6 =	vmul.f32 v8, v5;
	v8 =	vld [tilespmem:s10+$0xFFFFFFB0]  }
0x34f: {  	[tilespmem:s10+$0xFFFFFF50] =	vst v4;
	v4 =	vmul.f32 v9, v5;
	v5 =	vld [tilespmem:s10+$0xFFFFFFC0]  }
0x350: {  	[tilespmem:s10+$0xFFFFFF60] =	vst v6;
	v6 =	vmul.f32 v7, v13;
	v7 =	vld [tilespmem:s10+$0xFFFFFFD0]  }
0x351: {  	[tilespmem:s10+$0xFFFFFF70] =	vst v4;
	v4 =	vmul.f32 v10, v13;
	v9 =	vld [tilespmem:s10+$0xFFFFFFE0]  }
0x352: {  	[tilespmem:s10+$0xFFFFFF80] =	vst v6;
	v6 =	vmul.f32 v12, v13;
	v10 =	vld [tilespmem:s10+$0xFFFFFFF0]  }
0x353: {  	[tilespmem:s10+$0xFFFFFF90] =	vst v4;
	v4 =	vmul.f32 v8, v13;
	v8 =	vld [tilespmem:s10+$0x0]  }
0x354: {  	[tilespmem:s10+$0xFFFFFFA0] =	vst v6;
	v5 =	vmul.f32 v5, v13;
	v6 =	vld [tilespmem:s10+$0x10]  }
0x355: {  	[tilespmem:s10+$0xFFFFFFB0] =	vst v4;
	v4 =	vmul.f32 v7, v13;
	v7 =	vld [tilespmem:s10+$0x20]  }
0x356: {  	[tilespmem:s10+$0xFFFFFFC0] =	vst v5;
	v5 =	vmul.f32 v9, v13;
	v9 =	vld [tilespmem:s10+$0x30]  }
0x357: {  	[tilespmem:s10+$0xFFFFFFD0] =	vst v4;
	v4 =	vmul.f32 v10, v13;
	v10 =	vld [tilespmem:s10+$0x40]  }
0x358: {  	[tilespmem:s10+$0xFFFFFFE0] =	vst v5;
	v5 =	vmul.f32 v8, v11;
	v8 =	vld [tilespmem:s10+$0x50]  }
0x359: {  	[tilespmem:s10+$0xFFFFFFF0] =	vst v4;
	v4 =	vmul.f32 v6, v11;
	v12 =	vld [tilespmem:s10+$0x60]  }
0x35a: {  	[tilespmem:s10+$0x0] =	vst v5;
	v5 =	vmul.f32 v7, v11;
	v13 =	vld [tilespmem:s10+$0x70]  }
.Ltmp5:
0x35b: {  	[tilespmem:s10+$0x10] =	vst v4;
	v4 =	vmul.f32 v9, v11;
	v7 =	vld [tilespmem:s10+$0x80];
	(pc) =	sbr.rel @p0 .LBB2_12-.Ltmp5, $4  }
0x35c: {  	[tilespmem:s10+$0x20] =	vst v5;
	v5 =	vmul.f32 v10, v11;
	v6 =	vld [tilespmem:s10+$0x90]  }
0x35d: {  	[tilespmem:s10+$0x30] =	vst v4;
	v4 =	vmul.f32 v8, v11;
	v8 =	vld [tilespmem:s10+$0xA0]  }
0x35e: {  	[tilespmem:s10+$0x40] =	vst v5;
	v10 =	vmul.f32 v12, v11;
	v5 =	vld [tilespmem:s10+$0xB0]  }
0x35f: {  	s12 =	sadd.s32 $0x4, s12;
	[tilespmem:s10+$0x50] =	vst v4;
	v9 =	vmul.f32 v13, v11;
	v4 =	vld [tilespmem:s10+$0xC0]  }
0x360: {  	[tilespmem:s10+$0x60] =	vst v10  }
0x361: {  	[tilespmem:s5+$0xD0] =	vst v3  }
0x362: {  	v7 =	vmul.f32 v7, v1;
	v61 =	vld [tilespmem:s10+$0xD0];
	[tilespmem:s5+$0xE0] =	vst v2  }
0x363: {  	v63 =	vld [tilespmem:s11+$0xE0];
	v6 =	vmul.f32 v6, v1;
	[tilespmem:s10+$0x70] =	vst v9  }
0x364: {  	[tilespmem:s11+$0x80] =	vst v7;
	v62 =	vmul.f32 v8, v1  }
0x365: {  	[tilespmem:s11+$0x90] =	vst v6;
	v5 =	vmul.f32 v5, v1  }
0x366: {  	[tilespmem:s11+$0xA0] =	vst v62;
	v4 =	vmul.f32 v4, v1  }
0x367: {  	[tilespmem:s11+$0xB0] =	vst v5;
	v3 =	vmul.f32 v61, v1  }
0x368: {  	v1 =	vmul.f32 v63, v1;
	[tilespmem:s11+$0xC0] =	vst v4  }
0x369: {  	[tilespmem:s11+$0xD0] =	vst v3  }
0x36a: {  	[tilespmem:s11+$0xE0] =	vst v1  }
0x36b: {  	v1 =	vld [tilespmem:$0x9380]  }
0x36c: {  	v2 =	vld [tilespmem:$0x9390]  }
0x36d: {  	v3 =	vld [tilespmem:$0x93A0]  }
0x36e: {  	v4 =	vld [tilespmem:$0x93B0];
	_ =	sdelay $0x1  }
0x36f: {  	[tilespmem:$0x9480] =	vst v1  }
0x370: {  	[tilespmem:$0x9490] =	vst v2  }
0x371: {  	[tilespmem:$0x94A0] =	vst v3  }
0x372: {  	[tilespmem:$0x94B0] =	vst v4  }
0x373: {  	[spmem:s2] =	stream.indirect.scatter.add.f32 [tilespmem:s21], [sflag:$0x6], $0x80, s29, s14, $0xb8;
	[tilespmem:$0x1D780] =	vst v63  }
0x374: {  	_ =	swait.ge [sflag:s26], $0x2000  }
0x375: {  	[sflag:s26] =	ssyncset.done $0x0  }
0x376: {  	[sflag:s26] =	ssyncadd.s32 $0xFFFFE000  }
0x377: {  	_ =	swait.ge [sflag:s0], $0x2000  }
0x378: {  	[sflag:s0] =	ssyncset.done $0x0  }
0x379: {  	[sflag:s0] =	ssyncadd.s32 $0xFFFFE000  }
0x37a: {  	_ =	swait.ge [sflag:s24], $0x80  }
0x37b: {  	[sflag:s24] =	ssyncset.done $0x0  }
0x37c: {  	[sflag:s24] =	ssyncadd.s32 $0xFFFFFF80  }
0x37d: {  	_ =	swait.ge [sflag:s30], $0x80  }
0x37e: {  	[sflag:s30] =	ssyncset.done $0x0  }
0x37f: {  	[sflag:s30] =	ssyncadd.s32 $0xFFFFFF80  }
0x380: {  	_ =	swait.ge [sflag:s25], $0x40  }
0x381: {  	[sflag:s25] =	ssyncset.done $0x0  }
0x382: {  	[sflag:s25] =	ssyncadd.s32 $0xFFFFFFC0  }
0x383: {  	_ =	swait.ge [sflag:s31], $0x40  }
0x384: {  	[sflag:s31] =	ssyncset.done $0x0  }
0x385: {  	[sflag:s31] =	ssyncadd.s32 $0xFFFFFFC0  }
0x386: {  	s16 =	stileid.u32;
	[bflag:$0x0] =	sbarrier.arrive $0xFFFF  }
0x387: {  	s5 =	sshll.u32 s16, $0x6;
	s11 =	rddreg [dreg:$0x7]  }
0x388: {  	s5 =	sor.u32 $0x1C09, s5;
	s12 =	rddreg [dreg:$0xd];
	s17 =	sshrl.u32 s11, $0x3  }
0x389: {  	[hbm:s12], [sflag:s5] =	dma.local [spmem:s17], $0x2800  }
0x38a: {  	s16 =	simm.s32 $0x20;
	_ =	swait.ge [sflag:s7], $0x2800  }
0x38b: {  	s17 =	simm.s32 $0x10;
	[sflag:s7] =	ssyncset.done $0x0;
	s12 =	rddreg [dreg:$0x8]  }
0x38c: {  	s15 =	rddreg [dreg:$0xe];
	[sflag:s7] =	ssyncadd.s32 $0xFFFFD800;
	s18 =	sshrl.u32 s12, $0x3  }
0x38d: {  	[hbm:s15@s16], [sflag:s5] =	dma.strided [spmem:s18@s17], $0x50, s24, $0x10   }
0x38e: {  	_ =	swait.ge [sflag:s7], $0x50  }
0x38f: {  	s19 =	rddreg [dreg:$0x1d]  }
0x390: {  	s20 =	rddreg [dreg:$0xf];
	s10 =	sadd.s32 $0x1, s19  }
0x391: {  	p0 =	sne.s32 s10, s20  }
.Ltmp6:
0x392: {  	_ = 	snop;
	(pc) =	sbr.rel @p0 .LBB2_1-.Ltmp6, $3  }
0x393: {  	_ =	sdelay $0x1  }
0x394: {  	[sflag:s7] =	ssyncset.done $0x0  }
0x395: {  	[sflag:s7] =	ssyncadd.s32 $0xFFFFFFB0  }
0x396: {  	_ =	sfence.sel $0x180000  }
0x397: {  	[bflag:$0x0] =	sbarrier.arrive $0xFFFF  }
0x398: {  	_ =	strace $0x9000004A  }
0x399: {  	s0 =	stileid.u32;
	[bflag:$0x2] =	sbarrier.arrive $0xFFFF  }
0x39a: {  	p0 =	sne.s32 s0, $0x0;
	s0 =	rddreg [dreg:$0x4]  }
0x39b: {  	s0 =	sadd.s32 @!p0 $0x100000, s0  }
0x39c: {  	[sflag:s0] =	ssyncadd.tile.s32 @!p0 $0x1;
	_ =	shalt  }
.Lfunc_end2:
_tile_overlayer_lowered:
.L_overlay_start_2:
0x39d: {  	(tag) =	ssettag $0x2  }
0x39e: {  	s0 =	rddreg [dreg:$0x0];
	s2 =	stileid.u32  }
0x39f: {  	s1 =	rddreg [dreg:$0x1];
	p0 =	sne.s32 s2, $0x0  }
0x3a0: {  	s3 =	rddreg [dreg:$0x2];
	[bflag:$0x3] =	sbarrier.arrive $0xFFFF;
	s2 =	simm.s32 @!p0 $0x1C09  }
0x3a1: {  	[timem:s3], [sflag:s2] =	dma.local @!p0 [hbm:s0], s1  }
0x3a2: {  	s0 =	simm.s32 @!p0 $0x9  }
0x3a3: {  	_ =	swait.ge @!p0 [sflag:s0], s1  }
0x3a4: {  	s1 =	ssub.s32 @!p0 $0x0, s1;
	[sflag:s0] =	ssyncset.done @!p0 $0x0  }
0x3a5: {  	[sflag:s0] =	ssyncadd.s32 @!p0 s1  }
0x3a6: {  	[bflag:$0x3] =	sbarrier.arrive $0xFFFF  }
0x3a7: {  	_ =	shalt  }

// kernel: kernel.7.cloned.1.call-start
scs
__scs_entry_jumppad:
0x0: {  	(pc) =	sbr.rel $0x88, $3  }
0x1: {  	(tag) =	ssettag $0x0;
	lr =	simm.s32 $0x1  }
0x2: {  	[smem:$0x3F95] =	sst lr;
	_ =	strace $0xD0000000  }
0x3: {  	_ = 	snop  }
0x4: {  	_ = 	snop  }
0x5: {  	_ = 	snop  }
0x6: {  	_ = 	snop  }
0x7: {  	_ = 	snop  }
__scs_overlays_trampoline_lowered:
0x8: {  	[smem:$0x3FA4] =	sst s0  }
0x9: {  	[smem:$0x3FA5] =	sst s1  }
0xa: {  	[smem:$0x3FA6] =	sst s2  }
0xb: {  	[smem:$0x3FA7] =	sst s3  }
0xc: {  	[smem:$0x3FA8] =	sst s4  }
0xd: {  	[smem:$0x3FA9] =	sst s5  }
0xe: {  	[smem:$0x3FAA] =	sst s6  }
0xf: {  	[smem:$0x3FAB] =	sst s7  }
0x10: {  	[smem:$0x3FAC] =	sst s8  }
0x11: {  	[smem:$0x3FAD] =	sst s9;
	s0 =	simm.s32 @!p0 $0x0  }
0x12: {  	s1 =	sld [smem:$0x3F93];
	s0 =	simm.s32 @p0 $0x1  }
0x13: {  	[smem:$0x3FAE] =	sst s0;
	s0 =	simm.s32 @!p1 $0x0  }
0x14: {  	s2 =	sld [smem:$0x3F92];
	s0 =	simm.s32 @p1 $0x1  }
0x15: {  	[smem:$0x3FAF] =	sst s0;
	s0 =	simm.s32 @!p2 $0x0  }
0x16: {  	s3 =	sld [smem:$0x3FDB];
	s0 =	simm.s32 @p2 $0x1  }
0x17: {  	s4 =	simm.s32 $0x1BF5;
	[smem:$0x3FB1] =	sst s0  }
0x18: {  	s0 =	sld [smem:$0x3F94];
	_ =	swait.ge [sflag:s4], $0x0  }
0x19: {  	s7 =	sld [smem:$0x3F95]  }
0x1a: {  	s8 =	sadd.s32 $0xFFFFE003, lr  }
0x1b: {  	s9 =	sadd.s32 $0xFFFFFEF7, lr;
	s5 =	simm.s32 $0xFFFFFFFF;
	p2 =	slt.u32 s8, $0xFFFFF086  }
0x1c: {  	p1 =	slt.u32 s9, $0xF7A;
	s5 =	simm.s32 @!p2 $0x0  }
0x1d: {  	s5 =	simm.s32 @p1 $0x1;
	p0 =	seq.s32 s7, s2  }
0x1e: {  	s7 =	smul.u32 @!p0 $0xF7A, s2;
	p2 =	seq.s32 @!p0 s5, $0x0  }
0x1f: {  	s9 =	smul.u32 $0xF7A, s1;
	s8 =	simm.s32 @!p0 $0x1BF5;
	p2 =	por !p2, p0  }
0x20: {  	[sflag:s8] =	ssyncset.s32 @!p0 $0xFFFFF086;
	s6 =	sadd.s32 @!p0 s3, s7;
	s7 =	simm.s32 @!p0 $0x108  }
0x21: {  	s3 =	sadd.s32 s3, s9;
	s6 =	sadd.s32 @!p0 $0x88, s6;
	s7 =	simm.s32 @p2 $0x1082  }
0x22: {  	[simem:s7], [sflag:s8] =	dma.local @!p0 [hbm:s6], $0xF7A  }
0x23: {  	s9 =	sor.u32 $0xD0000000, s2;
	s6 =	simm.s32 $0x108;
	_ =	swait.ge @!p0 [sflag:s8], $0x0  }
0x24: {  	s3 =	sadd.s32 $0x88, s3;
	s6 =	simm.s32 @!p1 $0x1082;
	[sflag:s4] =	ssyncset.s32 $0xFFFFF086  }
0x25: {  	[simem:s6], [sflag:s4] =	dma.local [hbm:s3], $0xF7A  }
0x26: {  	[smem:$0x3F95] =	sst s1;
	(tag) =	ssettag s2;
	_ =	strace s9  }
0x27: {  	s1 =	sld [smem:$0x3FA5]  }
0x28: {  	s2 =	sld [smem:$0x3FA6]  }
0x29: {  	s4 =	sld [smem:$0x3FA8]  }
0x2a: {  	p0 =	seq.s32 s5, $0x0;
	s5 =	sld [smem:$0x3FA9]  }
0x2b: {  	s6 =	sld [smem:$0x3FAA]  }
0x2c: {  	s7 =	sld [smem:$0x3FAB]  }
0x2d: {  	s3 =	simm.s32 $0x108;
	s8 =	sld [smem:$0x3FAC]  }
0x2e: {  	s3 =	simm.s32 @!p0 $0x1082;
	s9 =	sld [smem:$0x3FAD]  }
0x2f: {  	lr =	sadd.s32 s0, s3;
	s0 =	sld [smem:$0x3FA4]  }
0x30: {  	s3 =	sld [smem:$0x3FA7]  }
0x31: {  	[smem:$0x3FB0] =	sst s10  }
0x32: {  	s10 =	sld [smem:$0x3FAE];
	_ =	sdelay $0x3  }
0x33: {  	p0 =	seq.s32 s10, $0x1;
	s10 =	sld [smem:$0x3FB0];
	_ =	sdelay $0x3  }
0x34: {  	[smem:$0x3FB0] =	sst s10  }
0x35: {  	s10 =	sld [smem:$0x3FAF];
	_ =	sdelay $0x3  }
0x36: {  	p1 =	seq.s32 s10, $0x1;
	s10 =	sld [smem:$0x3FB0];
	_ =	sdelay $0x3  }
0x37: {  	[smem:$0x3FB0] =	sst s10  }
0x38: {  	s10 =	sld [smem:$0x3FB1]  }
0x39: {  	_ = 	snop;
	(pc) =	sbr.ind lr, $3  }
0x3a: {  	_ = 	snop  }
0x3b: {  	_ = 	snop  }
0x3c: {  	p2 =	seq.s32 s10, $0x1;
	s10 =	sld [smem:$0x3FB0]  }
0x3d: {  	_ =	shalt  }
0x3e: {  	_ =	shalt  }
0x3f: {  	_ =	shalt  }
0x40: {  	_ =	shalt  }
0x41: {  	_ =	shalt  }
0x42: {  	_ =	shalt  }
0x43: {  	_ =	shalt  }
0x44: {  	_ =	shalt  }
0x45: {  	_ =	shalt  }
0x46: {  	_ =	shalt  }
0x47: {  	_ =	shalt  }
0x48: {  	_ =	shalt  }
0x49: {  	_ =	shalt  }
0x4a: {  	_ =	shalt  }
0x4b: {  	_ =	shalt  }
0x4c: {  	_ =	shalt  }
0x4d: {  	_ =	shalt  }
0x4e: {  	_ =	shalt  }
0x4f: {  	_ =	shalt  }
0x50: {  	_ =	shalt  }
0x51: {  	_ =	shalt  }
0x52: {  	_ =	shalt  }
0x53: {  	_ =	shalt  }
0x54: {  	_ =	shalt  }
0x55: {  	_ =	shalt  }
0x56: {  	_ =	shalt  }
0x57: {  	_ =	shalt  }
0x58: {  	_ =	shalt  }
0x59: {  	_ =	shalt  }
0x5a: {  	_ =	shalt  }
0x5b: {  	_ =	shalt  }
0x5c: {  	_ =	shalt  }
0x5d: {  	_ =	shalt  }
0x5e: {  	_ =	shalt  }
0x5f: {  	_ =	shalt  }
0x60: {  	_ =	shalt  }
0x61: {  	_ =	shalt  }
0x62: {  	_ =	shalt  }
0x63: {  	_ =	shalt  }
0x64: {  	_ =	shalt  }
0x65: {  	_ =	shalt  }
0x66: {  	_ =	shalt  }
0x67: {  	_ =	shalt  }
0x68: {  	_ =	shalt  }
0x69: {  	_ =	shalt  }
0x6a: {  	_ =	shalt  }
0x6b: {  	_ =	shalt  }
0x6c: {  	_ =	shalt  }
0x6d: {  	_ =	shalt  }
0x6e: {  	_ =	shalt  }
0x6f: {  	_ =	shalt  }
0x70: {  	_ =	shalt  }
0x71: {  	_ =	shalt  }
0x72: {  	_ =	shalt  }
0x73: {  	_ =	shalt  }
0x74: {  	_ =	shalt  }
0x75: {  	_ =	shalt  }
0x76: {  	_ =	shalt  }
0x77: {  	_ =	shalt  }
0x78: {  	_ =	shalt  }
0x79: {  	_ =	shalt  }
0x7a: {  	_ =	shalt  }
0x7b: {  	_ =	shalt  }
0x7c: {  	_ =	shalt  }
0x7d: {  	_ =	shalt  }
0x7e: {  	_ =	shalt  }
0x7f: {  	_ =	shalt  }
0x80: {  	_ =	shalt  }
0x81: {  	_ =	shalt  }
0x82: {  	_ =	shalt  }
0x83: {  	_ =	shalt  }
0x84: {  	_ =	shalt  }
0x85: {  	_ =	shalt  }
0x86: {  	_ =	shalt  }
0x87: {  	_ =	shalt  }
.Lfunc_end0:
.L_simem_size_0:
called_computation_lowered:
.L_overlay_start_0:
0x88: {  	s2 =	sld [smem:$0x3FD9]  }
0x89: {  	s3 =	sld [smem:$0x3FFE];
	_ =	sdelay $0x1  }
0x8a: {  	s1 =	srdreg.scid  }
0x8b: {  	s0 =	sand.u32 $0x1, s1  }
0x8c: {  	s17 =	sshll.u32 s0, $0xA;
	s2 =	sadd.s32 s3, s2  }
0x8d: {  	s2 =	sadd.s32 s2, s17  }
0x8e: {  	[smem:$0x3FBC] =	sst s2  }
0x8f: {  	_ = 	snop  }
0x90: {  	s2 =	sld [smem:$0x3FD0];
	(tm) =	ssettm $0x1  }
0x91: {  	s18 =	sld [smem:$0x3FFB];
	_ =	sdelay $0x3  }
0x92: {  	_ =	strace s18  }
0x93: {  	s3 =	sld [smem:$0x3FFC];
	_ =	sdelay $0x3  }
0x94: {  	_ =	strace s3  }
0x95: {  	s3 =	sld [smem:$0x3FFD];
	_ =	sdelay $0x3  }
0x96: {  	_ =	strace s3  }
0x97: {  	_ =	strace $0x8FFFFFFF  }
0x98: {  	s19 =	sld [smem:$0x3FDB];
	_ =	sdelay $0x1  }
0x99: {  	s4 =	simm.s32 $_scs_section_size  }
0x9a: {  	s5 =	simm.s32 $_size__tile_overlayer_lowered;
	s6 =	simm.s32 $_tile_overlayer_lowered  }
0x9b: {  	s22 =	simm.s32 $0x1BFF;
	s21 =	sshll.u32 s6, $0x1;
	s3 =	sadd.s32 s4, s19  }
0x9c: {  	s7 =	simm.s32 $0x0;
	s20 =	sshll.u32 s5, $0x1;
	s5 =	sadd.s32 s21, s3  }
0x9d: {  	[timem:s7], [sflag:s22] =	dma.local [hbm:s5], s20  }
0x9e: {  	_ =	swait.ge [sflag:s22], s20  }
0x9f: {  	s4 =	ssub.s32 $0x0, s20;
	[sflag:s22] =	ssyncset.done $0x0  }
0xa0: {  	[sflag:s22] =	ssyncadd.s32 s4;
	_ =	sdelay $0x1  }
0xa1: {  	s23 =	simm.s32 $0x1B8B  }
0xa2: {  	_ =	swait.ge [sflag:s23], $0x1  }
0xa3: {  	[sflag:s23] =	ssyncset.done $0x0  }
0xa4: {  	s25 =	simm.s32 $0x1B8E;
	s24 =	sld [smem:$0x3FFE];
	[sflag:s23] =	ssyncadd.s32 $0xFFFFFFFF  }
0xa5: {  	s26 =	simm.s32 $execute0_lowered;
	[smem:$0x3FD2] =	sst s25  }
0xa6: {  	s5 =	sshll.u32 s26, $0x1;
	_ =	strace $0x80000046;
	[dreg:$0x1] =	wrdreg $0xFFFFFFFF  }
0xa7: {  	s28 =	simm.s32 $_size_execute0_lowered;
	s3 =	sadd.s32 s3, s5;
	[dreg:$0x0] =	wrdreg $0x0  }
0xa8: {  	s5 =	sshll.u32 s28, $0x1;
	[dreg:$0x2] =	wrdreg s3  }
0xa9: {  	[dreg:$0x3] =	wrdreg s5  }
0xaa: {  	[dreg:$0x4] =	wrdreg $0xC0  }
0xab: {  	_ =	task [dreg:s7], $0x5FFFF  }
0xac: {  	[dreg:$0x1] =	wrdreg $0xFFFFFFFF  }
0xad: {  	[dreg:$0x0] =	wrdreg $0x60  }
0xae: {  	[dreg:$0x2] =	wrdreg s24  }
0xaf: {  	[dreg:$0x3] =	wrdreg s2  }
0xb0: {  	[dreg:$0x4] =	wrdreg $0x95000  }
0xb1: {  	[dreg:$0x5] =	wrdreg $0x1D5000  }
0xb2: {  	[dreg:$0x6] =	wrdreg $0x9  }
0xb3: {  	_ =	task.clear_ibuf [dreg:s7], $0x7FFFF;
	_ =	strace $0x90000046  }
0xb4: {  	s29 =	simm.s32 $0x9;
	_ =	strace $0x80000048  }
0xb5: {  	_ =	swait.ge [sflag:s29], $0x1  }
0xb6: {  	[sflag:s29] =	ssyncadd.s32 $0xFFFFFFFF  }
0xb7: {  	_ =	strace $0x90000048  }
0xb8: {  	_ =	sfence  }
0xb9: {  	s30 =	sld [smem:$0x0];
	_ =	sdelay $0x2  }
0xba: {  	s31 =	sshll.u32 s1, $0xD;
	s1 =	sshrl.u32 s1, $0x2  }
0xbb: {  	s3 =	sand.u32 $0x4000, s31;
	s1 =	sadd.s32 s1, s30  }
0xbc: {  	s0 =	sor.u32 s3, s0;
	s1 =	sshll.u32 s1, $0x11  }
0xbd: {  	s0 =	sor.u32 s1, s0  }
0xbe: {  	s0 =	sadd.s32 $0x8F2B, s0  }
0xbf: {  	[sflag:s0] =	ssyncadd.remote.s32 $0x1  }
0xc0: {  	_ =	sfence.sel $0xFFFF  }
0xc1: {  	[dreg:$0x0] =	wrdreg $0xFFFFFFFF;
	(pc) =	sbr.abs _section_cstart, $3  }
0xc2: {  	[dreg:$0x1] =	wrdreg $0xFFFFFFFF  }
0xc3: {  	_ =	task.clear_ibuf [dreg:s7], $0x2FFFF;
	_ =	strace $0x9FFFFFFF  }
0xc4: {  	(tm) =	ssettm $0x7FFFFFFF  }
0xc5: {  	_ =	shalt  }
tec
execute0_lowered:
.L_overlay_start_1:
0x0: {  	(tag) =	ssettag $0x1  }
0x1: {  	s0 =	rddreg [dreg:$0x0]  }
0x2: {  	s1 =	rddreg [dreg:$0x1]  }
0x3: {  	s2 =	rddreg [dreg:$0x2]  }
0x4: {  	s3 =	rddreg [dreg:$0x3]  }
0x5: {  	s4 =	srdreg.scid;
	s6 =	simm.s32 $0x0;
	s9 =	stileid.u32  }
0x6: {  	s28 =	simm.s32 $0x4;
	s29 =	simm.s32 $0x9480;
	s30 =	simm.s32 $0x2  }
0x7: {  	s31 =	simm.s32 $0x8;
	s4 =	sand.u32 $0x1, s4;
	[smem:$0x7FF] =	sst s6  }
0x8: {  	s8 =	sadd.s32 $0x2B600, s0;
	s19 =	sadd.s32 $0x2BC00, s0;
	s10 =	smul.u32 $0x50000, s9  }
0x9: {  	s11 =	smul.u32 $0xA00, s9;
	_ =	strace $0x80000047;
	[dreg:$0x5] =	wrdreg s8  }
0xa: {  	s5 =	smul.u32 $0x140000, s4;
	[dreg:$0x6] =	wrdreg s19;
	s20 =	sshll.u32 s4, $0x7  }
0xb: {  	s21 =	sshll.u32 s4, $0x4;
	s4 =	ssub.s32 $0x2, s4;
	s22 =	sshrl.u32 s10, $0x2  }
0xc: {  	s12 =	sshrl.u32 s4, $0x1;
	s23 =	sshrl.u32 s11, $0x2;
	s11 =	sadd.s32 s22, s2  }
0xd: {  	s4 =	ssub.s32 s4, s12;
	s12 =	sadd.s32 s23, s3;
	[dreg:$0x7] =	wrdreg s11  }
0xe: {  	s7 =	smul.u32 $0x14000, s9;
	s13 =	smax.u32 s4, $0x1;
	[dreg:$0x8] =	wrdreg s12  }
0xf: {  	s6 =	sadd.s32 $0x3600, s0;
	s14 =	sadd.s32 $0x2000, s11;
	[dreg:$0xf] =	wrdreg s13  }
0x10: {  	s18 =	smul.u32 $0x500, s9;
	s15 =	sadd.s32 $0x4000, s11;
	[dreg:$0x10] =	wrdreg s14  }
0x11: {  	s8 =	sor.u32 s9, s21;
	s16 =	sadd.s32 $0x6000, s11;
	[dreg:$0x11] =	wrdreg s15  }
0x12: {  	s5 =	sadd.s32 s7, s5;
	s17 =	sadd.s32 $0x8000, s11;
	[dreg:$0x12] =	wrdreg s16  }
0x13: {  	s7 =	sor.u32 s20, s18;
	s18 =	sadd.s32 $0xA000, s11;
	[dreg:$0x13] =	wrdreg s17  }
0x14: {  	s9 =	smul.u32 $0x5400, s8;
	s19 =	sadd.s32 $0xC000, s11;
	[dreg:$0x14] =	wrdreg s18  }
0x15: {  	s8 =	simm.s32 $0x100;
	s20 =	sadd.s32 $0xE000, s11;
	[dreg:$0x15] =	wrdreg s19  }
0x16: {  	s5 =	sshrl.u32 s5, $0x3;
	s21 =	sadd.s32 $0x10000, s11;
	[dreg:$0x16] =	wrdreg s20  }
0x17: {  	s7 =	sshrl.u32 s7, $0x3;
	s22 =	sadd.s32 $0x12000, s11;
	[dreg:$0x17] =	wrdreg s21  }
0x18: {  	s23 =	sadd.s32 $0x80, s12;
	s24 =	sshrl.u32 s9, $0x3;
	[dreg:$0x18] =	wrdreg s22  }
0x19: {  	s5 =	sadd.s32 s5, s0;
	[dreg:$0x19] =	wrdreg s23;
	s25 =	sadd.s32 s1, s24  }
0x1a: {  	s0 =	sadd.s32 s7, s0;
	s5 =	sadd.s32 $0x2C200, s5;
	[dreg:$0x9] =	wrdreg s25  }
0x1b: {  	s4 =	simm.s32 $0x5100;
	s0 =	sadd.s32 $0x7C200, s0;
	[dreg:$0xd] =	wrdreg s5  }
0x1c: {  	s13 =	simm.s32 $0x80;
	s24 =	sadd.s32 $0x100, s12;
	[dreg:$0xe] =	wrdreg s0  }
0x1d: {  	s14 =	simm.s32 $0x40;
	s26 =	sadd.s32 $0x10, s25;
	[dreg:$0x1a] =	wrdreg s24  }
0x1e: {  	s21 =	simm.s32 $0x7100;
	s10 =	sadd.s32 $0x20, s25;
	[dreg:$0xa] =	wrdreg s26  }
0x1f: {  	s22 =	simm.s32 $0x3;
	s7 =	sadd.s32 $0x30, s25;
	[dreg:$0xb] =	wrdreg s10  }
0x20: {  	s23 =	simm.s32 $0x9400;
	s25 =	sadd.s32 $0x180, s12;
	[dreg:$0xc] =	wrdreg s7  }
0x21: {  	s24 =	simm.s32 $0x1;
	s0 =	simm.s32 $0x6;
	[dreg:$0x1b] =	wrdreg s25  }
0x22: {  	s26 =	sadd.s32 $0x200, s12;
	s7 =	simm.s32 $0x9;
	s25 =	simm.s32 $0x7  }
0x23: {  	v0 =	vimm.f32 $0.0e+00;
	s10 =	simm.s32 $0x0;
	[dreg:$0x1c] =	wrdreg s26;
	s26 =	simm.s32 $0x5  }
.LBB2_1:
0x24: {  	[dreg:$0x1d] =	wrdreg s10;
	s5 =	simm.s32 $0x0;
	s10 =	simm.s32 $0x200  }
.LBB2_2:
0x25: {  	p0 =	sne.s32 s10, $0x7E00;
	[tilespmem:s5+$0x5170] =	vst v0  }
0x26: {  	[tilespmem:s5+$0x5100] =	vst v0  }
0x27: {  	[tilespmem:s5+$0x5110] =	vst v0  }
.Ltmp0:
0x28: {  	[tilespmem:s5+$0x5120] =	vst v0;
	(pc) =	sbr.rel @p0 .LBB2_2-.Ltmp0, $4  }
0x29: {  	[tilespmem:s5+$0x5130] =	vst v0  }
0x2a: {  	[tilespmem:s5+$0x5140] =	vst v0  }
0x2b: {  	[tilespmem:s5+$0x5150] =	vst v0  }
0x2c: {  	[tilespmem:s5+$0x5160] =	vst v0;
	s5 =	sshra.s32 s10, $0x2;
	s10 =	sadd.s32 $0x200, s10  }
0x2d: {  	[tilespmem:s5+$0x5170] =	vst v0  }
0x2e: {  	[tilespmem:s5+$0x5100] =	vst v0  }
0x2f: {  	[tilespmem:s5+$0x5110] =	vst v0  }
0x30: {  	[tilespmem:s5+$0x5120] =	vst v0  }
0x31: {  	[tilespmem:s5+$0x5130] =	vst v0  }
0x32: {  	[tilespmem:s5+$0x5140] =	vst v0  }
0x33: {  	[tilespmem:s5+$0x5150] =	vst v0  }
0x34: {  	[tilespmem:s5+$0x5160] =	vst v0  }
0x35: {  	[spmem:s11] =	stream.linear.scatter [tilespmem:s4], [sflag:$0x9], $0x2000, $0x38;
	[tilespmem:$0x1D780] =	vst v63  }
0x36: {  	_ =	swait.ge [sflag:s7], $0x2000  }
0x37: {  	[sflag:s7] =	ssyncset.done $0x0  }
0x38: {  	s10 =	rddreg [dreg:$0x10];
	[sflag:s7] =	ssyncadd.s32 $0xFFFFE000  }
0x39: {  	[spmem:s10] =	stream.linear.scatter [tilespmem:s4], [sflag:$0x9], $0x2000, $0x38;
	[tilespmem:$0x1D780] =	vst v63  }
0x3a: {  	_ =	swait.ge [sflag:s7], $0x2000  }
0x3b: {  	[sflag:s7] =	ssyncset.done $0x0  }
0x3c: {  	s11 =	rddreg [dreg:$0x11];
	[sflag:s7] =	ssyncadd.s32 $0xFFFFE000  }
0x3d: {  	[spmem:s11] =	stream.linear.scatter [tilespmem:s4], [sflag:$0x9], $0x2000, $0x38;
	[tilespmem:$0x1D780] =	vst v63  }
0x3e: {  	_ =	swait.ge [sflag:s7], $0x2000  }
0x3f: {  	[sflag:s7] =	ssyncset.done $0x0  }
0x40: {  	s15 =	rddreg [dreg:$0x12];
	[sflag:s7] =	ssyncadd.s32 $0xFFFFE000  }
0x41: {  	[spmem:s15] =	stream.linear.scatter [tilespmem:s4], [sflag:$0x9], $0x2000, $0x38;
	[tilespmem:$0x1D780] =	vst v63  }
0x42: {  	_ =	swait.ge [sflag:s7], $0x2000  }
0x43: {  	[sflag:s7] =	ssyncset.done $0x0  }
0x44: {  	s16 =	rddreg [dreg:$0x13];
	[sflag:s7] =	ssyncadd.s32 $0xFFFFE000  }
0x45: {  	[spmem:s16] =	stream.linear.scatter [tilespmem:s4], [sflag:$0x9], $0x2000, $0x38;
	[tilespmem:$0x1D780] =	vst v63  }
0x46: {  	_ =	swait.ge [sflag:s7], $0x2000  }
0x47: {  	[sflag:s7] =	ssyncset.done $0x0  }
0x48: {  	s17 =	rddreg [dreg:$0x14];
	[sflag:s7] =	ssyncadd.s32 $0xFFFFE000  }
0x49: {  	[spmem:s17] =	stream.linear.scatter [tilespmem:s4], [sflag:$0x9], $0x2000, $0x38;
	[tilespmem:$0x1D780] =	vst v63  }
0x4a: {  	_ =	swait.ge [sflag:s7], $0x2000  }
0x4b: {  	[sflag:s7] =	ssyncset.done $0x0  }
0x4c: {  	s18 =	rddreg [dreg:$0x15];
	[sflag:s7] =	ssyncadd.s32 $0xFFFFE000  }
0x4d: {  	[spmem:s18] =	stream.linear.scatter [tilespmem:s4], [sflag:$0x9], $0x2000, $0x38;
	[tilespmem:$0x1D780] =	vst v63  }
0x4e: {  	_ =	swait.ge [sflag:s7], $0x2000  }
0x4f: {  	[sflag:s7] =	ssyncset.done $0x0  }
0x50: {  	s19 =	rddreg [dreg:$0x16];
	[sflag:s7] =	ssyncadd.s32 $0xFFFFE000  }
0x51: {  	[spmem:s19] =	stream.linear.scatter [tilespmem:s4], [sflag:$0x9], $0x2000, $0x38;
	[tilespmem:$0x1D780] =	vst v63  }
0x52: {  	_ =	swait.ge [sflag:s7], $0x2000  }
0x53: {  	[sflag:s7] =	ssyncset.done $0x0  }
0x54: {  	s20 =	rddreg [dreg:$0x17];
	[sflag:s7] =	ssyncadd.s32 $0xFFFFE000  }
0x55: {  	[spmem:s20] =	stream.linear.scatter [tilespmem:s4], [sflag:$0x9], $0x2000, $0x38;
	[tilespmem:$0x1D780] =	vst v63  }
0x56: {  	_ =	swait.ge [sflag:s7], $0x2000  }
0x57: {  	[sflag:s7] =	ssyncset.done $0x0  }
0x58: {  	s10 =	rddreg [dreg:$0x18];
	[sflag:s7] =	ssyncadd.s32 $0xFFFFE000  }
0x59: {  	[spmem:s10] =	stream.linear.scatter [tilespmem:s4], [sflag:$0x9], $0x2000, $0x38;
	[tilespmem:$0x1D780] =	vst v63  }
0x5a: {  	_ =	swait.ge [sflag:s7], $0x2000  }
0x5b: {  	[sflag:s7] =	ssyncset.done $0x0  }
0x5c: {  	[sflag:s7] =	ssyncadd.s32 $0xFFFFE000  }
0x5d: {  	[spmem:s12] =	stream.linear.scatter [tilespmem:s4], [sflag:$0x9], $0x80, $0x38;
	[tilespmem:$0x1D780] =	vst v63  }
0x5e: {  	_ =	swait.ge [sflag:s7], $0x80  }
0x5f: {  	[sflag:s7] =	ssyncset.done $0x0  }
0x60: {  	s11 =	rddreg [dreg:$0x19];
	[sflag:s7] =	ssyncadd.s32 $0xFFFFFF80  }
0x61: {  	[spmem:s11] =	stream.linear.scatter [tilespmem:s4], [sflag:$0x9], $0x80, $0x38;
	[tilespmem:$0x1D780] =	vst v63  }
0x62: {  	_ =	swait.ge [sflag:s7], $0x80  }
0x63: {  	[sflag:s7] =	ssyncset.done $0x0  }
0x64: {  	s12 =	rddreg [dreg:$0x1a];
	[sflag:s7] =	ssyncadd.s32 $0xFFFFFF80  }
0x65: {  	[spmem:s12] =	stream.linear.scatter [tilespmem:s4], [sflag:$0x9], $0x80, $0x38;
	[tilespmem:$0x1D780] =	vst v63  }
0x66: {  	_ =	swait.ge [sflag:s7], $0x80  }
0x67: {  	[sflag:s7] =	ssyncset.done $0x0  }
0x68: {  	s15 =	rddreg [dreg:$0x1b];
	[sflag:s7] =	ssyncadd.s32 $0xFFFFFF80  }
0x69: {  	[spmem:s15] =	stream.linear.scatter [tilespmem:s4], [sflag:$0x9], $0x80, $0x38;
	[tilespmem:$0x1D780] =	vst v63  }
0x6a: {  	_ =	swait.ge [sflag:s7], $0x80  }
0x6b: {  	[sflag:s7] =	ssyncset.done $0x0  }
0x6c: {  	s16 =	rddreg [dreg:$0x1c];
	[sflag:s7] =	ssyncadd.s32 $0xFFFFFF80  }
0x6d: {  	[spmem:s16] =	stream.linear.scatter [tilespmem:s4], [sflag:$0x9], $0x80, $0x38;
	[tilespmem:$0x1D780] =	vst v63  }
0x6e: {  	_ =	swait.ge [sflag:s7], $0x80  }
0x6f: {  	[sflag:s7] =	ssyncset.done $0x0  }
0x70: {  	s11 =	simm.s32 $0x0;
	s17 =	rddreg [dreg:$0x5];
	[sflag:s7] =	ssyncadd.s32 $0xFFFFFF80  }
0x71: {  	[tilespmem:s8], [sflag:$0x9] =	stream.linear.gather [hbm4b:s17+s11], $0x2800, $0x38;
	[tilespmem:$0x1D780] =	vst v63  }
0x72: {  	_ =	swait.ge [sflag:s7], $0x2800  }
0x73: {  	[sflag:s7] =	ssyncset.done $0x0  }
0x74: {  	s10 =	simm.s32 $0x2900;
	s18 =	rddreg [dreg:$0x6];
	[sflag:s7] =	ssyncadd.s32 $0xFFFFD800  }
0x75: {  	[tilespmem:s10], [sflag:$0x9] =	stream.linear.gather [hbm4b:s18+s11], $0x2800, $0x38;
	[tilespmem:$0x1D780] =	vst v63  }
0x76: {  	_ =	swait.ge [sflag:s7], $0x2800  }
0x77: {  	[sflag:s7] =	ssyncset.done $0x0  }
0x78: {  	[sflag:s7] =	ssyncadd.s32 $0xFFFFD800  }
0x79: {  	[bflag:$0x0] =	sbarrier.arrive $0xFFFF  }
0x7a: {  	s19 =	rddreg [dreg:$0x9]  }
0x7b: {  	[tilespmem:s11], [sflag:$0x9] =	stream.linear.gather [hbm4b:s19+s11], $0x80, $0x38;
	[tilespmem:$0x1D780] =	vst v63  }
0x7c: {  	_ =	swait.ge [sflag:s7], $0x80  }
0x7d: {  	[sflag:s7] =	ssyncset.done $0x0  }
0x7e: {  	s20 =	rddreg [dreg:$0xa];
	[sflag:s7] =	ssyncadd.s32 $0xFFFFFF80  }
0x7f: {  	[tilespmem:s13], [sflag:$0x9] =	stream.linear.gather [hbm4b:s20+s11], $0x80, $0x38;
	[tilespmem:$0x1D780] =	vst v63  }
0x80: {  	_ =	swait.ge [sflag:s7], $0x80  }
0x81: {  	[sflag:s7] =	ssyncset.done $0x0  }
0x82: {  	[sflag:s7] =	ssyncadd.s32 $0xFFFFFF80  }
0x83: {  	v1 =	vld [tilespmem:$0x0];
	_ =	sdelay $0x1  }
0x84: {  	v2 =	vld [tilespmem:$0x10];
	_ =	sdelay $0x1  }
0x85: {  	v3 =	vld [tilespmem:$0x20]  }
0x86: {  	v4 =	vand.u32 $0x3FFF, v1  }
0x87: {  	v61 =	vld [tilespmem:$0x30];
	v1 =	vshrl.u32 v1, $0xE;
	[tilespmem:$0x9200] =	vst v4  }
0x88: {  	[tilespmem:$0x9300] =	vst v1;
	v1 =	vand.u32 $0x3FFF, v2  }
0x89: {  	[tilespmem:$0x9210] =	vst v1;
	v1 =	vshrl.u32 v2, $0xE  }
0x8a: {  	[tilespmem:$0x9310] =	vst v1;
	v1 =	vand.u32 $0x3FFF, v3  }
0x8b: {  	[tilespmem:$0x9220] =	vst v1;
	v1 =	vshrl.u32 v3, $0xE  }
0x8c: {  	[tilespmem:$0x9320] =	vst v1;
	v1 =	vand.u32 $0x3FFF, v61  }
0x8d: {  	[tilespmem:$0x9230] =	vst v1;
	v1 =	vshrl.u32 v61, $0xE  }
0x8e: {  	s10 =	rddreg [dreg:$0xb];
	[tilespmem:$0x9330] =	vst v1  }
0x8f: {  	[tilespmem:s11], [sflag:$0x1] =	stream.linear.gather [hbm4b:s10+s11], $0x80, $0x38;
	[tilespmem:$0x1D780] =	vst v63  }
0x90: {  	v1 =	vld [tilespmem:$0x9300]  }
0x91: {  	v2 =	vld [tilespmem:$0x9200];
	_ =	sdelay $0x3  }
0x92: {  	v1 =	vadd.s32 $0x2800, v1;
	_ =	sdelay $0x3  }
0x93: {  	v2 =	vld.idx.msk [tilespmem:v2+s8+$0x0], $0xffff  }
0x94: {  	v1 =	vld.idx.msk [tilespmem:v1+s8+$0x0], $0xffff;
	_ =	sdelay $0x4  }
0x95: {  	v1 =	vadd.f32 v1, v2;
	_ =	sdelay $0x1  }
0x96: {  	v2 =	vmul.f32 $2.000000030e-01, v1;
	_ =	sdelay $0x1  }
0x97: {  	v1 =	vmax.f32 v1, v2  }
0x98: {  	v1 =	vmul.f32 $1.442695020e+00, v1;
	_ =	sdelay $0x1  }
0x99: {  	(erf) = vpow2.f32 v1;
	_ =	sdelay $0x1  }
0x9a: {  	v1 =	vld [tilespmem:$0x9310]  }
0x9b: {  	v2 =	vld [tilespmem:$0x9210];
	_ =	sdelay $0x3  }
0x9c: {  	v1 =	vadd.s32 $0x2800, v1;
	_ =	sdelay $0x1  }
0x9d: {  	v3 =	vpop (erf)  }
0x9e: {  	[tilespmem:$0x9100] =	vst v3  }
0x9f: {  	v2 =	vld.idx.msk [tilespmem:v2+s8+$0x0], $0xffff  }
0xa0: {  	v1 =	vld.idx.msk [tilespmem:v1+s8+$0x0], $0xffff;
	_ =	sdelay $0x4  }
0xa1: {  	v1 =	vadd.f32 v1, v2;
	_ =	sdelay $0x1  }
0xa2: {  	v2 =	vmul.f32 $2.000000030e-01, v1;
	_ =	sdelay $0x1  }
0xa3: {  	v1 =	vmax.f32 v1, v2  }
0xa4: {  	v1 =	vmul.f32 $1.442695020e+00, v1;
	_ =	sdelay $0x1  }
0xa5: {  	(erf) = vpow2.f32 v1;
	_ =	sdelay $0x1  }
0xa6: {  	v1 =	vld [tilespmem:$0x9320]  }
0xa7: {  	v2 =	vld [tilespmem:$0x9220];
	_ =	sdelay $0x3  }
0xa8: {  	v1 =	vadd.s32 $0x2800, v1;
	_ =	sdelay $0x1  }
0xa9: {  	v3 =	vpop (erf)  }
0xaa: {  	[tilespmem:$0x9110] =	vst v3  }
0xab: {  	v2 =	vld.idx.msk [tilespmem:v2+s8+$0x0], $0xffff  }
0xac: {  	v1 =	vld.idx.msk [tilespmem:v1+s8+$0x0], $0xffff;
	_ =	sdelay $0x4  }
0xad: {  	v1 =	vadd.f32 v1, v2;
	_ =	sdelay $0x1  }
0xae: {  	v2 =	vmul.f32 $2.000000030e-01, v1;
	_ =	sdelay $0x1  }
0xaf: {  	v1 =	vmax.f32 v1, v2  }
0xb0: {  	v1 =	vmul.f32 $1.442695020e+00, v1;
	_ =	sdelay $0x1  }
0xb1: {  	(erf) = vpow2.f32 v1;
	_ =	sdelay $0x1  }
0xb2: {  	v1 =	vld [tilespmem:$0x9330]  }
0xb3: {  	v2 =	vld [tilespmem:$0x9230];
	_ =	sdelay $0x3  }
0xb4: {  	v1 =	vadd.s32 $0x2800, v1;
	_ =	sdelay $0x1  }
0xb5: {  	v3 =	vpop (erf)  }
0xb6: {  	[tilespmem:$0x9120] =	vst v3  }
0xb7: {  	v2 =	vld.idx.msk [tilespmem:v2+s8+$0x0], $0xffff  }
0xb8: {  	v1 =	vld.idx.msk [tilespmem:v1+s8+$0x0], $0xffff;
	_ =	sdelay $0x4  }
0xb9: {  	v1 =	vadd.f32 v1, v2;
	_ =	sdelay $0x1  }
0xba: {  	v2 =	vmul.f32 $2.000000030e-01, v1;
	_ =	sdelay $0x1  }
0xbb: {  	v1 =	vmax.f32 v1, v2  }
0xbc: {  	v1 =	vmul.f32 $1.442695020e+00, v1;
	_ =	sdelay $0x1  }
0xbd: {  	(erf) = vpow2.f32 v1;
	_ =	sdelay $0x8  }
0xbe: {  	v1 =	vpop (erf)  }
0xbf: {  	s12 =	simm.s32 $0x9300;
	s15 =	simm.s32 $0x9100;
	[tilespmem:$0x9130] =	vst v1  }
0xc0: {  	[spmem:s3] =	stream.indirect.scatter.add.f32 [tilespmem:s15], [sflag:$0x7], $0x1, s12, s14, $0xb8;
	[tilespmem:$0x1D780] =	vst v63  }
0xc1: {  	s16 =	simm.s32 $0x9200  }
0xc2: {  	[tilespmem:s4], [sflag:$0x3] =	stream.indirect.gather [hbm4b:s6+s14], $0x80, s16, s14, $0xb8;
	[tilespmem:$0x1D780] =	vst v63  }
0xc3: {  	v1 =	vld [tilespmem:$0x80];
	_ =	sdelay $0x1  }
0xc4: {  	v2 =	vld [tilespmem:$0x90];
	_ =	sdelay $0x1  }
0xc5: {  	v3 =	vld [tilespmem:$0xA0]  }
0xc6: {  	v62 =	vand.u32 $0x3FFF, v1  }
0xc7: {  	v63 =	vld [tilespmem:$0xB0];
	v1 =	vshrl.u32 v1, $0xE;
	[tilespmem:$0x9280] =	vst v62  }
0xc8: {  	[tilespmem:$0x9380] =	vst v1;
	v1 =	vand.u32 $0x3FFF, v2  }
0xc9: {  	[tilespmem:$0x9290] =	vst v1;
	v1 =	vshrl.u32 v2, $0xE  }
0xca: {  	[tilespmem:$0x9390] =	vst v1;
	v1 =	vand.u32 $0x3FFF, v3  }
0xcb: {  	[tilespmem:$0x92A0] =	vst v1;
	v1 =	vshrl.u32 v3, $0xE  }
0xcc: {  	[tilespmem:$0x93A0] =	vst v1;
	v1 =	vand.u32 $0x3FFF, v63  }
0xcd: {  	[tilespmem:$0x92B0] =	vst v1;
	v1 =	vshrl.u32 v63, $0xE  }
0xce: {  	s17 =	rddreg [dreg:$0xc];
	[tilespmem:$0x93B0] =	vst v1  }
0xcf: {  	[tilespmem:s13], [sflag:$0x2] =	stream.linear.gather [hbm4b:s17+s11], $0x80, $0x38;
	[tilespmem:$0x1D780] =	vst v63  }
0xd0: {  	v1 =	vld [tilespmem:$0x9380]  }
0xd1: {  	v2 =	vld [tilespmem:$0x9280];
	_ =	sdelay $0x3  }
0xd2: {  	v1 =	vadd.s32 $0x2800, v1;
	_ =	sdelay $0x3  }
0xd3: {  	v2 =	vld.idx.msk [tilespmem:v2+s8+$0x0], $0xffff  }
0xd4: {  	v1 =	vld.idx.msk [tilespmem:v1+s8+$0x0], $0xffff;
	_ =	sdelay $0x4  }
0xd5: {  	v1 =	vadd.f32 v1, v2;
	_ =	sdelay $0x1  }
0xd6: {  	v2 =	vmul.f32 $2.000000030e-01, v1;
	_ =	sdelay $0x1  }
0xd7: {  	v1 =	vmax.f32 v1, v2  }
0xd8: {  	v1 =	vmul.f32 $1.442695020e+00, v1;
	_ =	sdelay $0x1  }
0xd9: {  	(erf) = vpow2.f32 v1;
	_ =	sdelay $0x1  }
0xda: {  	v1 =	vld [tilespmem:$0x9390]  }
0xdb: {  	v2 =	vld [tilespmem:$0x9290];
	_ =	sdelay $0x3  }
0xdc: {  	v1 =	vadd.s32 $0x2800, v1;
	_ =	sdelay $0x1  }
0xdd: {  	v3 =	vpop (erf)  }
0xde: {  	[tilespmem:$0x9180] =	vst v3  }
0xdf: {  	v2 =	vld.idx.msk [tilespmem:v2+s8+$0x0], $0xffff  }
0xe0: {  	v1 =	vld.idx.msk [tilespmem:v1+s8+$0x0], $0xffff;
	_ =	sdelay $0x4  }
0xe1: {  	v1 =	vadd.f32 v1, v2;
	_ =	sdelay $0x1  }
0xe2: {  	v2 =	vmul.f32 $2.000000030e-01, v1;
	_ =	sdelay $0x1  }
0xe3: {  	v1 =	vmax.f32 v1, v2  }
0xe4: {  	v1 =	vmul.f32 $1.442695020e+00, v1;
	_ =	sdelay $0x1  }
0xe5: {  	(erf) = vpow2.f32 v1;
	_ =	sdelay $0x1  }
0xe6: {  	v1 =	vld [tilespmem:$0x93A0]  }
0xe7: {  	v2 =	vld [tilespmem:$0x92A0];
	_ =	sdelay $0x3  }
0xe8: {  	v1 =	vadd.s32 $0x2800, v1;
	_ =	sdelay $0x1  }
0xe9: {  	v3 =	vpop (erf)  }
0xea: {  	[tilespmem:$0x9190] =	vst v3  }
0xeb: {  	v2 =	vld.idx.msk [tilespmem:v2+s8+$0x0], $0xffff  }
0xec: {  	v1 =	vld.idx.msk [tilespmem:v1+s8+$0x0], $0xffff;
	_ =	sdelay $0x4  }
0xed: {  	v1 =	vadd.f32 v1, v2;
	_ =	sdelay $0x1  }
0xee: {  	v2 =	vmul.f32 $2.000000030e-01, v1;
	_ =	sdelay $0x1  }
0xef: {  	v1 =	vmax.f32 v1, v2  }
0xf0: {  	v1 =	vmul.f32 $1.442695020e+00, v1;
	_ =	sdelay $0x1  }
0xf1: {  	(erf) = vpow2.f32 v1;
	_ =	sdelay $0x1  }
0xf2: {  	v1 =	vld [tilespmem:$0x93B0]  }
0xf3: {  	v2 =	vld [tilespmem:$0x92B0];
	_ =	sdelay $0x3  }
0xf4: {  	v1 =	vadd.s32 $0x2800, v1;
	_ =	sdelay $0x1  }
0xf5: {  	v3 =	vpop (erf)  }
0xf6: {  	[tilespmem:$0x91A0] =	vst v3  }
0xf7: {  	v2 =	vld.idx.msk [tilespmem:v2+s8+$0x0], $0xffff  }
0xf8: {  	v1 =	vld.idx.msk [tilespmem:v1+s8+$0x0], $0xffff;
	_ =	sdelay $0x4  }
0xf9: {  	v1 =	vadd.f32 v1, v2;
	_ =	sdelay $0x1  }
0xfa: {  	v2 =	vmul.f32 $2.000000030e-01, v1;
	_ =	sdelay $0x1  }
0xfb: {  	v1 =	vmax.f32 v1, v2  }
0xfc: {  	v1 =	vmul.f32 $1.442695020e+00, v1;
	_ =	sdelay $0x1  }
0xfd: {  	(erf) = vpow2.f32 v1;
	_ =	sdelay $0x8  }
0xfe: {  	v1 =	vpop (erf)  }
0xff: {  	s18 =	simm.s32 $0x9380;
	s19 =	simm.s32 $0x9180;
	[tilespmem:$0x91B0] =	vst v1  }
0x100: {  	[spmem:s3] =	stream.indirect.scatter.add.f32 [tilespmem:s19], [sflag:$0x8], $0x1, s18, s14, $0xb8;
	[tilespmem:$0x1D780] =	vst v63  }
0x101: {  	s20 =	simm.s32 $0x9280;
	s10 =	simm.s32 $0x0  }
0x102: {  	[tilespmem:s21], [sflag:$0x4] =	stream.indirect.gather [hbm4b:s6+s14], $0x80, s20, s14, $0xb8;
	[tilespmem:$0x1D780] =	vst v63  }
.LBB2_4:
0x103: {  	_ =	swait.ge [sflag:s22], $0x2000  }
0x104: {  	[sflag:s22] =	ssyncset.done $0x0  }
0x105: {  	s5 =	sand.u32 $0x30, s11;
	[sflag:s22] =	ssyncadd.s32 $0xFFFFE000  }
0x106: {  	s12 =	simm.s32 $0x5200;
	v1 =	vld [tilespmem:s5+$0x9100]  }
0x107: {  	v3 =	vld [tilespmem:s12+$0xF0]  }
0x108: {  	v4 =	vld [tilespmem:s12+$0xFFFFFF00]  }
0x109: {  	v5 =	vld [tilespmem:s12+$0xFFFFFF10]  }
0x10a: {  	s18 =	sand.u32 $0xF, s11;
	v6 =	vld [tilespmem:s12+$0xFFFFFF20]  }
0x10b: {  	s15 =	sadd.s32 $0x3, s18;
	v7 =	vld [tilespmem:s12+$0xFFFFFF30]  }
0x10c: {  	s16 =	sand.u32 $0xC, s11;
	v2 =	vmov s15;
	v8 =	vld [tilespmem:s12+$0xFFFFFF40]  }
0x10d: {  	v12 =	vmov s16;
	v9 =	vld [tilespmem:s12+$0xFFFFFF50];
	v2 =	vperm.xlane v1, v2  }
0x10e: {  	v15 =	vld [tilespmem:s12+$0xFFFFFFA0];
	v12 =	vperm.xlane v1, v12  }
0x10f: {  	s19 =	sadd.s32 $0x1, s18;
	v16 =	vld [tilespmem:s12+$0xFFFFFFB0];
	v3 =	vmul.f32 v3, v2  }
0x110: {  	v14 =	vmov s19;
	v11 =	vld [tilespmem:s12+$0xFFFFFF80];
	v4 =	vmul.f32 v4, v12  }
0x111: {  	v17 =	vld [tilespmem:s12+$0xFFFFFFC0];
	v14 =	vperm.xlane v1, v14;
	v5 =	vmul.f32 v5, v12;
	[tilespmem:s12+$0xF0] =	vst v3  }
0x112: {  	v10 =	vld [tilespmem:s12+$0xFFFFFF60];
	v6 =	vmul.f32 v6, v12;
	[tilespmem:s12+$0xFFFFFF00] =	vst v4  }
0x113: {  	v13 =	vld [tilespmem:s12+$0xFFFFFF90];
	v47 =	vmul.f32 v15, v14;
	[tilespmem:s12+$0xFFFFFF10] =	vst v5  }
0x114: {  	v18 =	vld [tilespmem:s12+$0xFFFFFF70];
	v48 =	vmul.f32 v16, v14;
	[tilespmem:s12+$0xFFFFFF20] =	vst v6  }
0x115: {  	v46 =	vld [tilespmem:s12+$0x40];
	v3 =	vmul.f32 v11, v14;
	[tilespmem:s12+$0xFFFFFFA0] =	vst v47  }
0x116: {  	v50 =	vld [tilespmem:s12+$0x70];
	v49 =	vmul.f32 v17, v14;
	[tilespmem:s12+$0xFFFFFFB0] =	vst v48  }
0x117: {  	v11 =	vld [tilespmem:s12+$0xFFFFFFD0];
	[tilespmem:s12+$0xFFFFFF80] =	vst v3;
	v3 =	vmul.f32 v7, v12  }
0x118: {  	v6 =	vmul.f32 v8, v12;
	[tilespmem:s12+$0xFFFFFFC0] =	vst v49;
	v7 =	vld [tilespmem:s12+$0x0]  }
0x119: {  	s5 =	sadd.s32 $0x2, s18;
	v4 =	vld [tilespmem:s12+$0xFFFFFFE0];
	[tilespmem:s12+$0xFFFFFF30] =	vst v3;
	v3 =	vmul.f32 v9, v12  }
0x11a: {  	v5 =	vld [tilespmem:s12+$0xFFFFFFF0];
	[tilespmem:s12+$0xFFFFFF40] =	vst v6;
	v6 =	vmul.f32 v10, v12;
	v9 =	vmov s5  }
0x11b: {  	v8 =	vld [tilespmem:s12+$0x10];
	v1 =	vperm.xlane v1, v9;
	[tilespmem:s12+$0xFFFFFF50] =	vst v3;
	v3 =	vmul.f32 v18, v12  }
0x11c: {  	v10 =	vld [tilespmem:s12+$0x20];
	[tilespmem:s12+$0xFFFFFF60] =	vst v6;
	v6 =	vmul.f32 v13, v14  }
0x11d: {  	v51 =	vld [tilespmem:s12+$0x90];
	[tilespmem:s12+$0xFFFFFF70] =	vst v3;
	v3 =	vmul.f32 v7, v1  }
0x11e: {  	v52 =	vld [tilespmem:s12+$0xA0];
	v11 =	vmul.f32 v11, v14;
	[tilespmem:s12+$0xFFFFFF90] =	vst v6  }
0x11f: {  	v5 =	vmul.f32 v5, v14;
	[tilespmem:s12+$0x0] =	vst v3;
	v3 =	vld [tilespmem:s12+$0x80]  }
0x120: {  	v4 =	vmul.f32 v4, v14;
	v6 =	vld [tilespmem:s12+$0x60];
	[tilespmem:s12+$0xFFFFFFD0] =	vst v11  }
0x121: {  	v9 =	vld [tilespmem:s12+$0x30];
	[tilespmem:s12+$0xFFFFFFF0] =	vst v5;
	v5 =	vmul.f32 v8, v1;
	v8 =	vmul.f32 v10, v1  }
0x122: {  	v11 =	vld [tilespmem:s12+$0xB0];
	[tilespmem:s12+$0xFFFFFFE0] =	vst v4  }
0x123: {  	v7 =	vld [tilespmem:s12+$0x50];
	[tilespmem:s12+$0x20] =	vst v8;
	v8 =	vmul.f32 v46, v1  }
0x124: {  	s20 =	simm.s32 $0x4;
	v53 =	vld [tilespmem:s12+$0xD0];
	s5 =	simm.s32 $0x5400;
	[tilespmem:s12+$0x10] =	vst v5;
	v3 =	vmul.f32 v3, v2  }
0x125: {  	s17 =	sand.u32 $0x30, s20;
	v54 =	vld [tilespmem:s5+$0xFFFFFF20];
	[tilespmem:s12+$0x40] =	vst v8;
	v6 =	vmul.f32 v6, v1  }
0x126: {  	v10 =	vld [tilespmem:s17+$0x9100];
	[tilespmem:s12+$0x80] =	vst v3;
	v3 =	vmul.f32 v9, v1  }
0x127: {  	v4 =	vld [tilespmem:s12+$0xC0];
	v11 =	vmul.f32 v11, v2;
	[tilespmem:s12+$0x60] =	vst v6  }
0x128: {  	[tilespmem:s12+$0x30] =	vst v3;
	v3 =	vmul.f32 v7, v1;
	v7 =	vld [tilespmem:s5+$0xFFFFFF00]  }
0x129: {  	s18 =	sand.u32 $0xC, s20;
	v8 =	vld [tilespmem:s5+$0xFFFFFF10];
	[tilespmem:s12+$0xB0] =	vst v11;
	v1 =	vmul.f32 v50, v1  }
0x12a: {  	s15 =	sand.u32 $0xF, s20;
	v6 =	vmul.f32 v51, v2;
	v9 =	vld [tilespmem:s5+$0xF0];
	[tilespmem:s12+$0x50] =	vst v3;
	v3 =	vmov s18  }
0x12b: {  	s19 =	sadd.s32 $0x3, s15;
	v55 =	vld [tilespmem:s5+$0xFFFFFF30];
	[tilespmem:s12+$0x70] =	vst v1;
	v1 =	vmul.f32 v52, v2;
	v3 =	vperm.xlane v10, v3  }
0x12c: {  	v56 =	vld [tilespmem:s5+$0xFFFFFF40];
	v4 =	vmul.f32 v4, v2;
	[tilespmem:s12+$0x90] =	vst v6;
	v6 =	vmov s19  }
0x12d: {  	v57 =	vld [tilespmem:s5+$0xFFFFFF50];
	[tilespmem:s12+$0xA0] =	vst v1;
	v1 =	vperm.xlane v10, v6;
	v7 =	vmul.f32 v7, v3  }
0x12e: {  	[tilespmem:s12+$0xC0] =	vst v4;
	v6 =	vld [tilespmem:s5+$0xFFFFFF60];
	v4 =	vmul.f32 v8, v3  }
0x12f: {  	v11 =	vld [tilespmem:s5+$0xFFFFFF90];
	[tilespmem:s5+$0xFFFFFF00] =	vst v7;
	v7 =	vmul.f32 v9, v1  }
0x130: {  	v8 =	vld [tilespmem:s5+$0xFFFFFF80];
	[tilespmem:s5+$0xFFFFFF10] =	vst v4;
	v4 =	vmul.f32 v55, v3  }
0x131: {  	s20 =	sadd.s32 $0x1, s15;
	v9 =	vld [tilespmem:s5+$0xFFFFFF70];
	[tilespmem:s5+$0xF0] =	vst v7;
	v7 =	vmul.f32 v54, v3  }
0x132: {  	v58 =	vmov s20;
	v59 =	vld [tilespmem:s5+$0xFFFFFFA0];
	[tilespmem:s5+$0xFFFFFF30] =	vst v4;
	v4 =	vmul.f32 v57, v3  }
0x133: {  	v60 =	vld [tilespmem:s5+$0xFFFFFFB0];
	v12 =	vperm.xlane v10, v58;
	v6 =	vmul.f32 v6, v3;
	[tilespmem:s5+$0xFFFFFF20] =	vst v7  }
0x134: {  	v61 =	vld [tilespmem:s5+$0xFFFFFFC0];
	v7 =	vmul.f32 v56, v3;
	[tilespmem:s5+$0xFFFFFF50] =	vst v4  }
0x135: {  	v63 =	vld [tilespmem:s5+$0x20];
	[tilespmem:s5+$0xFFFFFF60] =	vst v6;
	v6 =	vmul.f32 v11, v12  }
0x136: {  	v3 =	vmul.f32 v9, v3;
	[tilespmem:s5+$0xFFFFFF40] =	vst v7;
	v7 =	vmul.f32 v8, v12;
	v8 =	vld [tilespmem:s5+$0xFFFFFFD0]  }
0x137: {  	v4 =	vld [tilespmem:s5+$0xFFFFFFE0];
	[tilespmem:s5+$0xFFFFFF90] =	vst v6  }
0x138: {  	v9 =	vld [tilespmem:s5+$0x0];
	[tilespmem:s5+$0xFFFFFF70] =	vst v3;
	v3 =	vmul.f32 v59, v12  }
0x139: {  	s15 =	sadd.s32 $0x2, s15;
	v6 =	vmul.f32 v60, v12;
	[tilespmem:s5+$0xFFFFFF80] =	vst v7;
	v7 =	vld [tilespmem:s5+$0xFFFFFFF0]  }
0x13a: {  	v62 =	vmov s15;
	v11 =	vld [tilespmem:s5+$0x10];
	[tilespmem:s5+$0xFFFFFFA0] =	vst v3;
	v3 =	vmul.f32 v61, v12  }
0x13b: {  	v13 =	vperm.xlane v10, v62;
	v10 =	vld [tilespmem:s5+$0x60];
	[tilespmem:s5+$0xFFFFFFB0] =	vst v6;
	v6 =	vmul.f32 v8, v12  }
0x13c: {  	v8 =	vld [tilespmem:s5+$0x30];
	[tilespmem:s5+$0xFFFFFFC0] =	vst v3;
	v3 =	vmul.f32 v4, v12  }
0x13d: {  	v4 =	vld [tilespmem:s5+$0x40];
	[tilespmem:s5+$0xFFFFFFD0] =	vst v6;
	v6 =	vmul.f32 v9, v13  }
0x13e: {  	v9 =	vld [tilespmem:s5+$0x50];
	v7 =	vmul.f32 v7, v12;
	[tilespmem:s5+$0xFFFFFFE0] =	vst v3  }
0x13f: {  	v5 =	vld [tilespmem:s12+$0xE0];
	v3 =	vmul.f32 v11, v13;
	[tilespmem:s5+$0x0] =	vst v6  }
0x140: {  	v11 =	vld [tilespmem:s5+$0x70];
	[tilespmem:s5+$0xFFFFFFF0] =	vst v7;
	v6 =	vmul.f32 v63, v13  }
0x141: {  	[tilespmem:s5+$0x10] =	vst v3;
	v7 =	vld [tilespmem:s5+$0x80];
	v3 =	vmul.f32 v8, v13  }
0x142: {  	v4 =	vmul.f32 v4, v13;
	[tilespmem:s5+$0x20] =	vst v6;
	v6 =	vld [tilespmem:s5+$0x90]  }
0x143: {  	v10 =	vmul.f32 v10, v13;
	v8 =	vld [tilespmem:s5+$0xA0];
	[tilespmem:s5+$0x30] =	vst v3;
	v9 =	vmul.f32 v9, v13  }
0x144: {  	v3 =	vmul.f32 v53, v2;
	v2 =	vmul.f32 v5, v2;
	[tilespmem:s5+$0x40] =	vst v4;
	v5 =	vld [tilespmem:s5+$0xB0]  }
0x145: {  	s16 =	simm.s32 $0x8;
	s15 =	simm.s32 $0x5400;
	v4 =	vld [tilespmem:s5+$0xC0];
	[tilespmem:s5+$0x50] =	vst v9;
	v9 =	vmul.f32 v11, v13  }
.LBB2_5:
0x146: {  	s17 =	sand.u32 $0x30, s16;
	p0 =	slt.u32 s16, $0x3C;
	[tilespmem:s5+$0x60] =	vst v10;
	v7 =	vmul.f32 v7, v1;
	v10 =	vld [tilespmem:s5+$0xD0]  }
0x147: {  	v11 =	vld [tilespmem:s17+$0x9100];
	[tilespmem:s5+$0x70] =	vst v9;
	v6 =	vmul.f32 v6, v1  }
0x148: {  	s18 =	sand.u32 $0xF, s16;
	s5 =	sadd.s32 $0x200, s5;
	[tilespmem:s15+$0x80] =	vst v7;
	v7 =	vmul.f32 v8, v1;
	v8 =	vld [tilespmem:s15+$0xE0]  }
0x149: {  	s17 =	sand.u32 $0xC, s16;
	s19 =	sadd.s32 $0x2, s18;
	v9 =	vld [tilespmem:s5+$0xF0];
	[tilespmem:s15+$0x90] =	vst v6;
	v5 =	vmul.f32 v5, v1  }
0x14a: {  	v14 =	vmov s19;
	v6 =	vmov s17;
	s17 =	sadd.s32 $0x1, s18;
	s18 =	sadd.s32 $0x3, s18;
	v12 =	vld [tilespmem:s5+$0xFFFFFF00];
	[tilespmem:s15+$0xA0] =	vst v7;
	v4 =	vmul.f32 v4, v1  }
0x14b: {  	v13 =	vmov s17;
	v15 =	vmov s18;
	v7 =	vld [tilespmem:s5+$0xFFFFFF10];
	[tilespmem:s15+$0xB0] =	vst v5  }
0x14c: {  	v5 =	vperm.xlane v11, v6;
	v6 =	vld [tilespmem:s5+$0xFFFFFF20];
	v15 =	vperm.xlane v11, v15;
	[tilespmem:s15+$0xC0] =	vst v4  }
0x14d: {  	v13 =	vperm.xlane v11, v13;
	v11 =	vperm.xlane v11, v14;
	v4 =	vld [tilespmem:s5+$0xFFFFFF30];
	[tilespmem:s12+$0xD0] =	vst v3  }
0x14e: {  	v3 =	vmul.f32 v10, v1;
	v14 =	vld [tilespmem:s5+$0xFFFFFF40];
	v9 =	vmul.f32 v9, v15;
	[tilespmem:s12+$0xE0] =	vst v2;
	s12 =	smov.u32 s15;
	s15 =	smov.u32 s5  }
0x14f: {  	v2 =	vmul.f32 v8, v1;
	v1 =	vmov v15;
	v10 =	vmul.f32 v12, v5;
	v12 =	vld [tilespmem:s5+$0xFFFFFF50]  }
0x150: {  	v7 =	vmul.f32 v7, v5;
	v8 =	vld [tilespmem:s5+$0xFFFFFF60];
	[tilespmem:s5+$0xF0] =	vst v9  }
0x151: {  	[tilespmem:s5+$0xFFFFFF00] =	vst v10;
	v6 =	vmul.f32 v6, v5;
	v9 =	vld [tilespmem:s5+$0xFFFFFF70]  }
0x152: {  	[tilespmem:s5+$0xFFFFFF10] =	vst v7;
	v4 =	vmul.f32 v4, v5;
	v7 =	vld [tilespmem:s5+$0xFFFFFF80]  }
0x153: {  	[tilespmem:s5+$0xFFFFFF20] =	vst v6;
	v6 =	vmul.f32 v14, v5;
	v10 =	vld [tilespmem:s5+$0xFFFFFF90]  }
0x154: {  	[tilespmem:s5+$0xFFFFFF30] =	vst v4;
	v4 =	vmul.f32 v12, v5;
	v12 =	vld [tilespmem:s5+$0xFFFFFFA0]  }
0x155: {  	[tilespmem:s5+$0xFFFFFF40] =	vst v6;
	v6 =	vmul.f32 v8, v5;
	v8 =	vld [tilespmem:s5+$0xFFFFFFB0]  }
0x156: {  	[tilespmem:s5+$0xFFFFFF50] =	vst v4;
	v4 =	vmul.f32 v9, v5;
	v5 =	vld [tilespmem:s5+$0xFFFFFFC0]  }
0x157: {  	[tilespmem:s5+$0xFFFFFF60] =	vst v6;
	v6 =	vmul.f32 v7, v13;
	v7 =	vld [tilespmem:s5+$0xFFFFFFD0]  }
0x158: {  	[tilespmem:s5+$0xFFFFFF70] =	vst v4;
	v4 =	vmul.f32 v10, v13;
	v9 =	vld [tilespmem:s5+$0xFFFFFFE0]  }
0x159: {  	[tilespmem:s5+$0xFFFFFF80] =	vst v6;
	v6 =	vmul.f32 v12, v13;
	v10 =	vld [tilespmem:s5+$0xFFFFFFF0]  }
0x15a: {  	[tilespmem:s5+$0xFFFFFF90] =	vst v4;
	v4 =	vmul.f32 v8, v13;
	v8 =	vld [tilespmem:s5+$0x0]  }
0x15b: {  	[tilespmem:s5+$0xFFFFFFA0] =	vst v6;
	v5 =	vmul.f32 v5, v13;
	v6 =	vld [tilespmem:s5+$0x10]  }
0x15c: {  	[tilespmem:s5+$0xFFFFFFB0] =	vst v4;
	v4 =	vmul.f32 v7, v13;
	v7 =	vld [tilespmem:s5+$0x20]  }
0x15d: {  	[tilespmem:s5+$0xFFFFFFC0] =	vst v5;
	v5 =	vmul.f32 v9, v13;
	v9 =	vld [tilespmem:s5+$0x30]  }
0x15e: {  	[tilespmem:s5+$0xFFFFFFD0] =	vst v4;
	v4 =	vmul.f32 v10, v13;
	v10 =	vld [tilespmem:s5+$0x40]  }
0x15f: {  	[tilespmem:s5+$0xFFFFFFE0] =	vst v5;
	v5 =	vmul.f32 v8, v11;
	v8 =	vld [tilespmem:s5+$0x50]  }
0x160: {  	[tilespmem:s5+$0xFFFFFFF0] =	vst v4;
	v4 =	vmul.f32 v6, v11;
	v12 =	vld [tilespmem:s5+$0x60]  }
0x161: {  	[tilespmem:s5+$0x0] =	vst v5;
	v5 =	vmul.f32 v7, v11;
	v13 =	vld [tilespmem:s5+$0x70]  }
.Ltmp1:
0x162: {  	[tilespmem:s5+$0x10] =	vst v4;
	v4 =	vmul.f32 v9, v11;
	v7 =	vld [tilespmem:s5+$0x80];
	(pc) =	sbr.rel @p0 .LBB2_5-.Ltmp1, $4  }
0x163: {  	[tilespmem:s5+$0x20] =	vst v5;
	v5 =	vmul.f32 v10, v11;
	v6 =	vld [tilespmem:s5+$0x90]  }
0x164: {  	[tilespmem:s5+$0x30] =	vst v4;
	v4 =	vmul.f32 v8, v11;
	v8 =	vld [tilespmem:s5+$0xA0]  }
0x165: {  	[tilespmem:s5+$0x40] =	vst v5;
	v10 =	vmul.f32 v12, v11;
	v5 =	vld [tilespmem:s5+$0xB0]  }
0x166: {  	s16 =	sadd.s32 $0x4, s16;
	[tilespmem:s5+$0x50] =	vst v4;
	v9 =	vmul.f32 v13, v11;
	v4 =	vld [tilespmem:s5+$0xC0]  }
0x167: {  	[tilespmem:s5+$0x60] =	vst v10  }
0x168: {  	v7 =	vmul.f32 v7, v1;
	[tilespmem:s12+$0xD0] =	vst v3  }
0x169: {  	v10 =	vld [tilespmem:s5+$0xD0];
	[tilespmem:s12+$0xE0] =	vst v2  }
0x16a: {  	v6 =	vmul.f32 v6, v1;
	[tilespmem:s15+$0x80] =	vst v7;
	v7 =	vmul.f32 v8, v1;
	v8 =	vld [tilespmem:s15+$0xE0]  }
0x16b: {  	[tilespmem:s5+$0x70] =	vst v9  }
0x16c: {  	[tilespmem:s15+$0x90] =	vst v6;
	v5 =	vmul.f32 v5, v1  }
0x16d: {  	[tilespmem:s15+$0xA0] =	vst v7;
	v4 =	vmul.f32 v4, v1  }
0x16e: {  	[tilespmem:s15+$0xB0] =	vst v5;
	v3 =	vmul.f32 v10, v1  }
0x16f: {  	[tilespmem:s15+$0xC0] =	vst v4;
	v1 =	vmul.f32 v8, v1  }
0x170: {  	[tilespmem:s15+$0xD0] =	vst v3  }
0x171: {  	[tilespmem:s15+$0xE0] =	vst v1  }
0x172: {  	v1 =	vld [tilespmem:$0x9300]  }
0x173: {  	v2 =	vld [tilespmem:$0x9310]  }
0x174: {  	v3 =	vld [tilespmem:$0x9320]  }
0x175: {  	v4 =	vld [tilespmem:$0x9330];
	_ =	sdelay $0x1  }
0x176: {  	[tilespmem:$0x9400] =	vst v1  }
0x177: {  	[tilespmem:$0x9410] =	vst v2  }
0x178: {  	[tilespmem:$0x9420] =	vst v3  }
0x179: {  	[tilespmem:$0x9430] =	vst v4  }
0x17a: {  	[spmem:s2] =	stream.indirect.scatter.add.f32 [tilespmem:s4], [sflag:$0x5], $0x80, s23, s14, $0xb8;
	[tilespmem:$0x1D780] =	vst v63  }
0x17b: {  	_ =	swait.ge [sflag:s24], $0x80  }
0x17c: {  	[sflag:s24] =	ssyncset.done $0x0  }
0x17d: {  	[sflag:s24] =	ssyncadd.s32 $0xFFFFFF80  }
0x17e: {  	_ =	swait.ge [sflag:s25], $0x40  }
0x17f: {  	[sflag:s25] =	ssyncset.done $0x0  }
0x180: {  	[sflag:s25] =	ssyncadd.s32 $0xFFFFFFC0  }
0x181: {  	v1 =	vld [tilespmem:$0x0];
	_ =	sdelay $0x1  }
0x182: {  	v2 =	vld [tilespmem:$0x10];
	_ =	sdelay $0x1  }
0x183: {  	v3 =	vld [tilespmem:$0x20]  }
0x184: {  	s12 =	sshll.u32 s10, $0x1;
	v4 =	vand.u32 $0x3FFF, v1  }
0x185: {  	s15 =	smin.u32 s12, $0x9D;
	v1 =	vshrl.u32 v1, $0xE;
	[tilespmem:$0x9200] =	vst v4;
	v4 =	vld [tilespmem:$0x30]  }
0x186: {  	s5 =	sshll.u32 s15, $0x7;
	[tilespmem:$0x9300] =	vst v1;
	v1 =	vand.u32 $0x3FFF, v2  }
0x187: {  	s5 =	sadd.s32 $0x200, s5;
	[tilespmem:$0x9210] =	vst v1;
	v1 =	vshrl.u32 v2, $0xE  }
0x188: {  	s16 =	sand.u32 $0xFC00, s5;
	[tilespmem:$0x9310] =	vst v1;
	v1 =	vand.u32 $0x3FFF, v3  }
0x189: {  	s5 =	sand.u32 $0x380, s5;
	s15 =	sadd.s32 s9, s16;
	[tilespmem:$0x9220] =	vst v1;
	v1 =	vshrl.u32 v3, $0xE  }
0x18a: {  	s5 =	sor.u32 s5, s15;
	[tilespmem:$0x9320] =	vst v1;
	v1 =	vand.u32 $0x3FFF, v4  }
0x18b: {  	s5 =	sshrl.u32 s5, $0x3;
	[tilespmem:$0x9230] =	vst v1;
	v1 =	vshrl.u32 v4, $0xE  }
0x18c: {  	s15 =	simm.s32 $0x0;
	s5 =	sadd.s32 s1, s5;
	[tilespmem:$0x9330] =	vst v1  }
0x18d: {  	[tilespmem:s15], [sflag:$0x1] =	stream.linear.gather [hbm4b:s5+s15], $0x80, $0x38;
	[tilespmem:$0x1D780] =	vst v63  }
0x18e: {  	v1 =	vld [tilespmem:$0x9300]  }
0x18f: {  	v2 =	vld [tilespmem:$0x9200];
	_ =	sdelay $0x3  }
0x190: {  	v1 =	vadd.s32 $0x2800, v1;
	_ =	sdelay $0x3  }
0x191: {  	v2 =	vld.idx.msk [tilespmem:v2+s8+$0x0], $0xffff  }
0x192: {  	v1 =	vld.idx.msk [tilespmem:v1+s8+$0x0], $0xffff;
	_ =	sdelay $0x4  }
0x193: {  	v1 =	vadd.f32 v1, v2;
	_ =	sdelay $0x1  }
0x194: {  	v2 =	vmul.f32 $2.000000030e-01, v1;
	_ =	sdelay $0x1  }
0x195: {  	v1 =	vmax.f32 v1, v2  }
0x196: {  	v1 =	vmul.f32 $1.442695020e+00, v1;
	_ =	sdelay $0x1  }
0x197: {  	(erf) = vpow2.f32 v1;
	_ =	sdelay $0x1  }
0x198: {  	v1 =	vld [tilespmem:$0x9310]  }
0x199: {  	v2 =	vld [tilespmem:$0x9210];
	_ =	sdelay $0x3  }
0x19a: {  	v1 =	vadd.s32 $0x2800, v1;
	_ =	sdelay $0x1  }
0x19b: {  	v3 =	vpop (erf)  }
0x19c: {  	[tilespmem:$0x9100] =	vst v3  }
0x19d: {  	v2 =	vld.idx.msk [tilespmem:v2+s8+$0x0], $0xffff  }
0x19e: {  	v1 =	vld.idx.msk [tilespmem:v1+s8+$0x0], $0xffff;
	_ =	sdelay $0x4  }
0x19f: {  	v1 =	vadd.f32 v1, v2;
	_ =	sdelay $0x1  }
0x1a0: {  	v2 =	vmul.f32 $2.000000030e-01, v1;
	_ =	sdelay $0x1  }
0x1a1: {  	v1 =	vmax.f32 v1, v2  }
0x1a2: {  	v1 =	vmul.f32 $1.442695020e+00, v1;
	_ =	sdelay $0x1  }
0x1a3: {  	(erf) = vpow2.f32 v1;
	_ =	sdelay $0x1  }
0x1a4: {  	v1 =	vld [tilespmem:$0x9320]  }
0x1a5: {  	v2 =	vld [tilespmem:$0x9220];
	_ =	sdelay $0x3  }
0x1a6: {  	v1 =	vadd.s32 $0x2800, v1;
	_ =	sdelay $0x1  }
0x1a7: {  	v3 =	vpop (erf)  }
0x1a8: {  	[tilespmem:$0x9110] =	vst v3  }
0x1a9: {  	v2 =	vld.idx.msk [tilespmem:v2+s8+$0x0], $0xffff  }
0x1aa: {  	v1 =	vld.idx.msk [tilespmem:v1+s8+$0x0], $0xffff;
	_ =	sdelay $0x4  }
0x1ab: {  	v1 =	vadd.f32 v1, v2;
	_ =	sdelay $0x1  }
0x1ac: {  	v2 =	vmul.f32 $2.000000030e-01, v1;
	_ =	sdelay $0x1  }
0x1ad: {  	v1 =	vmax.f32 v1, v2  }
0x1ae: {  	v1 =	vmul.f32 $1.442695020e+00, v1;
	_ =	sdelay $0x1  }
0x1af: {  	(erf) = vpow2.f32 v1;
	_ =	sdelay $0x1  }
0x1b0: {  	v1 =	vld [tilespmem:$0x9330]  }
0x1b1: {  	v2 =	vld [tilespmem:$0x9230];
	_ =	sdelay $0x3  }
0x1b2: {  	v1 =	vadd.s32 $0x2800, v1;
	_ =	sdelay $0x1  }
0x1b3: {  	v3 =	vpop (erf)  }
0x1b4: {  	[tilespmem:$0x9120] =	vst v3  }
0x1b5: {  	v2 =	vld.idx.msk [tilespmem:v2+s8+$0x0], $0xffff  }
0x1b6: {  	v1 =	vld.idx.msk [tilespmem:v1+s8+$0x0], $0xffff;
	_ =	sdelay $0x4  }
0x1b7: {  	v1 =	vadd.f32 v1, v2;
	_ =	sdelay $0x1  }
0x1b8: {  	v2 =	vmul.f32 $2.000000030e-01, v1;
	_ =	sdelay $0x1  }
0x1b9: {  	v1 =	vmax.f32 v1, v2  }
0x1ba: {  	v1 =	vmul.f32 $1.442695020e+00, v1;
	_ =	sdelay $0x1  }
0x1bb: {  	(erf) = vpow2.f32 v1;
	_ =	sdelay $0x8  }
0x1bc: {  	v1 =	vpop (erf)  }
0x1bd: {  	s17 =	simm.s32 $0x9300;
	s16 =	simm.s32 $0x9100;
	[tilespmem:$0x9130] =	vst v1  }
0x1be: {  	[spmem:s3] =	stream.indirect.scatter.add.f32 [tilespmem:s16], [sflag:$0x7], $0x1, s17, s14, $0xb8;
	[tilespmem:$0x1D780] =	vst v63  }
0x1bf: {  	_ =	swait.ge [sflag:s26], $0x2000  }
0x1c0: {  	[sflag:s26] =	ssyncset.done $0x0  }
0x1c1: {  	s18 =	simm.s32 $0x9200;
	[sflag:s26] =	ssyncadd.s32 $0xFFFFE000  }
0x1c2: {  	[tilespmem:s4], [sflag:$0x3] =	stream.indirect.gather [hbm4b:s6+s14], $0x80, s18, s14, $0xb8;
	[tilespmem:$0x1D780] =	vst v63  }
0x1c3: {  	_ =	swait.ge [sflag:s28], $0x2000  }
0x1c4: {  	[sflag:s28] =	ssyncset.done $0x0  }
0x1c5: {  	s19 =	sand.u32 $0x30, s15;
	[sflag:s28] =	ssyncadd.s32 $0xFFFFE000  }
0x1c6: {  	s5 =	simm.s32 $0x7200;
	v1 =	vld [tilespmem:s19+$0x9180]  }
0x1c7: {  	v3 =	vld [tilespmem:s5+$0xF0]  }
0x1c8: {  	v4 =	vld [tilespmem:s5+$0xFFFFFF00]  }
0x1c9: {  	v5 =	vld [tilespmem:s5+$0xFFFFFF10]  }
0x1ca: {  	s20 =	sand.u32 $0xF, s15;
	v6 =	vld [tilespmem:s5+$0xFFFFFF20]  }
0x1cb: {  	s17 =	sadd.s32 $0x3, s20;
	v7 =	vld [tilespmem:s5+$0xFFFFFF30]  }
0x1cc: {  	s15 =	sand.u32 $0xC, s15;
	v2 =	vmov s17;
	v8 =	vld [tilespmem:s5+$0xFFFFFF40]  }
0x1cd: {  	v12 =	vmov s15;
	v9 =	vld [tilespmem:s5+$0xFFFFFF50];
	v2 =	vperm.xlane v1, v2  }
0x1ce: {  	v15 =	vld [tilespmem:s5+$0xFFFFFFA0];
	v12 =	vperm.xlane v1, v12  }
0x1cf: {  	s18 =	sadd.s32 $0x1, s20;
	v16 =	vld [tilespmem:s5+$0xFFFFFFB0];
	v3 =	vmul.f32 v3, v2  }
0x1d0: {  	v14 =	vmov s18;
	v11 =	vld [tilespmem:s5+$0xFFFFFF80];
	v4 =	vmul.f32 v4, v12  }
0x1d1: {  	v17 =	vld [tilespmem:s5+$0xFFFFFFC0];
	v14 =	vperm.xlane v1, v14;
	v5 =	vmul.f32 v5, v12;
	[tilespmem:s5+$0xF0] =	vst v3  }
0x1d2: {  	v10 =	vld [tilespmem:s5+$0xFFFFFF60];
	v6 =	vmul.f32 v6, v12;
	[tilespmem:s5+$0xFFFFFF00] =	vst v4  }
0x1d3: {  	v13 =	vld [tilespmem:s5+$0xFFFFFF90];
	v47 =	vmul.f32 v15, v14;
	[tilespmem:s5+$0xFFFFFF10] =	vst v5  }
0x1d4: {  	v18 =	vld [tilespmem:s5+$0xFFFFFF70];
	v48 =	vmul.f32 v16, v14;
	[tilespmem:s5+$0xFFFFFF20] =	vst v6  }
0x1d5: {  	v46 =	vld [tilespmem:s5+$0x40];
	v3 =	vmul.f32 v11, v14;
	[tilespmem:s5+$0xFFFFFFA0] =	vst v47  }
0x1d6: {  	v50 =	vld [tilespmem:s5+$0x70];
	v49 =	vmul.f32 v17, v14;
	[tilespmem:s5+$0xFFFFFFB0] =	vst v48  }
0x1d7: {  	v11 =	vld [tilespmem:s5+$0xFFFFFFD0];
	[tilespmem:s5+$0xFFFFFF80] =	vst v3;
	v3 =	vmul.f32 v7, v12  }
0x1d8: {  	v6 =	vmul.f32 v8, v12;
	[tilespmem:s5+$0xFFFFFFC0] =	vst v49;
	v7 =	vld [tilespmem:s5+$0x0]  }
0x1d9: {  	s19 =	sadd.s32 $0x2, s20;
	v4 =	vld [tilespmem:s5+$0xFFFFFFE0];
	[tilespmem:s5+$0xFFFFFF30] =	vst v3;
	v3 =	vmul.f32 v9, v12  }
0x1da: {  	v5 =	vld [tilespmem:s5+$0xFFFFFFF0];
	[tilespmem:s5+$0xFFFFFF40] =	vst v6;
	v6 =	vmul.f32 v10, v12;
	v9 =	vmov s19  }
0x1db: {  	v8 =	vld [tilespmem:s5+$0x10];
	v1 =	vperm.xlane v1, v9;
	[tilespmem:s5+$0xFFFFFF50] =	vst v3;
	v3 =	vmul.f32 v18, v12  }
0x1dc: {  	v10 =	vld [tilespmem:s5+$0x20];
	[tilespmem:s5+$0xFFFFFF60] =	vst v6;
	v6 =	vmul.f32 v13, v14  }
0x1dd: {  	v51 =	vld [tilespmem:s5+$0x90];
	[tilespmem:s5+$0xFFFFFF70] =	vst v3;
	v3 =	vmul.f32 v7, v1  }
0x1de: {  	v52 =	vld [tilespmem:s5+$0xA0];
	v11 =	vmul.f32 v11, v14;
	[tilespmem:s5+$0xFFFFFF90] =	vst v6  }
0x1df: {  	v5 =	vmul.f32 v5, v14;
	[tilespmem:s5+$0x0] =	vst v3;
	v3 =	vld [tilespmem:s5+$0x80]  }
0x1e0: {  	v4 =	vmul.f32 v4, v14;
	v6 =	vld [tilespmem:s5+$0x60];
	[tilespmem:s5+$0xFFFFFFD0] =	vst v11  }
0x1e1: {  	v9 =	vld [tilespmem:s5+$0x30];
	[tilespmem:s5+$0xFFFFFFF0] =	vst v5;
	v5 =	vmul.f32 v8, v1;
	v8 =	vmul.f32 v10, v1  }
0x1e2: {  	v11 =	vld [tilespmem:s5+$0xB0];
	[tilespmem:s5+$0xFFFFFFE0] =	vst v4  }
0x1e3: {  	v7 =	vld [tilespmem:s5+$0x50];
	[tilespmem:s5+$0x20] =	vst v8;
	v8 =	vmul.f32 v46, v1  }
0x1e4: {  	s15 =	simm.s32 $0x7400;
	s20 =	simm.s32 $0x4;
	v53 =	vld [tilespmem:s5+$0xD0];
	[tilespmem:s5+$0x10] =	vst v5;
	v3 =	vmul.f32 v3, v2  }
0x1e5: {  	v54 =	vld [tilespmem:s15+$0xFFFFFF20];
	s17 =	sand.u32 $0x30, s20;
	[tilespmem:s5+$0x40] =	vst v8;
	v6 =	vmul.f32 v6, v1  }
0x1e6: {  	v10 =	vld [tilespmem:s17+$0x9180];
	[tilespmem:s5+$0x80] =	vst v3;
	v3 =	vmul.f32 v9, v1  }
0x1e7: {  	v4 =	vld [tilespmem:s5+$0xC0];
	v11 =	vmul.f32 v11, v2;
	[tilespmem:s5+$0x60] =	vst v6  }
0x1e8: {  	[tilespmem:s5+$0x30] =	vst v3;
	v3 =	vmul.f32 v7, v1;
	v7 =	vld [tilespmem:s15+$0xFFFFFF00]  }
0x1e9: {  	s18 =	sand.u32 $0xC, s20;
	v8 =	vld [tilespmem:s15+$0xFFFFFF10];
	[tilespmem:s5+$0xB0] =	vst v11;
	v1 =	vmul.f32 v50, v1  }
0x1ea: {  	s16 =	sand.u32 $0xF, s20;
	v6 =	vmul.f32 v51, v2;
	v9 =	vld [tilespmem:s15+$0xF0];
	[tilespmem:s5+$0x50] =	vst v3;
	v3 =	vmov s18  }
0x1eb: {  	v55 =	vld [tilespmem:s15+$0xFFFFFF30];
	s19 =	sadd.s32 $0x3, s16;
	[tilespmem:s5+$0x70] =	vst v1;
	v1 =	vmul.f32 v52, v2;
	v3 =	vperm.xlane v10, v3  }
0x1ec: {  	v56 =	vld [tilespmem:s15+$0xFFFFFF40];
	v4 =	vmul.f32 v4, v2;
	[tilespmem:s5+$0x90] =	vst v6;
	v6 =	vmov s19  }
0x1ed: {  	v57 =	vld [tilespmem:s15+$0xFFFFFF50];
	[tilespmem:s5+$0xA0] =	vst v1;
	v1 =	vperm.xlane v10, v6;
	v7 =	vmul.f32 v7, v3  }
0x1ee: {  	[tilespmem:s5+$0xC0] =	vst v4;
	v6 =	vld [tilespmem:s15+$0xFFFFFF60];
	v4 =	vmul.f32 v8, v3  }
0x1ef: {  	v11 =	vld [tilespmem:s15+$0xFFFFFF90];
	[tilespmem:s15+$0xFFFFFF00] =	vst v7;
	v7 =	vmul.f32 v9, v1  }
0x1f0: {  	v8 =	vld [tilespmem:s15+$0xFFFFFF80];
	[tilespmem:s15+$0xFFFFFF10] =	vst v4;
	v4 =	vmul.f32 v55, v3  }
0x1f1: {  	s20 =	sadd.s32 $0x1, s16;
	v9 =	vld [tilespmem:s15+$0xFFFFFF70];
	[tilespmem:s15+$0xF0] =	vst v7;
	v7 =	vmul.f32 v54, v3  }
0x1f2: {  	v59 =	vld [tilespmem:s15+$0xFFFFFFA0];
	v58 =	vmov s20;
	[tilespmem:s15+$0xFFFFFF30] =	vst v4;
	v4 =	vmul.f32 v57, v3  }
0x1f3: {  	v60 =	vld [tilespmem:s15+$0xFFFFFFB0];
	v12 =	vperm.xlane v10, v58;
	v6 =	vmul.f32 v6, v3;
	[tilespmem:s15+$0xFFFFFF20] =	vst v7  }
0x1f4: {  	v61 =	vld [tilespmem:s15+$0xFFFFFFC0];
	v7 =	vmul.f32 v56, v3;
	[tilespmem:s15+$0xFFFFFF50] =	vst v4  }
0x1f5: {  	v63 =	vld [tilespmem:s15+$0x20];
	[tilespmem:s15+$0xFFFFFF60] =	vst v6;
	v6 =	vmul.f32 v11, v12  }
0x1f6: {  	v3 =	vmul.f32 v9, v3;
	[tilespmem:s15+$0xFFFFFF40] =	vst v7;
	v7 =	vmul.f32 v8, v12;
	v8 =	vld [tilespmem:s15+$0xFFFFFFD0]  }
0x1f7: {  	v4 =	vld [tilespmem:s15+$0xFFFFFFE0];
	[tilespmem:s15+$0xFFFFFF90] =	vst v6  }
0x1f8: {  	v9 =	vld [tilespmem:s15+$0x0];
	[tilespmem:s15+$0xFFFFFF70] =	vst v3;
	v3 =	vmul.f32 v59, v12  }
0x1f9: {  	s16 =	sadd.s32 $0x2, s16;
	v6 =	vmul.f32 v60, v12;
	[tilespmem:s15+$0xFFFFFF80] =	vst v7;
	v7 =	vld [tilespmem:s15+$0xFFFFFFF0]  }
0x1fa: {  	v62 =	vmov s16;
	v11 =	vld [tilespmem:s15+$0x10];
	[tilespmem:s15+$0xFFFFFFA0] =	vst v3;
	v3 =	vmul.f32 v61, v12  }
0x1fb: {  	v13 =	vperm.xlane v10, v62;
	v10 =	vld [tilespmem:s15+$0x60];
	[tilespmem:s15+$0xFFFFFFB0] =	vst v6;
	v6 =	vmul.f32 v8, v12  }
0x1fc: {  	v8 =	vld [tilespmem:s15+$0x30];
	[tilespmem:s15+$0xFFFFFFC0] =	vst v3;
	v3 =	vmul.f32 v4, v12  }
0x1fd: {  	v4 =	vld [tilespmem:s15+$0x40];
	[tilespmem:s15+$0xFFFFFFD0] =	vst v6;
	v6 =	vmul.f32 v9, v13  }
0x1fe: {  	v9 =	vld [tilespmem:s15+$0x50];
	v7 =	vmul.f32 v7, v12;
	[tilespmem:s15+$0xFFFFFFE0] =	vst v3  }
0x1ff: {  	v5 =	vld [tilespmem:s5+$0xE0];
	v3 =	vmul.f32 v11, v13;
	[tilespmem:s15+$0x0] =	vst v6  }
0x200: {  	v11 =	vld [tilespmem:s15+$0x70];
	[tilespmem:s15+$0xFFFFFFF0] =	vst v7;
	v6 =	vmul.f32 v63, v13  }
0x201: {  	[tilespmem:s15+$0x10] =	vst v3;
	v7 =	vld [tilespmem:s15+$0x80];
	v3 =	vmul.f32 v8, v13  }
0x202: {  	v4 =	vmul.f32 v4, v13;
	[tilespmem:s15+$0x20] =	vst v6;
	v6 =	vld [tilespmem:s15+$0x90]  }
0x203: {  	v10 =	vmul.f32 v10, v13;
	v8 =	vld [tilespmem:s15+$0xA0];
	[tilespmem:s15+$0x30] =	vst v3;
	v9 =	vmul.f32 v9, v13  }
0x204: {  	v3 =	vmul.f32 v53, v2;
	v2 =	vmul.f32 v5, v2;
	[tilespmem:s15+$0x40] =	vst v4;
	v5 =	vld [tilespmem:s15+$0xB0]  }
0x205: {  	s16 =	simm.s32 $0x7400;
	s17 =	simm.s32 $0x8;
	v4 =	vld [tilespmem:s15+$0xC0];
	[tilespmem:s15+$0x50] =	vst v9;
	v9 =	vmul.f32 v11, v13  }
.LBB2_7:
0x206: {  	s18 =	sand.u32 $0x30, s17;
	p0 =	slt.u32 s17, $0x3C;
	[tilespmem:s15+$0x60] =	vst v10;
	v7 =	vmul.f32 v7, v1;
	v10 =	vld [tilespmem:s15+$0xD0]  }
0x207: {  	v11 =	vld [tilespmem:s18+$0x9180];
	[tilespmem:s15+$0x70] =	vst v9;
	v6 =	vmul.f32 v6, v1  }
0x208: {  	s19 =	sand.u32 $0xF, s17;
	s15 =	sadd.s32 $0x200, s15;
	[tilespmem:s16+$0x80] =	vst v7;
	v7 =	vmul.f32 v8, v1;
	v8 =	vld [tilespmem:s16+$0xE0]  }
0x209: {  	s18 =	sand.u32 $0xC, s17;
	s20 =	sadd.s32 $0x2, s19;
	v9 =	vld [tilespmem:s15+$0xF0];
	[tilespmem:s16+$0x90] =	vst v6;
	v5 =	vmul.f32 v5, v1  }
0x20a: {  	v14 =	vmov s20;
	v6 =	vmov s18;
	s18 =	sadd.s32 $0x1, s19;
	s19 =	sadd.s32 $0x3, s19;
	v12 =	vld [tilespmem:s15+$0xFFFFFF00];
	[tilespmem:s16+$0xA0] =	vst v7;
	v4 =	vmul.f32 v4, v1  }
0x20b: {  	v13 =	vmov s18;
	v15 =	vmov s19;
	v7 =	vld [tilespmem:s15+$0xFFFFFF10];
	[tilespmem:s16+$0xB0] =	vst v5  }
0x20c: {  	v5 =	vperm.xlane v11, v6;
	v6 =	vld [tilespmem:s15+$0xFFFFFF20];
	v15 =	vperm.xlane v11, v15;
	[tilespmem:s16+$0xC0] =	vst v4  }
0x20d: {  	v13 =	vperm.xlane v11, v13;
	v11 =	vperm.xlane v11, v14;
	v4 =	vld [tilespmem:s15+$0xFFFFFF30];
	[tilespmem:s5+$0xD0] =	vst v3  }
0x20e: {  	v3 =	vmul.f32 v10, v1;
	v14 =	vld [tilespmem:s15+$0xFFFFFF40];
	v9 =	vmul.f32 v9, v15;
	[tilespmem:s5+$0xE0] =	vst v2;
	s5 =	smov.u32 s16;
	s16 =	smov.u32 s15  }
0x20f: {  	v2 =	vmul.f32 v8, v1;
	v1 =	vmov v15;
	v10 =	vmul.f32 v12, v5;
	v12 =	vld [tilespmem:s15+$0xFFFFFF50]  }
0x210: {  	v7 =	vmul.f32 v7, v5;
	v8 =	vld [tilespmem:s15+$0xFFFFFF60];
	[tilespmem:s15+$0xF0] =	vst v9  }
0x211: {  	[tilespmem:s15+$0xFFFFFF00] =	vst v10;
	v6 =	vmul.f32 v6, v5;
	v9 =	vld [tilespmem:s15+$0xFFFFFF70]  }
0x212: {  	[tilespmem:s15+$0xFFFFFF10] =	vst v7;
	v4 =	vmul.f32 v4, v5;
	v7 =	vld [tilespmem:s15+$0xFFFFFF80]  }
0x213: {  	[tilespmem:s15+$0xFFFFFF20] =	vst v6;
	v6 =	vmul.f32 v14, v5;
	v10 =	vld [tilespmem:s15+$0xFFFFFF90]  }
0x214: {  	[tilespmem:s15+$0xFFFFFF30] =	vst v4;
	v4 =	vmul.f32 v12, v5;
	v12 =	vld [tilespmem:s15+$0xFFFFFFA0]  }
0x215: {  	[tilespmem:s15+$0xFFFFFF40] =	vst v6;
	v6 =	vmul.f32 v8, v5;
	v8 =	vld [tilespmem:s15+$0xFFFFFFB0]  }
0x216: {  	[tilespmem:s15+$0xFFFFFF50] =	vst v4;
	v4 =	vmul.f32 v9, v5;
	v5 =	vld [tilespmem:s15+$0xFFFFFFC0]  }
0x217: {  	[tilespmem:s15+$0xFFFFFF60] =	vst v6;
	v6 =	vmul.f32 v7, v13;
	v7 =	vld [tilespmem:s15+$0xFFFFFFD0]  }
0x218: {  	[tilespmem:s15+$0xFFFFFF70] =	vst v4;
	v4 =	vmul.f32 v10, v13;
	v9 =	vld [tilespmem:s15+$0xFFFFFFE0]  }
0x219: {  	[tilespmem:s15+$0xFFFFFF80] =	vst v6;
	v6 =	vmul.f32 v12, v13;
	v10 =	vld [tilespmem:s15+$0xFFFFFFF0]  }
0x21a: {  	[tilespmem:s15+$0xFFFFFF90] =	vst v4;
	v4 =	vmul.f32 v8, v13;
	v8 =	vld [tilespmem:s15+$0x0]  }
0x21b: {  	[tilespmem:s15+$0xFFFFFFA0] =	vst v6;
	v5 =	vmul.f32 v5, v13;
	v6 =	vld [tilespmem:s15+$0x10]  }
0x21c: {  	[tilespmem:s15+$0xFFFFFFB0] =	vst v4;
	v4 =	vmul.f32 v7, v13;
	v7 =	vld [tilespmem:s15+$0x20]  }
0x21d: {  	[tilespmem:s15+$0xFFFFFFC0] =	vst v5;
	v5 =	vmul.f32 v9, v13;
	v9 =	vld [tilespmem:s15+$0x30]  }
0x21e: {  	[tilespmem:s15+$0xFFFFFFD0] =	vst v4;
	v4 =	vmul.f32 v10, v13;
	v10 =	vld [tilespmem:s15+$0x40]  }
0x21f: {  	[tilespmem:s15+$0xFFFFFFE0] =	vst v5;
	v5 =	vmul.f32 v8, v11;
	v8 =	vld [tilespmem:s15+$0x50]  }
0x220: {  	[tilespmem:s15+$0xFFFFFFF0] =	vst v4;
	v4 =	vmul.f32 v6, v11;
	v12 =	vld [tilespmem:s15+$0x60]  }
0x221: {  	[tilespmem:s15+$0x0] =	vst v5;
	v5 =	vmul.f32 v7, v11;
	v13 =	vld [tilespmem:s15+$0x70]  }
.Ltmp2:
0x222: {  	[tilespmem:s15+$0x10] =	vst v4;
	v4 =	vmul.f32 v9, v11;
	v7 =	vld [tilespmem:s15+$0x80];
	(pc) =	sbr.rel @p0 .LBB2_7-.Ltmp2, $4  }
0x223: {  	[tilespmem:s15+$0x20] =	vst v5;
	v5 =	vmul.f32 v10, v11;
	v6 =	vld [tilespmem:s15+$0x90]  }
0x224: {  	[tilespmem:s15+$0x30] =	vst v4;
	v4 =	vmul.f32 v8, v11;
	v8 =	vld [tilespmem:s15+$0xA0]  }
0x225: {  	[tilespmem:s15+$0x40] =	vst v5;
	v10 =	vmul.f32 v12, v11;
	v5 =	vld [tilespmem:s15+$0xB0]  }
0x226: {  	s17 =	sadd.s32 $0x4, s17;
	[tilespmem:s15+$0x50] =	vst v4;
	v9 =	vmul.f32 v13, v11;
	v4 =	vld [tilespmem:s15+$0xC0]  }
0x227: {  	[tilespmem:s15+$0x60] =	vst v10  }
0x228: {  	[tilespmem:s5+$0xD0] =	vst v3  }
0x229: {  	v7 =	vmul.f32 v7, v1;
	v59 =	vld [tilespmem:s15+$0xD0];
	[tilespmem:s5+$0xE0] =	vst v2  }
0x22a: {  	v61 =	vld [tilespmem:s16+$0xE0];
	v6 =	vmul.f32 v6, v1;
	[tilespmem:s15+$0x70] =	vst v9  }
0x22b: {  	[tilespmem:s16+$0x80] =	vst v7;
	v60 =	vmul.f32 v8, v1  }
0x22c: {  	[tilespmem:s16+$0x90] =	vst v6;
	v5 =	vmul.f32 v5, v1  }
0x22d: {  	[tilespmem:s16+$0xA0] =	vst v60;
	v4 =	vmul.f32 v4, v1  }
0x22e: {  	[tilespmem:s16+$0xB0] =	vst v5;
	v3 =	vmul.f32 v59, v1  }
0x22f: {  	v1 =	vmul.f32 v61, v1;
	[tilespmem:s16+$0xC0] =	vst v4  }
0x230: {  	[tilespmem:s16+$0xD0] =	vst v3  }
0x231: {  	[tilespmem:s16+$0xE0] =	vst v1  }
0x232: {  	v1 =	vld [tilespmem:$0x9380]  }
0x233: {  	v2 =	vld [tilespmem:$0x9390]  }
0x234: {  	v3 =	vld [tilespmem:$0x93A0]  }
0x235: {  	v4 =	vld [tilespmem:$0x93B0];
	_ =	sdelay $0x1  }
0x236: {  	[tilespmem:$0x9480] =	vst v1  }
0x237: {  	[tilespmem:$0x9490] =	vst v2  }
0x238: {  	[tilespmem:$0x94A0] =	vst v3  }
0x239: {  	[tilespmem:$0x94B0] =	vst v4  }
0x23a: {  	[spmem:s2] =	stream.indirect.scatter.add.f32 [tilespmem:s21], [sflag:$0x6], $0x80, s29, s14, $0xb8;
	[tilespmem:$0x1D780] =	vst v63  }
0x23b: {  	_ =	swait.ge [sflag:s30], $0x80  }
0x23c: {  	[sflag:s30] =	ssyncset.done $0x0  }
0x23d: {  	[sflag:s30] =	ssyncadd.s32 $0xFFFFFF80  }
0x23e: {  	_ =	swait.ge [sflag:s31], $0x40  }
0x23f: {  	[sflag:s31] =	ssyncset.done $0x0  }
0x240: {  	[sflag:s31] =	ssyncadd.s32 $0xFFFFFFC0  }
0x241: {  	v1 =	vld [tilespmem:$0x80];
	_ =	sdelay $0x1  }
0x242: {  	v2 =	vld [tilespmem:$0x90];
	_ =	sdelay $0x1  }
0x243: {  	v3 =	vld [tilespmem:$0xA0]  }
0x244: {  	v62 =	vand.u32 $0x3FFF, v1  }
0x245: {  	s15 =	smin.u32 s12, $0x9C;
	v63 =	vld [tilespmem:$0xB0];
	v1 =	vshrl.u32 v1, $0xE;
	[tilespmem:$0x9280] =	vst v62  }
0x246: {  	s5 =	sshll.u32 s15, $0x7;
	[tilespmem:$0x9380] =	vst v1;
	v1 =	vand.u32 $0x3FFF, v2  }
0x247: {  	s5 =	sadd.s32 $0x280, s5;
	[tilespmem:$0x9290] =	vst v1;
	v1 =	vshrl.u32 v2, $0xE  }
0x248: {  	s16 =	sand.u32 $0xFC00, s5;
	[tilespmem:$0x9390] =	vst v1;
	v1 =	vand.u32 $0x3FFF, v3  }
0x249: {  	s5 =	sand.u32 $0x380, s5;
	s12 =	sadd.s32 s9, s16;
	[tilespmem:$0x92A0] =	vst v1;
	v1 =	vshrl.u32 v3, $0xE  }
0x24a: {  	s5 =	sor.u32 s5, s12;
	[tilespmem:$0x93A0] =	vst v1;
	v1 =	vand.u32 $0x3FFF, v63  }
0x24b: {  	s5 =	sshrl.u32 s5, $0x3;
	[tilespmem:$0x92B0] =	vst v1;
	v1 =	vshrl.u32 v63, $0xE  }
0x24c: {  	s17 =	simm.s32 $0x0;
	s5 =	sadd.s32 s1, s5;
	[tilespmem:$0x93B0] =	vst v1  }
0x24d: {  	[tilespmem:s13], [sflag:$0x2] =	stream.linear.gather [hbm4b:s5+s17], $0x80, $0x38;
	[tilespmem:$0x1D780] =	vst v63  }
0x24e: {  	v1 =	vld [tilespmem:$0x9380]  }
0x24f: {  	v2 =	vld [tilespmem:$0x9280];
	_ =	sdelay $0x3  }
0x250: {  	v1 =	vadd.s32 $0x2800, v1;
	_ =	sdelay $0x3  }
0x251: {  	v2 =	vld.idx.msk [tilespmem:v2+s8+$0x0], $0xffff  }
0x252: {  	v1 =	vld.idx.msk [tilespmem:v1+s8+$0x0], $0xffff;
	_ =	sdelay $0x4  }
0x253: {  	v1 =	vadd.f32 v1, v2;
	_ =	sdelay $0x1  }
0x254: {  	v2 =	vmul.f32 $2.000000030e-01, v1;
	_ =	sdelay $0x1  }
0x255: {  	v1 =	vmax.f32 v1, v2  }
0x256: {  	v1 =	vmul.f32 $1.442695020e+00, v1;
	_ =	sdelay $0x1  }
0x257: {  	(erf) = vpow2.f32 v1;
	_ =	sdelay $0x1  }
0x258: {  	v1 =	vld [tilespmem:$0x9390]  }
0x259: {  	v2 =	vld [tilespmem:$0x9290];
	_ =	sdelay $0x3  }
0x25a: {  	v1 =	vadd.s32 $0x2800, v1;
	_ =	sdelay $0x1  }
0x25b: {  	v3 =	vpop (erf)  }
0x25c: {  	[tilespmem:$0x9180] =	vst v3  }
0x25d: {  	v2 =	vld.idx.msk [tilespmem:v2+s8+$0x0], $0xffff  }
0x25e: {  	v1 =	vld.idx.msk [tilespmem:v1+s8+$0x0], $0xffff;
	_ =	sdelay $0x4  }
0x25f: {  	v1 =	vadd.f32 v1, v2;
	_ =	sdelay $0x1  }
0x260: {  	v2 =	vmul.f32 $2.000000030e-01, v1;
	_ =	sdelay $0x1  }
0x261: {  	v1 =	vmax.f32 v1, v2  }
0x262: {  	v1 =	vmul.f32 $1.442695020e+00, v1;
	_ =	sdelay $0x1  }
0x263: {  	(erf) = vpow2.f32 v1;
	_ =	sdelay $0x1  }
0x264: {  	v1 =	vld [tilespmem:$0x93A0]  }
0x265: {  	v2 =	vld [tilespmem:$0x92A0];
	_ =	sdelay $0x3  }
0x266: {  	v1 =	vadd.s32 $0x2800, v1;
	_ =	sdelay $0x1  }
0x267: {  	v3 =	vpop (erf)  }
0x268: {  	[tilespmem:$0x9190] =	vst v3  }
0x269: {  	v2 =	vld.idx.msk [tilespmem:v2+s8+$0x0], $0xffff  }
0x26a: {  	v1 =	vld.idx.msk [tilespmem:v1+s8+$0x0], $0xffff;
	_ =	sdelay $0x4  }
0x26b: {  	v1 =	vadd.f32 v1, v2;
	_ =	sdelay $0x1  }
0x26c: {  	v2 =	vmul.f32 $2.000000030e-01, v1;
	_ =	sdelay $0x1  }
0x26d: {  	v1 =	vmax.f32 v1, v2  }
0x26e: {  	v1 =	vmul.f32 $1.442695020e+00, v1;
	_ =	sdelay $0x1  }
0x26f: {  	(erf) = vpow2.f32 v1;
	_ =	sdelay $0x1  }
0x270: {  	v1 =	vld [tilespmem:$0x93B0]  }
0x271: {  	v2 =	vld [tilespmem:$0x92B0];
	_ =	sdelay $0x3  }
0x272: {  	v1 =	vadd.s32 $0x2800, v1;
	_ =	sdelay $0x1  }
0x273: {  	v3 =	vpop (erf)  }
0x274: {  	[tilespmem:$0x91A0] =	vst v3  }
0x275: {  	v2 =	vld.idx.msk [tilespmem:v2+s8+$0x0], $0xffff  }
0x276: {  	v1 =	vld.idx.msk [tilespmem:v1+s8+$0x0], $0xffff;
	_ =	sdelay $0x4  }
0x277: {  	v1 =	vadd.f32 v1, v2;
	_ =	sdelay $0x1  }
0x278: {  	v2 =	vmul.f32 $2.000000030e-01, v1;
	_ =	sdelay $0x1  }
0x279: {  	v1 =	vmax.f32 v1, v2  }
0x27a: {  	v1 =	vmul.f32 $1.442695020e+00, v1;
	_ =	sdelay $0x1  }
0x27b: {  	(erf) = vpow2.f32 v1;
	_ =	sdelay $0x8  }
0x27c: {  	s10 =	sadd.s32 $0x1, s10;
	v1 =	vpop (erf)  }
0x27d: {  	s18 =	simm.s32 $0x9380;
	s19 =	simm.s32 $0x9180;
	p0 =	sne.s32 s10, $0x50;
	[tilespmem:$0x91B0] =	vst v1  }
0x27e: {  	[spmem:s3] =	stream.indirect.scatter.add.f32 [tilespmem:s19], [sflag:$0x8], $0x1, s18, s14, $0xb8;
	[tilespmem:$0x1D780] =	vst v63  }
.Ltmp3:
0x27f: {  	_ = 	snop;
	(pc) =	sbr.rel @p0 .LBB2_4-.Ltmp3, $4  }
0x280: {  	_ =	swait.ge [sflag:s0], $0x2000  }
0x281: {  	[sflag:s0] =	ssyncset.done $0x0  }
0x282: {  	s20 =	simm.s32 $0x9280;
	[sflag:s0] =	ssyncadd.s32 $0xFFFFE000  }
0x283: {  	[tilespmem:s21], [sflag:$0x4] =	stream.indirect.gather [hbm4b:s6+s14], $0x80, s20, s14, $0xb8;
	[tilespmem:$0x1D780] =	vst v63  }
0x284: {  	_ =	swait.ge [sflag:s22], $0x2000  }
0x285: {  	s10 =	simm.s32 $0x0;
	[sflag:s22] =	ssyncset.done $0x0  }
0x286: {  	s11 =	sand.u32 $0x30, s10;
	[sflag:s22] =	ssyncadd.s32 $0xFFFFE000  }
0x287: {  	s5 =	simm.s32 $0x5200;
	v1 =	vld [tilespmem:s11+$0x9100]  }
0x288: {  	v3 =	vld [tilespmem:s5+$0xF0]  }
0x289: {  	v4 =	vld [tilespmem:s5+$0xFFFFFF00]  }
0x28a: {  	v5 =	vld [tilespmem:s5+$0xFFFFFF10]  }
0x28b: {  	s20 =	sand.u32 $0xF, s10;
	v6 =	vld [tilespmem:s5+$0xFFFFFF20]  }
0x28c: {  	s12 =	sadd.s32 $0x3, s20;
	v7 =	vld [tilespmem:s5+$0xFFFFFF30]  }
0x28d: {  	s10 =	sand.u32 $0xC, s10;
	v8 =	vld [tilespmem:s5+$0xFFFFFF40];
	v2 =	vmov s12  }
0x28e: {  	v12 =	vmov s10;
	v9 =	vld [tilespmem:s5+$0xFFFFFF50];
	v2 =	vperm.xlane v1, v2  }
0x28f: {  	v15 =	vld [tilespmem:s5+$0xFFFFFFA0];
	v12 =	vperm.xlane v1, v12  }
0x290: {  	s12 =	sadd.s32 $0x1, s20;
	v16 =	vld [tilespmem:s5+$0xFFFFFFB0];
	v3 =	vmul.f32 v3, v2  }
0x291: {  	v11 =	vld [tilespmem:s5+$0xFFFFFF80];
	v14 =	vmov s12;
	v4 =	vmul.f32 v4, v12  }
0x292: {  	v17 =	vld [tilespmem:s5+$0xFFFFFFC0];
	v14 =	vperm.xlane v1, v14;
	v5 =	vmul.f32 v5, v12;
	[tilespmem:s5+$0xF0] =	vst v3  }
0x293: {  	v10 =	vld [tilespmem:s5+$0xFFFFFF60];
	v6 =	vmul.f32 v6, v12;
	[tilespmem:s5+$0xFFFFFF00] =	vst v4  }
0x294: {  	v13 =	vld [tilespmem:s5+$0xFFFFFF90];
	v47 =	vmul.f32 v15, v14;
	[tilespmem:s5+$0xFFFFFF10] =	vst v5  }
0x295: {  	v18 =	vld [tilespmem:s5+$0xFFFFFF70];
	v48 =	vmul.f32 v16, v14;
	[tilespmem:s5+$0xFFFFFF20] =	vst v6  }
0x296: {  	v46 =	vld [tilespmem:s5+$0x40];
	v3 =	vmul.f32 v11, v14;
	[tilespmem:s5+$0xFFFFFFA0] =	vst v47  }
0x297: {  	v50 =	vld [tilespmem:s5+$0x70];
	v49 =	vmul.f32 v17, v14;
	[tilespmem:s5+$0xFFFFFFB0] =	vst v48  }
0x298: {  	v11 =	vld [tilespmem:s5+$0xFFFFFFD0];
	[tilespmem:s5+$0xFFFFFF80] =	vst v3;
	v3 =	vmul.f32 v7, v12  }
0x299: {  	v6 =	vmul.f32 v8, v12;
	[tilespmem:s5+$0xFFFFFFC0] =	vst v49;
	v7 =	vld [tilespmem:s5+$0x0]  }
0x29a: {  	s15 =	sadd.s32 $0x2, s20;
	v4 =	vld [tilespmem:s5+$0xFFFFFFE0];
	[tilespmem:s5+$0xFFFFFF30] =	vst v3;
	v3 =	vmul.f32 v9, v12  }
0x29b: {  	v5 =	vld [tilespmem:s5+$0xFFFFFFF0];
	[tilespmem:s5+$0xFFFFFF40] =	vst v6;
	v6 =	vmul.f32 v10, v12;
	v9 =	vmov s15  }
0x29c: {  	v8 =	vld [tilespmem:s5+$0x10];
	v1 =	vperm.xlane v1, v9;
	[tilespmem:s5+$0xFFFFFF50] =	vst v3;
	v3 =	vmul.f32 v18, v12  }
0x29d: {  	v10 =	vld [tilespmem:s5+$0x20];
	[tilespmem:s5+$0xFFFFFF60] =	vst v6;
	v6 =	vmul.f32 v13, v14  }
0x29e: {  	v51 =	vld [tilespmem:s5+$0x90];
	[tilespmem:s5+$0xFFFFFF70] =	vst v3;
	v3 =	vmul.f32 v7, v1  }
0x29f: {  	v52 =	vld [tilespmem:s5+$0xA0];
	v11 =	vmul.f32 v11, v14;
	[tilespmem:s5+$0xFFFFFF90] =	vst v6  }
0x2a0: {  	v5 =	vmul.f32 v5, v14;
	[tilespmem:s5+$0x0] =	vst v3;
	v3 =	vld [tilespmem:s5+$0x80]  }
0x2a1: {  	v4 =	vmul.f32 v4, v14;
	v6 =	vld [tilespmem:s5+$0x60];
	[tilespmem:s5+$0xFFFFFFD0] =	vst v11  }
0x2a2: {  	v9 =	vld [tilespmem:s5+$0x30];
	[tilespmem:s5+$0xFFFFFFF0] =	vst v5;
	v5 =	vmul.f32 v8, v1;
	v8 =	vmul.f32 v10, v1  }
0x2a3: {  	v11 =	vld [tilespmem:s5+$0xB0];
	[tilespmem:s5+$0xFFFFFFE0] =	vst v4  }
0x2a4: {  	v7 =	vld [tilespmem:s5+$0x50];
	[tilespmem:s5+$0x20] =	vst v8;
	v8 =	vmul.f32 v46, v1  }
0x2a5: {  	s16 =	simm.s32 $0x4;
	s10 =	simm.s32 $0x5400;
	v53 =	vld [tilespmem:s5+$0xD0];
	[tilespmem:s5+$0x10] =	vst v5;
	v3 =	vmul.f32 v3, v2  }
0x2a6: {  	s17 =	sand.u32 $0x30, s16;
	v54 =	vld [tilespmem:s10+$0xFFFFFF20];
	[tilespmem:s5+$0x40] =	vst v8;
	v6 =	vmul.f32 v6, v1  }
0x2a7: {  	v10 =	vld [tilespmem:s17+$0x9100];
	[tilespmem:s5+$0x80] =	vst v3;
	v3 =	vmul.f32 v9, v1  }
0x2a8: {  	v4 =	vld [tilespmem:s5+$0xC0];
	v11 =	vmul.f32 v11, v2;
	[tilespmem:s5+$0x60] =	vst v6  }
0x2a9: {  	[tilespmem:s5+$0x30] =	vst v3;
	v3 =	vmul.f32 v7, v1;
	v7 =	vld [tilespmem:s10+$0xFFFFFF00]  }
0x2aa: {  	s18 =	sand.u32 $0xC, s16;
	v8 =	vld [tilespmem:s10+$0xFFFFFF10];
	[tilespmem:s5+$0xB0] =	vst v11;
	v1 =	vmul.f32 v50, v1  }
0x2ab: {  	s11 =	sand.u32 $0xF, s16;
	v6 =	vmul.f32 v51, v2;
	v9 =	vld [tilespmem:s10+$0xF0];
	[tilespmem:s5+$0x50] =	vst v3;
	v3 =	vmov s18  }
0x2ac: {  	v55 =	vld [tilespmem:s10+$0xFFFFFF30];
	s19 =	sadd.s32 $0x3, s11;
	[tilespmem:s5+$0x70] =	vst v1;
	v1 =	vmul.f32 v52, v2;
	v3 =	vperm.xlane v10, v3  }
0x2ad: {  	v56 =	vld [tilespmem:s10+$0xFFFFFF40];
	v4 =	vmul.f32 v4, v2;
	[tilespmem:s5+$0x90] =	vst v6;
	v6 =	vmov s19  }
0x2ae: {  	v57 =	vld [tilespmem:s10+$0xFFFFFF50];
	[tilespmem:s5+$0xA0] =	vst v1;
	v1 =	vperm.xlane v10, v6;
	v7 =	vmul.f32 v7, v3  }
0x2af: {  	[tilespmem:s5+$0xC0] =	vst v4;
	v6 =	vld [tilespmem:s10+$0xFFFFFF60];
	v4 =	vmul.f32 v8, v3  }
0x2b0: {  	v11 =	vld [tilespmem:s10+$0xFFFFFF90];
	[tilespmem:s10+$0xFFFFFF00] =	vst v7;
	v7 =	vmul.f32 v9, v1  }
0x2b1: {  	v8 =	vld [tilespmem:s10+$0xFFFFFF80];
	[tilespmem:s10+$0xFFFFFF10] =	vst v4;
	v4 =	vmul.f32 v55, v3  }
0x2b2: {  	s20 =	sadd.s32 $0x1, s11;
	v9 =	vld [tilespmem:s10+$0xFFFFFF70];
	[tilespmem:s10+$0xF0] =	vst v7;
	v7 =	vmul.f32 v54, v3  }
0x2b3: {  	v59 =	vld [tilespmem:s10+$0xFFFFFFA0];
	v58 =	vmov s20;
	[tilespmem:s10+$0xFFFFFF30] =	vst v4;
	v4 =	vmul.f32 v57, v3  }
0x2b4: {  	v60 =	vld [tilespmem:s10+$0xFFFFFFB0];
	v12 =	vperm.xlane v10, v58;
	v6 =	vmul.f32 v6, v3;
	[tilespmem:s10+$0xFFFFFF20] =	vst v7  }
0x2b5: {  	v61 =	vld [tilespmem:s10+$0xFFFFFFC0];
	v7 =	vmul.f32 v56, v3;
	[tilespmem:s10+$0xFFFFFF50] =	vst v4  }
0x2b6: {  	v63 =	vld [tilespmem:s10+$0x20];
	[tilespmem:s10+$0xFFFFFF60] =	vst v6;
	v6 =	vmul.f32 v11, v12  }
0x2b7: {  	v3 =	vmul.f32 v9, v3;
	[tilespmem:s10+$0xFFFFFF40] =	vst v7;
	v7 =	vmul.f32 v8, v12;
	v8 =	vld [tilespmem:s10+$0xFFFFFFD0]  }
0x2b8: {  	v4 =	vld [tilespmem:s10+$0xFFFFFFE0];
	[tilespmem:s10+$0xFFFFFF90] =	vst v6  }
0x2b9: {  	v9 =	vld [tilespmem:s10+$0x0];
	[tilespmem:s10+$0xFFFFFF70] =	vst v3;
	v3 =	vmul.f32 v59, v12  }
0x2ba: {  	s11 =	sadd.s32 $0x2, s11;
	v6 =	vmul.f32 v60, v12;
	[tilespmem:s10+$0xFFFFFF80] =	vst v7;
	v7 =	vld [tilespmem:s10+$0xFFFFFFF0]  }
0x2bb: {  	v62 =	vmov s11;
	v11 =	vld [tilespmem:s10+$0x10];
	[tilespmem:s10+$0xFFFFFFA0] =	vst v3;
	v3 =	vmul.f32 v61, v12  }
0x2bc: {  	v13 =	vperm.xlane v10, v62;
	v10 =	vld [tilespmem:s10+$0x60];
	[tilespmem:s10+$0xFFFFFFB0] =	vst v6;
	v6 =	vmul.f32 v8, v12  }
0x2bd: {  	v8 =	vld [tilespmem:s10+$0x30];
	[tilespmem:s10+$0xFFFFFFC0] =	vst v3;
	v3 =	vmul.f32 v4, v12  }
0x2be: {  	v4 =	vld [tilespmem:s10+$0x40];
	[tilespmem:s10+$0xFFFFFFD0] =	vst v6;
	v6 =	vmul.f32 v9, v13  }
0x2bf: {  	v9 =	vld [tilespmem:s10+$0x50];
	v7 =	vmul.f32 v7, v12;
	[tilespmem:s10+$0xFFFFFFE0] =	vst v3  }
0x2c0: {  	v5 =	vld [tilespmem:s5+$0xE0];
	v3 =	vmul.f32 v11, v13;
	[tilespmem:s10+$0x0] =	vst v6  }
0x2c1: {  	v11 =	vld [tilespmem:s10+$0x70];
	[tilespmem:s10+$0xFFFFFFF0] =	vst v7;
	v6 =	vmul.f32 v63, v13  }
0x2c2: {  	[tilespmem:s10+$0x10] =	vst v3;
	v7 =	vld [tilespmem:s10+$0x80];
	v3 =	vmul.f32 v8, v13  }
0x2c3: {  	v4 =	vmul.f32 v4, v13;
	[tilespmem:s10+$0x20] =	vst v6;
	v6 =	vld [tilespmem:s10+$0x90]  }
0x2c4: {  	v10 =	vmul.f32 v10, v13;
	v8 =	vld [tilespmem:s10+$0xA0];
	[tilespmem:s10+$0x30] =	vst v3;
	v9 =	vmul.f32 v9, v13  }
0x2c5: {  	v3 =	vmul.f32 v53, v2;
	v2 =	vmul.f32 v5, v2;
	[tilespmem:s10+$0x40] =	vst v4;
	v5 =	vld [tilespmem:s10+$0xB0]  }
0x2c6: {  	s12 =	simm.s32 $0x8;
	s11 =	simm.s32 $0x5400;
	v4 =	vld [tilespmem:s10+$0xC0];
	[tilespmem:s10+$0x50] =	vst v9;
	v9 =	vmul.f32 v11, v13  }
.LBB2_10:
0x2c7: {  	s15 =	sand.u32 $0x30, s12;
	p0 =	slt.u32 s12, $0x3C;
	[tilespmem:s10+$0x60] =	vst v10;
	v7 =	vmul.f32 v7, v1;
	v10 =	vld [tilespmem:s10+$0xD0]  }
0x2c8: {  	v11 =	vld [tilespmem:s15+$0x9100];
	[tilespmem:s10+$0x70] =	vst v9;
	v6 =	vmul.f32 v6, v1  }
0x2c9: {  	s16 =	sand.u32 $0xF, s12;
	s10 =	sadd.s32 $0x200, s10;
	[tilespmem:s11+$0x80] =	vst v7;
	v7 =	vmul.f32 v8, v1;
	v8 =	vld [tilespmem:s11+$0xE0]  }
0x2ca: {  	s15 =	sand.u32 $0xC, s12;
	s17 =	sadd.s32 $0x2, s16;
	v9 =	vld [tilespmem:s10+$0xF0];
	[tilespmem:s11+$0x90] =	vst v6;
	v5 =	vmul.f32 v5, v1  }
0x2cb: {  	v14 =	vmov s17;
	v6 =	vmov s15;
	s15 =	sadd.s32 $0x1, s16;
	s16 =	sadd.s32 $0x3, s16;
	v12 =	vld [tilespmem:s10+$0xFFFFFF00];
	[tilespmem:s11+$0xA0] =	vst v7;
	v4 =	vmul.f32 v4, v1  }
0x2cc: {  	v13 =	vmov s15;
	v15 =	vmov s16;
	v7 =	vld [tilespmem:s10+$0xFFFFFF10];
	[tilespmem:s11+$0xB0] =	vst v5  }
0x2cd: {  	v5 =	vperm.xlane v11, v6;
	v6 =	vld [tilespmem:s10+$0xFFFFFF20];
	v15 =	vperm.xlane v11, v15;
	[tilespmem:s11+$0xC0] =	vst v4  }
0x2ce: {  	v13 =	vperm.xlane v11, v13;
	v11 =	vperm.xlane v11, v14;
	v4 =	vld [tilespmem:s10+$0xFFFFFF30];
	[tilespmem:s5+$0xD0] =	vst v3  }
0x2cf: {  	v3 =	vmul.f32 v10, v1;
	v14 =	vld [tilespmem:s10+$0xFFFFFF40];
	v9 =	vmul.f32 v9, v15;
	[tilespmem:s5+$0xE0] =	vst v2;
	s5 =	smov.u32 s11;
	s11 =	smov.u32 s10  }
0x2d0: {  	v2 =	vmul.f32 v8, v1;
	v1 =	vmov v15;
	v10 =	vmul.f32 v12, v5;
	v12 =	vld [tilespmem:s10+$0xFFFFFF50]  }
0x2d1: {  	v7 =	vmul.f32 v7, v5;
	v8 =	vld [tilespmem:s10+$0xFFFFFF60];
	[tilespmem:s10+$0xF0] =	vst v9  }
0x2d2: {  	[tilespmem:s10+$0xFFFFFF00] =	vst v10;
	v6 =	vmul.f32 v6, v5;
	v9 =	vld [tilespmem:s10+$0xFFFFFF70]  }
0x2d3: {  	[tilespmem:s10+$0xFFFFFF10] =	vst v7;
	v4 =	vmul.f32 v4, v5;
	v7 =	vld [tilespmem:s10+$0xFFFFFF80]  }
0x2d4: {  	[tilespmem:s10+$0xFFFFFF20] =	vst v6;
	v6 =	vmul.f32 v14, v5;
	v10 =	vld [tilespmem:s10+$0xFFFFFF90]  }
0x2d5: {  	[tilespmem:s10+$0xFFFFFF30] =	vst v4;
	v4 =	vmul.f32 v12, v5;
	v12 =	vld [tilespmem:s10+$0xFFFFFFA0]  }
0x2d6: {  	[tilespmem:s10+$0xFFFFFF40] =	vst v6;
	v6 =	vmul.f32 v8, v5;
	v8 =	vld [tilespmem:s10+$0xFFFFFFB0]  }
0x2d7: {  	[tilespmem:s10+$0xFFFFFF50] =	vst v4;
	v4 =	vmul.f32 v9, v5;
	v5 =	vld [tilespmem:s10+$0xFFFFFFC0]  }
0x2d8: {  	[tilespmem:s10+$0xFFFFFF60] =	vst v6;
	v6 =	vmul.f32 v7, v13;
	v7 =	vld [tilespmem:s10+$0xFFFFFFD0]  }
0x2d9: {  	[tilespmem:s10+$0xFFFFFF70] =	vst v4;
	v4 =	vmul.f32 v10, v13;
	v9 =	vld [tilespmem:s10+$0xFFFFFFE0]  }
0x2da: {  	[tilespmem:s10+$0xFFFFFF80] =	vst v6;
	v6 =	vmul.f32 v12, v13;
	v10 =	vld [tilespmem:s10+$0xFFFFFFF0]  }
0x2db: {  	[tilespmem:s10+$0xFFFFFF90] =	vst v4;
	v4 =	vmul.f32 v8, v13;
	v8 =	vld [tilespmem:s10+$0x0]  }
0x2dc: {  	[tilespmem:s10+$0xFFFFFFA0] =	vst v6;
	v5 =	vmul.f32 v5, v13;
	v6 =	vld [tilespmem:s10+$0x10]  }
0x2dd: {  	[tilespmem:s10+$0xFFFFFFB0] =	vst v4;
	v4 =	vmul.f32 v7, v13;
	v7 =	vld [tilespmem:s10+$0x20]  }
0x2de: {  	[tilespmem:s10+$0xFFFFFFC0] =	vst v5;
	v5 =	vmul.f32 v9, v13;
	v9 =	vld [tilespmem:s10+$0x30]  }
0x2df: {  	[tilespmem:s10+$0xFFFFFFD0] =	vst v4;
	v4 =	vmul.f32 v10, v13;
	v10 =	vld [tilespmem:s10+$0x40]  }
0x2e0: {  	[tilespmem:s10+$0xFFFFFFE0] =	vst v5;
	v5 =	vmul.f32 v8, v11;
	v8 =	vld [tilespmem:s10+$0x50]  }
0x2e1: {  	[tilespmem:s10+$0xFFFFFFF0] =	vst v4;
	v4 =	vmul.f32 v6, v11;
	v12 =	vld [tilespmem:s10+$0x60]  }
0x2e2: {  	[tilespmem:s10+$0x0] =	vst v5;
	v5 =	vmul.f32 v7, v11;
	v13 =	vld [tilespmem:s10+$0x70]  }
.Ltmp4:
0x2e3: {  	[tilespmem:s10+$0x10] =	vst v4;
	v4 =	vmul.f32 v9, v11;
	v7 =	vld [tilespmem:s10+$0x80];
	(pc) =	sbr.rel @p0 .LBB2_10-.Ltmp4, $4  }
0x2e4: {  	[tilespmem:s10+$0x20] =	vst v5;
	v5 =	vmul.f32 v10, v11;
	v6 =	vld [tilespmem:s10+$0x90]  }
0x2e5: {  	[tilespmem:s10+$0x30] =	vst v4;
	v4 =	vmul.f32 v8, v11;
	v8 =	vld [tilespmem:s10+$0xA0]  }
0x2e6: {  	[tilespmem:s10+$0x40] =	vst v5;
	v10 =	vmul.f32 v12, v11;
	v5 =	vld [tilespmem:s10+$0xB0]  }
0x2e7: {  	s12 =	sadd.s32 $0x4, s12;
	[tilespmem:s10+$0x50] =	vst v4;
	v9 =	vmul.f32 v13, v11;
	v4 =	vld [tilespmem:s10+$0xC0]  }
0x2e8: {  	[tilespmem:s10+$0x60] =	vst v10  }
0x2e9: {  	v7 =	vmul.f32 v7, v1;
	[tilespmem:s5+$0xD0] =	vst v3  }
0x2ea: {  	v10 =	vld [tilespmem:s10+$0xD0];
	[tilespmem:s5+$0xE0] =	vst v2  }
0x2eb: {  	v6 =	vmul.f32 v6, v1;
	[tilespmem:s11+$0x80] =	vst v7;
	v7 =	vmul.f32 v8, v1;
	v8 =	vld [tilespmem:s11+$0xE0]  }
0x2ec: {  	[tilespmem:s10+$0x70] =	vst v9  }
0x2ed: {  	[tilespmem:s11+$0x90] =	vst v6;
	v5 =	vmul.f32 v5, v1  }
0x2ee: {  	[tilespmem:s11+$0xA0] =	vst v7;
	v4 =	vmul.f32 v4, v1  }
0x2ef: {  	[tilespmem:s11+$0xB0] =	vst v5;
	v3 =	vmul.f32 v10, v1  }
0x2f0: {  	[tilespmem:s11+$0xC0] =	vst v4;
	v1 =	vmul.f32 v8, v1  }
0x2f1: {  	[tilespmem:s11+$0xD0] =	vst v3  }
0x2f2: {  	[tilespmem:s11+$0xE0] =	vst v1  }
0x2f3: {  	v1 =	vld [tilespmem:$0x9300]  }
0x2f4: {  	v2 =	vld [tilespmem:$0x9310]  }
0x2f5: {  	v3 =	vld [tilespmem:$0x9320]  }
0x2f6: {  	v4 =	vld [tilespmem:$0x9330];
	_ =	sdelay $0x1  }
0x2f7: {  	[tilespmem:$0x9400] =	vst v1  }
0x2f8: {  	[tilespmem:$0x9410] =	vst v2  }
0x2f9: {  	[tilespmem:$0x9420] =	vst v3  }
0x2fa: {  	[tilespmem:$0x9430] =	vst v4  }
0x2fb: {  	[spmem:s2] =	stream.indirect.scatter.add.f32 [tilespmem:s4], [sflag:$0x5], $0x80, s23, s14, $0xb8;
	[tilespmem:$0x1D780] =	vst v63  }
0x2fc: {  	_ =	swait.ge [sflag:s28], $0x2000  }
0x2fd: {  	s18 =	simm.s32 $0x0;
	[sflag:s28] =	ssyncset.done $0x0  }
0x2fe: {  	s19 =	sand.u32 $0x30, s18;
	[sflag:s28] =	ssyncadd.s32 $0xFFFFE000  }
0x2ff: {  	s5 =	simm.s32 $0x7200;
	v1 =	vld [tilespmem:s19+$0x9180]  }
0x300: {  	v3 =	vld [tilespmem:s5+$0xF0]  }
0x301: {  	v4 =	vld [tilespmem:s5+$0xFFFFFF00]  }
0x302: {  	v5 =	vld [tilespmem:s5+$0xFFFFFF10]  }
0x303: {  	s20 =	sand.u32 $0xF, s18;
	v6 =	vld [tilespmem:s5+$0xFFFFFF20]  }
0x304: {  	s12 =	sadd.s32 $0x3, s20;
	v7 =	vld [tilespmem:s5+$0xFFFFFF30]  }
0x305: {  	s10 =	sand.u32 $0xC, s18;
	v2 =	vmov s12;
	v8 =	vld [tilespmem:s5+$0xFFFFFF40]  }
0x306: {  	v12 =	vmov s10;
	v9 =	vld [tilespmem:s5+$0xFFFFFF50];
	v2 =	vperm.xlane v1, v2  }
0x307: {  	v15 =	vld [tilespmem:s5+$0xFFFFFFA0];
	v12 =	vperm.xlane v1, v12  }
0x308: {  	s12 =	sadd.s32 $0x1, s20;
	v16 =	vld [tilespmem:s5+$0xFFFFFFB0];
	v3 =	vmul.f32 v3, v2  }
0x309: {  	v14 =	vmov s12;
	v11 =	vld [tilespmem:s5+$0xFFFFFF80];
	v4 =	vmul.f32 v4, v12  }
0x30a: {  	v17 =	vld [tilespmem:s5+$0xFFFFFFC0];
	v14 =	vperm.xlane v1, v14;
	v5 =	vmul.f32 v5, v12;
	[tilespmem:s5+$0xF0] =	vst v3  }
0x30b: {  	v10 =	vld [tilespmem:s5+$0xFFFFFF60];
	v6 =	vmul.f32 v6, v12;
	[tilespmem:s5+$0xFFFFFF00] =	vst v4  }
0x30c: {  	v13 =	vld [tilespmem:s5+$0xFFFFFF90];
	v47 =	vmul.f32 v15, v14;
	[tilespmem:s5+$0xFFFFFF10] =	vst v5  }
0x30d: {  	v18 =	vld [tilespmem:s5+$0xFFFFFF70];
	v48 =	vmul.f32 v16, v14;
	[tilespmem:s5+$0xFFFFFF20] =	vst v6  }
0x30e: {  	v46 =	vld [tilespmem:s5+$0x40];
	v3 =	vmul.f32 v11, v14;
	[tilespmem:s5+$0xFFFFFFA0] =	vst v47  }
0x30f: {  	v50 =	vld [tilespmem:s5+$0x70];
	v49 =	vmul.f32 v17, v14;
	[tilespmem:s5+$0xFFFFFFB0] =	vst v48  }
0x310: {  	v11 =	vld [tilespmem:s5+$0xFFFFFFD0];
	[tilespmem:s5+$0xFFFFFF80] =	vst v3;
	v3 =	vmul.f32 v7, v12  }
0x311: {  	v6 =	vmul.f32 v8, v12;
	[tilespmem:s5+$0xFFFFFFC0] =	vst v49;
	v7 =	vld [tilespmem:s5+$0x0]  }
0x312: {  	s15 =	sadd.s32 $0x2, s20;
	v4 =	vld [tilespmem:s5+$0xFFFFFFE0];
	[tilespmem:s5+$0xFFFFFF30] =	vst v3;
	v3 =	vmul.f32 v9, v12  }
0x313: {  	v5 =	vld [tilespmem:s5+$0xFFFFFFF0];
	[tilespmem:s5+$0xFFFFFF40] =	vst v6;
	v6 =	vmul.f32 v10, v12;
	v9 =	vmov s15  }
0x314: {  	v8 =	vld [tilespmem:s5+$0x10];
	v1 =	vperm.xlane v1, v9;
	[tilespmem:s5+$0xFFFFFF50] =	vst v3;
	v3 =	vmul.f32 v18, v12  }
0x315: {  	v10 =	vld [tilespmem:s5+$0x20];
	[tilespmem:s5+$0xFFFFFF60] =	vst v6;
	v6 =	vmul.f32 v13, v14  }
0x316: {  	v51 =	vld [tilespmem:s5+$0x90];
	[tilespmem:s5+$0xFFFFFF70] =	vst v3;
	v3 =	vmul.f32 v7, v1  }
0x317: {  	v52 =	vld [tilespmem:s5+$0xA0];
	v11 =	vmul.f32 v11, v14;
	[tilespmem:s5+$0xFFFFFF90] =	vst v6  }
0x318: {  	v5 =	vmul.f32 v5, v14;
	[tilespmem:s5+$0x0] =	vst v3;
	v3 =	vld [tilespmem:s5+$0x80]  }
0x319: {  	v4 =	vmul.f32 v4, v14;
	v6 =	vld [tilespmem:s5+$0x60];
	[tilespmem:s5+$0xFFFFFFD0] =	vst v11  }
0x31a: {  	v9 =	vld [tilespmem:s5+$0x30];
	[tilespmem:s5+$0xFFFFFFF0] =	vst v5;
	v5 =	vmul.f32 v8, v1;
	v8 =	vmul.f32 v10, v1  }
0x31b: {  	v11 =	vld [tilespmem:s5+$0xB0];
	[tilespmem:s5+$0xFFFFFFE0] =	vst v4  }
0x31c: {  	v7 =	vld [tilespmem:s5+$0x50];
	[tilespmem:s5+$0x20] =	vst v8;
	v8 =	vmul.f32 v46, v1  }
0x31d: {  	s16 =	simm.s32 $0x4;
	s10 =	simm.s32 $0x7400;
	v53 =	vld [tilespmem:s5+$0xD0];
	[tilespmem:s5+$0x10] =	vst v5;
	v3 =	vmul.f32 v3, v2  }
0x31e: {  	s17 =	sand.u32 $0x30, s16;
	v54 =	vld [tilespmem:s10+$0xFFFFFF20];
	[tilespmem:s5+$0x40] =	vst v8;
	v6 =	vmul.f32 v6, v1  }
0x31f: {  	v10 =	vld [tilespmem:s17+$0x9180];
	[tilespmem:s5+$0x80] =	vst v3;
	v3 =	vmul.f32 v9, v1  }
0x320: {  	v4 =	vld [tilespmem:s5+$0xC0];
	v11 =	vmul.f32 v11, v2;
	[tilespmem:s5+$0x60] =	vst v6  }
0x321: {  	[tilespmem:s5+$0x30] =	vst v3;
	v3 =	vmul.f32 v7, v1;
	v7 =	vld [tilespmem:s10+$0xFFFFFF00]  }
0x322: {  	s18 =	sand.u32 $0xC, s16;
	v8 =	vld [tilespmem:s10+$0xFFFFFF10];
	[tilespmem:s5+$0xB0] =	vst v11;
	v1 =	vmul.f32 v50, v1  }
0x323: {  	s11 =	sand.u32 $0xF, s16;
	v6 =	vmul.f32 v51, v2;
	v9 =	vld [tilespmem:s10+$0xF0];
	[tilespmem:s5+$0x50] =	vst v3;
	v3 =	vmov s18  }
0x324: {  	v55 =	vld [tilespmem:s10+$0xFFFFFF30];
	s19 =	sadd.s32 $0x3, s11;
	[tilespmem:s5+$0x70] =	vst v1;
	v1 =	vmul.f32 v52, v2;
	v3 =	vperm.xlane v10, v3  }
0x325: {  	v56 =	vld [tilespmem:s10+$0xFFFFFF40];
	v4 =	vmul.f32 v4, v2;
	[tilespmem:s5+$0x90] =	vst v6;
	v6 =	vmov s19  }
0x326: {  	v57 =	vld [tilespmem:s10+$0xFFFFFF50];
	[tilespmem:s5+$0xA0] =	vst v1;
	v1 =	vperm.xlane v10, v6;
	v7 =	vmul.f32 v7, v3  }
0x327: {  	[tilespmem:s5+$0xC0] =	vst v4;
	v6 =	vld [tilespmem:s10+$0xFFFFFF60];
	v4 =	vmul.f32 v8, v3  }
0x328: {  	v11 =	vld [tilespmem:s10+$0xFFFFFF90];
	[tilespmem:s10+$0xFFFFFF00] =	vst v7;
	v7 =	vmul.f32 v9, v1  }
0x329: {  	v8 =	vld [tilespmem:s10+$0xFFFFFF80];
	[tilespmem:s10+$0xFFFFFF10] =	vst v4;
	v4 =	vmul.f32 v55, v3  }
0x32a: {  	s20 =	sadd.s32 $0x1, s11;
	v9 =	vld [tilespmem:s10+$0xFFFFFF70];
	[tilespmem:s10+$0xF0] =	vst v7;
	v7 =	vmul.f32 v54, v3  }
0x32b: {  	v58 =	vmov s20;
	v59 =	vld [tilespmem:s10+$0xFFFFFFA0];
	[tilespmem:s10+$0xFFFFFF30] =	vst v4;
	v4 =	vmul.f32 v57, v3  }
0x32c: {  	v60 =	vld [tilespmem:s10+$0xFFFFFFB0];
	v12 =	vperm.xlane v10, v58;
	v6 =	vmul.f32 v6, v3;
	[tilespmem:s10+$0xFFFFFF20] =	vst v7  }
0x32d: {  	v61 =	vld [tilespmem:s10+$0xFFFFFFC0];
	v7 =	vmul.f32 v56, v3;
	[tilespmem:s10+$0xFFFFFF50] =	vst v4  }
0x32e: {  	v63 =	vld [tilespmem:s10+$0x20];
	[tilespmem:s10+$0xFFFFFF60] =	vst v6;
	v6 =	vmul.f32 v11, v12  }
0x32f: {  	v3 =	vmul.f32 v9, v3;
	[tilespmem:s10+$0xFFFFFF40] =	vst v7;
	v7 =	vmul.f32 v8, v12;
	v8 =	vld [tilespmem:s10+$0xFFFFFFD0]  }
0x330: {  	v4 =	vld [tilespmem:s10+$0xFFFFFFE0];
	[tilespmem:s10+$0xFFFFFF90] =	vst v6  }
0x331: {  	v9 =	vld [tilespmem:s10+$0x0];
	[tilespmem:s10+$0xFFFFFF70] =	vst v3;
	v3 =	vmul.f32 v59, v12  }
0x332: {  	s11 =	sadd.s32 $0x2, s11;
	v6 =	vmul.f32 v60, v12;
	[tilespmem:s10+$0xFFFFFF80] =	vst v7;
	v7 =	vld [tilespmem:s10+$0xFFFFFFF0]  }
0x333: {  	v62 =	vmov s11;
	v11 =	vld [tilespmem:s10+$0x10];
	[tilespmem:s10+$0xFFFFFFA0] =	vst v3;
	v3 =	vmul.f32 v61, v12  }
0x334: {  	v13 =	vperm.xlane v10, v62;
	v10 =	vld [tilespmem:s10+$0x60];
	[tilespmem:s10+$0xFFFFFFB0] =	vst v6;
	v6 =	vmul.f32 v8, v12  }
0x335: {  	v8 =	vld [tilespmem:s10+$0x30];
	[tilespmem:s10+$0xFFFFFFC0] =	vst v3;
	v3 =	vmul.f32 v4, v12  }
0x336: {  	v4 =	vld [tilespmem:s10+$0x40];
	[tilespmem:s10+$0xFFFFFFD0] =	vst v6;
	v6 =	vmul.f32 v9, v13  }
0x337: {  	v9 =	vld [tilespmem:s10+$0x50];
	v7 =	vmul.f32 v7, v12;
	[tilespmem:s10+$0xFFFFFFE0] =	vst v3  }
0x338: {  	v5 =	vld [tilespmem:s5+$0xE0];
	v3 =	vmul.f32 v11, v13;
	[tilespmem:s10+$0x0] =	vst v6  }
0x339: {  	v11 =	vld [tilespmem:s10+$0x70];
	[tilespmem:s10+$0xFFFFFFF0] =	vst v7;
	v6 =	vmul.f32 v63, v13  }
0x33a: {  	[tilespmem:s10+$0x10] =	vst v3;
	v7 =	vld [tilespmem:s10+$0x80];
	v3 =	vmul.f32 v8, v13  }
0x33b: {  	v4 =	vmul.f32 v4, v13;
	[tilespmem:s10+$0x20] =	vst v6;
	v6 =	vld [tilespmem:s10+$0x90]  }
0x33c: {  	v10 =	vmul.f32 v10, v13;
	v8 =	vld [tilespmem:s10+$0xA0];
	[tilespmem:s10+$0x30] =	vst v3;
	v9 =	vmul.f32 v9, v13  }
0x33d: {  	v3 =	vmul.f32 v53, v2;
	v2 =	vmul.f32 v5, v2;
	[tilespmem:s10+$0x40] =	vst v4;
	v5 =	vld [tilespmem:s10+$0xB0]  }
0x33e: {  	s12 =	simm.s32 $0x8;
	s11 =	simm.s32 $0x7400;
	v4 =	vld [tilespmem:s10+$0xC0];
	[tilespmem:s10+$0x50] =	vst v9;
	v9 =	vmul.f32 v11, v13  }
.LBB2_12:
0x33f: {  	s15 =	sand.u32 $0x30, s12;
	p0 =	slt.u32 s12, $0x3C;
	[tilespmem:s10+$0x60] =	vst v10;
	v7 =	vmul.f32 v7, v1;
	v10 =	vld [tilespmem:s10+$0xD0]  }
0x340: {  	v11 =	vld [tilespmem:s15+$0x9180];
	[tilespmem:s10+$0x70] =	vst v9;
	v6 =	vmul.f32 v6, v1  }
0x341: {  	s16 =	sand.u32 $0xF, s12;
	s10 =	sadd.s32 $0x200, s10;
	[tilespmem:s11+$0x80] =	vst v7;
	v7 =	vmul.f32 v8, v1;
	v8 =	vld [tilespmem:s11+$0xE0]  }
0x342: {  	s15 =	sand.u32 $0xC, s12;
	s17 =	sadd.s32 $0x2, s16;
	v9 =	vld [tilespmem:s10+$0xF0];
	[tilespmem:s11+$0x90] =	vst v6;
	v5 =	vmul.f32 v5, v1  }
0x343: {  	v14 =	vmov s17;
	v6 =	vmov s15;
	s15 =	sadd.s32 $0x1, s16;
	s16 =	sadd.s32 $0x3, s16;
	v12 =	vld [tilespmem:s10+$0xFFFFFF00];
	[tilespmem:s11+$0xA0] =	vst v7;
	v4 =	vmul.f32 v4, v1  }
0x344: {  	v13 =	vmov s15;
	v15 =	vmov s16;
	v7 =	vld [tilespmem:s10+$0xFFFFFF10];
	[tilespmem:s11+$0xB0] =	vst v5  }
0x345: {  	v5 =	vperm.xlane v11, v6;
	v6 =	vld [tilespmem:s10+$0xFFFFFF20];
	v15 =	vperm.xlane v11, v15;
	[tilespmem:s11+$0xC0] =	vst v4  }
0x346: {  	v13 =	vperm.xlane v11, v13;
	v11 =	vperm.xlane v11, v14;
	v4 =	vld [tilespmem:s10+$0xFFFFFF30];
	[tilespmem:s5+$0xD0] =	vst v3  }
0x347: {  	v3 =	vmul.f32 v10, v1;
	v14 =	vld [tilespmem:s10+$0xFFFFFF40];
	v9 =	vmul.f32 v9, v15;
	[tilespmem:s5+$0xE0] =	vst v2;
	s5 =	smov.u32 s11;
	s11 =	smov.u32 s10  }
0x348: {  	v2 =	vmul.f32 v8, v1;
	v1 =	vmov v15;
	v10 =	vmul.f32 v12, v5;
	v12 =	vld [tilespmem:s10+$0xFFFFFF50]  }
0x349: {  	v7 =	vmul.f32 v7, v5;
	v8 =	vld [tilespmem:s10+$0xFFFFFF60];
	[tilespmem:s10+$0xF0] =	vst v9  }
0x34a: {  	[tilespmem:s10+$0xFFFFFF00] =	vst v10;
	v6 =	vmul.f32 v6, v5;
	v9 =	vld [tilespmem:s10+$0xFFFFFF70]  }
0x34b: {  	[tilespmem:s10+$0xFFFFFF10] =	vst v7;
	v4 =	vmul.f32 v4, v5;
	v7 =	vld [tilespmem:s10+$0xFFFFFF80]  }
0x34c: {  	[tilespmem:s10+$0xFFFFFF20] =	vst v6;
	v6 =	vmul.f32 v14, v5;
	v10 =	vld [tilespmem:s10+$0xFFFFFF90]  }
0x34d: {  	[tilespmem:s10+$0xFFFFFF30] =	vst v4;
	v4 =	vmul.f32 v12, v5;
	v12 =	vld [tilespmem:s10+$0xFFFFFFA0]  }
0x34e: {  	[tilespmem:s10+$0xFFFFFF40] =	vst v6;
	v6 =	vmul.f32 v8, v5;
	v8 =	vld [tilespmem:s10+$0xFFFFFFB0]  }
0x34f: {  	[tilespmem:s10+$0xFFFFFF50] =	vst v4;
	v4 =	vmul.f32 v9, v5;
	v5 =	vld [tilespmem:s10+$0xFFFFFFC0]  }
0x350: {  	[tilespmem:s10+$0xFFFFFF60] =	vst v6;
	v6 =	vmul.f32 v7, v13;
	v7 =	vld [tilespmem:s10+$0xFFFFFFD0]  }
0x351: {  	[tilespmem:s10+$0xFFFFFF70] =	vst v4;
	v4 =	vmul.f32 v10, v13;
	v9 =	vld [tilespmem:s10+$0xFFFFFFE0]  }
0x352: {  	[tilespmem:s10+$0xFFFFFF80] =	vst v6;
	v6 =	vmul.f32 v12, v13;
	v10 =	vld [tilespmem:s10+$0xFFFFFFF0]  }
0x353: {  	[tilespmem:s10+$0xFFFFFF90] =	vst v4;
	v4 =	vmul.f32 v8, v13;
	v8 =	vld [tilespmem:s10+$0x0]  }
0x354: {  	[tilespmem:s10+$0xFFFFFFA0] =	vst v6;
	v5 =	vmul.f32 v5, v13;
	v6 =	vld [tilespmem:s10+$0x10]  }
0x355: {  	[tilespmem:s10+$0xFFFFFFB0] =	vst v4;
	v4 =	vmul.f32 v7, v13;
	v7 =	vld [tilespmem:s10+$0x20]  }
0x356: {  	[tilespmem:s10+$0xFFFFFFC0] =	vst v5;
	v5 =	vmul.f32 v9, v13;
	v9 =	vld [tilespmem:s10+$0x30]  }
0x357: {  	[tilespmem:s10+$0xFFFFFFD0] =	vst v4;
	v4 =	vmul.f32 v10, v13;
	v10 =	vld [tilespmem:s10+$0x40]  }
0x358: {  	[tilespmem:s10+$0xFFFFFFE0] =	vst v5;
	v5 =	vmul.f32 v8, v11;
	v8 =	vld [tilespmem:s10+$0x50]  }
0x359: {  	[tilespmem:s10+$0xFFFFFFF0] =	vst v4;
	v4 =	vmul.f32 v6, v11;
	v12 =	vld [tilespmem:s10+$0x60]  }
0x35a: {  	[tilespmem:s10+$0x0] =	vst v5;
	v5 =	vmul.f32 v7, v11;
	v13 =	vld [tilespmem:s10+$0x70]  }
.Ltmp5:
0x35b: {  	[tilespmem:s10+$0x10] =	vst v4;
	v4 =	vmul.f32 v9, v11;
	v7 =	vld [tilespmem:s10+$0x80];
	(pc) =	sbr.rel @p0 .LBB2_12-.Ltmp5, $4  }
0x35c: {  	[tilespmem:s10+$0x20] =	vst v5;
	v5 =	vmul.f32 v10, v11;
	v6 =	vld [tilespmem:s10+$0x90]  }
0x35d: {  	[tilespmem:s10+$0x30] =	vst v4;
	v4 =	vmul.f32 v8, v11;
	v8 =	vld [tilespmem:s10+$0xA0]  }
0x35e: {  	[tilespmem:s10+$0x40] =	vst v5;
	v10 =	vmul.f32 v12, v11;
	v5 =	vld [tilespmem:s10+$0xB0]  }
0x35f: {  	s12 =	sadd.s32 $0x4, s12;
	[tilespmem:s10+$0x50] =	vst v4;
	v9 =	vmul.f32 v13, v11;
	v4 =	vld [tilespmem:s10+$0xC0]  }
0x360: {  	[tilespmem:s10+$0x60] =	vst v10  }
0x361: {  	[tilespmem:s5+$0xD0] =	vst v3  }
0x362: {  	v7 =	vmul.f32 v7, v1;
	v61 =	vld [tilespmem:s10+$0xD0];
	[tilespmem:s5+$0xE0] =	vst v2  }
0x363: {  	v63 =	vld [tilespmem:s11+$0xE0];
	v6 =	vmul.f32 v6, v1;
	[tilespmem:s10+$0x70] =	vst v9  }
0x364: {  	[tilespmem:s11+$0x80] =	vst v7;
	v62 =	vmul.f32 v8, v1  }
0x365: {  	[tilespmem:s11+$0x90] =	vst v6;
	v5 =	vmul.f32 v5, v1  }
0x366: {  	[tilespmem:s11+$0xA0] =	vst v62;
	v4 =	vmul.f32 v4, v1  }
0x367: {  	[tilespmem:s11+$0xB0] =	vst v5;
	v3 =	vmul.f32 v61, v1  }
0x368: {  	v1 =	vmul.f32 v63, v1;
	[tilespmem:s11+$0xC0] =	vst v4  }
0x369: {  	[tilespmem:s11+$0xD0] =	vst v3  }
0x36a: {  	[tilespmem:s11+$0xE0] =	vst v1  }
0x36b: {  	v1 =	vld [tilespmem:$0x9380]  }
0x36c: {  	v2 =	vld [tilespmem:$0x9390]  }
0x36d: {  	v3 =	vld [tilespmem:$0x93A0]  }
0x36e: {  	v4 =	vld [tilespmem:$0x93B0];
	_ =	sdelay $0x1  }
0x36f: {  	[tilespmem:$0x9480] =	vst v1  }
0x370: {  	[tilespmem:$0x9490] =	vst v2  }
0x371: {  	[tilespmem:$0x94A0] =	vst v3  }
0x372: {  	[tilespmem:$0x94B0] =	vst v4  }
0x373: {  	[spmem:s2] =	stream.indirect.scatter.add.f32 [tilespmem:s21], [sflag:$0x6], $0x80, s29, s14, $0xb8;
	[tilespmem:$0x1D780] =	vst v63  }
0x374: {  	_ =	swait.ge [sflag:s26], $0x2000  }
0x375: {  	[sflag:s26] =	ssyncset.done $0x0  }
0x376: {  	[sflag:s26] =	ssyncadd.s32 $0xFFFFE000  }
0x377: {  	_ =	swait.ge [sflag:s0], $0x2000  }
0x378: {  	[sflag:s0] =	ssyncset.done $0x0  }
0x379: {  	[sflag:s0] =	ssyncadd.s32 $0xFFFFE000  }
0x37a: {  	_ =	swait.ge [sflag:s24], $0x80  }
0x37b: {  	[sflag:s24] =	ssyncset.done $0x0  }
0x37c: {  	[sflag:s24] =	ssyncadd.s32 $0xFFFFFF80  }
0x37d: {  	_ =	swait.ge [sflag:s30], $0x80  }
0x37e: {  	[sflag:s30] =	ssyncset.done $0x0  }
0x37f: {  	[sflag:s30] =	ssyncadd.s32 $0xFFFFFF80  }
0x380: {  	_ =	swait.ge [sflag:s25], $0x40  }
0x381: {  	[sflag:s25] =	ssyncset.done $0x0  }
0x382: {  	[sflag:s25] =	ssyncadd.s32 $0xFFFFFFC0  }
0x383: {  	_ =	swait.ge [sflag:s31], $0x40  }
0x384: {  	[sflag:s31] =	ssyncset.done $0x0  }
0x385: {  	[sflag:s31] =	ssyncadd.s32 $0xFFFFFFC0  }
0x386: {  	s16 =	stileid.u32;
	[bflag:$0x0] =	sbarrier.arrive $0xFFFF  }
0x387: {  	s5 =	sshll.u32 s16, $0x6;
	s11 =	rddreg [dreg:$0x7]  }
0x388: {  	s5 =	sor.u32 $0x1C09, s5;
	s12 =	rddreg [dreg:$0xd];
	s17 =	sshrl.u32 s11, $0x3  }
0x389: {  	[hbm:s12], [sflag:s5] =	dma.local [spmem:s17], $0x2800  }
0x38a: {  	s16 =	simm.s32 $0x20;
	_ =	swait.ge [sflag:s7], $0x2800  }
0x38b: {  	s17 =	simm.s32 $0x10;
	[sflag:s7] =	ssyncset.done $0x0;
	s12 =	rddreg [dreg:$0x8]  }
0x38c: {  	s15 =	rddreg [dreg:$0xe];
	[sflag:s7] =	ssyncadd.s32 $0xFFFFD800;
	s18 =	sshrl.u32 s12, $0x3  }
0x38d: {  	[hbm:s15@s16], [sflag:s5] =	dma.strided [spmem:s18@s17], $0x50, s24, $0x10   }
0x38e: {  	_ =	swait.ge [sflag:s7], $0x50  }
0x38f: {  	s19 =	rddreg [dreg:$0x1d]  }
0x390: {  	s20 =	rddreg [dreg:$0xf];
	s10 =	sadd.s32 $0x1, s19  }
0x391: {  	p0 =	sne.s32 s10, s20  }
.Ltmp6:
0x392: {  	_ = 	snop;
	(pc) =	sbr.rel @p0 .LBB2_1-.Ltmp6, $3  }
0x393: {  	_ =	sdelay $0x1  }
0x394: {  	[sflag:s7] =	ssyncset.done $0x0  }
0x395: {  	[sflag:s7] =	ssyncadd.s32 $0xFFFFFFB0  }
0x396: {  	_ =	sfence.sel $0x180000  }
0x397: {  	[bflag:$0x0] =	sbarrier.arrive $0xFFFF  }
0x398: {  	_ =	strace $0x90000047  }
0x399: {  	s0 =	stileid.u32;
	[bflag:$0x2] =	sbarrier.arrive $0xFFFF  }
0x39a: {  	p0 =	sne.s32 s0, $0x0;
	s0 =	rddreg [dreg:$0x4]  }
0x39b: {  	s0 =	sadd.s32 @!p0 $0x100000, s0  }
0x39c: {  	[sflag:s0] =	ssyncadd.tile.s32 @!p0 $0x1;
	_ =	shalt  }
.Lfunc_end2:
_tile_overlayer_lowered:
.L_overlay_start_2:
0x39d: {  	(tag) =	ssettag $0x2  }
0x39e: {  	s0 =	rddreg [dreg:$0x0];
	s2 =	stileid.u32  }
0x39f: {  	s1 =	rddreg [dreg:$0x1];
	p0 =	sne.s32 s2, $0x0  }
0x3a0: {  	s3 =	rddreg [dreg:$0x2];
	[bflag:$0x3] =	sbarrier.arrive $0xFFFF;
	s2 =	simm.s32 @!p0 $0x1C09  }
0x3a1: {  	[timem:s3], [sflag:s2] =	dma.local @!p0 [hbm:s0], s1  }
0x3a2: {  	s0 =	simm.s32 @!p0 $0x9  }
0x3a3: {  	_ =	swait.ge @!p0 [sflag:s0], s1  }
0x3a4: {  	s1 =	ssub.s32 @!p0 $0x0, s1;
	[sflag:s0] =	ssyncset.done @!p0 $0x0  }
0x3a5: {  	[sflag:s0] =	ssyncadd.s32 @!p0 s1  }
0x3a6: {  	[bflag:$0x3] =	sbarrier.arrive $0xFFFF  }
0x3a7: {  	_ =	shalt  }

</sc_bundles>
